<compile_context>
chip_gen: v7x
topology: tpu7x:2x2x1
jax: 0.10.2.dev20260603
libtpu: 0.0.44.dev20260713+nightly
codegen_flags: <defaults>
</compile_context>

<pallas_src>
import functools

import jax
import jax.numpy as jnp
from jax import lax
from jax.experimental import pallas as pl
from jax.experimental.pallas import tpu as pltpu
from jax.experimental.pallas import tpu_sc as plsc

N = 100000
E = 3200000
B = 8

NC = 2
NS = 16
NW = NC * NS
E_PER_W = E // NW
G = 80
CHUNK = 2000
GROUPS = CHUNK // G
NCHUNK = E_PER_W // CHUNK
NPAIR = NCHUNK // 2
ROWS_PER_TILE = N // NS


@functools.cache
def _make_sc_kernel():
    mesh = plsc.VectorSubcoreMesh(core_axis_name="c", subcore_axis_name="s",
                                  num_cores=NC, num_subcores=NS)

    @functools.partial(
        pl.kernel,
        out_type=jax.ShapeDtypeStruct((NC, N, B), jnp.float32),
        mesh=mesh,
        scratch_types=(
            [pltpu.VMEM((GROUPS, G), jnp.int32),
             pltpu.VMEM((GROUPS, G), jnp.int32),
             pltpu.VMEM((CHUNK,), jnp.float32),
             pltpu.VMEM((CHUNK, B), jnp.float32)] * 2
            + [pltpu.VMEM_SHARED((N, B), jnp.float32)]
            + [pltpu.SemaphoreType.DMA] * 6
        ),
        compiler_params=pltpu.CompilerParams(use_tc_tiling_on_sc=False,
                                             needs_layout_passes=False),
    )
    def sc_kernel(o_t, src2, dst2, w_hbm, zeros_hbm, out_hbm,
                  src_v0, dst_v0, w_v0, rows_v0,
                  src_v1, dst_v1, w_v1, rows_v1,
                  acc, esem0, esem1, gsem0, gsem1, ssem0, ssem1):
        cid = lax.axis_index("c")
        sid = lax.axis_index("s")
        wid = cid * NS + sid

        pltpu.sync_copy(zeros_hbm.at[pl.ds(sid * ROWS_PER_TILE, ROWS_PER_TILE)],
                        acc.at[pl.ds(sid * ROWS_PER_TILE, ROWS_PER_TILE)])
        plsc.subcore_barrier()

        lanes = lax.iota(jnp.int32, 16)
        sub = lanes >> 3
        col = lanes & 7

        row_base = wid * (E_PER_W // G)

        def fire_edges(c, src_v, dst_v, w_v, esem):
            r0 = row_base + c * GROUPS
            return [
                pltpu.async_copy(src2.at[pl.ds(r0, GROUPS)], src_v, esem),
                pltpu.async_copy(dst2.at[pl.ds(r0, GROUPS)], dst_v, esem),
                pltpu.async_copy(
                    w_hbm.at[pl.ds(wid * E_PER_W + c * CHUNK, CHUNK)],
                    w_v, esem),
            ]

        def fire_gathers(src_v, rows_v, gsem):
            return [pltpu.async_copy(o_t.at[src_v.at[g]],
                                     rows_v.at[pl.ds(g * G, G)], gsem)
                    for g in range(GROUPS)]

        def compute(w_v, rows_v):
            def vbody(i, carry2):
                e0 = i * 16
                for j in range(8):
                    ridx = e0 + 2 * j + sub
                    vals = plsc.load_gather(rows_v, [ridx, col])
                    wv = plsc.load_gather(w_v, [ridx])
                    plsc.store_scatter(rows_v, [ridx, col], jnp.abs(vals) * wv)
                return carry2
            lax.fori_loop(0, CHUNK // 16, vbody, 0)

        def fire_scatters(dst_v, rows_v, ssem):
            return [pltpu.async_copy(rows_v.at[pl.ds(g * G, G)],
                                     acc.at[dst_v.at[g]], ssem, add=True)
                    for g in range(GROUPS)]

        def pair_body(i, carry):
            cA = 2 * i
            cB = cA + 1
            eA = fire_edges(cA, src_v0, dst_v0, w_v0, esem0)
            eB = fire_edges(cB, src_v1, dst_v1, w_v1, esem1)
            for d in eA:
                d.wait()
            gA = fire_gathers(src_v0, rows_v0, gsem0)
            for d in eB:
                d.wait()
            gB = fire_gathers(src_v1, rows_v1, gsem1)
            for d in gA:
                d.wait()
            compute(w_v0, rows_v0)
            sA = fire_scatters(dst_v0, rows_v0, ssem0)
            for d in gB:
                d.wait()
            compute(w_v1, rows_v1)
            sB = fire_scatters(dst_v1, rows_v1, ssem1)
            for d in sA:
                d.wait()
            for d in sB:
                d.wait()
            return carry

        lax.fori_loop(0, NPAIR, pair_body, 0)

        plsc.subcore_barrier()
        pltpu.sync_copy(acc.at[pl.ds(sid * ROWS_PER_TILE, ROWS_PER_TILE)],
                        out_hbm.at[cid, pl.ds(sid * ROWS_PER_TILE, ROWS_PER_TILE)])

    return sc_kernel


_EPI_BLK = 2048


def _epi_body(ex_ref, in_ref, acc_ref, thr_ref, o_ref):
    a = acc_ref[...]
    gj = (a[0] + a[1]).T
    s = jnp.clip(ex_ref[...] - in_ref[...] + gj, -10.0, 10.0)
    o_ref[...] = jnp.maximum(s - jax.nn.softplus(thr_ref[...]), 0.0)


def _epilogue(ex_raw, in_raw, acc, thr):
    nspec = pl.BlockSpec((B, _EPI_BLK), lambda i: (0, i))
    return pl.pallas_call(
        _epi_body,
        out_shape=jax.ShapeDtypeStruct((B, N), jnp.float32),
        grid=(pl.cdiv(N, _EPI_BLK),),
        in_specs=[
            nspec,
            nspec,
            pl.BlockSpec((NC, _EPI_BLK, B), lambda i: (0, i, 0)),
            pl.BlockSpec((1, _EPI_BLK), lambda i: (0, i)),
        ],
        out_specs=nspec,
    )(ex_raw, in_raw, acc, thr)


@jax.jit
def kernel(ex_raw, in_raw, o_pre, gj_src, gj_dst, gj_w, threshold, decay):
    del decay
    o_t = o_pre.T
    src2 = gj_src.reshape(E // G, G)
    dst2 = gj_dst.reshape(E // G, G)
    zeros8 = jnp.zeros((N, B), jnp.float32)
    acc = _make_sc_kernel()(o_t, src2, dst2, gj_w, zeros8)

    return _epilogue(ex_raw, in_raw, acc, threshold.reshape(1, N))

# --- scband reference (transcript-rebuilt; emitter-appended) ---
"""Pipeline reference for scband-fiurimodule-50070728737564 (READ-ONLY COPY).

The authoritative reference and input builder live on the scoring server;
editing this copy changes nothing except your own understanding.
"""

import jax, jax.numpy as jnp
import numpy as np

N = 100000
E = 3200000
B = 8

def setup_inputs(seed: int = 0) -> dict:
    key = jax.random.key(seed)
    k1, k2, k3, k4, k5, k6 = jax.random.split(key, 6)
    ex_raw = jax.random.normal(k1, (B, N), dtype=jnp.float32)
    in_raw = jax.random.normal(k2, (B, N), dtype=jnp.float32)
    o_pre = jax.random.normal(k3, (B, N), dtype=jnp.float32)
    gj_src = jax.random.randint(k4, (E,), 0, N, dtype=jnp.int32)
    gj_dst = jax.random.randint(k5, (E,), 0, N, dtype=jnp.int32)
    gj_w = jax.random.uniform(k6, (E,), dtype=jnp.float32)
    # learned parameters per init_kwargs
    threshold = jnp.full((N,), 1.0, dtype=jnp.float32)
    decay = jnp.full((N,), 0.1, dtype=jnp.float32)
    return {"ex_raw": ex_raw, "in_raw": in_raw, "o_pre": o_pre,
            "gj_src": gj_src, "gj_dst": gj_dst, "gj_w": gj_w,
            "threshold": threshold, "decay": decay}

def reference(ex_raw, in_raw, o_pre, gj_src, gj_dst, gj_w, threshold, decay):
    Bl = ex_raw.shape[0]
    Nl = threshold.shape[0]
    clamp_min, clamp_max = -10.0, 10.0
    # freshly-allocated state (initial_in_state = 0.0)
    in_state = jnp.zeros((Bl, Nl), dtype=ex_raw.dtype)
    # chemical influence
    chem_influence = ex_raw - in_raw
    # gap-junction sum: gather pre-synaptic outputs, signed by comparison with E_n
    Oj = o_pre[:, gj_src]                       # (B, E) gather
    En = in_state[:, gj_dst]                    # (B, E) gather
    sgn = jnp.where(Oj >= En, 1.0, -1.0)
    contrib = Oj * gj_w[None, :] * sgn          # (B, E)
    gj_sum = jnp.zeros((Bl, Nl), dtype=ex_raw.dtype).at[:, gj_dst].add(contrib)
    input_current = chem_influence + gj_sum
    S = jnp.clip(in_state + input_current, clamp_min, clamp_max)
    # neuron_step
    T = jax.nn.softplus(threshold)[None, :]
    d = jax.nn.softplus(decay)[None, :]
    eps_abs = 1e-08
    eps_rel = 1e-06
    no_stim = jnp.abs(S) <= eps_abs + eps_rel * (jnp.abs(in_state) + 1.0)
    gt = S > T
    mask = (~gt) & no_stim
    new_o = jax.nn.relu(S - T)
    new_e = jnp.where(gt, new_o, jnp.where(mask, in_state - d, S))
    # forward returns out_state
    return new_o

if __name__ == "__main__":
    import jax
    _d = setup_inputs()
    print(jax.jit(kernel)(*tuple(_d.values())))

</pallas_src>

<mosaic_0001>
#map = affine_map<(d0, d1) -> (0, 0)>
#map1 = affine_map<(d0, d1) -> (0)>
#map2 = affine_map<(d0, d1) -> (0, 0, 0)>
module attributes {stable_mosaic.version = 14 : i64} {
  func.func @sc_kernel(%arg0: i32, %arg1: i32, %arg2: memref<100000x8xf32, #tpu.memory_space<hbm>>, %arg3: memref<40000x80xi32, #tpu.memory_space<hbm>>, %arg4: memref<40000x80xi32, #tpu.memory_space<hbm>>, %arg5: memref<3200000xf32, #tpu.memory_space<hbm>>, %arg6: memref<100000x8xf32, #tpu.memory_space<hbm>>, %arg7: memref<2x100000x8xf32, #tpu.memory_space<hbm>>, %arg8: memref<25x80xi32, #tpu.memory_space<vmem>>, %arg9: memref<25x80xi32, #tpu.memory_space<vmem>>, %arg10: memref<2000xf32, #tpu.memory_space<vmem>>, %arg11: memref<2000x8xf32, #tpu.memory_space<vmem>>, %arg12: memref<25x80xi32, #tpu.memory_space<vmem>>, %arg13: memref<25x80xi32, #tpu.memory_space<vmem>>, %arg14: memref<2000xf32, #tpu.memory_space<vmem>>, %arg15: memref<2000x8xf32, #tpu.memory_space<vmem>>, %arg16: memref<100000x8xf32, #tpu.memory_space<vmem_shared>>, %arg17: memref<!tpu.dma_semaphore, #tpu.memory_space<semaphore_mem>>, %arg18: memref<!tpu.dma_semaphore, #tpu.memory_space<semaphore_mem>>, %arg19: memref<!tpu.dma_semaphore, #tpu.memory_space<semaphore_mem>>, %arg20: memref<!tpu.dma_semaphore, #tpu.memory_space<semaphore_mem>>, %arg21: memref<!tpu.dma_semaphore, #tpu.memory_space<semaphore_mem>>, %arg22: memref<!tpu.dma_semaphore, #tpu.memory_space<semaphore_mem>>) attributes {dimension_semantics = [#tpu.dimension_semantics<core_parallel>, #tpu.dimension_semantics<subcore_parallel>], iteration_bounds = array<i64: 2, 16>, scalar_prefetch = 0 : i64, scratch_operands = 15 : i64, tpu.core_type = #tpu.core_type<sc_vector_subcore>, window_params = [{transform_indices = #map}, {transform_indices = #map}, {transform_indices = #map}, {transform_indices = #map1}, {transform_indices = #map}, {transform_indices = #map2}]} {
    %mul3A = arith.constant 16 : i32
    %mul3A_0 = arith.muli %arg0, %mul3A : i32
    %add3A = arith.addi %mul3A_0, %arg1 : i32
    %mul3A_1 = arith.constant 6250 : i32
    %mul3A_2 = arith.muli %arg1, %mul3A_1 : i32
    %mul3A_3 = arith.constant 6250 : i32
    %mul3A_4 = arith.muli %arg1, %mul3A_3 : i32
    "tpu.region"() ({
      %run_scoped3A = tpu.sem_alloc : memref<!tpu.dma_semaphore, #tpu.memory_space<semaphore_mem>>
      %dma_start3A = arith.constant 0 : i32
      %dma_start3A_21 = tpu.memref_slice %arg16[%mul3A_4, %dma_start3A] : memref<100000x8xf32, #tpu.memory_space<vmem_shared>> -> memref<6250x8xf32, #tpu.memory_space<vmem_shared>>
      %dma_start3A_22 = arith.constant 0 : i32
      %dma_start3A_23 = tpu.memref_slice %arg6[%mul3A_2, %dma_start3A_22] : memref<100000x8xf32, #tpu.memory_space<hbm>> -> memref<6250x8xf32, #tpu.memory_space<hbm>>
      tpu.enqueue_dma source(%dma_start3A_23 : memref<6250x8xf32, #tpu.memory_space<hbm>>) target(%dma_start3A_21 : memref<6250x8xf32, #tpu.memory_space<vmem_shared>>) target_semaphore(%run_scoped3A : memref<!tpu.dma_semaphore, #tpu.memory_space<semaphore_mem>>)
      %dma_wait3A = arith.constant 0 : i32
      %dma_wait3A_24 = tpu.memref_slice %arg16[%mul3A_4, %dma_wait3A] : memref<100000x8xf32, #tpu.memory_space<vmem_shared>> -> memref<6250x8xf32, #tpu.memory_space<vmem_shared>>
      %dma_wait3A_25 = arith.constant 0 : i32
      %dma_wait3A_26 = tpu.memref_slice %arg6[%mul3A_2, %dma_wait3A_25] : memref<100000x8xf32, #tpu.memory_space<hbm>> -> memref<6250x8xf32, #tpu.memory_space<hbm>>
      tpu.wait_dma2 semaphore(%run_scoped3A : memref<!tpu.dma_semaphore, #tpu.memory_space<semaphore_mem>>) src(%dma_wait3A_26 : memref<6250x8xf32, #tpu.memory_space<hbm>>) dst(%dma_wait3A_24 : memref<6250x8xf32, #tpu.memory_space<vmem_shared>>)
      tpu.yield
    }) : () -> ()
    %barrier3A = arith.constant 0 : index
    tpu.barrier barrier_id(%barrier3A)
    %iota3A = tpu.iota {dimensions = array<i32: 0>} : vector<16xi32>
    %shift_right_arithmetic3A = arith.constant 3 : i32
    %shift_right_arithmetic3A_5 = vector.broadcast %shift_right_arithmetic3A : i32 to vector<16xi32>
    %shift_right_arithmetic3A_6 = arith.shrsi %iota3A, %shift_right_arithmetic3A_5 : vector<16xi32>
    %and3A = arith.constant 7 : i32
    %and3A_7 = vector.broadcast %and3A : i32 to vector<16xi32>
    %and3A_8 = arith.andi %iota3A, %and3A_7 : vector<16xi32>
    %mul3A_9 = arith.constant 1250 : i32
    %mul3A_10 = arith.muli %add3A, %mul3A_9 : i32
    %scan3A = arith.constant 0 : i32
    %scan3A_11 = arith.constant 0 : i32
    %scan3A_12 = arith.constant 25 : i32
    %scan3A_13 = arith.addi %scan3A_11, %scan3A_12 : i32
    %scan3A_14 = arith.constant 1 : i32
    scf.for %scan3A_21 = %scan3A_11 to %scan3A_13 step %scan3A_14  : i32 {
      %mul3A_22 = arith.constant 2 : i32
      %mul3A_23 = arith.muli %mul3A_22, %scan3A_21 : i32
      %add3A_24 = arith.constant 1 : i32
      %add3A_25 = arith.addi %mul3A_23, %add3A_24 : i32
      %mul3A_26 = arith.constant 25 : i32
      %mul3A_27 = arith.muli %mul3A_23, %mul3A_26 : i32
      %add3A_28 = arith.addi %mul3A_10, %mul3A_27 : i32
      %dma_start3A = arith.constant 0 : i32
      %dma_start3A_29 = tpu.memref_slice %arg3[%add3A_28, %dma_start3A] : memref<40000x80xi32, #tpu.memory_space<hbm>> -> memref<25x80xi32, #tpu.memory_space<hbm>>
      %dma_start3A_30 = arith.constant 0 : i32
      %dma_start3A_31 = tpu.memref_slice %arg3[%add3A_28, %dma_start3A_30] : memref<40000x80xi32, #tpu.memory_space<hbm>> -> memref<25x80xi32, #tpu.memory_space<hbm>>
      tpu.enqueue_dma source(%dma_start3A_31 : memref<25x80xi32, #tpu.memory_space<hbm>>) target(%arg8 : memref<25x80xi32, #tpu.memory_space<vmem>>) target_semaphore(%arg17 : memref<!tpu.dma_semaphore, #tpu.memory_space<semaphore_mem>>)
      %dma_start3A_32 = arith.constant 0 : i32
      %dma_start3A_33 = tpu.memref_slice %arg4[%add3A_28, %dma_start3A_32] : memref<40000x80xi32, #tpu.memory_space<hbm>> -> memref<25x80xi32, #tpu.memory_space<hbm>>
      %dma_start3A_34 = arith.constant 0 : i32
      %dma_start3A_35 = tpu.memref_slice %arg4[%add3A_28, %dma_start3A_34] : memref<40000x80xi32, #tpu.memory_space<hbm>> -> memref<25x80xi32, #tpu.memory_space<hbm>>
      tpu.enqueue_dma source(%dma_start3A_35 : memref<25x80xi32, #tpu.memory_space<hbm>>) target(%arg9 : memref<25x80xi32, #tpu.memory_space<vmem>>) target_semaphore(%arg17 : memref<!tpu.dma_semaphore, #tpu.memory_space<semaphore_mem>>)
      %mul3A_36 = arith.constant 100000 : i32
      %mul3A_37 = arith.muli %add3A, %mul3A_36 : i32
      %mul3A_38 = arith.constant 2000 : i32
      %mul3A_39 = arith.muli %mul3A_23, %mul3A_38 : i32
      %add3A_40 = arith.addi %mul3A_37, %mul3A_39 : i32
      %dma_start3A_41 = tpu.memref_slice %arg5[%add3A_40] : memref<3200000xf32, #tpu.memory_space<hbm>> -> memref<2000xf32, #tpu.memory_space<hbm>>
      %dma_start3A_42 = tpu.memref_slice %arg5[%add3A_40] : memref<3200000xf32, #tpu.memory_space<hbm>> -> memref<2000xf32, #tpu.memory_space<hbm>>
      tpu.enqueue_dma source(%dma_start3A_42 : memref<2000xf32, #tpu.memory_space<hbm>>) target(%arg10 : memref<2000xf32, #tpu.memory_space<vmem>>) target_semaphore(%arg17 : memref<!tpu.dma_semaphore, #tpu.memory_space<semaphore_mem>>)
      %mul3A_43 = arith.constant 25 : i32
      %mul3A_44 = arith.muli %add3A_25, %mul3A_43 : i32
      %add3A_45 = arith.addi %mul3A_10, %mul3A_44 : i32
      %dma_start3A_46 = arith.constant 0 : i32
      %dma_start3A_47 = tpu.memref_slice %arg3[%add3A_45, %dma_start3A_46] : memref<40000x80xi32, #tpu.memory_space<hbm>> -> memref<25x80xi32, #tpu.memory_space<hbm>>
      %dma_start3A_48 = arith.constant 0 : i32
      %dma_start3A_49 = tpu.memref_slice %arg3[%add3A_45, %dma_start3A_48] : memref<40000x80xi32, #tpu.memory_space<hbm>> -> memref<25x80xi32, #tpu.memory_space<hbm>>
      tpu.enqueue_dma source(%dma_start3A_49 : memref<25x80xi32, #tpu.memory_space<hbm>>) target(%arg12 : memref<25x80xi32, #tpu.memory_space<vmem>>) target_semaphore(%arg18 : memref<!tpu.dma_semaphore, #tpu.memory_space<semaphore_mem>>)
      %dma_start3A_50 = arith.constant 0 : i32
      %dma_start3A_51 = tpu.memref_slice %arg4[%add3A_45, %dma_start3A_50] : memref<40000x80xi32, #tpu.memory_space<hbm>> -> memref<25x80xi32, #tpu.memory_space<hbm>>
      %dma_start3A_52 = arith.constant 0 : i32
      %dma_start3A_53 = tpu.memref_slice %arg4[%add3A_45, %dma_start3A_52] : memref<40000x80xi32, #tpu.memory_space<hbm>> -> memref<25x80xi32, #tpu.memory_space<hbm>>
      tpu.enqueue_dma source(%dma_start3A_53 : memref<25x80xi32, #tpu.memory_space<hbm>>) target(%arg13 : memref<25x80xi32, #tpu.memory_space<vmem>>) target_semaphore(%arg18 : memref<!tpu.dma_semaphore, #tpu.memory_space<semaphore_mem>>)
      %mul3A_54 = arith.constant 100000 : i32
      %mul3A_55 = arith.muli %add3A, %mul3A_54 : i32
      %mul3A_56 = arith.constant 2000 : i32
      %mul3A_57 = arith.muli %add3A_25, %mul3A_56 : i32
      %add3A_58 = arith.addi %mul3A_55, %mul3A_57 : i32
      %dma_start3A_59 = tpu.memref_slice %arg5[%add3A_58] : memref<3200000xf32, #tpu.memory_space<hbm>> -> memref<2000xf32, #tpu.memory_space<hbm>>
      %dma_start3A_60 = tpu.memref_slice %arg5[%add3A_58] : memref<3200000xf32, #tpu.memory_space<hbm>> -> memref<2000xf32, #tpu.memory_space<hbm>>
      tpu.enqueue_dma source(%dma_start3A_60 : memref<2000xf32, #tpu.memory_space<hbm>>) target(%arg14 : memref<2000xf32, #tpu.memory_space<vmem>>) target_semaphore(%arg18 : memref<!tpu.dma_semaphore, #tpu.memory_space<semaphore_mem>>)
      %dma_wait3A = arith.constant 0 : i32
      %dma_wait3A_61 = tpu.memref_slice %arg3[%add3A_28, %dma_wait3A] : memref<40000x80xi32, #tpu.memory_space<hbm>> -> memref<25x80xi32, #tpu.memory_space<hbm>>
      %dma_wait3A_62 = arith.constant 0 : i32
      %dma_wait3A_63 = tpu.memref_slice %arg3[%add3A_28, %dma_wait3A_62] : memref<40000x80xi32, #tpu.memory_space<hbm>> -> memref<25x80xi32, #tpu.memory_space<hbm>>
      tpu.wait_dma2 semaphore(%arg17 : memref<!tpu.dma_semaphore, #tpu.memory_space<semaphore_mem>>) src(%dma_wait3A_63 : memref<25x80xi32, #tpu.memory_space<hbm>>) dst(%arg8 : memref<25x80xi32, #tpu.memory_space<vmem>>)
      %dma_wait3A_64 = arith.constant 0 : i32
      %dma_wait3A_65 = tpu.memref_slice %arg4[%add3A_28, %dma_wait3A_64] : memref<40000x80xi32, #tpu.memory_space<hbm>> -> memref<25x80xi32, #tpu.memory_space<hbm>>
      %dma_wait3A_66 = arith.constant 0 : i32
      %dma_wait3A_67 = tpu.memref_slice %arg4[%add3A_28, %dma_wait3A_66] : memref<40000x80xi32, #tpu.memory_space<hbm>> -> memref<25x80xi32, #tpu.memory_space<hbm>>
      tpu.wait_dma2 semaphore(%arg17 : memref<!tpu.dma_semaphore, #tpu.memory_space<semaphore_mem>>) src(%dma_wait3A_67 : memref<25x80xi32, #tpu.memory_space<hbm>>) dst(%arg9 : memref<25x80xi32, #tpu.memory_space<vmem>>)
      %dma_wait3A_68 = tpu.memref_slice %arg5[%add3A_40] : memref<3200000xf32, #tpu.memory_space<hbm>> -> memref<2000xf32, #tpu.memory_space<hbm>>
      %dma_wait3A_69 = tpu.memref_slice %arg5[%add3A_40] : memref<3200000xf32, #tpu.memory_space<hbm>> -> memref<2000xf32, #tpu.memory_space<hbm>>
      tpu.wait_dma2 semaphore(%arg17 : memref<!tpu.dma_semaphore, #tpu.memory_space<semaphore_mem>>) src(%dma_wait3A_69 : memref<2000xf32, #tpu.memory_space<hbm>>) dst(%arg10 : memref<2000xf32, #tpu.memory_space<vmem>>)
      %dma_start3A_70 = arith.constant 0 : i32
      %dma_start3A_71 = arith.constant 0 : i32
      %dma_start3A_72 = arith.constant 0 : i32
      %dma_start3A_73 = tpu.memref_slice %arg11[%dma_start3A_71, %dma_start3A_72] : memref<2000x8xf32, #tpu.memory_space<vmem>> -> memref<80x8xf32, #tpu.memory_space<vmem>>
      %dma_start3A_74 = arith.constant 0 : i32
      %dma_start3A_75 = tpu.memref_slice %arg8[%dma_start3A_70, %dma_start3A_74] : memref<25x80xi32, #tpu.memory_space<vmem>> -> memref<1x80xi32, #tpu.memory_space<vmem>>
      %dma_start3A_76 = tpu.memref_squeeze %dma_start3A_75 : memref<1x80xi32, #tpu.memory_space<vmem>> -> memref<80xi32, #tpu.memory_space<vmem>>
      %dma_start3A_77 = arith.constant 0 : i32
      %dma_start3A_78 = arith.constant 0 : i32
      %dma_start3A_79 = tpu.memref_slice %arg2[%dma_start3A_77, %dma_start3A_78] : memref<100000x8xf32, #tpu.memory_space<hbm>> -> memref<100000x8xf32, #tpu.memory_space<hbm>>
      tpu.enqueue_indirect_dma source(%dma_start3A_79 : memref<100000x8xf32, #tpu.memory_space<hbm>>) target(%dma_start3A_73 : memref<80x8xf32, #tpu.memory_space<vmem>>) offsets(%dma_start3A_76 : memref<80xi32, #tpu.memory_space<vmem>>) semaphore(%arg19 : memref<!tpu.dma_semaphore, #tpu.memory_space<semaphore_mem>>)
      %dma_start3A_80 = arith.constant 1 : i32
      %dma_start3A_81 = arith.constant 80 : i32
      %dma_start3A_82 = arith.constant 0 : i32
      %dma_start3A_83 = tpu.memref_slice %arg11[%dma_start3A_81, %dma_start3A_82] : memref<2000x8xf32, #tpu.memory_space<vmem>> -> memref<80x8xf32, #tpu.memory_space<vmem>>
      %dma_start3A_84 = arith.constant 0 : i32
      %dma_start3A_85 = tpu.memref_slice %arg8[%dma_start3A_80, %dma_start3A_84] : memref<25x80xi32, #tpu.memory_space<vmem>> -> memref<1x80xi32, #tpu.memory_space<vmem>>
      %dma_start3A_86 = tpu.memref_squeeze %dma_start3A_85 : memref<1x80xi32, #tpu.memory_space<vmem>> -> memref<80xi32, #tpu.memory_space<vmem>>
      %dma_start3A_87 = arith.constant 0 : i32
      %dma_start3A_88 = arith.constant 0 : i32
      %dma_start3A_89 = tpu.memref_slice %arg2[%dma_start3A_87, %dma_start3A_88] : memref<100000x8xf32, #tpu.memory_space<hbm>> -> memref<100000x8xf32, #tpu.memory_space<hbm>>
      tpu.enqueue_indirect_dma source(%dma_start3A_89 : memref<100000x8xf32, #tpu.memory_space<hbm>>) target(%dma_start3A_83 : memref<80x8xf32, #tpu.memory_space<vmem>>) offsets(%dma_start3A_86 : memref<80xi32, #tpu.memory_space<vmem>>) semaphore(%arg19 : memref<!tpu.dma_semaphore, #tpu.memory_space<semaphore_mem>>)
      %dma_start3A_90 = arith.constant 2 : i32
      %dma_start3A_91 = arith.constant 160 : i32
      %dma_start3A_92 = arith.constant 0 : i32
      %dma_start3A_93 = tpu.memref_slice %arg11[%dma_start3A_91, %dma_start3A_92] : memref<2000x8xf32, #tpu.memory_space<vmem>> -> memref<80x8xf32, #tpu.memory_space<vmem>>
      %dma_start3A_94 = arith.constant 0 : i32
      %dma_start3A_95 = tpu.memref_slice %arg8[%dma_start3A_90, %dma_start3A_94] : memref<25x80xi32, #tpu.memory_space<vmem>> -> memref<1x80xi32, #tpu.memory_space<vmem>>
      %dma_start3A_96 = tpu.memref_squeeze %dma_start3A_95 : memref<1x80xi32, #tpu.memory_space<vmem>> -> memref<80xi32, #tpu.memory_space<vmem>>
      %dma_start3A_97 = arith.constant 0 : i32
      %dma_start3A_98 = arith.constant 0 : i32
      %dma_start3A_99 = tpu.memref_slice %arg2[%dma_start3A_97, %dma_start3A_98] : memref<100000x8xf32, #tpu.memory_space<hbm>> -> memref<100000x8xf32, #tpu.memory_space<hbm>>
      tpu.enqueue_indirect_dma source(%dma_start3A_99 : memref<100000x8xf32, #tpu.memory_space<hbm>>) target(%dma_start3A_93 : memref<80x8xf32, #tpu.memory_space<vmem>>) offsets(%dma_start3A_96 : memref<80xi32, #tpu.memory_space<vmem>>) semaphore(%arg19 : memref<!tpu.dma_semaphore, #tpu.memory_space<semaphore_mem>>)
      %dma_start3A_100 = arith.constant 3 : i32
      %dma_start3A_101 = arith.constant 240 : i32
      %dma_start3A_102 = arith.constant 0 : i32
      %dma_start3A_103 = tpu.memref_slice %arg11[%dma_start3A_101, %dma_start3A_102] : memref<2000x8xf32, #tpu.memory_space<vmem>> -> memref<80x8xf32, #tpu.memory_space<vmem>>
      %dma_start3A_104 = arith.constant 0 : i32
      %dma_start3A_105 = tpu.memref_slice %arg8[%dma_start3A_100, %dma_start3A_104] : memref<25x80xi32, #tpu.memory_space<vmem>> -> memref<1x80xi32, #tpu.memory_space<vmem>>
      %dma_start3A_106 = tpu.memref_squeeze %dma_start3A_105 : memref<1x80xi32, #tpu.memory_space<vmem>> -> memref<80xi32, #tpu.memory_space<vmem>>
      %dma_start3A_107 = arith.constant 0 : i32
      %dma_start3A_108 = arith.constant 0 : i32
      %dma_start3A_109 = tpu.memref_slice %arg2[%dma_start3A_107, %dma_start3A_108] : memref<100000x8xf32, #tpu.memory_space<hbm>> -> memref<100000x8xf32, #tpu.memory_space<hbm>>
      tpu.enqueue_indirect_dma source(%dma_start3A_109 : memref<100000x8xf32, #tpu.memory_space<hbm>>) target(%dma_start3A_103 : memref<80x8xf32, #tpu.memory_space<vmem>>) offsets(%dma_start3A_106 : memref<80xi32, #tpu.memory_space<vmem>>) semaphore(%arg19 : memref<!tpu.dma_semaphore, #tpu.memory_space<semaphore_mem>>)
      %dma_start3A_110 = arith.constant 4 : i32
      %dma_start3A_111 = arith.constant 320 : i32
      %dma_start3A_112 = arith.constant 0 : i32
      %dma_start3A_113 = tpu.memref_slice %arg11[%dma_start3A_111, %dma_start3A_112] : memref<2000x8xf32, #tpu.memory_space<vmem>> -> memref<80x8xf32, #tpu.memory_space<vmem>>
      %dma_start3A_114 = arith.constant 0 : i32
      %dma_start3A_115 = tpu.memref_slice %arg8[%dma_start3A_110, %dma_start3A_114] : memref<25x80xi32, #tpu.memory_space<vmem>> -> memref<1x80xi32, #tpu.memory_space<vmem>>
      %dma_start3A_116 = tpu.memref_squeeze %dma_start3A_115 : memref<1x80xi32, #tpu.memory_space<vmem>> -> memref<80xi32, #tpu.memory_space<vmem>>
      %dma_start3A_117 = arith.constant 0 : i32
      %dma_start3A_118 = arith.constant 0 : i32
      %dma_start3A_119 = tpu.memref_slice %arg2[%dma_start3A_117, %dma_start3A_118] : memref<100000x8xf32, #tpu.memory_space<hbm>> -> memref<100000x8xf32, #tpu.memory_space<hbm>>
      tpu.enqueue_indirect_dma source(%dma_start3A_119 : memref<100000x8xf32, #tpu.memory_space<hbm>>) target(%dma_start3A_113 : memref<80x8xf32, #tpu.memory_space<vmem>>) offsets(%dma_start3A_116 : memref<80xi32, #tpu.memory_space<vmem>>) semaphore(%arg19 : memref<!tpu.dma_semaphore, #tpu.memory_space<semaphore_mem>>)
      %dma_start3A_120 = arith.constant 5 : i32
      %dma_start3A_121 = arith.constant 400 : i32
      %dma_start3A_122 = arith.constant 0 : i32
      %dma_start3A_123 = tpu.memref_slice %arg11[%dma_start3A_121, %dma_start3A_122] : memref<2000x8xf32, #tpu.memory_space<vmem>> -> memref<80x8xf32, #tpu.memory_space<vmem>>
      %dma_start3A_124 = arith.constant 0 : i32
      %dma_start3A_125 = tpu.memref_slice %arg8[%dma_start3A_120, %dma_start3A_124] : memref<25x80xi32, #tpu.memory_space<vmem>> -> memref<1x80xi32, #tpu.memory_space<vmem>>
      %dma_start3A_126 = tpu.memref_squeeze %dma_start3A_125 : memref<1x80xi32, #tpu.memory_space<vmem>> -> memref<80xi32, #tpu.memory_space<vmem>>
      %dma_start3A_127 = arith.constant 0 : i32
      %dma_start3A_128 = arith.constant 0 : i32
      %dma_start3A_129 = tpu.memref_slice %arg2[%dma_start3A_127, %dma_start3A_128] : memref<100000x8xf32, #tpu.memory_space<hbm>> -> memref<100000x8xf32, #tpu.memory_space<hbm>>
      tpu.enqueue_indirect_dma source(%dma_start3A_129 : memref<100000x8xf32, #tpu.memory_space<hbm>>) target(%dma_start3A_123 : memref<80x8xf32, #tpu.memory_space<vmem>>) offsets(%dma_start3A_126 : memref<80xi32, #tpu.memory_space<vmem>>) semaphore(%arg19 : memref<!tpu.dma_semaphore, #tpu.memory_space<semaphore_mem>>)
      %dma_start3A_130 = arith.constant 6 : i32
      %dma_start3A_131 = arith.constant 480 : i32
      %dma_start3A_132 = arith.constant 0 : i32
      %dma_start3A_133 = tpu.memref_slice %arg11[%dma_start3A_131, %dma_start3A_132] : memref<2000x8xf32, #tpu.memory_space<vmem>> -> memref<80x8xf32, #tpu.memory_space<vmem>>
      %dma_start3A_134 = arith.constant 0 : i32
      %dma_start3A_135 = tpu.memref_slice %arg8[%dma_start3A_130, %dma_start3A_134] : memref<25x80xi32, #tpu.memory_space<vmem>> -> memref<1x80xi32, #tpu.memory_space<vmem>>
      %dma_start3A_136 = tpu.memref_squeeze %dma_start3A_135 : memref<1x80xi32, #tpu.memory_space<vmem>> -> memref<80xi32, #tpu.memory_space<vmem>>
      %dma_start3A_137 = arith.constant 0 : i32
      %dma_start3A_138 = arith.constant 0 : i32
      %dma_start3A_139 = tpu.memref_slice %arg2[%dma_start3A_137, %dma_start3A_138] : memref<100000x8xf32, #tpu.memory_space<hbm>> -> memref<100000x8xf32, #tpu.memory_space<hbm>>
      tpu.enqueue_indirect_dma source(%dma_start3A_139 : memref<100000x8xf32, #tpu.memory_space<hbm>>) target(%dma_start3A_133 : memref<80x8xf32, #tpu.memory_space<vmem>>) offsets(%dma_start3A_136 : memref<80xi32, #tpu.memory_space<vmem>>) semaphore(%arg19 : memref<!tpu.dma_semaphore, #tpu.memory_space<semaphore_mem>>)
      %dma_start3A_140 = arith.constant 7 : i32
      %dma_start3A_141 = arith.constant 560 : i32
      %dma_start3A_142 = arith.constant 0 : i32
      %dma_start3A_143 = tpu.memref_slice %arg11[%dma_start3A_141, %dma_start3A_142] : memref<2000x8xf32, #tpu.memory_space<vmem>> -> memref<80x8xf32, #tpu.memory_space<vmem>>
      %dma_start3A_144 = arith.constant 0 : i32
      %dma_start3A_145 = tpu.memref_slice %arg8[%dma_start3A_140, %dma_start3A_144] : memref<25x80xi32, #tpu.memory_space<vmem>> -> memref<1x80xi32, #tpu.memory_space<vmem>>
      %dma_start3A_146 = tpu.memref_squeeze %dma_start3A_145 : memref<1x80xi32, #tpu.memory_space<vmem>> -> memref<80xi32, #tpu.memory_space<vmem>>
      %dma_start3A_147 = arith.constant 0 : i32
      %dma_start3A_148 = arith.constant 0 : i32
      %dma_start3A_149 = tpu.memref_slice %arg2[%dma_start3A_147, %dma_start3A_148] : memref<100000x8xf32, #tpu.memory_space<hbm>> -> memref<100000x8xf32, #tpu.memory_space<hbm>>
      tpu.enqueue_indirect_dma source(%dma_start3A_149 : memref<100000x8xf32, #tpu.memory_space<hbm>>) target(%dma_start3A_143 : memref<80x8xf32, #tpu.memory_space<vmem>>) offsets(%dma_start3A_146 : memref<80xi32, #tpu.memory_space<vmem>>) semaphore(%arg19 : memref<!tpu.dma_semaphore, #tpu.memory_space<semaphore_mem>>)
      %dma_start3A_150 = arith.constant 8 : i32
      %dma_start3A_151 = arith.constant 640 : i32
      %dma_start3A_152 = arith.constant 0 : i32
      %dma_start3A_153 = tpu.memref_slice %arg11[%dma_start3A_151, %dma_start3A_152] : memref<2000x8xf32, #tpu.memory_space<vmem>> -> memref<80x8xf32, #tpu.memory_space<vmem>>
      %dma_start3A_154 = arith.constant 0 : i32
      %dma_start3A_155 = tpu.memref_slice %arg8[%dma_start3A_150, %dma_start3A_154] : memref<25x80xi32, #tpu.memory_space<vmem>> -> memref<1x80xi32, #tpu.memory_space<vmem>>
      %dma_start3A_156 = tpu.memref_squeeze %dma_start3A_155 : memref<1x80xi32, #tpu.memory_space<vmem>> -> memref<80xi32, #tpu.memory_space<vmem>>
      %dma_start3A_157 = arith.constant 0 : i32
      %dma_start3A_158 = arith.constant 0 : i32
      %dma_start3A_159 = tpu.memref_slice %arg2[%dma_start3A_157, %dma_start3A_158] : memref<100000x8xf32, #tpu.memory_space<hbm>> -> memref<100000x8xf32, #tpu.memory_space<hbm>>
      tpu.enqueue_indirect_dma source(%dma_start3A_159 : memref<100000x8xf32, #tpu.memory_space<hbm>>) target(%dma_start3A_153 : memref<80x8xf32, #tpu.memory_space<vmem>>) offsets(%dma_start3A_156 : memref<80xi32, #tpu.memory_space<vmem>>) semaphore(%arg19 : memref<!tpu.dma_semaphore, #tpu.memory_space<semaphore_mem>>)
      %dma_start3A_160 = arith.constant 9 : i32
      %dma_start3A_161 = arith.constant 720 : i32
      %dma_start3A_162 = arith.constant 0 : i32
      %dma_start3A_163 = tpu.memref_slice %arg11[%dma_start3A_161, %dma_start3A_162] : memref<2000x8xf32, #tpu.memory_space<vmem>> -> memref<80x8xf32, #tpu.memory_space<vmem>>
      %dma_start3A_164 = arith.constant 0 : i32
      %dma_start3A_165 = tpu.memref_slice %arg8[%dma_start3A_160, %dma_start3A_164] : memref<25x80xi32, #tpu.memory_space<vmem>> -> memref<1x80xi32, #tpu.memory_space<vmem>>
      %dma_start3A_166 = tpu.memref_squeeze %dma_start3A_165 : memref<1x80xi32, #tpu.memory_space<vmem>> -> memref<80xi32, #tpu.memory_space<vmem>>
      %dma_start3A_167 = arith.constant 0 : i32
      %dma_start3A_168 = arith.constant 0 : i32
      %dma_start3A_169 = tpu.memref_slice %arg2[%dma_start3A_167, %dma_start3A_168] : memref<100000x8xf32, #tpu.memory_space<hbm>> -> memref<100000x8xf32, #tpu.memory_space<hbm>>
      tpu.enqueue_indirect_dma source(%dma_start3A_169 : memref<100000x8xf32, #tpu.memory_space<hbm>>) target(%dma_start3A_163 : memref<80x8xf32, #tpu.memory_space<vmem>>) offsets(%dma_start3A_166 : memref<80xi32, #tpu.memory_space<vmem>>) semaphore(%arg19 : memref<!tpu.dma_semaphore, #tpu.memory_space<semaphore_mem>>)
      %dma_start3A_170 = arith.constant 10 : i32
      %dma_start3A_171 = arith.constant 800 : i32
      %dma_start3A_172 = arith.constant 0 : i32
      %dma_start3A_173 = tpu.memref_slice %arg11[%dma_start3A_171, %dma_start3A_172] : memref<2000x8xf32, #tpu.memory_space<vmem>> -> memref<80x8xf32, #tpu.memory_space<vmem>>
      %dma_start3A_174 = arith.constant 0 : i32
      %dma_start3A_175 = tpu.memref_slice %arg8[%dma_start3A_170, %dma_start3A_174] : memref<25x80xi32, #tpu.memory_space<vmem>> -> memref<1x80xi32, #tpu.memory_space<vmem>>
      %dma_start3A_176 = tpu.memref_squeeze %dma_start3A_175 : memref<1x80xi32, #tpu.memory_space<vmem>> -> memref<80xi32, #tpu.memory_space<vmem>>
      %dma_start3A_177 = arith.constant 0 : i32
      %dma_start3A_178 = arith.constant 0 : i32
      %dma_start3A_179 = tpu.memref_slice %arg2[%dma_start3A_177, %dma_start3A_178] : memref<100000x8xf32, #tpu.memory_space<hbm>> -> memref<100000x8xf32, #tpu.memory_space<hbm>>
      tpu.enqueue_indirect_dma source(%dma_start3A_179 : memref<100000x8xf32, #tpu.memory_space<hbm>>) target(%dma_start3A_173 : memref<80x8xf32, #tpu.memory_space<vmem>>) offsets(%dma_start3A_176 : memref<80xi32, #tpu.memory_space<vmem>>) semaphore(%arg19 : memref<!tpu.dma_semaphore, #tpu.memory_space<semaphore_mem>>)
      %dma_start3A_180 = arith.constant 11 : i32
      %dma_start3A_181 = arith.constant 880 : i32
      %dma_start3A_182 = arith.constant 0 : i32
      %dma_start3A_183 = tpu.memref_slice %arg11[%dma_start3A_181, %dma_start3A_182] : memref<2000x8xf32, #tpu.memory_space<vmem>> -> memref<80x8xf32, #tpu.memory_space<vmem>>
      %dma_start3A_184 = arith.constant 0 : i32
      %dma_start3A_185 = tpu.memref_slice %arg8[%dma_start3A_180, %dma_start3A_184] : memref<25x80xi32, #tpu.memory_space<vmem>> -> memref<1x80xi32, #tpu.memory_space<vmem>>
      %dma_start3A_186 = tpu.memref_squeeze %dma_start3A_185 : memref<1x80xi32, #tpu.memory_space<vmem>> -> memref<80xi32, #tpu.memory_space<vmem>>
      %dma_start3A_187 = arith.constant 0 : i32
      %dma_start3A_188 = arith.constant 0 : i32
      %dma_start3A_189 = tpu.memref_slice %arg2[%dma_start3A_187, %dma_start3A_188] : memref<100000x8xf32, #tpu.memory_space<hbm>> -> memref<100000x8xf32, #tpu.memory_space<hbm>>
      tpu.enqueue_indirect_dma source(%dma_start3A_189 : memref<100000x8xf32, #tpu.memory_space<hbm>>) target(%dma_start3A_183 : memref<80x8xf32, #tpu.memory_space<vmem>>) offsets(%dma_start3A_186 : memref<80xi32, #tpu.memory_space<vmem>>) semaphore(%arg19 : memref<!tpu.dma_semaphore, #tpu.memory_space<semaphore_mem>>)
      %dma_start3A_190 = arith.constant 12 : i32
      %dma_start3A_191 = arith.constant 960 : i32
      %dma_start3A_192 = arith.constant 0 : i32
      %dma_start3A_193 = tpu.memref_slice %arg11[%dma_start3A_191, %dma_start3A_192] : memref<2000x8xf32, #tpu.memory_space<vmem>> -> memref<80x8xf32, #tpu.memory_space<vmem>>
      %dma_start3A_194 = arith.constant 0 : i32
      %dma_start3A_195 = tpu.memref_slice %arg8[%dma_start3A_190, %dma_start3A_194] : memref<25x80xi32, #tpu.memory_space<vmem>> -> memref<1x80xi32, #tpu.memory_space<vmem>>
      %dma_start3A_196 = tpu.memref_squeeze %dma_start3A_195 : memref<1x80xi32, #tpu.memory_space<vmem>> -> memref<80xi32, #tpu.memory_space<vmem>>
      %dma_start3A_197 = arith.constant 0 : i32
      %dma_start3A_198 = arith.constant 0 : i32
      %dma_start3A_199 = tpu.memref_slice %arg2[%dma_start3A_197, %dma_start3A_198] : memref<100000x8xf32, #tpu.memory_space<hbm>> -> memref<100000x8xf32, #tpu.memory_space<hbm>>
      tpu.enqueue_indirect_dma source(%dma_start3A_199 : memref<100000x8xf32, #tpu.memory_space<hbm>>) target(%dma_start3A_193 : memref<80x8xf32, #tpu.memory_space<vmem>>) offsets(%dma_start3A_196 : memref<80xi32, #tpu.memory_space<vmem>>) semaphore(%arg19 : memref<!tpu.dma_semaphore, #tpu.memory_space<semaphore_mem>>)
      %dma_start3A_200 = arith.constant 13 : i32
      %dma_start3A_201 = arith.constant 1040 : i32
      %dma_start3A_202 = arith.constant 0 : i32
      %dma_start3A_203 = tpu.memref_slice %arg11[%dma_start3A_201, %dma_start3A_202] : memref<2000x8xf32, #tpu.memory_space<vmem>> -> memref<80x8xf32, #tpu.memory_space<vmem>>
      %dma_start3A_204 = arith.constant 0 : i32
      %dma_start3A_205 = tpu.memref_slice %arg8[%dma_start3A_200, %dma_start3A_204] : memref<25x80xi32, #tpu.memory_space<vmem>> -> memref<1x80xi32, #tpu.memory_space<vmem>>
      %dma_start3A_206 = tpu.memref_squeeze %dma_start3A_205 : memref<1x80xi32, #tpu.memory_space<vmem>> -> memref<80xi32, #tpu.memory_space<vmem>>
      %dma_start3A_207 = arith.constant 0 : i32
      %dma_start3A_208 = arith.constant 0 : i32
      %dma_start3A_209 = tpu.memref_slice %arg2[%dma_start3A_207, %dma_start3A_208] : memref<100000x8xf32, #tpu.memory_space<hbm>> -> memref<100000x8xf32, #tpu.memory_space<hbm>>
      tpu.enqueue_indirect_dma source(%dma_start3A_209 : memref<100000x8xf32, #tpu.memory_space<hbm>>) target(%dma_start3A_203 : memref<80x8xf32, #tpu.memory_space<vmem>>) offsets(%dma_start3A_206 : memref<80xi32, #tpu.memory_space<vmem>>) semaphore(%arg19 : memref<!tpu.dma_semaphore, #tpu.memory_space<semaphore_mem>>)
      %dma_start3A_210 = arith.constant 14 : i32
      %dma_start3A_211 = arith.constant 1120 : i32
      %dma_start3A_212 = arith.constant 0 : i32
      %dma_start3A_213 = tpu.memref_slice %arg11[%dma_start3A_211, %dma_start3A_212] : memref<2000x8xf32, #tpu.memory_space<vmem>> -> memref<80x8xf32, #tpu.memory_space<vmem>>
      %dma_start3A_214 = arith.constant 0 : i32
      %dma_start3A_215 = tpu.memref_slice %arg8[%dma_start3A_210, %dma_start3A_214] : memref<25x80xi32, #tpu.memory_space<vmem>> -> memref<1x80xi32, #tpu.memory_space<vmem>>
      %dma_start3A_216 = tpu.memref_squeeze %dma_start3A_215 : memref<1x80xi32, #tpu.memory_space<vmem>> -> memref<80xi32, #tpu.memory_space<vmem>>
      %dma_start3A_217 = arith.constant 0 : i32
      %dma_start3A_218 = arith.constant 0 : i32
      %dma_start3A_219 = tpu.memref_slice %arg2[%dma_start3A_217, %dma_start3A_218] : memref<100000x8xf32, #tpu.memory_space<hbm>> -> memref<100000x8xf32, #tpu.memory_space<hbm>>
      tpu.enqueue_indirect_dma source(%dma_start3A_219 : memref<100000x8xf32, #tpu.memory_space<hbm>>) target(%dma_start3A_213 : memref<80x8xf32, #tpu.memory_space<vmem>>) offsets(%dma_start3A_216 : memref<80xi32, #tpu.memory_space<vmem>>) semaphore(%arg19 : memref<!tpu.dma_semaphore, #tpu.memory_space<semaphore_mem>>)
      %dma_start3A_220 = arith.constant 15 : i32
      %dma_start3A_221 = arith.constant 1200 : i32
      %dma_start3A_222 = arith.constant 0 : i32
      %dma_start3A_223 = tpu.memref_slice %arg11[%dma_start3A_221, %dma_start3A_222] : memref<2000x8xf32, #tpu.memory_space<vmem>> -> memref<80x8xf32, #tpu.memory_space<vmem>>
      %dma_start3A_224 = arith.constant 0 : i32
      %dma_start3A_225 = tpu.memref_slice %arg8[%dma_start3A_220, %dma_start3A_224] : memref<25x80xi32, #tpu.memory_space<vmem>> -> memref<1x80xi32, #tpu.memory_space<vmem>>
      %dma_start3A_226 = tpu.memref_squeeze %dma_start3A_225 : memref<1x80xi32, #tpu.memory_space<vmem>> -> memref<80xi32, #tpu.memory_space<vmem>>
      %dma_start3A_227 = arith.constant 0 : i32
      %dma_start3A_228 = arith.constant 0 : i32
      %dma_start3A_229 = tpu.memref_slice %arg2[%dma_start3A_227, %dma_start3A_228] : memref<100000x8xf32, #tpu.memory_space<hbm>> -> memref<100000x8xf32, #tpu.memory_space<hbm>>
      tpu.enqueue_indirect_dma source(%dma_start3A_229 : memref<100000x8xf32, #tpu.memory_space<hbm>>) target(%dma_start3A_223 : memref<80x8xf32, #tpu.memory_space<vmem>>) offsets(%dma_start3A_226 : memref<80xi32, #tpu.memory_space<vmem>>) semaphore(%arg19 : memref<!tpu.dma_semaphore, #tpu.memory_space<semaphore_mem>>)
      %dma_start3A_230 = arith.constant 16 : i32
      %dma_start3A_231 = arith.constant 1280 : i32
      %dma_start3A_232 = arith.constant 0 : i32
      %dma_start3A_233 = tpu.memref_slice %arg11[%dma_start3A_231, %dma_start3A_232] : memref<2000x8xf32, #tpu.memory_space<vmem>> -> memref<80x8xf32, #tpu.memory_space<vmem>>
      %dma_start3A_234 = arith.constant 0 : i32
      %dma_start3A_235 = tpu.memref_slice %arg8[%dma_start3A_230, %dma_start3A_234] : memref<25x80xi32, #tpu.memory_space<vmem>> -> memref<1x80xi32, #tpu.memory_space<vmem>>
      %dma_start3A_236 = tpu.memref_squeeze %dma_start3A_235 : memref<1x80xi32, #tpu.memory_space<vmem>> -> memref<80xi32, #tpu.memory_space<vmem>>
      %dma_start3A_237 = arith.constant 0 : i32
      %dma_start3A_238 = arith.constant 0 : i32
      %dma_start3A_239 = tpu.memref_slice %arg2[%dma_start3A_237, %dma_start3A_238] : memref<100000x8xf32, #tpu.memory_space<hbm>> -> memref<100000x8xf32, #tpu.memory_space<hbm>>
      tpu.enqueue_indirect_dma source(%dma_start3A_239 : memref<100000x8xf32, #tpu.memory_space<hbm>>) target(%dma_start3A_233 : memref<80x8xf32, #tpu.memory_space<vmem>>) offsets(%dma_start3A_236 : memref<80xi32, #tpu.memory_space<vmem>>) semaphore(%arg19 : memref<!tpu.dma_semaphore, #tpu.memory_space<semaphore_mem>>)
      %dma_start3A_240 = arith.constant 17 : i32
      %dma_start3A_241 = arith.constant 1360 : i32
      %dma_start3A_242 = arith.constant 0 : i32
      %dma_start3A_243 = tpu.memref_slice %arg11[%dma_start3A_241, %dma_start3A_242] : memref<2000x8xf32, #tpu.memory_space<vmem>> -> memref<80x8xf32, #tpu.memory_space<vmem>>
      %dma_start3A_244 = arith.constant 0 : i32
      %dma_start3A_245 = tpu.memref_slice %arg8[%dma_start3A_240, %dma_start3A_244] : memref<25x80xi32, #tpu.memory_space<vmem>> -> memref<1x80xi32, #tpu.memory_space<vmem>>
      %dma_start3A_246 = tpu.memref_squeeze %dma_start3A_245 : memref<1x80xi32, #tpu.memory_space<vmem>> -> memref<80xi32, #tpu.memory_space<vmem>>
      %dma_start3A_247 = arith.constant 0 : i32
      %dma_start3A_248 = arith.constant 0 : i32
      %dma_start3A_249 = tpu.memref_slice %arg2[%dma_start3A_247, %dma_start3A_248] : memref<100000x8xf32, #tpu.memory_space<hbm>> -> memref<100000x8xf32, #tpu.memory_space<hbm>>
      tpu.enqueue_indirect_dma source(%dma_start3A_249 : memref<100000x8xf32, #tpu.memory_space<hbm>>) target(%dma_start3A_243 : memref<80x8xf32, #tpu.memory_space<vmem>>) offsets(%dma_start3A_246 : memref<80xi32, #tpu.memory_space<vmem>>) semaphore(%arg19 : memref<!tpu.dma_semaphore, #tpu.memory_space<semaphore_mem>>)
      %dma_start3A_250 = arith.constant 18 : i32
      %dma_start3A_251 = arith.constant 1440 : i32
      %dma_start3A_252 = arith.constant 0 : i32
      %dma_start3A_253 = tpu.memref_slice %arg11[%dma_start3A_251, %dma_start3A_252] : memref<2000x8xf32, #tpu.memory_space<vmem>> -> memref<80x8xf32, #tpu.memory_space<vmem>>
      %dma_start3A_254 = arith.constant 0 : i32
      %dma_start3A_255 = tpu.memref_slice %arg8[%dma_start3A_250, %dma_start3A_254] : memref<25x80xi32, #tpu.memory_space<vmem>> -> memref<1x80xi32, #tpu.memory_space<vmem>>
      %dma_start3A_256 = tpu.memref_squeeze %dma_start3A_255 : memref<1x80xi32, #tpu.memory_space<vmem>> -> memref<80xi32, #tpu.memory_space<vmem>>
      %dma_start3A_257 = arith.constant 0 : i32
      %dma_start3A_258 = arith.constant 0 : i32
      %dma_start3A_259 = tpu.memref_slice %arg2[%dma_start3A_257, %dma_start3A_258] : memref<100000x8xf32, #tpu.memory_space<hbm>> -> memref<100000x8xf32, #tpu.memory_space<hbm>>
      tpu.enqueue_indirect_dma source(%dma_start3A_259 : memref<100000x8xf32, #tpu.memory_space<hbm>>) target(%dma_start3A_253 : memref<80x8xf32, #tpu.memory_space<vmem>>) offsets(%dma_start3A_256 : memref<80xi32, #tpu.memory_space<vmem>>) semaphore(%arg19 : memref<!tpu.dma_semaphore, #tpu.memory_space<semaphore_mem>>)
      %dma_start3A_260 = arith.constant 19 : i32
      %dma_start3A_261 = arith.constant 1520 : i32
      %dma_start3A_262 = arith.constant 0 : i32
      %dma_start3A_263 = tpu.memref_slice %arg11[%dma_start3A_261, %dma_start3A_262] : memref<2000x8xf32, #tpu.memory_space<vmem>> -> memref<80x8xf32, #tpu.memory_space<vmem>>
      %dma_start3A_264 = arith.constant 0 : i32
      %dma_start3A_265 = tpu.memref_slice %arg8[%dma_start3A_260, %dma_start3A_264] : memref<25x80xi32, #tpu.memory_space<vmem>> -> memref<1x80xi32, #tpu.memory_space<vmem>>
      %dma_start3A_266 = tpu.memref_squeeze %dma_start3A_265 : memref<1x80xi32, #tpu.memory_space<vmem>> -> memref<80xi32, #tpu.memory_space<vmem>>
      %dma_start3A_267 = arith.constant 0 : i32
      %dma_start3A_268 = arith.constant 0 : i32
      %dma_start3A_269 = tpu.memref_slice %arg2[%dma_start3A_267, %dma_start3A_268] : memref<100000x8xf32, #tpu.memory_space<hbm>> -> memref<100000x8xf32, #tpu.memory_space<hbm>>
      tpu.enqueue_indirect_dma source(%dma_start3A_269 : memref<100000x8xf32, #tpu.memory_space<hbm>>) target(%dma_start3A_263 : memref<80x8xf32, #tpu.memory_space<vmem>>) offsets(%dma_start3A_266 : memref<80xi32, #tpu.memory_space<vmem>>) semaphore(%arg19 : memref<!tpu.dma_semaphore, #tpu.memory_space<semaphore_mem>>)
      %dma_start3A_270 = arith.constant 20 : i32
      %dma_start3A_271 = arith.constant 1600 : i32
      %dma_start3A_272 = arith.constant 0 : i32
      %dma_start3A_273 = tpu.memref_slice %arg11[%dma_start3A_271, %dma_start3A_272] : memref<2000x8xf32, #tpu.memory_space<vmem>> -> memref<80x8xf32, #tpu.memory_space<vmem>>
      %dma_start3A_274 = arith.constant 0 : i32
      %dma_start3A_275 = tpu.memref_slice %arg8[%dma_start3A_270, %dma_start3A_274] : memref<25x80xi32, #tpu.memory_space<vmem>> -> memref<1x80xi32, #tpu.memory_space<vmem>>
      %dma_start3A_276 = tpu.memref_squeeze %dma_start3A_275 : memref<1x80xi32, #tpu.memory_space<vmem>> -> memref<80xi32, #tpu.memory_space<vmem>>
      %dma_start3A_277 = arith.constant 0 : i32
      %dma_start3A_278 = arith.constant 0 : i32
      %dma_start3A_279 = tpu.memref_slice %arg2[%dma_start3A_277, %dma_start3A_278] : memref<100000x8xf32, #tpu.memory_space<hbm>> -> memref<100000x8xf32, #tpu.memory_space<hbm>>
      tpu.enqueue_indirect_dma source(%dma_start3A_279 : memref<100000x8xf32, #tpu.memory_space<hbm>>) target(%dma_start3A_273 : memref<80x8xf32, #tpu.memory_space<vmem>>) offsets(%dma_start3A_276 : memref<80xi32, #tpu.memory_space<vmem>>) semaphore(%arg19 : memref<!tpu.dma_semaphore, #tpu.memory_space<semaphore_mem>>)
      %dma_start3A_280 = arith.constant 21 : i32
      %dma_start3A_281 = arith.constant 1680 : i32
      %dma_start3A_282 = arith.constant 0 : i32
      %dma_start3A_283 = tpu.memref_slice %arg11[%dma_start3A_281, %dma_start3A_282] : memref<2000x8xf32, #tpu.memory_space<vmem>> -> memref<80x8xf32, #tpu.memory_space<vmem>>
      %dma_start3A_284 = arith.constant 0 : i32
      %dma_start3A_285 = tpu.memref_slice %arg8[%dma_start3A_280, %dma_start3A_284] : memref<25x80xi32, #tpu.memory_space<vmem>> -> memref<1x80xi32, #tpu.memory_space<vmem>>
      %dma_start3A_286 = tpu.memref_squeeze %dma_start3A_285 : memref<1x80xi32, #tpu.memory_space<vmem>> -> memref<80xi32, #tpu.memory_space<vmem>>
      %dma_start3A_287 = arith.constant 0 : i32
      %dma_start3A_288 = arith.constant 0 : i32
      %dma_start3A_289 = tpu.memref_slice %arg2[%dma_start3A_287, %dma_start3A_288] : memref<100000x8xf32, #tpu.memory_space<hbm>> -> memref<100000x8xf32, #tpu.memory_space<hbm>>
      tpu.enqueue_indirect_dma source(%dma_start3A_289 : memref<100000x8xf32, #tpu.memory_space<hbm>>) target(%dma_start3A_283 : memref<80x8xf32, #tpu.memory_space<vmem>>) offsets(%dma_start3A_286 : memref<80xi32, #tpu.memory_space<vmem>>) semaphore(%arg19 : memref<!tpu.dma_semaphore, #tpu.memory_space<semaphore_mem>>)
      %dma_start3A_290 = arith.constant 22 : i32
      %dma_start3A_291 = arith.constant 1760 : i32
      %dma_start3A_292 = arith.constant 0 : i32
      %dma_start3A_293 = tpu.memref_slice %arg11[%dma_start3A_291, %dma_start3A_292] : memref<2000x8xf32, #tpu.memory_space<vmem>> -> memref<80x8xf32, #tpu.memory_space<vmem>>
      %dma_start3A_294 = arith.constant 0 : i32
      %dma_start3A_295 = tpu.memref_slice %arg8[%dma_start3A_290, %dma_start3A_294] : memref<25x80xi32, #tpu.memory_space<vmem>> -> memref<1x80xi32, #tpu.memory_space<vmem>>
      %dma_start3A_296 = tpu.memref_squeeze %dma_start3A_295 : memref<1x80xi32, #tpu.memory_space<vmem>> -> memref<80xi32, #tpu.memory_space<vmem>>
      %dma_start3A_297 = arith.constant 0 : i32
      %dma_start3A_298 = arith.constant 0 : i32
      %dma_start3A_299 = tpu.memref_slice %arg2[%dma_start3A_297, %dma_start3A_298] : memref<100000x8xf32, #tpu.memory_space<hbm>> -> memref<100000x8xf32, #tpu.memory_space<hbm>>
      tpu.enqueue_indirect_dma source(%dma_start3A_299 : memref<100000x8xf32, #tpu.memory_space<hbm>>) target(%dma_start3A_293 : memref<80x8xf32, #tpu.memory_space<vmem>>) offsets(%dma_start3A_296 : memref<80xi32, #tpu.memory_space<vmem>>) semaphore(%arg19 : memref<!tpu.dma_semaphore, #tpu.memory_space<semaphore_mem>>)
      %dma_start3A_300 = arith.constant 23 : i32
      %dma_start3A_301 = arith.constant 1840 : i32
      %dma_start3A_302 = arith.constant 0 : i32
      %dma_start3A_303 = tpu.memref_slice %arg11[%dma_start3A_301, %dma_start3A_302] : memref<2000x8xf32, #tpu.memory_space<vmem>> -> memref<80x8xf32, #tpu.memory_space<vmem>>
      %dma_start3A_304 = arith.constant 0 : i32
      %dma_start3A_305 = tpu.memref_slice %arg8[%dma_start3A_300, %dma_start3A_304] : memref<25x80xi32, #tpu.memory_space<vmem>> -> memref<1x80xi32, #tpu.memory_space<vmem>>
      %dma_start3A_306 = tpu.memref_squeeze %dma_start3A_305 : memref<1x80xi32, #tpu.memory_space<vmem>> -> memref<80xi32, #tpu.memory_space<vmem>>
      %dma_start3A_307 = arith.constant 0 : i32
      %dma_start3A_308 = arith.constant 0 : i32
      %dma_start3A_309 = tpu.memref_slice %arg2[%dma_start3A_307, %dma_start3A_308] : memref<100000x8xf32, #tpu.memory_space<hbm>> -> memref<100000x8xf32, #tpu.memory_space<hbm>>
      tpu.enqueue_indirect_dma source(%dma_start3A_309 : memref<100000x8xf32, #tpu.memory_space<hbm>>) target(%dma_start3A_303 : memref<80x8xf32, #tpu.memory_space<vmem>>) offsets(%dma_start3A_306 : memref<80xi32, #tpu.memory_space<vmem>>) semaphore(%arg19 : memref<!tpu.dma_semaphore, #tpu.memory_space<semaphore_mem>>)
      %dma_start3A_310 = arith.constant 24 : i32
      %dma_start3A_311 = arith.constant 1920 : i32
      %dma_start3A_312 = arith.constant 0 : i32
      %dma_start3A_313 = tpu.memref_slice %arg11[%dma_start3A_311, %dma_start3A_312] : memref<2000x8xf32, #tpu.memory_space<vmem>> -> memref<80x8xf32, #tpu.memory_space<vmem>>
      %dma_start3A_314 = arith.constant 0 : i32
      %dma_start3A_315 = tpu.memref_slice %arg8[%dma_start3A_310, %dma_start3A_314] : memref<25x80xi32, #tpu.memory_space<vmem>> -> memref<1x80xi32, #tpu.memory_space<vmem>>
      %dma_start3A_316 = tpu.memref_squeeze %dma_start3A_315 : memref<1x80xi32, #tpu.memory_space<vmem>> -> memref<80xi32, #tpu.memory_space<vmem>>
      %dma_start3A_317 = arith.constant 0 : i32
      %dma_start3A_318 = arith.constant 0 : i32
      %dma_start3A_319 = tpu.memref_slice %arg2[%dma_start3A_317, %dma_start3A_318] : memref<100000x8xf32, #tpu.memory_space<hbm>> -> memref<100000x8xf32, #tpu.memory_space<hbm>>
      tpu.enqueue_indirect_dma source(%dma_start3A_319 : memref<100000x8xf32, #tpu.memory_space<hbm>>) target(%dma_start3A_313 : memref<80x8xf32, #tpu.memory_space<vmem>>) offsets(%dma_start3A_316 : memref<80xi32, #tpu.memory_space<vmem>>) semaphore(%arg19 : memref<!tpu.dma_semaphore, #tpu.memory_space<semaphore_mem>>)
      %dma_wait3A_320 = arith.constant 0 : i32
      %dma_wait3A_321 = tpu.memref_slice %arg3[%add3A_45, %dma_wait3A_320] : memref<40000x80xi32, #tpu.memory_space<hbm>> -> memref<25x80xi32, #tpu.memory_space<hbm>>
      %dma_wait3A_322 = arith.constant 0 : i32
      %dma_wait3A_323 = tpu.memref_slice %arg3[%add3A_45, %dma_wait3A_322] : memref<40000x80xi32, #tpu.memory_space<hbm>> -> memref<25x80xi32, #tpu.memory_space<hbm>>
      tpu.wait_dma2 semaphore(%arg18 : memref<!tpu.dma_semaphore, #tpu.memory_space<semaphore_mem>>) src(%dma_wait3A_323 : memref<25x80xi32, #tpu.memory_space<hbm>>) dst(%arg12 : memref<25x80xi32, #tpu.memory_space<vmem>>)
      %dma_wait3A_324 = arith.constant 0 : i32
      %dma_wait3A_325 = tpu.memref_slice %arg4[%add3A_45, %dma_wait3A_324] : memref<40000x80xi32, #tpu.memory_space<hbm>> -> memref<25x80xi32, #tpu.memory_space<hbm>>
      %dma_wait3A_326 = arith.constant 0 : i32
      %dma_wait3A_327 = tpu.memref_slice %arg4[%add3A_45, %dma_wait3A_326] : memref<40000x80xi32, #tpu.memory_space<hbm>> -> memref<25x80xi32, #tpu.memory_space<hbm>>
      tpu.wait_dma2 semaphore(%arg18 : memref<!tpu.dma_semaphore, #tpu.memory_space<semaphore_mem>>) src(%dma_wait3A_327 : memref<25x80xi32, #tpu.memory_space<hbm>>) dst(%arg13 : memref<25x80xi32, #tpu.memory_space<vmem>>)
      %dma_wait3A_328 = tpu.memref_slice %arg5[%add3A_58] : memref<3200000xf32, #tpu.memory_space<hbm>> -> memref<2000xf32, #tpu.memory_space<hbm>>
      %dma_wait3A_329 = tpu.memref_slice %arg5[%add3A_58] : memref<3200000xf32, #tpu.memory_space<hbm>> -> memref<2000xf32, #tpu.memory_space<hbm>>
      tpu.wait_dma2 semaphore(%arg18 : memref<!tpu.dma_semaphore, #tpu.memory_space<semaphore_mem>>) src(%dma_wait3A_329 : memref<2000xf32, #tpu.memory_space<hbm>>) dst(%arg14 : memref<2000xf32, #tpu.memory_space<vmem>>)
      %dma_start3A_330 = arith.constant 0 : i32
      %dma_start3A_331 = arith.constant 0 : i32
      %dma_start3A_332 = arith.constant 0 : i32
      %dma_start3A_333 = tpu.memref_slice %arg15[%dma_start3A_331, %dma_start3A_332] : memref<2000x8xf32, #tpu.memory_space<vmem>> -> memref<80x8xf32, #tpu.memory_space<vmem>>
      %dma_start3A_334 = arith.constant 0 : i32
      %dma_start3A_335 = tpu.memref_slice %arg12[%dma_start3A_330, %dma_start3A_334] : memref<25x80xi32, #tpu.memory_space<vmem>> -> memref<1x80xi32, #tpu.memory_space<vmem>>
      %dma_start3A_336 = tpu.memref_squeeze %dma_start3A_335 : memref<1x80xi32, #tpu.memory_space<vmem>> -> memref<80xi32, #tpu.memory_space<vmem>>
      %dma_start3A_337 = arith.constant 0 : i32
      %dma_start3A_338 = arith.constant 0 : i32
      %dma_start3A_339 = tpu.memref_slice %arg2[%dma_start3A_337, %dma_start3A_338] : memref<100000x8xf32, #tpu.memory_space<hbm>> -> memref<100000x8xf32, #tpu.memory_space<hbm>>
      tpu.enqueue_indirect_dma source(%dma_start3A_339 : memref<100000x8xf32, #tpu.memory_space<hbm>>) target(%dma_start3A_333 : memref<80x8xf32, #tpu.memory_space<vmem>>) offsets(%dma_start3A_336 : memref<80xi32, #tpu.memory_space<vmem>>) semaphore(%arg20 : memref<!tpu.dma_semaphore, #tpu.memory_space<semaphore_mem>>)
      %dma_start3A_340 = arith.constant 1 : i32
      %dma_start3A_341 = arith.constant 80 : i32
      %dma_start3A_342 = arith.constant 0 : i32
      %dma_start3A_343 = tpu.memref_slice %arg15[%dma_start3A_341, %dma_start3A_342] : memref<2000x8xf32, #tpu.memory_space<vmem>> -> memref<80x8xf32, #tpu.memory_space<vmem>>
      %dma_start3A_344 = arith.constant 0 : i32
      %dma_start3A_345 = tpu.memref_slice %arg12[%dma_start3A_340, %dma_start3A_344] : memref<25x80xi32, #tpu.memory_space<vmem>> -> memref<1x80xi32, #tpu.memory_space<vmem>>
      %dma_start3A_346 = tpu.memref_squeeze %dma_start3A_345 : memref<1x80xi32, #tpu.memory_space<vmem>> -> memref<80xi32, #tpu.memory_space<vmem>>
      %dma_start3A_347 = arith.constant 0 : i32
      %dma_start3A_348 = arith.constant 0 : i32
      %dma_start3A_349 = tpu.memref_slice %arg2[%dma_start3A_347, %dma_start3A_348] : memref<100000x8xf32, #tpu.memory_space<hbm>> -> memref<100000x8xf32, #tpu.memory_space<hbm>>
      tpu.enqueue_indirect_dma source(%dma_start3A_349 : memref<100000x8xf32, #tpu.memory_space<hbm>>) target(%dma_start3A_343 : memref<80x8xf32, #tpu.memory_space<vmem>>) offsets(%dma_start3A_346 : memref<80xi32, #tpu.memory_space<vmem>>) semaphore(%arg20 : memref<!tpu.dma_semaphore, #tpu.memory_space<semaphore_mem>>)
      %dma_start3A_350 = arith.constant 2 : i32
      %dma_start3A_351 = arith.constant 160 : i32
      %dma_start3A_352 = arith.constant 0 : i32
      %dma_start3A_353 = tpu.memref_slice %arg15[%dma_start3A_351, %dma_start3A_352] : memref<2000x8xf32, #tpu.memory_space<vmem>> -> memref<80x8xf32, #tpu.memory_space<vmem>>
      %dma_start3A_354 = arith.constant 0 : i32
      %dma_start3A_355 = tpu.memref_slice %arg12[%dma_start3A_350, %dma_start3A_354] : memref<25x80xi32, #tpu.memory_space<vmem>> -> memref<1x80xi32, #tpu.memory_space<vmem>>
      %dma_start3A_356 = tpu.memref_squeeze %dma_start3A_355 : memref<1x80xi32, #tpu.memory_space<vmem>> -> memref<80xi32, #tpu.memory_space<vmem>>
      %dma_start3A_357 = arith.constant 0 : i32
      %dma_start3A_358 = arith.constant 0 : i32
      %dma_start3A_359 = tpu.memref_slice %arg2[%dma_start3A_357, %dma_start3A_358] : memref<100000x8xf32, #tpu.memory_space<hbm>> -> memref<100000x8xf32, #tpu.memory_space<hbm>>
      tpu.enqueue_indirect_dma source(%dma_start3A_359 : memref<100000x8xf32, #tpu.memory_space<hbm>>) target(%dma_start3A_353 : memref<80x8xf32, #tpu.memory_space<vmem>>) offsets(%dma_start3A_356 : memref<80xi32, #tpu.memory_space<vmem>>) semaphore(%arg20 : memref<!tpu.dma_semaphore, #tpu.memory_space<semaphore_mem>>)
      %dma_start3A_360 = arith.constant 3 : i32
      %dma_start3A_361 = arith.constant 240 : i32
      %dma_start3A_362 = arith.constant 0 : i32
      %dma_start3A_363 = tpu.memref_slice %arg15[%dma_start3A_361, %dma_start3A_362] : memref<2000x8xf32, #tpu.memory_space<vmem>> -> memref<80x8xf32, #tpu.memory_space<vmem>>
      %dma_start3A_364 = arith.constant 0 : i32
      %dma_start3A_365 = tpu.memref_slice %arg12[%dma_start3A_360, %dma_start3A_364] : memref<25x80xi32, #tpu.memory_space<vmem>> -> memref<1x80xi32, #tpu.memory_space<vmem>>
      %dma_start3A_366 = tpu.memref_squeeze %dma_start3A_365 : memref<1x80xi32, #tpu.memory_space<vmem>> -> memref<80xi32, #tpu.memory_space<vmem>>
      %dma_start3A_367 = arith.constant 0 : i32
      %dma_start3A_368 = arith.constant 0 : i32
      %dma_start3A_369 = tpu.memref_slice %arg2[%dma_start3A_367, %dma_start3A_368] : memref<100000x8xf32, #tpu.memory_space<hbm>> -> memref<100000x8xf32, #tpu.memory_space<hbm>>
      tpu.enqueue_indirect_dma source(%dma_start3A_369 : memref<100000x8xf32, #tpu.memory_space<hbm>>) target(%dma_start3A_363 : memref<80x8xf32, #tpu.memory_space<vmem>>) offsets(%dma_start3A_366 : memref<80xi32, #tpu.memory_space<vmem>>) semaphore(%arg20 : memref<!tpu.dma_semaphore, #tpu.memory_space<semaphore_mem>>)
      %dma_start3A_370 = arith.constant 4 : i32
      %dma_start3A_371 = arith.constant 320 : i32
      %dma_start3A_372 = arith.constant 0 : i32
      %dma_start3A_373 = tpu.memref_slice %arg15[%dma_start3A_371, %dma_start3A_372] : memref<2000x8xf32, #tpu.memory_space<vmem>> -> memref<80x8xf32, #tpu.memory_space<vmem>>
      %dma_start3A_374 = arith.constant 0 : i32
      %dma_start3A_375 = tpu.memref_slice %arg12[%dma_start3A_370, %dma_start3A_374] : memref<25x80xi32, #tpu.memory_space<vmem>> -> memref<1x80xi32, #tpu.memory_space<vmem>>
      %dma_start3A_376 = tpu.memref_squeeze %dma_start3A_375 : memref<1x80xi32, #tpu.memory_space<vmem>> -> memref<80xi32, #tpu.memory_space<vmem>>
      %dma_start3A_377 = arith.constant 0 : i32
      %dma_start3A_378 = arith.constant 0 : i32
      %dma_start3A_379 = tpu.memref_slice %arg2[%dma_start3A_377, %dma_start3A_378] : memref<100000x8xf32, #tpu.memory_space<hbm>> -> memref<100000x8xf32, #tpu.memory_space<hbm>>
      tpu.enqueue_indirect_dma source(%dma_start3A_379 : memref<100000x8xf32, #tpu.memory_space<hbm>>) target(%dma_start3A_373 : memref<80x8xf32, #tpu.memory_space<vmem>>) offsets(%dma_start3A_376 : memref<80xi32, #tpu.memory_space<vmem>>) semaphore(%arg20 : memref<!tpu.dma_semaphore, #tpu.memory_space<semaphore_mem>>)
      %dma_start3A_380 = arith.constant 5 : i32
      %dma_start3A_381 = arith.constant 400 : i32
      %dma_start3A_382 = arith.constant 0 : i32
      %dma_start3A_383 = tpu.memref_slice %arg15[%dma_start3A_381, %dma_start3A_382] : memref<2000x8xf32, #tpu.memory_space<vmem>> -> memref<80x8xf32, #tpu.memory_space<vmem>>
      %dma_start3A_384 = arith.constant 0 : i32
      %dma_start3A_385 = tpu.memref_slice %arg12[%dma_start3A_380, %dma_start3A_384] : memref<25x80xi32, #tpu.memory_space<vmem>> -> memref<1x80xi32, #tpu.memory_space<vmem>>
      %dma_start3A_386 = tpu.memref_squeeze %dma_start3A_385 : memref<1x80xi32, #tpu.memory_space<vmem>> -> memref<80xi32, #tpu.memory_space<vmem>>
      %dma_start3A_387 = arith.constant 0 : i32
      %dma_start3A_388 = arith.constant 0 : i32
      %dma_start3A_389 = tpu.memref_slice %arg2[%dma_start3A_387, %dma_start3A_388] : memref<100000x8xf32, #tpu.memory_space<hbm>> -> memref<100000x8xf32, #tpu.memory_space<hbm>>
      tpu.enqueue_indirect_dma source(%dma_start3A_389 : memref<100000x8xf32, #tpu.memory_space<hbm>>) target(%dma_start3A_383 : memref<80x8xf32, #tpu.memory_space<vmem>>) offsets(%dma_start3A_386 : memref<80xi32, #tpu.memory_space<vmem>>) semaphore(%arg20 : memref<!tpu.dma_semaphore, #tpu.memory_space<semaphore_mem>>)
      %dma_start3A_390 = arith.constant 6 : i32
      %dma_start3A_391 = arith.constant 480 : i32
      %dma_start3A_392 = arith.constant 0 : i32
      %dma_start3A_393 = tpu.memref_slice %arg15[%dma_start3A_391, %dma_start3A_392] : memref<2000x8xf32, #tpu.memory_space<vmem>> -> memref<80x8xf32, #tpu.memory_space<vmem>>
      %dma_start3A_394 = arith.constant 0 : i32
      %dma_start3A_395 = tpu.memref_slice %arg12[%dma_start3A_390, %dma_start3A_394] : memref<25x80xi32, #tpu.memory_space<vmem>> -> memref<1x80xi32, #tpu.memory_space<vmem>>
      %dma_start3A_396 = tpu.memref_squeeze %dma_start3A_395 : memref<1x80xi32, #tpu.memory_space<vmem>> -> memref<80xi32, #tpu.memory_space<vmem>>
      %dma_start3A_397 = arith.constant 0 : i32
      %dma_start3A_398 = arith.constant 0 : i32
      %dma_start3A_399 = tpu.memref_slice %arg2[%dma_start3A_397, %dma_start3A_398] : memref<100000x8xf32, #tpu.memory_space<hbm>> -> memref<100000x8xf32, #tpu.memory_space<hbm>>
      tpu.enqueue_indirect_dma source(%dma_start3A_399 : memref<100000x8xf32, #tpu.memory_space<hbm>>) target(%dma_start3A_393 : memref<80x8xf32, #tpu.memory_space<vmem>>) offsets(%dma_start3A_396 : memref<80xi32, #tpu.memory_space<vmem>>) semaphore(%arg20 : memref<!tpu.dma_semaphore, #tpu.memory_space<semaphore_mem>>)
      %dma_start3A_400 = arith.constant 7 : i32
      %dma_start3A_401 = arith.constant 560 : i32
      %dma_start3A_402 = arith.constant 0 : i32
      %dma_start3A_403 = tpu.memref_slice %arg15[%dma_start3A_401, %dma_start3A_402] : memref<2000x8xf32, #tpu.memory_space<vmem>> -> memref<80x8xf32, #tpu.memory_space<vmem>>
      %dma_start3A_404 = arith.constant 0 : i32
      %dma_start3A_405 = tpu.memref_slice %arg12[%dma_start3A_400, %dma_start3A_404] : memref<25x80xi32, #tpu.memory_space<vmem>> -> memref<1x80xi32, #tpu.memory_space<vmem>>
      %dma_start3A_406 = tpu.memref_squeeze %dma_start3A_405 : memref<1x80xi32, #tpu.memory_space<vmem>> -> memref<80xi32, #tpu.memory_space<vmem>>
      %dma_start3A_407 = arith.constant 0 : i32
      %dma_start3A_408 = arith.constant 0 : i32
      %dma_start3A_409 = tpu.memref_slice %arg2[%dma_start3A_407, %dma_start3A_408] : memref<100000x8xf32, #tpu.memory_space<hbm>> -> memref<100000x8xf32, #tpu.memory_space<hbm>>
      tpu.enqueue_indirect_dma source(%dma_start3A_409 : memref<100000x8xf32, #tpu.memory_space<hbm>>) target(%dma_start3A_403 : memref<80x8xf32, #tpu.memory_space<vmem>>) offsets(%dma_start3A_406 : memref<80xi32, #tpu.memory_space<vmem>>) semaphore(%arg20 : memref<!tpu.dma_semaphore, #tpu.memory_space<semaphore_mem>>)
      %dma_start3A_410 = arith.constant 8 : i32
      %dma_start3A_411 = arith.constant 640 : i32
      %dma_start3A_412 = arith.constant 0 : i32
      %dma_start3A_413 = tpu.memref_slice %arg15[%dma_start3A_411, %dma_start3A_412] : memref<2000x8xf32, #tpu.memory_space<vmem>> -> memref<80x8xf32, #tpu.memory_space<vmem>>
      %dma_start3A_414 = arith.constant 0 : i32
      %dma_start3A_415 = tpu.memref_slice %arg12[%dma_start3A_410, %dma_start3A_414] : memref<25x80xi32, #tpu.memory_space<vmem>> -> memref<1x80xi32, #tpu.memory_space<vmem>>
      %dma_start3A_416 = tpu.memref_squeeze %dma_start3A_415 : memref<1x80xi32, #tpu.memory_space<vmem>> -> memref<80xi32, #tpu.memory_space<vmem>>
      %dma_start3A_417 = arith.constant 0 : i32
      %dma_start3A_418 = arith.constant 0 : i32
      %dma_start3A_419 = tpu.memref_slice %arg2[%dma_start3A_417, %dma_start3A_418] : memref<100000x8xf32, #tpu.memory_space<hbm>> -> memref<100000x8xf32, #tpu.memory_space<hbm>>
      tpu.enqueue_indirect_dma source(%dma_start3A_419 : memref<100000x8xf32, #tpu.memory_space<hbm>>) target(%dma_start3A_413 : memref<80x8xf32, #tpu.memory_space<vmem>>) offsets(%dma_start3A_416 : memref<80xi32, #tpu.memory_space<vmem>>) semaphore(%arg20 : memref<!tpu.dma_semaphore, #tpu.memory_space<semaphore_mem>>)
      %dma_start3A_420 = arith.constant 9 : i32
      %dma_start3A_421 = arith.constant 720 : i32
      %dma_start3A_422 = arith.constant 0 : i32
      %dma_start3A_423 = tpu.memref_slice %arg15[%dma_start3A_421, %dma_start3A_422] : memref<2000x8xf32, #tpu.memory_space<vmem>> -> memref<80x8xf32, #tpu.memory_space<vmem>>
      %dma_start3A_424 = arith.constant 0 : i32
      %dma_start3A_425 = tpu.memref_slice %arg12[%dma_start3A_420, %dma_start3A_424] : memref<25x80xi32, #tpu.memory_space<vmem>> -> memref<1x80xi32, #tpu.memory_space<vmem>>
      %dma_start3A_426 = tpu.memref_squeeze %dma_start3A_425 : memref<1x80xi32, #tpu.memory_space<vmem>> -> memref<80xi32, #tpu.memory_space<vmem>>
      %dma_start3A_427 = arith.constant 0 : i32
      %dma_start3A_428 = arith.constant 0 : i32
      %dma_start3A_429 = tpu.memref_slice %arg2[%dma_start3A_427, %dma_start3A_428] : memref<100000x8xf32, #tpu.memory_space<hbm>> -> memref<100000x8xf32, #tpu.memory_space<hbm>>
      tpu.enqueue_indirect_dma source(%dma_start3A_429 : memref<100000x8xf32, #tpu.memory_space<hbm>>) target(%dma_start3A_423 : memref<80x8xf32, #tpu.memory_space<vmem>>) offsets(%dma_start3A_426 : memref<80xi32, #tpu.memory_space<vmem>>) semaphore(%arg20 : memref<!tpu.dma_semaphore, #tpu.memory_space<semaphore_mem>>)
      %dma_start3A_430 = arith.constant 10 : i32
      %dma_start3A_431 = arith.constant 800 : i32
      %dma_start3A_432 = arith.constant 0 : i32
      %dma_start3A_433 = tpu.memref_slice %arg15[%dma_start3A_431, %dma_start3A_432] : memref<2000x8xf32, #tpu.memory_space<vmem>> -> memref<80x8xf32, #tpu.memory_space<vmem>>
      %dma_start3A_434 = arith.constant 0 : i32
      %dma_start3A_435 = tpu.memref_slice %arg12[%dma_start3A_430, %dma_start3A_434] : memref<25x80xi32, #tpu.memory_space<vmem>> -> memref<1x80xi32, #tpu.memory_space<vmem>>
      %dma_start3A_436 = tpu.memref_squeeze %dma_start3A_435 : memref<1x80xi32, #tpu.memory_space<vmem>> -> memref<80xi32, #tpu.memory_space<vmem>>
      %dma_start3A_437 = arith.constant 0 : i32
      %dma_start3A_438 = arith.constant 0 : i32
      %dma_start3A_439 = tpu.memref_slice %arg2[%dma_start3A_437, %dma_start3A_438] : memref<100000x8xf32, #tpu.memory_space<hbm>> -> memref<100000x8xf32, #tpu.memory_space<hbm>>
      tpu.enqueue_indirect_dma source(%dma_start3A_439 : memref<100000x8xf32, #tpu.memory_space<hbm>>) target(%dma_start3A_433 : memref<80x8xf32, #tpu.memory_space<vmem>>) offsets(%dma_start3A_436 : memref<80xi32, #tpu.memory_space<vmem>>) semaphore(%arg20 : memref<!tpu.dma_semaphore, #tpu.memory_space<semaphore_mem>>)
      %dma_start3A_440 = arith.constant 11 : i32
      %dma_start3A_441 = arith.constant 880 : i32
      %dma_start3A_442 = arith.constant 0 : i32
      %dma_start3A_443 = tpu.memref_slice %arg15[%dma_start3A_441, %dma_start3A_442] : memref<2000x8xf32, #tpu.memory_space<vmem>> -> memref<80x8xf32, #tpu.memory_space<vmem>>
      %dma_start3A_444 = arith.constant 0 : i32
      %dma_start3A_445 = tpu.memref_slice %arg12[%dma_start3A_440, %dma_start3A_444] : memref<25x80xi32, #tpu.memory_space<vmem>> -> memref<1x80xi32, #tpu.memory_space<vmem>>
      %dma_start3A_446 = tpu.memref_squeeze %dma_start3A_445 : memref<1x80xi32, #tpu.memory_space<vmem>> -> memref<80xi32, #tpu.memory_space<vmem>>
      %dma_start3A_447 = arith.constant 0 : i32
      %dma_start3A_448 = arith.constant 0 : i32
      %dma_start3A_449 = tpu.memref_slice %arg2[%dma_start3A_447, %dma_start3A_448] : memref<100000x8xf32, #tpu.memory_space<hbm>> -> memref<100000x8xf32, #tpu.memory_space<hbm>>
      tpu.enqueue_indirect_dma source(%dma_start3A_449 : memref<100000x8xf32, #tpu.memory_space<hbm>>) target(%dma_start3A_443 : memref<80x8xf32, #tpu.memory_space<vmem>>) offsets(%dma_start3A_446 : memref<80xi32, #tpu.memory_space<vmem>>) semaphore(%arg20 : memref<!tpu.dma_semaphore, #tpu.memory_space<semaphore_mem>>)
      %dma_start3A_450 = arith.constant 12 : i32
      %dma_start3A_451 = arith.constant 960 : i32
      %dma_start3A_452 = arith.constant 0 : i32
      %dma_start3A_453 = tpu.memref_slice %arg15[%dma_start3A_451, %dma_start3A_452] : memref<2000x8xf32, #tpu.memory_space<vmem>> -> memref<80x8xf32, #tpu.memory_space<vmem>>
      %dma_start3A_454 = arith.constant 0 : i32
      %dma_start3A_455 = tpu.memref_slice %arg12[%dma_start3A_450, %dma_start3A_454] : memref<25x80xi32, #tpu.memory_space<vmem>> -> memref<1x80xi32, #tpu.memory_space<vmem>>
      %dma_start3A_456 = tpu.memref_squeeze %dma_start3A_455 : memref<1x80xi32, #tpu.memory_space<vmem>> -> memref<80xi32, #tpu.memory_space<vmem>>
      %dma_start3A_457 = arith.constant 0 : i32
      %dma_start3A_458 = arith.constant 0 : i32
      %dma_start3A_459 = tpu.memref_slice %arg2[%dma_start3A_457, %dma_start3A_458] : memref<100000x8xf32, #tpu.memory_space<hbm>> -> memref<100000x8xf32, #tpu.memory_space<hbm>>
      tpu.enqueue_indirect_dma source(%dma_start3A_459 : memref<100000x8xf32, #tpu.memory_space<hbm>>) target(%dma_start3A_453 : memref<80x8xf32, #tpu.memory_space<vmem>>) offsets(%dma_start3A_456 : memref<80xi32, #tpu.memory_space<vmem>>) semaphore(%arg20 : memref<!tpu.dma_semaphore, #tpu.memory_space<semaphore_mem>>)
      %dma_start3A_460 = arith.constant 13 : i32
      %dma_start3A_461 = arith.constant 1040 : i32
      %dma_start3A_462 = arith.constant 0 : i32
      %dma_start3A_463 = tpu.memref_slice %arg15[%dma_start3A_461, %dma_start3A_462] : memref<2000x8xf32, #tpu.memory_space<vmem>> -> memref<80x8xf32, #tpu.memory_space<vmem>>
      %dma_start3A_464 = arith.constant 0 : i32
      %dma_start3A_465 = tpu.memref_slice %arg12[%dma_start3A_460, %dma_start3A_464] : memref<25x80xi32, #tpu.memory_space<vmem>> -> memref<1x80xi32, #tpu.memory_space<vmem>>
      %dma_start3A_466 = tpu.memref_squeeze %dma_start3A_465 : memref<1x80xi32, #tpu.memory_space<vmem>> -> memref<80xi32, #tpu.memory_space<vmem>>
      %dma_start3A_467 = arith.constant 0 : i32
      %dma_start3A_468 = arith.constant 0 : i32
      %dma_start3A_469 = tpu.memref_slice %arg2[%dma_start3A_467, %dma_start3A_468] : memref<100000x8xf32, #tpu.memory_space<hbm>> -> memref<100000x8xf32, #tpu.memory_space<hbm>>
      tpu.enqueue_indirect_dma source(%dma_start3A_469 : memref<100000x8xf32, #tpu.memory_space<hbm>>) target(%dma_start3A_463 : memref<80x8xf32, #tpu.memory_space<vmem>>) offsets(%dma_start3A_466 : memref<80xi32, #tpu.memory_space<vmem>>) semaphore(%arg20 : memref<!tpu.dma_semaphore, #tpu.memory_space<semaphore_mem>>)
      %dma_start3A_470 = arith.constant 14 : i32
      %dma_start3A_471 = arith.constant 1120 : i32
      %dma_start3A_472 = arith.constant 0 : i32
      %dma_start3A_473 = tpu.memref_slice %arg15[%dma_start3A_471, %dma_start3A_472] : memref<2000x8xf32, #tpu.memory_space<vmem>> -> memref<80x8xf32, #tpu.memory_space<vmem>>
      %dma_start3A_474 = arith.constant 0 : i32
      %dma_start3A_475 = tpu.memref_slice %arg12[%dma_start3A_470, %dma_start3A_474] : memref<25x80xi32, #tpu.memory_space<vmem>> -> memref<1x80xi32, #tpu.memory_space<vmem>>
      %dma_start3A_476 = tpu.memref_squeeze %dma_start3A_475 : memref<1x80xi32, #tpu.memory_space<vmem>> -> memref<80xi32, #tpu.memory_space<vmem>>
      %dma_start3A_477 = arith.constant 0 : i32
      %dma_start3A_478 = arith.constant 0 : i32
      %dma_start3A_479 = tpu.memref_slice %arg2[%dma_start3A_477, %dma_start3A_478] : memref<100000x8xf32, #tpu.memory_space<hbm>> -> memref<100000x8xf32, #tpu.memory_space<hbm>>
      tpu.enqueue_indirect_dma source(%dma_start3A_479 : memref<100000x8xf32, #tpu.memory_space<hbm>>) target(%dma_start3A_473 : memref<80x8xf32, #tpu.memory_space<vmem>>) offsets(%dma_start3A_476 : memref<80xi32, #tpu.memory_space<vmem>>) semaphore(%arg20 : memref<!tpu.dma_semaphore, #tpu.memory_space<semaphore_mem>>)
      %dma_start3A_480 = arith.constant 15 : i32
      %dma_start3A_481 = arith.constant 1200 : i32
      %dma_start3A_482 = arith.constant 0 : i32
      %dma_start3A_483 = tpu.memref_slice %arg15[%dma_start3A_481, %dma_start3A_482] : memref<2000x8xf32, #tpu.memory_space<vmem>> -> memref<80x8xf32, #tpu.memory_space<vmem>>
      %dma_start3A_484 = arith.constant 0 : i32
      %dma_start3A_485 = tpu.memref_slice %arg12[%dma_start3A_480, %dma_start3A_484] : memref<25x80xi32, #tpu.memory_space<vmem>> -> memref<1x80xi32, #tpu.memory_space<vmem>>
      %dma_start3A_486 = tpu.memref_squeeze %dma_start3A_485 : memref<1x80xi32, #tpu.memory_space<vmem>> -> memref<80xi32, #tpu.memory_space<vmem>>
      %dma_start3A_487 = arith.constant 0 : i32
      %dma_start3A_488 = arith.constant 0 : i32
      %dma_start3A_489 = tpu.memref_slice %arg2[%dma_start3A_487, %dma_start3A_488] : memref<100000x8xf32, #tpu.memory_space<hbm>> -> memref<100000x8xf32, #tpu.memory_space<hbm>>
      tpu.enqueue_indirect_dma source(%dma_start3A_489 : memref<100000x8xf32, #tpu.memory_space<hbm>>) target(%dma_start3A_483 : memref<80x8xf32, #tpu.memory_space<vmem>>) offsets(%dma_start3A_486 : memref<80xi32, #tpu.memory_space<vmem>>) semaphore(%arg20 : memref<!tpu.dma_semaphore, #tpu.memory_space<semaphore_mem>>)
      %dma_start3A_490 = arith.constant 16 : i32
      %dma_start3A_491 = arith.constant 1280 : i32
      %dma_start3A_492 = arith.constant 0 : i32
      %dma_start3A_493 = tpu.memref_slice %arg15[%dma_start3A_491, %dma_start3A_492] : memref<2000x8xf32, #tpu.memory_space<vmem>> -> memref<80x8xf32, #tpu.memory_space<vmem>>
      %dma_start3A_494 = arith.constant 0 : i32
      %dma_start3A_495 = tpu.memref_slice %arg12[%dma_start3A_490, %dma_start3A_494] : memref<25x80xi32, #tpu.memory_space<vmem>> -> memref<1x80xi32, #tpu.memory_space<vmem>>
      %dma_start3A_496 = tpu.memref_squeeze %dma_start3A_495 : memref<1x80xi32, #tpu.memory_space<vmem>> -> memref<80xi32, #tpu.memory_space<vmem>>
      %dma_start3A_497 = arith.constant 0 : i32
      %dma_start3A_498 = arith.constant 0 : i32
      %dma_start3A_499 = tpu.memref_slice %arg2[%dma_start3A_497, %dma_start3A_498] : memref<100000x8xf32, #tpu.memory_space<hbm>> -> memref<100000x8xf32, #tpu.memory_space<hbm>>
      tpu.enqueue_indirect_dma source(%dma_start3A_499 : memref<100000x8xf32, #tpu.memory_space<hbm>>) target(%dma_start3A_493 : memref<80x8xf32, #tpu.memory_space<vmem>>) offsets(%dma_start3A_496 : memref<80xi32, #tpu.memory_space<vmem>>) semaphore(%arg20 : memref<!tpu.dma_semaphore, #tpu.memory_space<semaphore_mem>>)
      %dma_start3A_500 = arith.constant 17 : i32
      %dma_start3A_501 = arith.constant 1360 : i32
      %dma_start3A_502 = arith.constant 0 : i32
      %dma_start3A_503 = tpu.memref_slice %arg15[%dma_start3A_501, %dma_start3A_502] : memref<2000x8xf32, #tpu.memory_space<vmem>> -> memref<80x8xf32, #tpu.memory_space<vmem>>
      %dma_start3A_504 = arith.constant 0 : i32
      %dma_start3A_505 = tpu.memref_slice %arg12[%dma_start3A_500, %dma_start3A_504] : memref<25x80xi32, #tpu.memory_space<vmem>> -> memref<1x80xi32, #tpu.memory_space<vmem>>
      %dma_start3A_506 = tpu.memref_squeeze %dma_start3A_505 : memref<1x80xi32, #tpu.memory_space<vmem>> -> memref<80xi32, #tpu.memory_space<vmem>>
      %dma_start3A_507 = arith.constant 0 : i32
      %dma_start3A_508 = arith.constant 0 : i32
      %dma_start3A_509 = tpu.memref_slice %arg2[%dma_start3A_507, %dma_start3A_508] : memref<100000x8xf32, #tpu.memory_space<hbm>> -> memref<100000x8xf32, #tpu.memory_space<hbm>>
      tpu.enqueue_indirect_dma source(%dma_start3A_509 : memref<100000x8xf32, #tpu.memory_space<hbm>>) target(%dma_start3A_503 : memref<80x8xf32, #tpu.memory_space<vmem>>) offsets(%dma_start3A_506 : memref<80xi32, #tpu.memory_space<vmem>>) semaphore(%arg20 : memref<!tpu.dma_semaphore, #tpu.memory_space<semaphore_mem>>)
      %dma_start3A_510 = arith.constant 18 : i32
      %dma_start3A_511 = arith.constant 1440 : i32
      %dma_start3A_512 = arith.constant 0 : i32
      %dma_start3A_513 = tpu.memref_slice %arg15[%dma_start3A_511, %dma_start3A_512] : memref<2000x8xf32, #tpu.memory_space<vmem>> -> memref<80x8xf32, #tpu.memory_space<vmem>>
      %dma_start3A_514 = arith.constant 0 : i32
      %dma_start3A_515 = tpu.memref_slice %arg12[%dma_start3A_510, %dma_start3A_514] : memref<25x80xi32, #tpu.memory_space<vmem>> -> memref<1x80xi32, #tpu.memory_space<vmem>>
      %dma_start3A_516 = tpu.memref_squeeze %dma_start3A_515 : memref<1x80xi32, #tpu.memory_space<vmem>> -> memref<80xi32, #tpu.memory_space<vmem>>
      %dma_start3A_517 = arith.constant 0 : i32
      %dma_start3A_518 = arith.constant 0 : i32
      %dma_start3A_519 = tpu.memref_slice %arg2[%dma_start3A_517, %dma_start3A_518] : memref<100000x8xf32, #tpu.memory_space<hbm>> -> memref<100000x8xf32, #tpu.memory_space<hbm>>
      tpu.enqueue_indirect_dma source(%dma_start3A_519 : memref<100000x8xf32, #tpu.memory_space<hbm>>) target(%dma_start3A_513 : memref<80x8xf32, #tpu.memory_space<vmem>>) offsets(%dma_start3A_516 : memref<80xi32, #tpu.memory_space<vmem>>) semaphore(%arg20 : memref<!tpu.dma_semaphore, #tpu.memory_space<semaphore_mem>>)
      %dma_start3A_520 = arith.constant 19 : i32
      %dma_start3A_521 = arith.constant 1520 : i32
      %dma_start3A_522 = arith.constant 0 : i32
      %dma_start3A_523 = tpu.memref_slice %arg15[%dma_start3A_521, %dma_start3A_522] : memref<2000x8xf32, #tpu.memory_space<vmem>> -> memref<80x8xf32, #tpu.memory_space<vmem>>
      %dma_start3A_524 = arith.constant 0 : i32
      %dma_start3A_525 = tpu.memref_slice %arg12[%dma_start3A_520, %dma_start3A_524] : memref<25x80xi32, #tpu.memory_space<vmem>> -> memref<1x80xi32, #tpu.memory_space<vmem>>
      %dma_start3A_526 = tpu.memref_squeeze %dma_start3A_525 : memref<1x80xi32, #tpu.memory_space<vmem>> -> memref<80xi32, #tpu.memory_space<vmem>>
      %dma_start3A_527 = arith.constant 0 : i32
      %dma_start3A_528 = arith.constant 0 : i32
      %dma_start3A_529 = tpu.memref_slice %arg2[%dma_start3A_527, %dma_start3A_528] : memref<100000x8xf32, #tpu.memory_space<hbm>> -> memref<100000x8xf32, #tpu.memory_space<hbm>>
      tpu.enqueue_indirect_dma source(%dma_start3A_529 : memref<100000x8xf32, #tpu.memory_space<hbm>>) target(%dma_start3A_523 : memref<80x8xf32, #tpu.memory_space<vmem>>) offsets(%dma_start3A_526 : memref<80xi32, #tpu.memory_space<vmem>>) semaphore(%arg20 : memref<!tpu.dma_semaphore, #tpu.memory_space<semaphore_mem>>)
      %dma_start3A_530 = arith.constant 20 : i32
      %dma_start3A_531 = arith.constant 1600 : i32
      %dma_start3A_532 = arith.constant 0 : i32
      %dma_start3A_533 = tpu.memref_slice %arg15[%dma_start3A_531, %dma_start3A_532] : memref<2000x8xf32, #tpu.memory_space<vmem>> -> memref<80x8xf32, #tpu.memory_space<vmem>>
      %dma_start3A_534 = arith.constant 0 : i32
      %dma_start3A_535 = tpu.memref_slice %arg12[%dma_start3A_530, %dma_start3A_534] : memref<25x80xi32, #tpu.memory_space<vmem>> -> memref<1x80xi32, #tpu.memory_space<vmem>>
      %dma_start3A_536 = tpu.memref_squeeze %dma_start3A_535 : memref<1x80xi32, #tpu.memory_space<vmem>> -> memref<80xi32, #tpu.memory_space<vmem>>
      %dma_start3A_537 = arith.constant 0 : i32
      %dma_start3A_538 = arith.constant 0 : i32
      %dma_start3A_539 = tpu.memref_slice %arg2[%dma_start3A_537, %dma_start3A_538] : memref<100000x8xf32, #tpu.memory_space<hbm>> -> memref<100000x8xf32, #tpu.memory_space<hbm>>
      tpu.enqueue_indirect_dma source(%dma_start3A_539 : memref<100000x8xf32, #tpu.memory_space<hbm>>) target(%dma_start3A_533 : memref<80x8xf32, #tpu.memory_space<vmem>>) offsets(%dma_start3A_536 : memref<80xi32, #tpu.memory_space<vmem>>) semaphore(%arg20 : memref<!tpu.dma_semaphore, #tpu.memory_space<semaphore_mem>>)
      %dma_start3A_540 = arith.constant 21 : i32
      %dma_start3A_541 = arith.constant 1680 : i32
      %dma_start3A_542 = arith.constant 0 : i32
      %dma_start3A_543 = tpu.memref_slice %arg15[%dma_start3A_541, %dma_start3A_542] : memref<2000x8xf32, #tpu.memory_space<vmem>> -> memref<80x8xf32, #tpu.memory_space<vmem>>
      %dma_start3A_544 = arith.constant 0 : i32
      %dma_start3A_545 = tpu.memref_slice %arg12[%dma_start3A_540, %dma_start3A_544] : memref<25x80xi32, #tpu.memory_space<vmem>> -> memref<1x80xi32, #tpu.memory_space<vmem>>
      %dma_start3A_546 = tpu.memref_squeeze %dma_start3A_545 : memref<1x80xi32, #tpu.memory_space<vmem>> -> memref<80xi32, #tpu.memory_space<vmem>>
      %dma_start3A_547 = arith.constant 0 : i32
      %dma_start3A_548 = arith.constant 0 : i32
      %dma_start3A_549 = tpu.memref_slice %arg2[%dma_start3A_547, %dma_start3A_548] : memref<100000x8xf32, #tpu.memory_space<hbm>> -> memref<100000x8xf32, #tpu.memory_space<hbm>>
      tpu.enqueue_indirect_dma source(%dma_start3A_549 : memref<100000x8xf32, #tpu.memory_space<hbm>>) target(%dma_start3A_543 : memref<80x8xf32, #tpu.memory_space<vmem>>) offsets(%dma_start3A_546 : memref<80xi32, #tpu.memory_space<vmem>>) semaphore(%arg20 : memref<!tpu.dma_semaphore, #tpu.memory_space<semaphore_mem>>)
      %dma_start3A_550 = arith.constant 22 : i32
      %dma_start3A_551 = arith.constant 1760 : i32
      %dma_start3A_552 = arith.constant 0 : i32
      %dma_start3A_553 = tpu.memref_slice %arg15[%dma_start3A_551, %dma_start3A_552] : memref<2000x8xf32, #tpu.memory_space<vmem>> -> memref<80x8xf32, #tpu.memory_space<vmem>>
      %dma_start3A_554 = arith.constant 0 : i32
      %dma_start3A_555 = tpu.memref_slice %arg12[%dma_start3A_550, %dma_start3A_554] : memref<25x80xi32, #tpu.memory_space<vmem>> -> memref<1x80xi32, #tpu.memory_space<vmem>>
      %dma_start3A_556 = tpu.memref_squeeze %dma_start3A_555 : memref<1x80xi32, #tpu.memory_space<vmem>> -> memref<80xi32, #tpu.memory_space<vmem>>
      %dma_start3A_557 = arith.constant 0 : i32
      %dma_start3A_558 = arith.constant 0 : i32
      %dma_start3A_559 = tpu.memref_slice %arg2[%dma_start3A_557, %dma_start3A_558] : memref<100000x8xf32, #tpu.memory_space<hbm>> -> memref<100000x8xf32, #tpu.memory_space<hbm>>
      tpu.enqueue_indirect_dma source(%dma_start3A_559 : memref<100000x8xf32, #tpu.memory_space<hbm>>) target(%dma_start3A_553 : memref<80x8xf32, #tpu.memory_space<vmem>>) offsets(%dma_start3A_556 : memref<80xi32, #tpu.memory_space<vmem>>) semaphore(%arg20 : memref<!tpu.dma_semaphore, #tpu.memory_space<semaphore_mem>>)
      %dma_start3A_560 = arith.constant 23 : i32
      %dma_start3A_561 = arith.constant 1840 : i32
      %dma_start3A_562 = arith.constant 0 : i32
      %dma_start3A_563 = tpu.memref_slice %arg15[%dma_start3A_561, %dma_start3A_562] : memref<2000x8xf32, #tpu.memory_space<vmem>> -> memref<80x8xf32, #tpu.memory_space<vmem>>
      %dma_start3A_564 = arith.constant 0 : i32
      %dma_start3A_565 = tpu.memref_slice %arg12[%dma_start3A_560, %dma_start3A_564] : memref<25x80xi32, #tpu.memory_space<vmem>> -> memref<1x80xi32, #tpu.memory_space<vmem>>
      %dma_start3A_566 = tpu.memref_squeeze %dma_start3A_565 : memref<1x80xi32, #tpu.memory_space<vmem>> -> memref<80xi32, #tpu.memory_space<vmem>>
      %dma_start3A_567 = arith.constant 0 : i32
      %dma_start3A_568 = arith.constant 0 : i32
      %dma_start3A_569 = tpu.memref_slice %arg2[%dma_start3A_567, %dma_start3A_568] : memref<100000x8xf32, #tpu.memory_space<hbm>> -> memref<100000x8xf32, #tpu.memory_space<hbm>>
      tpu.enqueue_indirect_dma source(%dma_start3A_569 : memref<100000x8xf32, #tpu.memory_space<hbm>>) target(%dma_start3A_563 : memref<80x8xf32, #tpu.memory_space<vmem>>) offsets(%dma_start3A_566 : memref<80xi32, #tpu.memory_space<vmem>>) semaphore(%arg20 : memref<!tpu.dma_semaphore, #tpu.memory_space<semaphore_mem>>)
      %dma_start3A_570 = arith.constant 24 : i32
      %dma_start3A_571 = arith.constant 1920 : i32
      %dma_start3A_572 = arith.constant 0 : i32
      %dma_start3A_573 = tpu.memref_slice %arg15[%dma_start3A_571, %dma_start3A_572] : memref<2000x8xf32, #tpu.memory_space<vmem>> -> memref<80x8xf32, #tpu.memory_space<vmem>>
      %dma_start3A_574 = arith.constant 0 : i32
      %dma_start3A_575 = tpu.memref_slice %arg12[%dma_start3A_570, %dma_start3A_574] : memref<25x80xi32, #tpu.memory_space<vmem>> -> memref<1x80xi32, #tpu.memory_space<vmem>>
      %dma_start3A_576 = tpu.memref_squeeze %dma_start3A_575 : memref<1x80xi32, #tpu.memory_space<vmem>> -> memref<80xi32, #tpu.memory_space<vmem>>
      %dma_start3A_577 = arith.constant 0 : i32
      %dma_start3A_578 = arith.constant 0 : i32
      %dma_start3A_579 = tpu.memref_slice %arg2[%dma_start3A_577, %dma_start3A_578] : memref<100000x8xf32, #tpu.memory_space<hbm>> -> memref<100000x8xf32, #tpu.memory_space<hbm>>
      tpu.enqueue_indirect_dma source(%dma_start3A_579 : memref<100000x8xf32, #tpu.memory_space<hbm>>) target(%dma_start3A_573 : memref<80x8xf32, #tpu.memory_space<vmem>>) offsets(%dma_start3A_576 : memref<80xi32, #tpu.memory_space<vmem>>) semaphore(%arg20 : memref<!tpu.dma_semaphore, #tpu.memory_space<semaphore_mem>>)
      %dma_wait3A_580 = arith.constant 0 : i32
      %dma_wait3A_581 = arith.constant 0 : i32
      %dma_wait3A_582 = arith.constant 0 : i32
      %dma_wait3A_583 = tpu.memref_slice %arg11[%dma_wait3A_581, %dma_wait3A_582] : memref<2000x8xf32, #tpu.memory_space<vmem>> -> memref<80x8xf32, #tpu.memory_space<vmem>>
      %dma_wait3A_584 = arith.constant 0 : i32
      %dma_wait3A_585 = tpu.memref_slice %arg8[%dma_wait3A_580, %dma_wait3A_584] : memref<25x80xi32, #tpu.memory_space<vmem>> -> memref<1x80xi32, #tpu.memory_space<vmem>>
      %dma_wait3A_586 = tpu.memref_squeeze %dma_wait3A_585 : memref<1x80xi32, #tpu.memory_space<vmem>> -> memref<80xi32, #tpu.memory_space<vmem>>
      %dma_wait3A_587 = arith.constant 0 : i32
      %dma_wait3A_588 = arith.constant 0 : i32
      %dma_wait3A_589 = tpu.memref_slice %arg2[%dma_wait3A_587, %dma_wait3A_588] : memref<100000x8xf32, #tpu.memory_space<hbm>> -> memref<100000x8xf32, #tpu.memory_space<hbm>>
      tpu.wait_indirect_dma semaphore(%arg19 : memref<!tpu.dma_semaphore, #tpu.memory_space<semaphore_mem>>) src(%dma_wait3A_589 : memref<100000x8xf32, #tpu.memory_space<hbm>>) dst(%dma_wait3A_583 : memref<80x8xf32, #tpu.memory_space<vmem>>)
      %dma_wait3A_590 = arith.constant 1 : i32
      %dma_wait3A_591 = arith.constant 80 : i32
      %dma_wait3A_592 = arith.constant 0 : i32
      %dma_wait3A_593 = tpu.memref_slice %arg11[%dma_wait3A_591, %dma_wait3A_592] : memref<2000x8xf32, #tpu.memory_space<vmem>> -> memref<80x8xf32, #tpu.memory_space<vmem>>
      %dma_wait3A_594 = arith.constant 0 : i32
      %dma_wait3A_595 = tpu.memref_slice %arg8[%dma_wait3A_590, %dma_wait3A_594] : memref<25x80xi32, #tpu.memory_space<vmem>> -> memref<1x80xi32, #tpu.memory_space<vmem>>
      %dma_wait3A_596 = tpu.memref_squeeze %dma_wait3A_595 : memref<1x80xi32, #tpu.memory_space<vmem>> -> memref<80xi32, #tpu.memory_space<vmem>>
      %dma_wait3A_597 = arith.constant 0 : i32
      %dma_wait3A_598 = arith.constant 0 : i32
      %dma_wait3A_599 = tpu.memref_slice %arg2[%dma_wait3A_597, %dma_wait3A_598] : memref<100000x8xf32, #tpu.memory_space<hbm>> -> memref<100000x8xf32, #tpu.memory_space<hbm>>
      tpu.wait_indirect_dma semaphore(%arg19 : memref<!tpu.dma_semaphore, #tpu.memory_space<semaphore_mem>>) src(%dma_wait3A_599 : memref<100000x8xf32, #tpu.memory_space<hbm>>) dst(%dma_wait3A_593 : memref<80x8xf32, #tpu.memory_space<vmem>>)
      %dma_wait3A_600 = arith.constant 2 : i32
      %dma_wait3A_601 = arith.constant 160 : i32
      %dma_wait3A_602 = arith.constant 0 : i32
      %dma_wait3A_603 = tpu.memref_slice %arg11[%dma_wait3A_601, %dma_wait3A_602] : memref<2000x8xf32, #tpu.memory_space<vmem>> -> memref<80x8xf32, #tpu.memory_space<vmem>>
      %dma_wait3A_604 = arith.constant 0 : i32
      %dma_wait3A_605 = tpu.memref_slice %arg8[%dma_wait3A_600, %dma_wait3A_604] : memref<25x80xi32, #tpu.memory_space<vmem>> -> memref<1x80xi32, #tpu.memory_space<vmem>>
      %dma_wait3A_606 = tpu.memref_squeeze %dma_wait3A_605 : memref<1x80xi32, #tpu.memory_space<vmem>> -> memref<80xi32, #tpu.memory_space<vmem>>
      %dma_wait3A_607 = arith.constant 0 : i32
      %dma_wait3A_608 = arith.constant 0 : i32
      %dma_wait3A_609 = tpu.memref_slice %arg2[%dma_wait3A_607, %dma_wait3A_608] : memref<100000x8xf32, #tpu.memory_space<hbm>> -> memref<100000x8xf32, #tpu.memory_space<hbm>>
      tpu.wait_indirect_dma semaphore(%arg19 : memref<!tpu.dma_semaphore, #tpu.memory_space<semaphore_mem>>) src(%dma_wait3A_609 : memref<100000x8xf32, #tpu.memory_space<hbm>>) dst(%dma_wait3A_603 : memref<80x8xf32, #tpu.memory_space<vmem>>)
      %dma_wait3A_610 = arith.constant 3 : i32
      %dma_wait3A_611 = arith.constant 240 : i32
      %dma_wait3A_612 = arith.constant 0 : i32
      %dma_wait3A_613 = tpu.memref_slice %arg11[%dma_wait3A_611, %dma_wait3A_612] : memref<2000x8xf32, #tpu.memory_space<vmem>> -> memref<80x8xf32, #tpu.memory_space<vmem>>
      %dma_wait3A_614 = arith.constant 0 : i32
      %dma_wait3A_615 = tpu.memref_slice %arg8[%dma_wait3A_610, %dma_wait3A_614] : memref<25x80xi32, #tpu.memory_space<vmem>> -> memref<1x80xi32, #tpu.memory_space<vmem>>
      %dma_wait3A_616 = tpu.memref_squeeze %dma_wait3A_615 : memref<1x80xi32, #tpu.memory_space<vmem>> -> memref<80xi32, #tpu.memory_space<vmem>>
      %dma_wait3A_617 = arith.constant 0 : i32
      %dma_wait3A_618 = arith.constant 0 : i32
      %dma_wait3A_619 = tpu.memref_slice %arg2[%dma_wait3A_617, %dma_wait3A_618] : memref<100000x8xf32, #tpu.memory_space<hbm>> -> memref<100000x8xf32, #tpu.memory_space<hbm>>
      tpu.wait_indirect_dma semaphore(%arg19 : memref<!tpu.dma_semaphore, #tpu.memory_space<semaphore_mem>>) src(%dma_wait3A_619 : memref<100000x8xf32, #tpu.memory_space<hbm>>) dst(%dma_wait3A_613 : memref<80x8xf32, #tpu.memory_space<vmem>>)
      %dma_wait3A_620 = arith.constant 4 : i32
      %dma_wait3A_621 = arith.constant 320 : i32
      %dma_wait3A_622 = arith.constant 0 : i32
      %dma_wait3A_623 = tpu.memref_slice %arg11[%dma_wait3A_621, %dma_wait3A_622] : memref<2000x8xf32, #tpu.memory_space<vmem>> -> memref<80x8xf32, #tpu.memory_space<vmem>>
      %dma_wait3A_624 = arith.constant 0 : i32
      %dma_wait3A_625 = tpu.memref_slice %arg8[%dma_wait3A_620, %dma_wait3A_624] : memref<25x80xi32, #tpu.memory_space<vmem>> -> memref<1x80xi32, #tpu.memory_space<vmem>>
      %dma_wait3A_626 = tpu.memref_squeeze %dma_wait3A_625 : memref<1x80xi32, #tpu.memory_space<vmem>> -> memref<80xi32, #tpu.memory_space<vmem>>
      %dma_wait3A_627 = arith.constant 0 : i32
      %dma_wait3A_628 = arith.constant 0 : i32
      %dma_wait3A_629 = tpu.memref_slice %arg2[%dma_wait3A_627, %dma_wait3A_628] : memref<100000x8xf32, #tpu.memory_space<hbm>> -> memref<100000x8xf32, #tpu.memory_space<hbm>>
      tpu.wait_indirect_dma semaphore(%arg19 : memref<!tpu.dma_semaphore, #tpu.memory_space<semaphore_mem>>) src(%dma_wait3A_629 : memref<100000x8xf32, #tpu.memory_space<hbm>>) dst(%dma_wait3A_623 : memref<80x8xf32, #tpu.memory_space<vmem>>)
      %dma_wait3A_630 = arith.constant 5 : i32
      %dma_wait3A_631 = arith.constant 400 : i32
      %dma_wait3A_632 = arith.constant 0 : i32
      %dma_wait3A_633 = tpu.memref_slice %arg11[%dma_wait3A_631, %dma_wait3A_632] : memref<2000x8xf32, #tpu.memory_space<vmem>> -> memref<80x8xf32, #tpu.memory_space<vmem>>
      %dma_wait3A_634 = arith.constant 0 : i32
      %dma_wait3A_635 = tpu.memref_slice %arg8[%dma_wait3A_630, %dma_wait3A_634] : memref<25x80xi32, #tpu.memory_space<vmem>> -> memref<1x80xi32, #tpu.memory_space<vmem>>
      %dma_wait3A_636 = tpu.memref_squeeze %dma_wait3A_635 : memref<1x80xi32, #tpu.memory_space<vmem>> -> memref<80xi32, #tpu.memory_space<vmem>>
      %dma_wait3A_637 = arith.constant 0 : i32
      %dma_wait3A_638 = arith.constant 0 : i32
      %dma_wait3A_639 = tpu.memref_slice %arg2[%dma_wait3A_637, %dma_wait3A_638] : memref<100000x8xf32, #tpu.memory_space<hbm>> -> memref<100000x8xf32, #tpu.memory_space<hbm>>
      tpu.wait_indirect_dma semaphore(%arg19 : memref<!tpu.dma_semaphore, #tpu.memory_space<semaphore_mem>>) src(%dma_wait3A_639 : memref<100000x8xf32, #tpu.memory_space<hbm>>) dst(%dma_wait3A_633 : memref<80x8xf32, #tpu.memory_space<vmem>>)
      %dma_wait3A_640 = arith.constant 6 : i32
      %dma_wait3A_641 = arith.constant 480 : i32
      %dma_wait3A_642 = arith.constant 0 : i32
      %dma_wait3A_643 = tpu.memref_slice %arg11[%dma_wait3A_641, %dma_wait3A_642] : memref<2000x8xf32, #tpu.memory_space<vmem>> -> memref<80x8xf32, #tpu.memory_space<vmem>>
      %dma_wait3A_644 = arith.constant 0 : i32
      %dma_wait3A_645 = tpu.memref_slice %arg8[%dma_wait3A_640, %dma_wait3A_644] : memref<25x80xi32, #tpu.memory_space<vmem>> -> memref<1x80xi32, #tpu.memory_space<vmem>>
      %dma_wait3A_646 = tpu.memref_squeeze %dma_wait3A_645 : memref<1x80xi32, #tpu.memory_space<vmem>> -> memref<80xi32, #tpu.memory_space<vmem>>
      %dma_wait3A_647 = arith.constant 0 : i32
      %dma_wait3A_648 = arith.constant 0 : i32
      %dma_wait3A_649 = tpu.memref_slice %arg2[%dma_wait3A_647, %dma_wait3A_648] : memref<100000x8xf32, #tpu.memory_space<hbm>> -> memref<100000x8xf32, #tpu.memory_space<hbm>>
      tpu.wait_indirect_dma semaphore(%arg19 : memref<!tpu.dma_semaphore, #tpu.memory_space<semaphore_mem>>) src(%dma_wait3A_649 : memref<100000x8xf32, #tpu.memory_space<hbm>>) dst(%dma_wait3A_643 : memref<80x8xf32, #tpu.memory_space<vmem>>)
      %dma_wait3A_650 = arith.constant 7 : i32
      %dma_wait3A_651 = arith.constant 560 : i32
      %dma_wait3A_652 = arith.constant 0 : i32
      %dma_wait3A_653 = tpu.memref_slice %arg11[%dma_wait3A_651, %dma_wait3A_652] : memref<2000x8xf32, #tpu.memory_space<vmem>> -> memref<80x8xf32, #tpu.memory_space<vmem>>
      %dma_wait3A_654 = arith.constant 0 : i32
      %dma_wait3A_655 = tpu.memref_slice %arg8[%dma_wait3A_650, %dma_wait3A_654] : memref<25x80xi32, #tpu.memory_space<vmem>> -> memref<1x80xi32, #tpu.memory_space<vmem>>
      %dma_wait3A_656 = tpu.memref_squeeze %dma_wait3A_655 : memref<1x80xi32, #tpu.memory_space<vmem>> -> memref<80xi32, #tpu.memory_space<vmem>>
      %dma_wait3A_657 = arith.constant 0 : i32
      %dma_wait3A_658 = arith.constant 0 : i32
      %dma_wait3A_659 = tpu.memref_slice %arg2[%dma_wait3A_657, %dma_wait3A_658] : memref<100000x8xf32, #tpu.memory_space<hbm>> -> memref<100000x8xf32, #tpu.memory_space<hbm>>
      tpu.wait_indirect_dma semaphore(%arg19 : memref<!tpu.dma_semaphore, #tpu.memory_space<semaphore_mem>>) src(%dma_wait3A_659 : memref<100000x8xf32, #tpu.memory_space<hbm>>) dst(%dma_wait3A_653 : memref<80x8xf32, #tpu.memory_space<vmem>>)
      %dma_wait3A_660 = arith.constant 8 : i32
      %dma_wait3A_661 = arith.constant 640 : i32
      %dma_wait3A_662 = arith.constant 0 : i32
      %dma_wait3A_663 = tpu.memref_slice %arg11[%dma_wait3A_661, %dma_wait3A_662] : memref<2000x8xf32, #tpu.memory_space<vmem>> -> memref<80x8xf32, #tpu.memory_space<vmem>>
      %dma_wait3A_664 = arith.constant 0 : i32
      %dma_wait3A_665 = tpu.memref_slice %arg8[%dma_wait3A_660, %dma_wait3A_664] : memref<25x80xi32, #tpu.memory_space<vmem>> -> memref<1x80xi32, #tpu.memory_space<vmem>>
      %dma_wait3A_666 = tpu.memref_squeeze %dma_wait3A_665 : memref<1x80xi32, #tpu.memory_space<vmem>> -> memref<80xi32, #tpu.memory_space<vmem>>
      %dma_wait3A_667 = arith.constant 0 : i32
      %dma_wait3A_668 = arith.constant 0 : i32
      %dma_wait3A_669 = tpu.memref_slice %arg2[%dma_wait3A_667, %dma_wait3A_668] : memref<100000x8xf32, #tpu.memory_space<hbm>> -> memref<100000x8xf32, #tpu.memory_space<hbm>>
      tpu.wait_indirect_dma semaphore(%arg19 : memref<!tpu.dma_semaphore, #tpu.memory_space<semaphore_mem>>) src(%dma_wait3A_669 : memref<100000x8xf32, #tpu.memory_space<hbm>>) dst(%dma_wait3A_663 : memref<80x8xf32, #tpu.memory_space<vmem>>)
      %dma_wait3A_670 = arith.constant 9 : i32
      %dma_wait3A_671 = arith.constant 720 : i32
      %dma_wait3A_672 = arith.constant 0 : i32
      %dma_wait3A_673 = tpu.memref_slice %arg11[%dma_wait3A_671, %dma_wait3A_672] : memref<2000x8xf32, #tpu.memory_space<vmem>> -> memref<80x8xf32, #tpu.memory_space<vmem>>
      %dma_wait3A_674 = arith.constant 0 : i32
      %dma_wait3A_675 = tpu.memref_slice %arg8[%dma_wait3A_670, %dma_wait3A_674] : memref<25x80xi32, #tpu.memory_space<vmem>> -> memref<1x80xi32, #tpu.memory_space<vmem>>
      %dma_wait3A_676 = tpu.memref_squeeze %dma_wait3A_675 : memref<1x80xi32, #tpu.memory_space<vmem>> -> memref<80xi32, #tpu.memory_space<vmem>>
      %dma_wait3A_677 = arith.constant 0 : i32
      %dma_wait3A_678 = arith.constant 0 : i32
      %dma_wait3A_679 = tpu.memref_slice %arg2[%dma_wait3A_677, %dma_wait3A_678] : memref<100000x8xf32, #tpu.memory_space<hbm>> -> memref<100000x8xf32, #tpu.memory_space<hbm>>
      tpu.wait_indirect_dma semaphore(%arg19 : memref<!tpu.dma_semaphore, #tpu.memory_space<semaphore_mem>>) src(%dma_wait3A_679 : memref<100000x8xf32, #tpu.memory_space<hbm>>) dst(%dma_wait3A_673 : memref<80x8xf32, #tpu.memory_space<vmem>>)
      %dma_wait3A_680 = arith.constant 10 : i32
      %dma_wait3A_681 = arith.constant 800 : i32
      %dma_wait3A_682 = arith.constant 0 : i32
      %dma_wait3A_683 = tpu.memref_slice %arg11[%dma_wait3A_681, %dma_wait3A_682] : memref<2000x8xf32, #tpu.memory_space<vmem>> -> memref<80x8xf32, #tpu.memory_space<vmem>>
      %dma_wait3A_684 = arith.constant 0 : i32
      %dma_wait3A_685 = tpu.memref_slice %arg8[%dma_wait3A_680, %dma_wait3A_684] : memref<25x80xi32, #tpu.memory_space<vmem>> -> memref<1x80xi32, #tpu.memory_space<vmem>>
      %dma_wait3A_686 = tpu.memref_squeeze %dma_wait3A_685 : memref<1x80xi32, #tpu.memory_space<vmem>> -> memref<80xi32, #tpu.memory_space<vmem>>
      %dma_wait3A_687 = arith.constant 0 : i32
      %dma_wait3A_688 = arith.constant 0 : i32
      %dma_wait3A_689 = tpu.memref_slice %arg2[%dma_wait3A_687, %dma_wait3A_688] : memref<100000x8xf32, #tpu.memory_space<hbm>> -> memref<100000x8xf32, #tpu.memory_space<hbm>>
      tpu.wait_indirect_dma semaphore(%arg19 : memref<!tpu.dma_semaphore, #tpu.memory_space<semaphore_mem>>) src(%dma_wait3A_689 : memref<100000x8xf32, #tpu.memory_space<hbm>>) dst(%dma_wait3A_683 : memref<80x8xf32, #tpu.memory_space<vmem>>)
      %dma_wait3A_690 = arith.constant 11 : i32
      %dma_wait3A_691 = arith.constant 880 : i32
      %dma_wait3A_692 = arith.constant 0 : i32
      %dma_wait3A_693 = tpu.memref_slice %arg11[%dma_wait3A_691, %dma_wait3A_692] : memref<2000x8xf32, #tpu.memory_space<vmem>> -> memref<80x8xf32, #tpu.memory_space<vmem>>
      %dma_wait3A_694 = arith.constant 0 : i32
      %dma_wait3A_695 = tpu.memref_slice %arg8[%dma_wait3A_690, %dma_wait3A_694] : memref<25x80xi32, #tpu.memory_space<vmem>> -> memref<1x80xi32, #tpu.memory_space<vmem>>
      %dma_wait3A_696 = tpu.memref_squeeze %dma_wait3A_695 : memref<1x80xi32, #tpu.memory_space<vmem>> -> memref<80xi32, #tpu.memory_space<vmem>>
      %dma_wait3A_697 = arith.constant 0 : i32
      %dma_wait3A_698 = arith.constant 0 : i32
      %dma_wait3A_699 = tpu.memref_slice %arg2[%dma_wait3A_697, %dma_wait3A_698] : memref<100000x8xf32, #tpu.memory_space<hbm>> -> memref<100000x8xf32, #tpu.memory_space<hbm>>
      tpu.wait_indirect_dma semaphore(%arg19 : memref<!tpu.dma_semaphore, #tpu.memory_space<semaphore_mem>>) src(%dma_wait3A_699 : memref<100000x8xf32, #tpu.memory_space<hbm>>) dst(%dma_wait3A_693 : memref<80x8xf32, #tpu.memory_space<vmem>>)
      %dma_wait3A_700 = arith.constant 12 : i32
      %dma_wait3A_701 = arith.constant 960 : i32
      %dma_wait3A_702 = arith.constant 0 : i32
      %dma_wait3A_703 = tpu.memref_slice %arg11[%dma_wait3A_701, %dma_wait3A_702] : memref<2000x8xf32, #tpu.memory_space<vmem>> -> memref<80x8xf32, #tpu.memory_space<vmem>>
      %dma_wait3A_704 = arith.constant 0 : i32
      %dma_wait3A_705 = tpu.memref_slice %arg8[%dma_wait3A_700, %dma_wait3A_704] : memref<25x80xi32, #tpu.memory_space<vmem>> -> memref<1x80xi32, #tpu.memory_space<vmem>>
      %dma_wait3A_706 = tpu.memref_squeeze %dma_wait3A_705 : memref<1x80xi32, #tpu.memory_space<vmem>> -> memref<80xi32, #tpu.memory_space<vmem>>
      %dma_wait3A_707 = arith.constant 0 : i32
      %dma_wait3A_708 = arith.constant 0 : i32
      %dma_wait3A_709 = tpu.memref_slice %arg2[%dma_wait3A_707, %dma_wait3A_708] : memref<100000x8xf32, #tpu.memory_space<hbm>> -> memref<100000x8xf32, #tpu.memory_space<hbm>>
      tpu.wait_indirect_dma semaphore(%arg19 : memref<!tpu.dma_semaphore, #tpu.memory_space<semaphore_mem>>) src(%dma_wait3A_709 : memref<100000x8xf32, #tpu.memory_space<hbm>>) dst(%dma_wait3A_703 : memref<80x8xf32, #tpu.memory_space<vmem>>)
      %dma_wait3A_710 = arith.constant 13 : i32
      %dma_wait3A_711 = arith.constant 1040 : i32
      %dma_wait3A_712 = arith.constant 0 : i32
      %dma_wait3A_713 = tpu.memref_slice %arg11[%dma_wait3A_711, %dma_wait3A_712] : memref<2000x8xf32, #tpu.memory_space<vmem>> -> memref<80x8xf32, #tpu.memory_space<vmem>>
      %dma_wait3A_714 = arith.constant 0 : i32
      %dma_wait3A_715 = tpu.memref_slice %arg8[%dma_wait3A_710, %dma_wait3A_714] : memref<25x80xi32, #tpu.memory_space<vmem>> -> memref<1x80xi32, #tpu.memory_space<vmem>>
      %dma_wait3A_716 = tpu.memref_squeeze %dma_wait3A_715 : memref<1x80xi32, #tpu.memory_space<vmem>> -> memref<80xi32, #tpu.memory_space<vmem>>
      %dma_wait3A_717 = arith.constant 0 : i32
      %dma_wait3A_718 = arith.constant 0 : i32
      %dma_wait3A_719 = tpu.memref_slice %arg2[%dma_wait3A_717, %dma_wait3A_718] : memref<100000x8xf32, #tpu.memory_space<hbm>> -> memref<100000x8xf32, #tpu.memory_space<hbm>>
      tpu.wait_indirect_dma semaphore(%arg19 : memref<!tpu.dma_semaphore, #tpu.memory_space<semaphore_mem>>) src(%dma_wait3A_719 : memref<100000x8xf32, #tpu.memory_space<hbm>>) dst(%dma_wait3A_713 : memref<80x8xf32, #tpu.memory_space<vmem>>)
      %dma_wait3A_720 = arith.constant 14 : i32
      %dma_wait3A_721 = arith.constant 1120 : i32
      %dma_wait3A_722 = arith.constant 0 : i32
      %dma_wait3A_723 = tpu.memref_slice %arg11[%dma_wait3A_721, %dma_wait3A_722] : memref<2000x8xf32, #tpu.memory_space<vmem>> -> memref<80x8xf32, #tpu.memory_space<vmem>>
      %dma_wait3A_724 = arith.constant 0 : i32
      %dma_wait3A_725 = tpu.memref_slice %arg8[%dma_wait3A_720, %dma_wait3A_724] : memref<25x80xi32, #tpu.memory_space<vmem>> -> memref<1x80xi32, #tpu.memory_space<vmem>>
      %dma_wait3A_726 = tpu.memref_squeeze %dma_wait3A_725 : memref<1x80xi32, #tpu.memory_space<vmem>> -> memref<80xi32, #tpu.memory_space<vmem>>
      %dma_wait3A_727 = arith.constant 0 : i32
      %dma_wait3A_728 = arith.constant 0 : i32
      %dma_wait3A_729 = tpu.memref_slice %arg2[%dma_wait3A_727, %dma_wait3A_728] : memref<100000x8xf32, #tpu.memory_space<hbm>> -> memref<100000x8xf32, #tpu.memory_space<hbm>>
      tpu.wait_indirect_dma semaphore(%arg19 : memref<!tpu.dma_semaphore, #tpu.memory_space<semaphore_mem>>) src(%dma_wait3A_729 : memref<100000x8xf32, #tpu.memory_space<hbm>>) dst(%dma_wait3A_723 : memref<80x8xf32, #tpu.memory_space<vmem>>)
      %dma_wait3A_730 = arith.constant 15 : i32
      %dma_wait3A_731 = arith.constant 1200 : i32
      %dma_wait3A_732 = arith.constant 0 : i32
      %dma_wait3A_733 = tpu.memref_slice %arg11[%dma_wait3A_731, %dma_wait3A_732] : memref<2000x8xf32, #tpu.memory_space<vmem>> -> memref<80x8xf32, #tpu.memory_space<vmem>>
      %dma_wait3A_734 = arith.constant 0 : i32
      %dma_wait3A_735 = tpu.memref_slice %arg8[%dma_wait3A_730, %dma_wait3A_734] : memref<25x80xi32, #tpu.memory_space<vmem>> -> memref<1x80xi32, #tpu.memory_space<vmem>>
      %dma_wait3A_736 = tpu.memref_squeeze %dma_wait3A_735 : memref<1x80xi32, #tpu.memory_space<vmem>> -> memref<80xi32, #tpu.memory_space<vmem>>
      %dma_wait3A_737 = arith.constant 0 : i32
      %dma_wait3A_738 = arith.constant 0 : i32
      %dma_wait3A_739 = tpu.memref_slice %arg2[%dma_wait3A_737, %dma_wait3A_738] : memref<100000x8xf32, #tpu.memory_space<hbm>> -> memref<100000x8xf32, #tpu.memory_space<hbm>>
      tpu.wait_indirect_dma semaphore(%arg19 : memref<!tpu.dma_semaphore, #tpu.memory_space<semaphore_mem>>) src(%dma_wait3A_739 : memref<100000x8xf32, #tpu.memory_space<hbm>>) dst(%dma_wait3A_733 : memref<80x8xf32, #tpu.memory_space<vmem>>)
      %dma_wait3A_740 = arith.constant 16 : i32
      %dma_wait3A_741 = arith.constant 1280 : i32
      %dma_wait3A_742 = arith.constant 0 : i32
      %dma_wait3A_743 = tpu.memref_slice %arg11[%dma_wait3A_741, %dma_wait3A_742] : memref<2000x8xf32, #tpu.memory_space<vmem>> -> memref<80x8xf32, #tpu.memory_space<vmem>>
      %dma_wait3A_744 = arith.constant 0 : i32
      %dma_wait3A_745 = tpu.memref_slice %arg8[%dma_wait3A_740, %dma_wait3A_744] : memref<25x80xi32, #tpu.memory_space<vmem>> -> memref<1x80xi32, #tpu.memory_space<vmem>>
      %dma_wait3A_746 = tpu.memref_squeeze %dma_wait3A_745 : memref<1x80xi32, #tpu.memory_space<vmem>> -> memref<80xi32, #tpu.memory_space<vmem>>
      %dma_wait3A_747 = arith.constant 0 : i32
      %dma_wait3A_748 = arith.constant 0 : i32
      %dma_wait3A_749 = tpu.memref_slice %arg2[%dma_wait3A_747, %dma_wait3A_748] : memref<100000x8xf32, #tpu.memory_space<hbm>> -> memref<100000x8xf32, #tpu.memory_space<hbm>>
      tpu.wait_indirect_dma semaphore(%arg19 : memref<!tpu.dma_semaphore, #tpu.memory_space<semaphore_mem>>) src(%dma_wait3A_749 : memref<100000x8xf32, #tpu.memory_space<hbm>>) dst(%dma_wait3A_743 : memref<80x8xf32, #tpu.memory_space<vmem>>)
      %dma_wait3A_750 = arith.constant 17 : i32
      %dma_wait3A_751 = arith.constant 1360 : i32
      %dma_wait3A_752 = arith.constant 0 : i32
      %dma_wait3A_753 = tpu.memref_slice %arg11[%dma_wait3A_751, %dma_wait3A_752] : memref<2000x8xf32, #tpu.memory_space<vmem>> -> memref<80x8xf32, #tpu.memory_space<vmem>>
      %dma_wait3A_754 = arith.constant 0 : i32
      %dma_wait3A_755 = tpu.memref_slice %arg8[%dma_wait3A_750, %dma_wait3A_754] : memref<25x80xi32, #tpu.memory_space<vmem>> -> memref<1x80xi32, #tpu.memory_space<vmem>>
      %dma_wait3A_756 = tpu.memref_squeeze %dma_wait3A_755 : memref<1x80xi32, #tpu.memory_space<vmem>> -> memref<80xi32, #tpu.memory_space<vmem>>
      %dma_wait3A_757 = arith.constant 0 : i32
      %dma_wait3A_758 = arith.constant 0 : i32
      %dma_wait3A_759 = tpu.memref_slice %arg2[%dma_wait3A_757, %dma_wait3A_758] : memref<100000x8xf32, #tpu.memory_space<hbm>> -> memref<100000x8xf32, #tpu.memory_space<hbm>>
      tpu.wait_indirect_dma semaphore(%arg19 : memref<!tpu.dma_semaphore, #tpu.memory_space<semaphore_mem>>) src(%dma_wait3A_759 : memref<100000x8xf32, #tpu.memory_space<hbm>>) dst(%dma_wait3A_753 : memref<80x8xf32, #tpu.memory_space<vmem>>)
      %dma_wait3A_760 = arith.constant 18 : i32
      %dma_wait3A_761 = arith.constant 1440 : i32
      %dma_wait3A_762 = arith.constant 0 : i32
      %dma_wait3A_763 = tpu.memref_slice %arg11[%dma_wait3A_761, %dma_wait3A_762] : memref<2000x8xf32, #tpu.memory_space<vmem>> -> memref<80x8xf32, #tpu.memory_space<vmem>>
      %dma_wait3A_764 = arith.constant 0 : i32
      %dma_wait3A_765 = tpu.memref_slice %arg8[%dma_wait3A_760, %dma_wait3A_764] : memref<25x80xi32, #tpu.memory_space<vmem>> -> memref<1x80xi32, #tpu.memory_space<vmem>>
      %dma_wait3A_766 = tpu.memref_squeeze %dma_wait3A_765 : memref<1x80xi32, #tpu.memory_space<vmem>> -> memref<80xi32, #tpu.memory_space<vmem>>
      %dma_wait3A_767 = arith.constant 0 : i32
      %dma_wait3A_768 = arith.constant 0 : i32
      %dma_wait3A_769 = tpu.memref_slice %arg2[%dma_wait3A_767, %dma_wait3A_768] : memref<100000x8xf32, #tpu.memory_space<hbm>> -> memref<100000x8xf32, #tpu.memory_space<hbm>>
      tpu.wait_indirect_dma semaphore(%arg19 : memref<!tpu.dma_semaphore, #tpu.memory_space<semaphore_mem>>) src(%dma_wait3A_769 : memref<100000x8xf32, #tpu.memory_space<hbm>>) dst(%dma_wait3A_763 : memref<80x8xf32, #tpu.memory_space<vmem>>)
      %dma_wait3A_770 = arith.constant 19 : i32
      %dma_wait3A_771 = arith.constant 1520 : i32
      %dma_wait3A_772 = arith.constant 0 : i32
      %dma_wait3A_773 = tpu.memref_slice %arg11[%dma_wait3A_771, %dma_wait3A_772] : memref<2000x8xf32, #tpu.memory_space<vmem>> -> memref<80x8xf32, #tpu.memory_space<vmem>>
      %dma_wait3A_774 = arith.constant 0 : i32
      %dma_wait3A_775 = tpu.memref_slice %arg8[%dma_wait3A_770, %dma_wait3A_774] : memref<25x80xi32, #tpu.memory_space<vmem>> -> memref<1x80xi32, #tpu.memory_space<vmem>>
      %dma_wait3A_776 = tpu.memref_squeeze %dma_wait3A_775 : memref<1x80xi32, #tpu.memory_space<vmem>> -> memref<80xi32, #tpu.memory_space<vmem>>
      %dma_wait3A_777 = arith.constant 0 : i32
      %dma_wait3A_778 = arith.constant 0 : i32
      %dma_wait3A_779 = tpu.memref_slice %arg2[%dma_wait3A_777, %dma_wait3A_778] : memref<100000x8xf32, #tpu.memory_space<hbm>> -> memref<100000x8xf32, #tpu.memory_space<hbm>>
      tpu.wait_indirect_dma semaphore(%arg19 : memref<!tpu.dma_semaphore, #tpu.memory_space<semaphore_mem>>) src(%dma_wait3A_779 : memref<100000x8xf32, #tpu.memory_space<hbm>>) dst(%dma_wait3A_773 : memref<80x8xf32, #tpu.memory_space<vmem>>)
      %dma_wait3A_780 = arith.constant 20 : i32
      %dma_wait3A_781 = arith.constant 1600 : i32
      %dma_wait3A_782 = arith.constant 0 : i32
      %dma_wait3A_783 = tpu.memref_slice %arg11[%dma_wait3A_781, %dma_wait3A_782] : memref<2000x8xf32, #tpu.memory_space<vmem>> -> memref<80x8xf32, #tpu.memory_space<vmem>>
      %dma_wait3A_784 = arith.constant 0 : i32
      %dma_wait3A_785 = tpu.memref_slice %arg8[%dma_wait3A_780, %dma_wait3A_784] : memref<25x80xi32, #tpu.memory_space<vmem>> -> memref<1x80xi32, #tpu.memory_space<vmem>>
      %dma_wait3A_786 = tpu.memref_squeeze %dma_wait3A_785 : memref<1x80xi32, #tpu.memory_space<vmem>> -> memref<80xi32, #tpu.memory_space<vmem>>
      %dma_wait3A_787 = arith.constant 0 : i32
      %dma_wait3A_788 = arith.constant 0 : i32
      %dma_wait3A_789 = tpu.memref_slice %arg2[%dma_wait3A_787, %dma_wait3A_788] : memref<100000x8xf32, #tpu.memory_space<hbm>> -> memref<100000x8xf32, #tpu.memory_space<hbm>>
      tpu.wait_indirect_dma semaphore(%arg19 : memref<!tpu.dma_semaphore, #tpu.memory_space<semaphore_mem>>) src(%dma_wait3A_789 : memref<100000x8xf32, #tpu.memory_space<hbm>>) dst(%dma_wait3A_783 : memref<80x8xf32, #tpu.memory_space<vmem>>)
      %dma_wait3A_790 = arith.constant 21 : i32
      %dma_wait3A_791 = arith.constant 1680 : i32
      %dma_wait3A_792 = arith.constant 0 : i32
      %dma_wait3A_793 = tpu.memref_slice %arg11[%dma_wait3A_791, %dma_wait3A_792] : memref<2000x8xf32, #tpu.memory_space<vmem>> -> memref<80x8xf32, #tpu.memory_space<vmem>>
      %dma_wait3A_794 = arith.constant 0 : i32
      %dma_wait3A_795 = tpu.memref_slice %arg8[%dma_wait3A_790, %dma_wait3A_794] : memref<25x80xi32, #tpu.memory_space<vmem>> -> memref<1x80xi32, #tpu.memory_space<vmem>>
      %dma_wait3A_796 = tpu.memref_squeeze %dma_wait3A_795 : memref<1x80xi32, #tpu.memory_space<vmem>> -> memref<80xi32, #tpu.memory_space<vmem>>
      %dma_wait3A_797 = arith.constant 0 : i32
      %dma_wait3A_798 = arith.constant 0 : i32
      %dma_wait3A_799 = tpu.memref_slice %arg2[%dma_wait3A_797, %dma_wait3A_798] : memref<100000x8xf32, #tpu.memory_space<hbm>> -> memref<100000x8xf32, #tpu.memory_space<hbm>>
      tpu.wait_indirect_dma semaphore(%arg19 : memref<!tpu.dma_semaphore, #tpu.memory_space<semaphore_mem>>) src(%dma_wait3A_799 : memref<100000x8xf32, #tpu.memory_space<hbm>>) dst(%dma_wait3A_793 : memref<80x8xf32, #tpu.memory_space<vmem>>)
      %dma_wait3A_800 = arith.constant 22 : i32
      %dma_wait3A_801 = arith.constant 1760 : i32
      %dma_wait3A_802 = arith.constant 0 : i32
      %dma_wait3A_803 = tpu.memref_slice %arg11[%dma_wait3A_801, %dma_wait3A_802] : memref<2000x8xf32, #tpu.memory_space<vmem>> -> memref<80x8xf32, #tpu.memory_space<vmem>>
      %dma_wait3A_804 = arith.constant 0 : i32
      %dma_wait3A_805 = tpu.memref_slice %arg8[%dma_wait3A_800, %dma_wait3A_804] : memref<25x80xi32, #tpu.memory_space<vmem>> -> memref<1x80xi32, #tpu.memory_space<vmem>>
      %dma_wait3A_806 = tpu.memref_squeeze %dma_wait3A_805 : memref<1x80xi32, #tpu.memory_space<vmem>> -> memref<80xi32, #tpu.memory_space<vmem>>
      %dma_wait3A_807 = arith.constant 0 : i32
      %dma_wait3A_808 = arith.constant 0 : i32
      %dma_wait3A_809 = tpu.memref_slice %arg2[%dma_wait3A_807, %dma_wait3A_808] : memref<100000x8xf32, #tpu.memory_space<hbm>> -> memref<100000x8xf32, #tpu.memory_space<hbm>>
      tpu.wait_indirect_dma semaphore(%arg19 : memref<!tpu.dma_semaphore, #tpu.memory_space<semaphore_mem>>) src(%dma_wait3A_809 : memref<100000x8xf32, #tpu.memory_space<hbm>>) dst(%dma_wait3A_803 : memref<80x8xf32, #tpu.memory_space<vmem>>)
      %dma_wait3A_810 = arith.constant 23 : i32
      %dma_wait3A_811 = arith.constant 1840 : i32
      %dma_wait3A_812 = arith.constant 0 : i32
      %dma_wait3A_813 = tpu.memref_slice %arg11[%dma_wait3A_811, %dma_wait3A_812] : memref<2000x8xf32, #tpu.memory_space<vmem>> -> memref<80x8xf32, #tpu.memory_space<vmem>>
      %dma_wait3A_814 = arith.constant 0 : i32
      %dma_wait3A_815 = tpu.memref_slice %arg8[%dma_wait3A_810, %dma_wait3A_814] : memref<25x80xi32, #tpu.memory_space<vmem>> -> memref<1x80xi32, #tpu.memory_space<vmem>>
      %dma_wait3A_816 = tpu.memref_squeeze %dma_wait3A_815 : memref<1x80xi32, #tpu.memory_space<vmem>> -> memref<80xi32, #tpu.memory_space<vmem>>
      %dma_wait3A_817 = arith.constant 0 : i32
      %dma_wait3A_818 = arith.constant 0 : i32
      %dma_wait3A_819 = tpu.memref_slice %arg2[%dma_wait3A_817, %dma_wait3A_818] : memref<100000x8xf32, #tpu.memory_space<hbm>> -> memref<100000x8xf32, #tpu.memory_space<hbm>>
      tpu.wait_indirect_dma semaphore(%arg19 : memref<!tpu.dma_semaphore, #tpu.memory_space<semaphore_mem>>) src(%dma_wait3A_819 : memref<100000x8xf32, #tpu.memory_space<hbm>>) dst(%dma_wait3A_813 : memref<80x8xf32, #tpu.memory_space<vmem>>)
      %dma_wait3A_820 = arith.constant 24 : i32
      %dma_wait3A_821 = arith.constant 1920 : i32
      %dma_wait3A_822 = arith.constant 0 : i32
      %dma_wait3A_823 = tpu.memref_slice %arg11[%dma_wait3A_821, %dma_wait3A_822] : memref<2000x8xf32, #tpu.memory_space<vmem>> -> memref<80x8xf32, #tpu.memory_space<vmem>>
      %dma_wait3A_824 = arith.constant 0 : i32
      %dma_wait3A_825 = tpu.memref_slice %arg8[%dma_wait3A_820, %dma_wait3A_824] : memref<25x80xi32, #tpu.memory_space<vmem>> -> memref<1x80xi32, #tpu.memory_space<vmem>>
      %dma_wait3A_826 = tpu.memref_squeeze %dma_wait3A_825 : memref<1x80xi32, #tpu.memory_space<vmem>> -> memref<80xi32, #tpu.memory_space<vmem>>
      %dma_wait3A_827 = arith.constant 0 : i32
      %dma_wait3A_828 = arith.constant 0 : i32
      %dma_wait3A_829 = tpu.memref_slice %arg2[%dma_wait3A_827, %dma_wait3A_828] : memref<100000x8xf32, #tpu.memory_space<hbm>> -> memref<100000x8xf32, #tpu.memory_space<hbm>>
      tpu.wait_indirect_dma semaphore(%arg19 : memref<!tpu.dma_semaphore, #tpu.memory_space<semaphore_mem>>) src(%dma_wait3A_829 : memref<100000x8xf32, #tpu.memory_space<hbm>>) dst(%dma_wait3A_823 : memref<80x8xf32, #tpu.memory_space<vmem>>)
      %scan3A_830 = arith.constant 0 : i32
      %scan3A_831 = arith.constant 0 : i32
      %scan3A_832 = arith.constant 125 : i32
      %scan3A_833 = arith.addi %scan3A_831, %scan3A_832 : i32
      %scan3A_834 = arith.constant 1 : i32
      scf.for %scan3A_2092 = %scan3A_831 to %scan3A_833 step %scan3A_834  : i32 {
        %mul3A_2093 = arith.constant 16 : i32
        %mul3A_2094 = arith.muli %scan3A_2092, %mul3A_2093 : i32
        %add3A_2095 = arith.constant 0 : i32
        %add3A_2096 = arith.addi %mul3A_2094, %add3A_2095 : i32
        %add3A_2097 = vector.broadcast %add3A_2096 : i32 to vector<16xi32>
        %add3A_2098 = arith.addi %add3A_2097, %shift_right_arithmetic3A_6 : vector<16xi32>
        %gather3A = tpu.vector_load_idx %arg11[%add3A_2098, %and3A_8] : memref<2000x8xf32, #tpu.memory_space<vmem>>[vector<16xi32>, vector<16xi32>], vector<16xf32>,
        %gather3A_2099 = tpu.vector_load_idx %arg10[%add3A_2098] : memref<2000xf32, #tpu.memory_space<vmem>>[vector<16xi32>], vector<16xf32>,
        %abs3A = math.absf %gather3A : vector<16xf32>
        %mul3A_2100 = arith.mulf %abs3A, %gather3A_2099 : vector<16xf32>
        tpu.vector_store_idx %arg11[%add3A_2098, %and3A_8], %mul3A_2100 : memref<2000x8xf32, #tpu.memory_space<vmem>>[vector<16xi32>, vector<16xi32>], vector<16xf32>,
        %add3A_2101 = arith.constant 2 : i32
        %add3A_2102 = arith.addi %mul3A_2094, %add3A_2101 : i32
        %add3A_2103 = vector.broadcast %add3A_2102 : i32 to vector<16xi32>
        %add3A_2104 = arith.addi %add3A_2103, %shift_right_arithmetic3A_6 : vector<16xi32>
        %gather3A_2105 = tpu.vector_load_idx %arg11[%add3A_2104, %and3A_8] : memref<2000x8xf32, #tpu.memory_space<vmem>>[vector<16xi32>, vector<16xi32>], vector<16xf32>,
        %gather3A_2106 = tpu.vector_load_idx %arg10[%add3A_2104] : memref<2000xf32, #tpu.memory_space<vmem>>[vector<16xi32>], vector<16xf32>,
        %abs3A_2107 = math.absf %gather3A_2105 : vector<16xf32>
        %mul3A_2108 = arith.mulf %abs3A_2107, %gather3A_2106 : vector<16xf32>
        tpu.vector_store_idx %arg11[%add3A_2104, %and3A_8], %mul3A_2108 : memref<2000x8xf32, #tpu.memory_space<vmem>>[vector<16xi32>, vector<16xi32>], vector<16xf32>,
        %add3A_2109 = arith.constant 4 : i32
        %add3A_2110 = arith.addi %mul3A_2094, %add3A_2109 : i32
        %add3A_2111 = vector.broadcast %add3A_2110 : i32 to vector<16xi32>
        %add3A_2112 = arith.addi %add3A_2111, %shift_right_arithmetic3A_6 : vector<16xi32>
        %gather3A_2113 = tpu.vector_load_idx %arg11[%add3A_2112, %and3A_8] : memref<2000x8xf32, #tpu.memory_space<vmem>>[vector<16xi32>, vector<16xi32>], vector<16xf32>,
        %gather3A_2114 = tpu.vector_load_idx %arg10[%add3A_2112] : memref<2000xf32, #tpu.memory_space<vmem>>[vector<16xi32>], vector<16xf32>,
        %abs3A_2115 = math.absf %gather3A_2113 : vector<16xf32>
        %mul3A_2116 = arith.mulf %abs3A_2115, %gather3A_2114 : vector<16xf32>
        tpu.vector_store_idx %arg11[%add3A_2112, %and3A_8], %mul3A_2116 : memref<2000x8xf32, #tpu.memory_space<vmem>>[vector<16xi32>, vector<16xi32>], vector<16xf32>,
        %add3A_2117 = arith.constant 6 : i32
        %add3A_2118 = arith.addi %mul3A_2094, %add3A_2117 : i32
        %add3A_2119 = vector.broadcast %add3A_2118 : i32 to vector<16xi32>
        %add3A_2120 = arith.addi %add3A_2119, %shift_right_arithmetic3A_6 : vector<16xi32>
        %gather3A_2121 = tpu.vector_load_idx %arg11[%add3A_2120, %and3A_8] : memref<2000x8xf32, #tpu.memory_space<vmem>>[vector<16xi32>, vector<16xi32>], vector<16xf32>,
        %gather3A_2122 = tpu.vector_load_idx %arg10[%add3A_2120] : memref<2000xf32, #tpu.memory_space<vmem>>[vector<16xi32>], vector<16xf32>,
        %abs3A_2123 = math.absf %gather3A_2121 : vector<16xf32>
        %mul3A_2124 = arith.mulf %abs3A_2123, %gather3A_2122 : vector<16xf32>
        tpu.vector_store_idx %arg11[%add3A_2120, %and3A_8], %mul3A_2124 : memref<2000x8xf32, #tpu.memory_space<vmem>>[vector<16xi32>, vector<16xi32>], vector<16xf32>,
        %add3A_2125 = arith.constant 8 : i32
        %add3A_2126 = arith.addi %mul3A_2094, %add3A_2125 : i32
        %add3A_2127 = vector.broadcast %add3A_2126 : i32 to vector<16xi32>
        %add3A_2128 = arith.addi %add3A_2127, %shift_right_arithmetic3A_6 : vector<16xi32>
        %gather3A_2129 = tpu.vector_load_idx %arg11[%add3A_2128, %and3A_8] : memref<2000x8xf32, #tpu.memory_space<vmem>>[vector<16xi32>, vector<16xi32>], vector<16xf32>,
        %gather3A_2130 = tpu.vector_load_idx %arg10[%add3A_2128] : memref<2000xf32, #tpu.memory_space<vmem>>[vector<16xi32>], vector<16xf32>,
        %abs3A_2131 = math.absf %gather3A_2129 : vector<16xf32>
        %mul3A_2132 = arith.mulf %abs3A_2131, %gather3A_2130 : vector<16xf32>
        tpu.vector_store_idx %arg11[%add3A_2128, %and3A_8], %mul3A_2132 : memref<2000x8xf32, #tpu.memory_space<vmem>>[vector<16xi32>, vector<16xi32>], vector<16xf32>,
        %add3A_2133 = arith.constant 10 : i32
        %add3A_2134 = arith.addi %mul3A_2094, %add3A_2133 : i32
        %add3A_2135 = vector.broadcast %add3A_2134 : i32 to vector<16xi32>
        %add3A_2136 = arith.addi %add3A_2135, %shift_right_arithmetic3A_6 : vector<16xi32>
        %gather3A_2137 = tpu.vector_load_idx %arg11[%add3A_2136, %and3A_8] : memref<2000x8xf32, #tpu.memory_space<vmem>>[vector<16xi32>, vector<16xi32>], vector<16xf32>,
        %gather3A_2138 = tpu.vector_load_idx %arg10[%add3A_2136] : memref<2000xf32, #tpu.memory_space<vmem>>[vector<16xi32>], vector<16xf32>,
        %abs3A_2139 = math.absf %gather3A_2137 : vector<16xf32>
        %mul3A_2140 = arith.mulf %abs3A_2139, %gather3A_2138 : vector<16xf32>
        tpu.vector_store_idx %arg11[%add3A_2136, %and3A_8], %mul3A_2140 : memref<2000x8xf32, #tpu.memory_space<vmem>>[vector<16xi32>, vector<16xi32>], vector<16xf32>,
        %add3A_2141 = arith.constant 12 : i32
        %add3A_2142 = arith.addi %mul3A_2094, %add3A_2141 : i32
        %add3A_2143 = vector.broadcast %add3A_2142 : i32 to vector<16xi32>
        %add3A_2144 = arith.addi %add3A_2143, %shift_right_arithmetic3A_6 : vector<16xi32>
        %gather3A_2145 = tpu.vector_load_idx %arg11[%add3A_2144, %and3A_8] : memref<2000x8xf32, #tpu.memory_space<vmem>>[vector<16xi32>, vector<16xi32>], vector<16xf32>,
        %gather3A_2146 = tpu.vector_load_idx %arg10[%add3A_2144] : memref<2000xf32, #tpu.memory_space<vmem>>[vector<16xi32>], vector<16xf32>,
        %abs3A_2147 = math.absf %gather3A_2145 : vector<16xf32>
        %mul3A_2148 = arith.mulf %abs3A_2147, %gather3A_2146 : vector<16xf32>
        tpu.vector_store_idx %arg11[%add3A_2144, %and3A_8], %mul3A_2148 : memref<2000x8xf32, #tpu.memory_space<vmem>>[vector<16xi32>, vector<16xi32>], vector<16xf32>,
        %add3A_2149 = arith.constant 14 : i32
        %add3A_2150 = arith.addi %mul3A_2094, %add3A_2149 : i32
        %add3A_2151 = vector.broadcast %add3A_2150 : i32 to vector<16xi32>
        %add3A_2152 = arith.addi %add3A_2151, %shift_right_arithmetic3A_6 : vector<16xi32>
        %gather3A_2153 = tpu.vector_load_idx %arg11[%add3A_2152, %and3A_8] : memref<2000x8xf32, #tpu.memory_space<vmem>>[vector<16xi32>, vector<16xi32>], vector<16xf32>,
        %gather3A_2154 = tpu.vector_load_idx %arg10[%add3A_2152] : memref<2000xf32, #tpu.memory_space<vmem>>[vector<16xi32>], vector<16xf32>,
        %abs3A_2155 = math.absf %gather3A_2153 : vector<16xf32>
        %mul3A_2156 = arith.mulf %abs3A_2155, %gather3A_2154 : vector<16xf32>
        tpu.vector_store_idx %arg11[%add3A_2152, %and3A_8], %mul3A_2156 : memref<2000x8xf32, #tpu.memory_space<vmem>>[vector<16xi32>, vector<16xi32>], vector<16xf32>,
      }
      %scan3A_835 = arith.constant 125 : i32
      %dma_start3A_836 = arith.constant 0 : i32
      %dma_start3A_837 = arith.constant 0 : i32
      %dma_start3A_838 = arith.constant 0 : i32
      %dma_start3A_839 = tpu.memref_slice %arg11[%dma_start3A_837, %dma_start3A_838] : memref<2000x8xf32, #tpu.memory_space<vmem>> -> memref<80x8xf32, #tpu.memory_space<vmem>>
      %dma_start3A_840 = arith.constant 0 : i32
      %dma_start3A_841 = tpu.memref_slice %arg9[%dma_start3A_836, %dma_start3A_840] : memref<25x80xi32, #tpu.memory_space<vmem>> -> memref<1x80xi32, #tpu.memory_space<vmem>>
      %dma_start3A_842 = tpu.memref_squeeze %dma_start3A_841 : memref<1x80xi32, #tpu.memory_space<vmem>> -> memref<80xi32, #tpu.memory_space<vmem>>
      %dma_start3A_843 = arith.constant 0 : i32
      %dma_start3A_844 = arith.constant 0 : i32
      %dma_start3A_845 = tpu.memref_slice %arg16[%dma_start3A_843, %dma_start3A_844] : memref<100000x8xf32, #tpu.memory_space<vmem_shared>> -> memref<100000x8xf32, #tpu.memory_space<vmem_shared>>
      tpu.enqueue_indirect_dma source(%dma_start3A_839 : memref<80x8xf32, #tpu.memory_space<vmem>>) target(%dma_start3A_845 : memref<100000x8xf32, #tpu.memory_space<vmem_shared>>) offsets(%dma_start3A_842 : memref<80xi32, #tpu.memory_space<vmem>>) semaphore(%arg21 : memref<!tpu.dma_semaphore, #tpu.memory_space<semaphore_mem>>) {add = true}
      %dma_start3A_846 = arith.constant 1 : i32
      %dma_start3A_847 = arith.constant 80 : i32
      %dma_start3A_848 = arith.constant 0 : i32
      %dma_start3A_849 = tpu.memref_slice %arg11[%dma_start3A_847, %dma_start3A_848] : memref<2000x8xf32, #tpu.memory_space<vmem>> -> memref<80x8xf32, #tpu.memory_space<vmem>>
      %dma_start3A_850 = arith.constant 0 : i32
      %dma_start3A_851 = tpu.memref_slice %arg9[%dma_start3A_846, %dma_start3A_850] : memref<25x80xi32, #tpu.memory_space<vmem>> -> memref<1x80xi32, #tpu.memory_space<vmem>>
      %dma_start3A_852 = tpu.memref_squeeze %dma_start3A_851 : memref<1x80xi32, #tpu.memory_space<vmem>> -> memref<80xi32, #tpu.memory_space<vmem>>
      %dma_start3A_853 = arith.constant 0 : i32
      %dma_start3A_854 = arith.constant 0 : i32
      %dma_start3A_855 = tpu.memref_slice %arg16[%dma_start3A_853, %dma_start3A_854] : memref<100000x8xf32, #tpu.memory_space<vmem_shared>> -> memref<100000x8xf32, #tpu.memory_space<vmem_shared>>
      tpu.enqueue_indirect_dma source(%dma_start3A_849 : memref<80x8xf32, #tpu.memory_space<vmem>>) target(%dma_start3A_855 : memref<100000x8xf32, #tpu.memory_space<vmem_shared>>) offsets(%dma_start3A_852 : memref<80xi32, #tpu.memory_space<vmem>>) semaphore(%arg21 : memref<!tpu.dma_semaphore, #tpu.memory_space<semaphore_mem>>) {add = true}
      %dma_start3A_856 = arith.constant 2 : i32
      %dma_start3A_857 = arith.constant 160 : i32
      %dma_start3A_858 = arith.constant 0 : i32
      %dma_start3A_859 = tpu.memref_slice %arg11[%dma_start3A_857, %dma_start3A_858] : memref<2000x8xf32, #tpu.memory_space<vmem>> -> memref<80x8xf32, #tpu.memory_space<vmem>>
      %dma_start3A_860 = arith.constant 0 : i32
      %dma_start3A_861 = tpu.memref_slice %arg9[%dma_start3A_856, %dma_start3A_860] : memref<25x80xi32, #tpu.memory_space<vmem>> -> memref<1x80xi32, #tpu.memory_space<vmem>>
      %dma_start3A_862 = tpu.memref_squeeze %dma_start3A_861 : memref<1x80xi32, #tpu.memory_space<vmem>> -> memref<80xi32, #tpu.memory_space<vmem>>
      %dma_start3A_863 = arith.constant 0 : i32
      %dma_start3A_864 = arith.constant 0 : i32
      %dma_start3A_865 = tpu.memref_slice %arg16[%dma_start3A_863, %dma_start3A_864] : memref<100000x8xf32, #tpu.memory_space<vmem_shared>> -> memref<100000x8xf32, #tpu.memory_space<vmem_shared>>
      tpu.enqueue_indirect_dma source(%dma_start3A_859 : memref<80x8xf32, #tpu.memory_space<vmem>>) target(%dma_start3A_865 : memref<100000x8xf32, #tpu.memory_space<vmem_shared>>) offsets(%dma_start3A_862 : memref<80xi32, #tpu.memory_space<vmem>>) semaphore(%arg21 : memref<!tpu.dma_semaphore, #tpu.memory_space<semaphore_mem>>) {add = true}
      %dma_start3A_866 = arith.constant 3 : i32
      %dma_start3A_867 = arith.constant 240 : i32
      %dma_start3A_868 = arith.constant 0 : i32
      %dma_start3A_869 = tpu.memref_slice %arg11[%dma_start3A_867, %dma_start3A_868] : memref<2000x8xf32, #tpu.memory_space<vmem>> -> memref<80x8xf32, #tpu.memory_space<vmem>>
      %dma_start3A_870 = arith.constant 0 : i32
      %dma_start3A_871 = tpu.memref_slice %arg9[%dma_start3A_866, %dma_start3A_870] : memref<25x80xi32, #tpu.memory_space<vmem>> -> memref<1x80xi32, #tpu.memory_space<vmem>>
      %dma_start3A_872 = tpu.memref_squeeze %dma_start3A_871 : memref<1x80xi32, #tpu.memory_space<vmem>> -> memref<80xi32, #tpu.memory_space<vmem>>
      %dma_start3A_873 = arith.constant 0 : i32
      %dma_start3A_874 = arith.constant 0 : i32
      %dma_start3A_875 = tpu.memref_slice %arg16[%dma_start3A_873, %dma_start3A_874] : memref<100000x8xf32, #tpu.memory_space<vmem_shared>> -> memref<100000x8xf32, #tpu.memory_space<vmem_shared>>
      tpu.enqueue_indirect_dma source(%dma_start3A_869 : memref<80x8xf32, #tpu.memory_space<vmem>>) target(%dma_start3A_875 : memref<100000x8xf32, #tpu.memory_space<vmem_shared>>) offsets(%dma_start3A_872 : memref<80xi32, #tpu.memory_space<vmem>>) semaphore(%arg21 : memref<!tpu.dma_semaphore, #tpu.memory_space<semaphore_mem>>) {add = true}
      %dma_start3A_876 = arith.constant 4 : i32
      %dma_start3A_877 = arith.constant 320 : i32
      %dma_start3A_878 = arith.constant 0 : i32
      %dma_start3A_879 = tpu.memref_slice %arg11[%dma_start3A_877, %dma_start3A_878] : memref<2000x8xf32, #tpu.memory_space<vmem>> -> memref<80x8xf32, #tpu.memory_space<vmem>>
      %dma_start3A_880 = arith.constant 0 : i32
      %dma_start3A_881 = tpu.memref_slice %arg9[%dma_start3A_876, %dma_start3A_880] : memref<25x80xi32, #tpu.memory_space<vmem>> -> memref<1x80xi32, #tpu.memory_space<vmem>>
      %dma_start3A_882 = tpu.memref_squeeze %dma_start3A_881 : memref<1x80xi32, #tpu.memory_space<vmem>> -> memref<80xi32, #tpu.memory_space<vmem>>
      %dma_start3A_883 = arith.constant 0 : i32
      %dma_start3A_884 = arith.constant 0 : i32
      %dma_start3A_885 = tpu.memref_slice %arg16[%dma_start3A_883, %dma_start3A_884] : memref<100000x8xf32, #tpu.memory_space<vmem_shared>> -> memref<100000x8xf32, #tpu.memory_space<vmem_shared>>
      tpu.enqueue_indirect_dma source(%dma_start3A_879 : memref<80x8xf32, #tpu.memory_space<vmem>>) target(%dma_start3A_885 : memref<100000x8xf32, #tpu.memory_space<vmem_shared>>) offsets(%dma_start3A_882 : memref<80xi32, #tpu.memory_space<vmem>>) semaphore(%arg21 : memref<!tpu.dma_semaphore, #tpu.memory_space<semaphore_mem>>) {add = true}
      %dma_start3A_886 = arith.constant 5 : i32
      %dma_start3A_887 = arith.constant 400 : i32
      %dma_start3A_888 = arith.constant 0 : i32
      %dma_start3A_889 = tpu.memref_slice %arg11[%dma_start3A_887, %dma_start3A_888] : memref<2000x8xf32, #tpu.memory_space<vmem>> -> memref<80x8xf32, #tpu.memory_space<vmem>>
      %dma_start3A_890 = arith.constant 0 : i32
      %dma_start3A_891 = tpu.memref_slice %arg9[%dma_start3A_886, %dma_start3A_890] : memref<25x80xi32, #tpu.memory_space<vmem>> -> memref<1x80xi32, #tpu.memory_space<vmem>>
      %dma_start3A_892 = tpu.memref_squeeze %dma_start3A_891 : memref<1x80xi32, #tpu.memory_space<vmem>> -> memref<80xi32, #tpu.memory_space<vmem>>
      %dma_start3A_893 = arith.constant 0 : i32
      %dma_start3A_894 = arith.constant 0 : i32
      %dma_start3A_895 = tpu.memref_slice %arg16[%dma_start3A_893, %dma_start3A_894] : memref<100000x8xf32, #tpu.memory_space<vmem_shared>> -> memref<100000x8xf32, #tpu.memory_space<vmem_shared>>
      tpu.enqueue_indirect_dma source(%dma_start3A_889 : memref<80x8xf32, #tpu.memory_space<vmem>>) target(%dma_start3A_895 : memref<100000x8xf32, #tpu.memory_space<vmem_shared>>) offsets(%dma_start3A_892 : memref<80xi32, #tpu.memory_space<vmem>>) semaphore(%arg21 : memref<!tpu.dma_semaphore, #tpu.memory_space<semaphore_mem>>) {add = true}
      %dma_start3A_896 = arith.constant 6 : i32
      %dma_start3A_897 = arith.constant 480 : i32
      %dma_start3A_898 = arith.constant 0 : i32
      %dma_start3A_899 = tpu.memref_slice %arg11[%dma_start3A_897, %dma_start3A_898] : memref<2000x8xf32, #tpu.memory_space<vmem>> -> memref<80x8xf32, #tpu.memory_space<vmem>>
      %dma_start3A_900 = arith.constant 0 : i32
      %dma_start3A_901 = tpu.memref_slice %arg9[%dma_start3A_896, %dma_start3A_900] : memref<25x80xi32, #tpu.memory_space<vmem>> -> memref<1x80xi32, #tpu.memory_space<vmem>>
      %dma_start3A_902 = tpu.memref_squeeze %dma_start3A_901 : memref<1x80xi32, #tpu.memory_space<vmem>> -> memref<80xi32, #tpu.memory_space<vmem>>
      %dma_start3A_903 = arith.constant 0 : i32
      %dma_start3A_904 = arith.constant 0 : i32
      %dma_start3A_905 = tpu.memref_slice %arg16[%dma_start3A_903, %dma_start3A_904] : memref<100000x8xf32, #tpu.memory_space<vmem_shared>> -> memref<100000x8xf32, #tpu.memory_space<vmem_shared>>
      tpu.enqueue_indirect_dma source(%dma_start3A_899 : memref<80x8xf32, #tpu.memory_space<vmem>>) target(%dma_start3A_905 : memref<100000x8xf32, #tpu.memory_space<vmem_shared>>) offsets(%dma_start3A_902 : memref<80xi32, #tpu.memory_space<vmem>>) semaphore(%arg21 : memref<!tpu.dma_semaphore, #tpu.memory_space<semaphore_mem>>) {add = true}
      %dma_start3A_906 = arith.constant 7 : i32
      %dma_start3A_907 = arith.constant 560 : i32
      %dma_start3A_908 = arith.constant 0 : i32
      %dma_start3A_909 = tpu.memref_slice %arg11[%dma_start3A_907, %dma_start3A_908] : memref<2000x8xf32, #tpu.memory_space<vmem>> -> memref<80x8xf32, #tpu.memory_space<vmem>>
      %dma_start3A_910 = arith.constant 0 : i32
      %dma_start3A_911 = tpu.memref_slice %arg9[%dma_start3A_906, %dma_start3A_910] : memref<25x80xi32, #tpu.memory_space<vmem>> -> memref<1x80xi32, #tpu.memory_space<vmem>>
      %dma_start3A_912 = tpu.memref_squeeze %dma_start3A_911 : memref<1x80xi32, #tpu.memory_space<vmem>> -> memref<80xi32, #tpu.memory_space<vmem>>
      %dma_start3A_913 = arith.constant 0 : i32
      %dma_start3A_914 = arith.constant 0 : i32
      %dma_start3A_915 = tpu.memref_slice %arg16[%dma_start3A_913, %dma_start3A_914] : memref<100000x8xf32, #tpu.memory_space<vmem_shared>> -> memref<100000x8xf32, #tpu.memory_space<vmem_shared>>
      tpu.enqueue_indirect_dma source(%dma_start3A_909 : memref<80x8xf32, #tpu.memory_space<vmem>>) target(%dma_start3A_915 : memref<100000x8xf32, #tpu.memory_space<vmem_shared>>) offsets(%dma_start3A_912 : memref<80xi32, #tpu.memory_space<vmem>>) semaphore(%arg21 : memref<!tpu.dma_semaphore, #tpu.memory_space<semaphore_mem>>) {add = true}
      %dma_start3A_916 = arith.constant 8 : i32
      %dma_start3A_917 = arith.constant 640 : i32
      %dma_start3A_918 = arith.constant 0 : i32
      %dma_start3A_919 = tpu.memref_slice %arg11[%dma_start3A_917, %dma_start3A_918] : memref<2000x8xf32, #tpu.memory_space<vmem>> -> memref<80x8xf32, #tpu.memory_space<vmem>>
      %dma_start3A_920 = arith.constant 0 : i32
      %dma_start3A_921 = tpu.memref_slice %arg9[%dma_start3A_916, %dma_start3A_920] : memref<25x80xi32, #tpu.memory_space<vmem>> -> memref<1x80xi32, #tpu.memory_space<vmem>>
      %dma_start3A_922 = tpu.memref_squeeze %dma_start3A_921 : memref<1x80xi32, #tpu.memory_space<vmem>> -> memref<80xi32, #tpu.memory_space<vmem>>
      %dma_start3A_923 = arith.constant 0 : i32
      %dma_start3A_924 = arith.constant 0 : i32
      %dma_start3A_925 = tpu.memref_slice %arg16[%dma_start3A_923, %dma_start3A_924] : memref<100000x8xf32, #tpu.memory_space<vmem_shared>> -> memref<100000x8xf32, #tpu.memory_space<vmem_shared>>
      tpu.enqueue_indirect_dma source(%dma_start3A_919 : memref<80x8xf32, #tpu.memory_space<vmem>>) target(%dma_start3A_925 : memref<100000x8xf32, #tpu.memory_space<vmem_shared>>) offsets(%dma_start3A_922 : memref<80xi32, #tpu.memory_space<vmem>>) semaphore(%arg21 : memref<!tpu.dma_semaphore, #tpu.memory_space<semaphore_mem>>) {add = true}
      %dma_start3A_926 = arith.constant 9 : i32
      %dma_start3A_927 = arith.constant 720 : i32
      %dma_start3A_928 = arith.constant 0 : i32
      %dma_start3A_929 = tpu.memref_slice %arg11[%dma_start3A_927, %dma_start3A_928] : memref<2000x8xf32, #tpu.memory_space<vmem>> -> memref<80x8xf32, #tpu.memory_space<vmem>>
      %dma_start3A_930 = arith.constant 0 : i32
      %dma_start3A_931 = tpu.memref_slice %arg9[%dma_start3A_926, %dma_start3A_930] : memref<25x80xi32, #tpu.memory_space<vmem>> -> memref<1x80xi32, #tpu.memory_space<vmem>>
      %dma_start3A_932 = tpu.memref_squeeze %dma_start3A_931 : memref<1x80xi32, #tpu.memory_space<vmem>> -> memref<80xi32, #tpu.memory_space<vmem>>
      %dma_start3A_933 = arith.constant 0 : i32
      %dma_start3A_934 = arith.constant 0 : i32
      %dma_start3A_935 = tpu.memref_slice %arg16[%dma_start3A_933, %dma_start3A_934] : memref<100000x8xf32, #tpu.memory_space<vmem_shared>> -> memref<100000x8xf32, #tpu.memory_space<vmem_shared>>
      tpu.enqueue_indirect_dma source(%dma_start3A_929 : memref<80x8xf32, #tpu.memory_space<vmem>>) target(%dma_start3A_935 : memref<100000x8xf32, #tpu.memory_space<vmem_shared>>) offsets(%dma_start3A_932 : memref<80xi32, #tpu.memory_space<vmem>>) semaphore(%arg21 : memref<!tpu.dma_semaphore, #tpu.memory_space<semaphore_mem>>) {add = true}
      %dma_start3A_936 = arith.constant 10 : i32
      %dma_start3A_937 = arith.constant 800 : i32
      %dma_start3A_938 = arith.constant 0 : i32
      %dma_start3A_939 = tpu.memref_slice %arg11[%dma_start3A_937, %dma_start3A_938] : memref<2000x8xf32, #tpu.memory_space<vmem>> -> memref<80x8xf32, #tpu.memory_space<vmem>>
      %dma_start3A_940 = arith.constant 0 : i32
      %dma_start3A_941 = tpu.memref_slice %arg9[%dma_start3A_936, %dma_start3A_940] : memref<25x80xi32, #tpu.memory_space<vmem>> -> memref<1x80xi32, #tpu.memory_space<vmem>>
      %dma_start3A_942 = tpu.memref_squeeze %dma_start3A_941 : memref<1x80xi32, #tpu.memory_space<vmem>> -> memref<80xi32, #tpu.memory_space<vmem>>
      %dma_start3A_943 = arith.constant 0 : i32
      %dma_start3A_944 = arith.constant 0 : i32
      %dma_start3A_945 = tpu.memref_slice %arg16[%dma_start3A_943, %dma_start3A_944] : memref<100000x8xf32, #tpu.memory_space<vmem_shared>> -> memref<100000x8xf32, #tpu.memory_space<vmem_shared>>
      tpu.enqueue_indirect_dma source(%dma_start3A_939 : memref<80x8xf32, #tpu.memory_space<vmem>>) target(%dma_start3A_945 : memref<100000x8xf32, #tpu.memory_space<vmem_shared>>) offsets(%dma_start3A_942 : memref<80xi32, #tpu.memory_space<vmem>>) semaphore(%arg21 : memref<!tpu.dma_semaphore, #tpu.memory_space<semaphore_mem>>) {add = true}
      %dma_start3A_946 = arith.constant 11 : i32
      %dma_start3A_947 = arith.constant 880 : i32
      %dma_start3A_948 = arith.constant 0 : i32
      %dma_start3A_949 = tpu.memref_slice %arg11[%dma_start3A_947, %dma_start3A_948] : memref<2000x8xf32, #tpu.memory_space<vmem>> -> memref<80x8xf32, #tpu.memory_space<vmem>>
      %dma_start3A_950 = arith.constant 0 : i32
      %dma_start3A_951 = tpu.memref_slice %arg9[%dma_start3A_946, %dma_start3A_950] : memref<25x80xi32, #tpu.memory_space<vmem>> -> memref<1x80xi32, #tpu.memory_space<vmem>>
      %dma_start3A_952 = tpu.memref_squeeze %dma_start3A_951 : memref<1x80xi32, #tpu.memory_space<vmem>> -> memref<80xi32, #tpu.memory_space<vmem>>
      %dma_start3A_953 = arith.constant 0 : i32
      %dma_start3A_954 = arith.constant 0 : i32
      %dma_start3A_955 = tpu.memref_slice %arg16[%dma_start3A_953, %dma_start3A_954] : memref<100000x8xf32, #tpu.memory_space<vmem_shared>> -> memref<100000x8xf32, #tpu.memory_space<vmem_shared>>
      tpu.enqueue_indirect_dma source(%dma_start3A_949 : memref<80x8xf32, #tpu.memory_space<vmem>>) target(%dma_start3A_955 : memref<100000x8xf32, #tpu.memory_space<vmem_shared>>) offsets(%dma_start3A_952 : memref<80xi32, #tpu.memory_space<vmem>>) semaphore(%arg21 : memref<!tpu.dma_semaphore, #tpu.memory_space<semaphore_mem>>) {add = true}
      %dma_start3A_956 = arith.constant 12 : i32
      %dma_start3A_957 = arith.constant 960 : i32
      %dma_start3A_958 = arith.constant 0 : i32
      %dma_start3A_959 = tpu.memref_slice %arg11[%dma_start3A_957, %dma_start3A_958] : memref<2000x8xf32, #tpu.memory_space<vmem>> -> memref<80x8xf32, #tpu.memory_space<vmem>>
      %dma_start3A_960 = arith.constant 0 : i32
      %dma_start3A_961 = tpu.memref_slice %arg9[%dma_start3A_956, %dma_start3A_960] : memref<25x80xi32, #tpu.memory_space<vmem>> -> memref<1x80xi32, #tpu.memory_space<vmem>>
      %dma_start3A_962 = tpu.memref_squeeze %dma_start3A_961 : memref<1x80xi32, #tpu.memory_space<vmem>> -> memref<80xi32, #tpu.memory_space<vmem>>
      %dma_start3A_963 = arith.constant 0 : i32
      %dma_start3A_964 = arith.constant 0 : i32
      %dma_start3A_965 = tpu.memref_slice %arg16[%dma_start3A_963, %dma_start3A_964] : memref<100000x8xf32, #tpu.memory_space<vmem_shared>> -> memref<100000x8xf32, #tpu.memory_space<vmem_shared>>
      tpu.enqueue_indirect_dma source(%dma_start3A_959 : memref<80x8xf32, #tpu.memory_space<vmem>>) target(%dma_start3A_965 : memref<100000x8xf32, #tpu.memory_space<vmem_shared>>) offsets(%dma_start3A_962 : memref<80xi32, #tpu.memory_space<vmem>>) semaphore(%arg21 : memref<!tpu.dma_semaphore, #tpu.memory_space<semaphore_mem>>) {add = true}
      %dma_start3A_966 = arith.constant 13 : i32
      %dma_start3A_967 = arith.constant 1040 : i32
      %dma_start3A_968 = arith.constant 0 : i32
      %dma_start3A_969 = tpu.memref_slice %arg11[%dma_start3A_967, %dma_start3A_968] : memref<2000x8xf32, #tpu.memory_space<vmem>> -> memref<80x8xf32, #tpu.memory_space<vmem>>
      %dma_start3A_970 = arith.constant 0 : i32
      %dma_start3A_971 = tpu.memref_slice %arg9[%dma_start3A_966, %dma_start3A_970] : memref<25x80xi32, #tpu.memory_space<vmem>> -> memref<1x80xi32, #tpu.memory_space<vmem>>
      %dma_start3A_972 = tpu.memref_squeeze %dma_start3A_971 : memref<1x80xi32, #tpu.memory_space<vmem>> -> memref<80xi32, #tpu.memory_space<vmem>>
      %dma_start3A_973 = arith.constant 0 : i32
      %dma_start3A_974 = arith.constant 0 : i32
      %dma_start3A_975 = tpu.memref_slice %arg16[%dma_start3A_973, %dma_start3A_974] : memref<100000x8xf32, #tpu.memory_space<vmem_shared>> -> memref<100000x8xf32, #tpu.memory_space<vmem_shared>>
      tpu.enqueue_indirect_dma source(%dma_start3A_969 : memref<80x8xf32, #tpu.memory_space<vmem>>) target(%dma_start3A_975 : memref<100000x8xf32, #tpu.memory_space<vmem_shared>>) offsets(%dma_start3A_972 : memref<80xi32, #tpu.memory_space<vmem>>) semaphore(%arg21 : memref<!tpu.dma_semaphore, #tpu.memory_space<semaphore_mem>>) {add = true}
      %dma_start3A_976 = arith.constant 14 : i32
      %dma_start3A_977 = arith.constant 1120 : i32
      %dma_start3A_978 = arith.constant 0 : i32
      %dma_start3A_979 = tpu.memref_slice %arg11[%dma_start3A_977, %dma_start3A_978] : memref<2000x8xf32, #tpu.memory_space<vmem>> -> memref<80x8xf32, #tpu.memory_space<vmem>>
      %dma_start3A_980 = arith.constant 0 : i32
      %dma_start3A_981 = tpu.memref_slice %arg9[%dma_start3A_976, %dma_start3A_980] : memref<25x80xi32, #tpu.memory_space<vmem>> -> memref<1x80xi32, #tpu.memory_space<vmem>>
      %dma_start3A_982 = tpu.memref_squeeze %dma_start3A_981 : memref<1x80xi32, #tpu.memory_space<vmem>> -> memref<80xi32, #tpu.memory_space<vmem>>
      %dma_start3A_983 = arith.constant 0 : i32
      %dma_start3A_984 = arith.constant 0 : i32
      %dma_start3A_985 = tpu.memref_slice %arg16[%dma_start3A_983, %dma_start3A_984] : memref<100000x8xf32, #tpu.memory_space<vmem_shared>> -> memref<100000x8xf32, #tpu.memory_space<vmem_shared>>
      tpu.enqueue_indirect_dma source(%dma_start3A_979 : memref<80x8xf32, #tpu.memory_space<vmem>>) target(%dma_start3A_985 : memref<100000x8xf32, #tpu.memory_space<vmem_shared>>) offsets(%dma_start3A_982 : memref<80xi32, #tpu.memory_space<vmem>>) semaphore(%arg21 : memref<!tpu.dma_semaphore, #tpu.memory_space<semaphore_mem>>) {add = true}
      %dma_start3A_986 = arith.constant 15 : i32
      %dma_start3A_987 = arith.constant 1200 : i32
      %dma_start3A_988 = arith.constant 0 : i32
      %dma_start3A_989 = tpu.memref_slice %arg11[%dma_start3A_987, %dma_start3A_988] : memref<2000x8xf32, #tpu.memory_space<vmem>> -> memref<80x8xf32, #tpu.memory_space<vmem>>
      %dma_start3A_990 = arith.constant 0 : i32
      %dma_start3A_991 = tpu.memref_slice %arg9[%dma_start3A_986, %dma_start3A_990] : memref<25x80xi32, #tpu.memory_space<vmem>> -> memref<1x80xi32, #tpu.memory_space<vmem>>
      %dma_start3A_992 = tpu.memref_squeeze %dma_start3A_991 : memref<1x80xi32, #tpu.memory_space<vmem>> -> memref<80xi32, #tpu.memory_space<vmem>>
      %dma_start3A_993 = arith.constant 0 : i32
      %dma_start3A_994 = arith.constant 0 : i32
      %dma_start3A_995 = tpu.memref_slice %arg16[%dma_start3A_993, %dma_start3A_994] : memref<100000x8xf32, #tpu.memory_space<vmem_shared>> -> memref<100000x8xf32, #tpu.memory_space<vmem_shared>>
      tpu.enqueue_indirect_dma source(%dma_start3A_989 : memref<80x8xf32, #tpu.memory_space<vmem>>) target(%dma_start3A_995 : memref<100000x8xf32, #tpu.memory_space<vmem_shared>>) offsets(%dma_start3A_992 : memref<80xi32, #tpu.memory_space<vmem>>) semaphore(%arg21 : memref<!tpu.dma_semaphore, #tpu.memory_space<semaphore_mem>>) {add = true}
      %dma_start3A_996 = arith.constant 16 : i32
      %dma_start3A_997 = arith.constant 1280 : i32
      %dma_start3A_998 = arith.constant 0 : i32
      %dma_start3A_999 = tpu.memref_slice %arg11[%dma_start3A_997, %dma_start3A_998] : memref<2000x8xf32, #tpu.memory_space<vmem>> -> memref<80x8xf32, #tpu.memory_space<vmem>>
      %dma_start3A_1000 = arith.constant 0 : i32
      %dma_start3A_1001 = tpu.memref_slice %arg9[%dma_start3A_996, %dma_start3A_1000] : memref<25x80xi32, #tpu.memory_space<vmem>> -> memref<1x80xi32, #tpu.memory_space<vmem>>
      %dma_start3A_1002 = tpu.memref_squeeze %dma_start3A_1001 : memref<1x80xi32, #tpu.memory_space<vmem>> -> memref<80xi32, #tpu.memory_space<vmem>>
      %dma_start3A_1003 = arith.constant 0 : i32
      %dma_start3A_1004 = arith.constant 0 : i32
      %dma_start3A_1005 = tpu.memref_slice %arg16[%dma_start3A_1003, %dma_start3A_1004] : memref<100000x8xf32, #tpu.memory_space<vmem_shared>> -> memref<100000x8xf32, #tpu.memory_space<vmem_shared>>
      tpu.enqueue_indirect_dma source(%dma_start3A_999 : memref<80x8xf32, #tpu.memory_space<vmem>>) target(%dma_start3A_1005 : memref<100000x8xf32, #tpu.memory_space<vmem_shared>>) offsets(%dma_start3A_1002 : memref<80xi32, #tpu.memory_space<vmem>>) semaphore(%arg21 : memref<!tpu.dma_semaphore, #tpu.memory_space<semaphore_mem>>) {add = true}
      %dma_start3A_1006 = arith.constant 17 : i32
      %dma_start3A_1007 = arith.constant 1360 : i32
      %dma_start3A_1008 = arith.constant 0 : i32
      %dma_start3A_1009 = tpu.memref_slice %arg11[%dma_start3A_1007, %dma_start3A_1008] : memref<2000x8xf32, #tpu.memory_space<vmem>> -> memref<80x8xf32, #tpu.memory_space<vmem>>
      %dma_start3A_1010 = arith.constant 0 : i32
      %dma_start3A_1011 = tpu.memref_slice %arg9[%dma_start3A_1006, %dma_start3A_1010] : memref<25x80xi32, #tpu.memory_space<vmem>> -> memref<1x80xi32, #tpu.memory_space<vmem>>
      %dma_start3A_1012 = tpu.memref_squeeze %dma_start3A_1011 : memref<1x80xi32, #tpu.memory_space<vmem>> -> memref<80xi32, #tpu.memory_space<vmem>>
      %dma_start3A_1013 = arith.constant 0 : i32
      %dma_start3A_1014 = arith.constant 0 : i32
      %dma_start3A_1015 = tpu.memref_slice %arg16[%dma_start3A_1013, %dma_start3A_1014] : memref<100000x8xf32, #tpu.memory_space<vmem_shared>> -> memref<100000x8xf32, #tpu.memory_space<vmem_shared>>
      tpu.enqueue_indirect_dma source(%dma_start3A_1009 : memref<80x8xf32, #tpu.memory_space<vmem>>) target(%dma_start3A_1015 : memref<100000x8xf32, #tpu.memory_space<vmem_shared>>) offsets(%dma_start3A_1012 : memref<80xi32, #tpu.memory_space<vmem>>) semaphore(%arg21 : memref<!tpu.dma_semaphore, #tpu.memory_space<semaphore_mem>>) {add = true}
      %dma_start3A_1016 = arith.constant 18 : i32
      %dma_start3A_1017 = arith.constant 1440 : i32
      %dma_start3A_1018 = arith.constant 0 : i32
      %dma_start3A_1019 = tpu.memref_slice %arg11[%dma_start3A_1017, %dma_start3A_1018] : memref<2000x8xf32, #tpu.memory_space<vmem>> -> memref<80x8xf32, #tpu.memory_space<vmem>>
      %dma_start3A_1020 = arith.constant 0 : i32
      %dma_start3A_1021 = tpu.memref_slice %arg9[%dma_start3A_1016, %dma_start3A_1020] : memref<25x80xi32, #tpu.memory_space<vmem>> -> memref<1x80xi32, #tpu.memory_space<vmem>>
      %dma_start3A_1022 = tpu.memref_squeeze %dma_start3A_1021 : memref<1x80xi32, #tpu.memory_space<vmem>> -> memref<80xi32, #tpu.memory_space<vmem>>
      %dma_start3A_1023 = arith.constant 0 : i32
      %dma_start3A_1024 = arith.constant 0 : i32
      %dma_start3A_1025 = tpu.memref_slice %arg16[%dma_start3A_1023, %dma_start3A_1024] : memref<100000x8xf32, #tpu.memory_space<vmem_shared>> -> memref<100000x8xf32, #tpu.memory_space<vmem_shared>>
      tpu.enqueue_indirect_dma source(%dma_start3A_1019 : memref<80x8xf32, #tpu.memory_space<vmem>>) target(%dma_start3A_1025 : memref<100000x8xf32, #tpu.memory_space<vmem_shared>>) offsets(%dma_start3A_1022 : memref<80xi32, #tpu.memory_space<vmem>>) semaphore(%arg21 : memref<!tpu.dma_semaphore, #tpu.memory_space<semaphore_mem>>) {add = true}
      %dma_start3A_1026 = arith.constant 19 : i32
      %dma_start3A_1027 = arith.constant 1520 : i32
      %dma_start3A_1028 = arith.constant 0 : i32
      %dma_start3A_1029 = tpu.memref_slice %arg11[%dma_start3A_1027, %dma_start3A_1028] : memref<2000x8xf32, #tpu.memory_space<vmem>> -> memref<80x8xf32, #tpu.memory_space<vmem>>
      %dma_start3A_1030 = arith.constant 0 : i32
      %dma_start3A_1031 = tpu.memref_slice %arg9[%dma_start3A_1026, %dma_start3A_1030] : memref<25x80xi32, #tpu.memory_space<vmem>> -> memref<1x80xi32, #tpu.memory_space<vmem>>
      %dma_start3A_1032 = tpu.memref_squeeze %dma_start3A_1031 : memref<1x80xi32, #tpu.memory_space<vmem>> -> memref<80xi32, #tpu.memory_space<vmem>>
      %dma_start3A_1033 = arith.constant 0 : i32
      %dma_start3A_1034 = arith.constant 0 : i32
      %dma_start3A_1035 = tpu.memref_slice %arg16[%dma_start3A_1033, %dma_start3A_1034] : memref<100000x8xf32, #tpu.memory_space<vmem_shared>> -> memref<100000x8xf32, #tpu.memory_space<vmem_shared>>
      tpu.enqueue_indirect_dma source(%dma_start3A_1029 : memref<80x8xf32, #tpu.memory_space<vmem>>) target(%dma_start3A_1035 : memref<100000x8xf32, #tpu.memory_space<vmem_shared>>) offsets(%dma_start3A_1032 : memref<80xi32, #tpu.memory_space<vmem>>) semaphore(%arg21 : memref<!tpu.dma_semaphore, #tpu.memory_space<semaphore_mem>>) {add = true}
      %dma_start3A_1036 = arith.constant 20 : i32
      %dma_start3A_1037 = arith.constant 1600 : i32
      %dma_start3A_1038 = arith.constant 0 : i32
      %dma_start3A_1039 = tpu.memref_slice %arg11[%dma_start3A_1037, %dma_start3A_1038] : memref<2000x8xf32, #tpu.memory_space<vmem>> -> memref<80x8xf32, #tpu.memory_space<vmem>>
      %dma_start3A_1040 = arith.constant 0 : i32
      %dma_start3A_1041 = tpu.memref_slice %arg9[%dma_start3A_1036, %dma_start3A_1040] : memref<25x80xi32, #tpu.memory_space<vmem>> -> memref<1x80xi32, #tpu.memory_space<vmem>>
      %dma_start3A_1042 = tpu.memref_squeeze %dma_start3A_1041 : memref<1x80xi32, #tpu.memory_space<vmem>> -> memref<80xi32, #tpu.memory_space<vmem>>
      %dma_start3A_1043 = arith.constant 0 : i32
      %dma_start3A_1044 = arith.constant 0 : i32
      %dma_start3A_1045 = tpu.memref_slice %arg16[%dma_start3A_1043, %dma_start3A_1044] : memref<100000x8xf32, #tpu.memory_space<vmem_shared>> -> memref<100000x8xf32, #tpu.memory_space<vmem_shared>>
      tpu.enqueue_indirect_dma source(%dma_start3A_1039 : memref<80x8xf32, #tpu.memory_space<vmem>>) target(%dma_start3A_1045 : memref<100000x8xf32, #tpu.memory_space<vmem_shared>>) offsets(%dma_start3A_1042 : memref<80xi32, #tpu.memory_space<vmem>>) semaphore(%arg21 : memref<!tpu.dma_semaphore, #tpu.memory_space<semaphore_mem>>) {add = true}
      %dma_start3A_1046 = arith.constant 21 : i32
      %dma_start3A_1047 = arith.constant 1680 : i32
      %dma_start3A_1048 = arith.constant 0 : i32
      %dma_start3A_1049 = tpu.memref_slice %arg11[%dma_start3A_1047, %dma_start3A_1048] : memref<2000x8xf32, #tpu.memory_space<vmem>> -> memref<80x8xf32, #tpu.memory_space<vmem>>
      %dma_start3A_1050 = arith.constant 0 : i32
      %dma_start3A_1051 = tpu.memref_slice %arg9[%dma_start3A_1046, %dma_start3A_1050] : memref<25x80xi32, #tpu.memory_space<vmem>> -> memref<1x80xi32, #tpu.memory_space<vmem>>
      %dma_start3A_1052 = tpu.memref_squeeze %dma_start3A_1051 : memref<1x80xi32, #tpu.memory_space<vmem>> -> memref<80xi32, #tpu.memory_space<vmem>>
      %dma_start3A_1053 = arith.constant 0 : i32
      %dma_start3A_1054 = arith.constant 0 : i32
      %dma_start3A_1055 = tpu.memref_slice %arg16[%dma_start3A_1053, %dma_start3A_1054] : memref<100000x8xf32, #tpu.memory_space<vmem_shared>> -> memref<100000x8xf32, #tpu.memory_space<vmem_shared>>
      tpu.enqueue_indirect_dma source(%dma_start3A_1049 : memref<80x8xf32, #tpu.memory_space<vmem>>) target(%dma_start3A_1055 : memref<100000x8xf32, #tpu.memory_space<vmem_shared>>) offsets(%dma_start3A_1052 : memref<80xi32, #tpu.memory_space<vmem>>) semaphore(%arg21 : memref<!tpu.dma_semaphore, #tpu.memory_space<semaphore_mem>>) {add = true}
      %dma_start3A_1056 = arith.constant 22 : i32
      %dma_start3A_1057 = arith.constant 1760 : i32
      %dma_start3A_1058 = arith.constant 0 : i32
      %dma_start3A_1059 = tpu.memref_slice %arg11[%dma_start3A_1057, %dma_start3A_1058] : memref<2000x8xf32, #tpu.memory_space<vmem>> -> memref<80x8xf32, #tpu.memory_space<vmem>>
      %dma_start3A_1060 = arith.constant 0 : i32
      %dma_start3A_1061 = tpu.memref_slice %arg9[%dma_start3A_1056, %dma_start3A_1060] : memref<25x80xi32, #tpu.memory_space<vmem>> -> memref<1x80xi32, #tpu.memory_space<vmem>>
      %dma_start3A_1062 = tpu.memref_squeeze %dma_start3A_1061 : memref<1x80xi32, #tpu.memory_space<vmem>> -> memref<80xi32, #tpu.memory_space<vmem>>
      %dma_start3A_1063 = arith.constant 0 : i32
      %dma_start3A_1064 = arith.constant 0 : i32
      %dma_start3A_1065 = tpu.memref_slice %arg16[%dma_start3A_1063, %dma_start3A_1064] : memref<100000x8xf32, #tpu.memory_space<vmem_shared>> -> memref<100000x8xf32, #tpu.memory_space<vmem_shared>>
      tpu.enqueue_indirect_dma source(%dma_start3A_1059 : memref<80x8xf32, #tpu.memory_space<vmem>>) target(%dma_start3A_1065 : memref<100000x8xf32, #tpu.memory_space<vmem_shared>>) offsets(%dma_start3A_1062 : memref<80xi32, #tpu.memory_space<vmem>>) semaphore(%arg21 : memref<!tpu.dma_semaphore, #tpu.memory_space<semaphore_mem>>) {add = true}
      %dma_start3A_1066 = arith.constant 23 : i32
      %dma_start3A_1067 = arith.constant 1840 : i32
      %dma_start3A_1068 = arith.constant 0 : i32
      %dma_start3A_1069 = tpu.memref_slice %arg11[%dma_start3A_1067, %dma_start3A_1068] : memref<2000x8xf32, #tpu.memory_space<vmem>> -> memref<80x8xf32, #tpu.memory_space<vmem>>
      %dma_start3A_1070 = arith.constant 0 : i32
      %dma_start3A_1071 = tpu.memref_slice %arg9[%dma_start3A_1066, %dma_start3A_1070] : memref<25x80xi32, #tpu.memory_space<vmem>> -> memref<1x80xi32, #tpu.memory_space<vmem>>
      %dma_start3A_1072 = tpu.memref_squeeze %dma_start3A_1071 : memref<1x80xi32, #tpu.memory_space<vmem>> -> memref<80xi32, #tpu.memory_space<vmem>>
      %dma_start3A_1073 = arith.constant 0 : i32
      %dma_start3A_1074 = arith.constant 0 : i32
      %dma_start3A_1075 = tpu.memref_slice %arg16[%dma_start3A_1073, %dma_start3A_1074] : memref<100000x8xf32, #tpu.memory_space<vmem_shared>> -> memref<100000x8xf32, #tpu.memory_space<vmem_shared>>
      tpu.enqueue_indirect_dma source(%dma_start3A_1069 : memref<80x8xf32, #tpu.memory_space<vmem>>) target(%dma_start3A_1075 : memref<100000x8xf32, #tpu.memory_space<vmem_shared>>) offsets(%dma_start3A_1072 : memref<80xi32, #tpu.memory_space<vmem>>) semaphore(%arg21 : memref<!tpu.dma_semaphore, #tpu.memory_space<semaphore_mem>>) {add = true}
      %dma_start3A_1076 = arith.constant 24 : i32
      %dma_start3A_1077 = arith.constant 1920 : i32
      %dma_start3A_1078 = arith.constant 0 : i32
      %dma_start3A_1079 = tpu.memref_slice %arg11[%dma_start3A_1077, %dma_start3A_1078] : memref<2000x8xf32, #tpu.memory_space<vmem>> -> memref<80x8xf32, #tpu.memory_space<vmem>>
      %dma_start3A_1080 = arith.constant 0 : i32
      %dma_start3A_1081 = tpu.memref_slice %arg9[%dma_start3A_1076, %dma_start3A_1080] : memref<25x80xi32, #tpu.memory_space<vmem>> -> memref<1x80xi32, #tpu.memory_space<vmem>>
      %dma_start3A_1082 = tpu.memref_squeeze %dma_start3A_1081 : memref<1x80xi32, #tpu.memory_space<vmem>> -> memref<80xi32, #tpu.memory_space<vmem>>
      %dma_start3A_1083 = arith.constant 0 : i32
      %dma_start3A_1084 = arith.constant 0 : i32
      %dma_start3A_1085 = tpu.memref_slice %arg16[%dma_start3A_1083, %dma_start3A_1084] : memref<100000x8xf32, #tpu.memory_space<vmem_shared>> -> memref<100000x8xf32, #tpu.memory_space<vmem_shared>>
      tpu.enqueue_indirect_dma source(%dma_start3A_1079 : memref<80x8xf32, #tpu.memory_space<vmem>>) target(%dma_start3A_1085 : memref<100000x8xf32, #tpu.memory_space<vmem_shared>>) offsets(%dma_start3A_1082 : memref<80xi32, #tpu.memory_space<vmem>>) semaphore(%arg21 : memref<!tpu.dma_semaphore, #tpu.memory_space<semaphore_mem>>) {add = true}
      %dma_wait3A_1086 = arith.constant 0 : i32
      %dma_wait3A_1087 = arith.constant 0 : i32
      %dma_wait3A_1088 = arith.constant 0 : i32
      %dma_wait3A_1089 = tpu.memref_slice %arg15[%dma_wait3A_1087, %dma_wait3A_1088] : memref<2000x8xf32, #tpu.memory_space<vmem>> -> memref<80x8xf32, #tpu.memory_space<vmem>>
      %dma_wait3A_1090 = arith.constant 0 : i32
      %dma_wait3A_1091 = tpu.memref_slice %arg12[%dma_wait3A_1086, %dma_wait3A_1090] : memref<25x80xi32, #tpu.memory_space<vmem>> -> memref<1x80xi32, #tpu.memory_space<vmem>>
      %dma_wait3A_1092 = tpu.memref_squeeze %dma_wait3A_1091 : memref<1x80xi32, #tpu.memory_space<vmem>> -> memref<80xi32, #tpu.memory_space<vmem>>
      %dma_wait3A_1093 = arith.constant 0 : i32
      %dma_wait3A_1094 = arith.constant 0 : i32
      %dma_wait3A_1095 = tpu.memref_slice %arg2[%dma_wait3A_1093, %dma_wait3A_1094] : memref<100000x8xf32, #tpu.memory_space<hbm>> -> memref<100000x8xf32, #tpu.memory_space<hbm>>
      tpu.wait_indirect_dma semaphore(%arg20 : memref<!tpu.dma_semaphore, #tpu.memory_space<semaphore_mem>>) src(%dma_wait3A_1095 : memref<100000x8xf32, #tpu.memory_space<hbm>>) dst(%dma_wait3A_1089 : memref<80x8xf32, #tpu.memory_space<vmem>>)
      %dma_wait3A_1096 = arith.constant 1 : i32
      %dma_wait3A_1097 = arith.constant 80 : i32
      %dma_wait3A_1098 = arith.constant 0 : i32
      %dma_wait3A_1099 = tpu.memref_slice %arg15[%dma_wait3A_1097, %dma_wait3A_1098] : memref<2000x8xf32, #tpu.memory_space<vmem>> -> memref<80x8xf32, #tpu.memory_space<vmem>>
      %dma_wait3A_1100 = arith.constant 0 : i32
      %dma_wait3A_1101 = tpu.memref_slice %arg12[%dma_wait3A_1096, %dma_wait3A_1100] : memref<25x80xi32, #tpu.memory_space<vmem>> -> memref<1x80xi32, #tpu.memory_space<vmem>>
      %dma_wait3A_1102 = tpu.memref_squeeze %dma_wait3A_1101 : memref<1x80xi32, #tpu.memory_space<vmem>> -> memref<80xi32, #tpu.memory_space<vmem>>
      %dma_wait3A_1103 = arith.constant 0 : i32
      %dma_wait3A_1104 = arith.constant 0 : i32
      %dma_wait3A_1105 = tpu.memref_slice %arg2[%dma_wait3A_1103, %dma_wait3A_1104] : memref<100000x8xf32, #tpu.memory_space<hbm>> -> memref<100000x8xf32, #tpu.memory_space<hbm>>
      tpu.wait_indirect_dma semaphore(%arg20 : memref<!tpu.dma_semaphore, #tpu.memory_space<semaphore_mem>>) src(%dma_wait3A_1105 : memref<100000x8xf32, #tpu.memory_space<hbm>>) dst(%dma_wait3A_1099 : memref<80x8xf32, #tpu.memory_space<vmem>>)
      %dma_wait3A_1106 = arith.constant 2 : i32
      %dma_wait3A_1107 = arith.constant 160 : i32
      %dma_wait3A_1108 = arith.constant 0 : i32
      %dma_wait3A_1109 = tpu.memref_slice %arg15[%dma_wait3A_1107, %dma_wait3A_1108] : memref<2000x8xf32, #tpu.memory_space<vmem>> -> memref<80x8xf32, #tpu.memory_space<vmem>>
      %dma_wait3A_1110 = arith.constant 0 : i32
      %dma_wait3A_1111 = tpu.memref_slice %arg12[%dma_wait3A_1106, %dma_wait3A_1110] : memref<25x80xi32, #tpu.memory_space<vmem>> -> memref<1x80xi32, #tpu.memory_space<vmem>>
      %dma_wait3A_1112 = tpu.memref_squeeze %dma_wait3A_1111 : memref<1x80xi32, #tpu.memory_space<vmem>> -> memref<80xi32, #tpu.memory_space<vmem>>
      %dma_wait3A_1113 = arith.constant 0 : i32
      %dma_wait3A_1114 = arith.constant 0 : i32
      %dma_wait3A_1115 = tpu.memref_slice %arg2[%dma_wait3A_1113, %dma_wait3A_1114] : memref<100000x8xf32, #tpu.memory_space<hbm>> -> memref<100000x8xf32, #tpu.memory_space<hbm>>
      tpu.wait_indirect_dma semaphore(%arg20 : memref<!tpu.dma_semaphore, #tpu.memory_space<semaphore_mem>>) src(%dma_wait3A_1115 : memref<100000x8xf32, #tpu.memory_space<hbm>>) dst(%dma_wait3A_1109 : memref<80x8xf32, #tpu.memory_space<vmem>>)
      %dma_wait3A_1116 = arith.constant 3 : i32
      %dma_wait3A_1117 = arith.constant 240 : i32
      %dma_wait3A_1118 = arith.constant 0 : i32
      %dma_wait3A_1119 = tpu.memref_slice %arg15[%dma_wait3A_1117, %dma_wait3A_1118] : memref<2000x8xf32, #tpu.memory_space<vmem>> -> memref<80x8xf32, #tpu.memory_space<vmem>>
      %dma_wait3A_1120 = arith.constant 0 : i32
      %dma_wait3A_1121 = tpu.memref_slice %arg12[%dma_wait3A_1116, %dma_wait3A_1120] : memref<25x80xi32, #tpu.memory_space<vmem>> -> memref<1x80xi32, #tpu.memory_space<vmem>>
      %dma_wait3A_1122 = tpu.memref_squeeze %dma_wait3A_1121 : memref<1x80xi32, #tpu.memory_space<vmem>> -> memref<80xi32, #tpu.memory_space<vmem>>
      %dma_wait3A_1123 = arith.constant 0 : i32
      %dma_wait3A_1124 = arith.constant 0 : i32
      %dma_wait3A_1125 = tpu.memref_slice %arg2[%dma_wait3A_1123, %dma_wait3A_1124] : memref<100000x8xf32, #tpu.memory_space<hbm>> -> memref<100000x8xf32, #tpu.memory_space<hbm>>
      tpu.wait_indirect_dma semaphore(%arg20 : memref<!tpu.dma_semaphore, #tpu.memory_space<semaphore_mem>>) src(%dma_wait3A_1125 : memref<100000x8xf32, #tpu.memory_space<hbm>>) dst(%dma_wait3A_1119 : memref<80x8xf32, #tpu.memory_space<vmem>>)
      %dma_wait3A_1126 = arith.constant 4 : i32
      %dma_wait3A_1127 = arith.constant 320 : i32
      %dma_wait3A_1128 = arith.constant 0 : i32
      %dma_wait3A_1129 = tpu.memref_slice %arg15[%dma_wait3A_1127, %dma_wait3A_1128] : memref<2000x8xf32, #tpu.memory_space<vmem>> -> memref<80x8xf32, #tpu.memory_space<vmem>>
      %dma_wait3A_1130 = arith.constant 0 : i32
      %dma_wait3A_1131 = tpu.memref_slice %arg12[%dma_wait3A_1126, %dma_wait3A_1130] : memref<25x80xi32, #tpu.memory_space<vmem>> -> memref<1x80xi32, #tpu.memory_space<vmem>>
      %dma_wait3A_1132 = tpu.memref_squeeze %dma_wait3A_1131 : memref<1x80xi32, #tpu.memory_space<vmem>> -> memref<80xi32, #tpu.memory_space<vmem>>
      %dma_wait3A_1133 = arith.constant 0 : i32
      %dma_wait3A_1134 = arith.constant 0 : i32
      %dma_wait3A_1135 = tpu.memref_slice %arg2[%dma_wait3A_1133, %dma_wait3A_1134] : memref<100000x8xf32, #tpu.memory_space<hbm>> -> memref<100000x8xf32, #tpu.memory_space<hbm>>
      tpu.wait_indirect_dma semaphore(%arg20 : memref<!tpu.dma_semaphore, #tpu.memory_space<semaphore_mem>>) src(%dma_wait3A_1135 : memref<100000x8xf32, #tpu.memory_space<hbm>>) dst(%dma_wait3A_1129 : memref<80x8xf32, #tpu.memory_space<vmem>>)
      %dma_wait3A_1136 = arith.constant 5 : i32
      %dma_wait3A_1137 = arith.constant 400 : i32
      %dma_wait3A_1138 = arith.constant 0 : i32
      %dma_wait3A_1139 = tpu.memref_slice %arg15[%dma_wait3A_1137, %dma_wait3A_1138] : memref<2000x8xf32, #tpu.memory_space<vmem>> -> memref<80x8xf32, #tpu.memory_space<vmem>>
      %dma_wait3A_1140 = arith.constant 0 : i32
      %dma_wait3A_1141 = tpu.memref_slice %arg12[%dma_wait3A_1136, %dma_wait3A_1140] : memref<25x80xi32, #tpu.memory_space<vmem>> -> memref<1x80xi32, #tpu.memory_space<vmem>>
      %dma_wait3A_1142 = tpu.memref_squeeze %dma_wait3A_1141 : memref<1x80xi32, #tpu.memory_space<vmem>> -> memref<80xi32, #tpu.memory_space<vmem>>
      %dma_wait3A_1143 = arith.constant 0 : i32
      %dma_wait3A_1144 = arith.constant 0 : i32
      %dma_wait3A_1145 = tpu.memref_slice %arg2[%dma_wait3A_1143, %dma_wait3A_1144] : memref<100000x8xf32, #tpu.memory_space<hbm>> -> memref<100000x8xf32, #tpu.memory_space<hbm>>
      tpu.wait_indirect_dma semaphore(%arg20 : memref<!tpu.dma_semaphore, #tpu.memory_space<semaphore_mem>>) src(%dma_wait3A_1145 : memref<100000x8xf32, #tpu.memory_space<hbm>>) dst(%dma_wait3A_1139 : memref<80x8xf32, #tpu.memory_space<vmem>>)
      %dma_wait3A_1146 = arith.constant 6 : i32
      %dma_wait3A_1147 = arith.constant 480 : i32
      %dma_wait3A_1148 = arith.constant 0 : i32
      %dma_wait3A_1149 = tpu.memref_slice %arg15[%dma_wait3A_1147, %dma_wait3A_1148] : memref<2000x8xf32, #tpu.memory_space<vmem>> -> memref<80x8xf32, #tpu.memory_space<vmem>>
      %dma_wait3A_1150 = arith.constant 0 : i32
      %dma_wait3A_1151 = tpu.memref_slice %arg12[%dma_wait3A_1146, %dma_wait3A_1150] : memref<25x80xi32, #tpu.memory_space<vmem>> -> memref<1x80xi32, #tpu.memory_space<vmem>>
      %dma_wait3A_1152 = tpu.memref_squeeze %dma_wait3A_1151 : memref<1x80xi32, #tpu.memory_space<vmem>> -> memref<80xi32, #tpu.memory_space<vmem>>
      %dma_wait3A_1153 = arith.constant 0 : i32
      %dma_wait3A_1154 = arith.constant 0 : i32
      %dma_wait3A_1155 = tpu.memref_slice %arg2[%dma_wait3A_1153, %dma_wait3A_1154] : memref<100000x8xf32, #tpu.memory_space<hbm>> -> memref<100000x8xf32, #tpu.memory_space<hbm>>
      tpu.wait_indirect_dma semaphore(%arg20 : memref<!tpu.dma_semaphore, #tpu.memory_space<semaphore_mem>>) src(%dma_wait3A_1155 : memref<100000x8xf32, #tpu.memory_space<hbm>>) dst(%dma_wait3A_1149 : memref<80x8xf32, #tpu.memory_space<vmem>>)
      %dma_wait3A_1156 = arith.constant 7 : i32
      %dma_wait3A_1157 = arith.constant 560 : i32
      %dma_wait3A_1158 = arith.constant 0 : i32
      %dma_wait3A_1159 = tpu.memref_slice %arg15[%dma_wait3A_1157, %dma_wait3A_1158] : memref<2000x8xf32, #tpu.memory_space<vmem>> -> memref<80x8xf32, #tpu.memory_space<vmem>>
      %dma_wait3A_1160 = arith.constant 0 : i32
      %dma_wait3A_1161 = tpu.memref_slice %arg12[%dma_wait3A_1156, %dma_wait3A_1160] : memref<25x80xi32, #tpu.memory_space<vmem>> -> memref<1x80xi32, #tpu.memory_space<vmem>>
      %dma_wait3A_1162 = tpu.memref_squeeze %dma_wait3A_1161 : memref<1x80xi32, #tpu.memory_space<vmem>> -> memref<80xi32, #tpu.memory_space<vmem>>
      %dma_wait3A_1163 = arith.constant 0 : i32
      %dma_wait3A_1164 = arith.constant 0 : i32
      %dma_wait3A_1165 = tpu.memref_slice %arg2[%dma_wait3A_1163, %dma_wait3A_1164] : memref<100000x8xf32, #tpu.memory_space<hbm>> -> memref<100000x8xf32, #tpu.memory_space<hbm>>
      tpu.wait_indirect_dma semaphore(%arg20 : memref<!tpu.dma_semaphore, #tpu.memory_space<semaphore_mem>>) src(%dma_wait3A_1165 : memref<100000x8xf32, #tpu.memory_space<hbm>>) dst(%dma_wait3A_1159 : memref<80x8xf32, #tpu.memory_space<vmem>>)
      %dma_wait3A_1166 = arith.constant 8 : i32
      %dma_wait3A_1167 = arith.constant 640 : i32
      %dma_wait3A_1168 = arith.constant 0 : i32
      %dma_wait3A_1169 = tpu.memref_slice %arg15[%dma_wait3A_1167, %dma_wait3A_1168] : memref<2000x8xf32, #tpu.memory_space<vmem>> -> memref<80x8xf32, #tpu.memory_space<vmem>>
      %dma_wait3A_1170 = arith.constant 0 : i32
      %dma_wait3A_1171 = tpu.memref_slice %arg12[%dma_wait3A_1166, %dma_wait3A_1170] : memref<25x80xi32, #tpu.memory_space<vmem>> -> memref<1x80xi32, #tpu.memory_space<vmem>>
      %dma_wait3A_1172 = tpu.memref_squeeze %dma_wait3A_1171 : memref<1x80xi32, #tpu.memory_space<vmem>> -> memref<80xi32, #tpu.memory_space<vmem>>
      %dma_wait3A_1173 = arith.constant 0 : i32
      %dma_wait3A_1174 = arith.constant 0 : i32
      %dma_wait3A_1175 = tpu.memref_slice %arg2[%dma_wait3A_1173, %dma_wait3A_1174] : memref<100000x8xf32, #tpu.memory_space<hbm>> -> memref<100000x8xf32, #tpu.memory_space<hbm>>
      tpu.wait_indirect_dma semaphore(%arg20 : memref<!tpu.dma_semaphore, #tpu.memory_space<semaphore_mem>>) src(%dma_wait3A_1175 : memref<100000x8xf32, #tpu.memory_space<hbm>>) dst(%dma_wait3A_1169 : memref<80x8xf32, #tpu.memory_space<vmem>>)
      %dma_wait3A_1176 = arith.constant 9 : i32
      %dma_wait3A_1177 = arith.constant 720 : i32
      %dma_wait3A_1178 = arith.constant 0 : i32
      %dma_wait3A_1179 = tpu.memref_slice %arg15[%dma_wait3A_1177, %dma_wait3A_1178] : memref<2000x8xf32, #tpu.memory_space<vmem>> -> memref<80x8xf32, #tpu.memory_space<vmem>>
      %dma_wait3A_1180 = arith.constant 0 : i32
      %dma_wait3A_1181 = tpu.memref_slice %arg12[%dma_wait3A_1176, %dma_wait3A_1180] : memref<25x80xi32, #tpu.memory_space<vmem>> -> memref<1x80xi32, #tpu.memory_space<vmem>>
      %dma_wait3A_1182 = tpu.memref_squeeze %dma_wait3A_1181 : memref<1x80xi32, #tpu.memory_space<vmem>> -> memref<80xi32, #tpu.memory_space<vmem>>
      %dma_wait3A_1183 = arith.constant 0 : i32
      %dma_wait3A_1184 = arith.constant 0 : i32
      %dma_wait3A_1185 = tpu.memref_slice %arg2[%dma_wait3A_1183, %dma_wait3A_1184] : memref<100000x8xf32, #tpu.memory_space<hbm>> -> memref<100000x8xf32, #tpu.memory_space<hbm>>
      tpu.wait_indirect_dma semaphore(%arg20 : memref<!tpu.dma_semaphore, #tpu.memory_space<semaphore_mem>>) src(%dma_wait3A_1185 : memref<100000x8xf32, #tpu.memory_space<hbm>>) dst(%dma_wait3A_1179 : memref<80x8xf32, #tpu.memory_space<vmem>>)
      %dma_wait3A_1186 = arith.constant 10 : i32
      %dma_wait3A_1187 = arith.constant 800 : i32
      %dma_wait3A_1188 = arith.constant 0 : i32
      %dma_wait3A_1189 = tpu.memref_slice %arg15[%dma_wait3A_1187, %dma_wait3A_1188] : memref<2000x8xf32, #tpu.memory_space<vmem>> -> memref<80x8xf32, #tpu.memory_space<vmem>>
      %dma_wait3A_1190 = arith.constant 0 : i32
      %dma_wait3A_1191 = tpu.memref_slice %arg12[%dma_wait3A_1186, %dma_wait3A_1190] : memref<25x80xi32, #tpu.memory_space<vmem>> -> memref<1x80xi32, #tpu.memory_space<vmem>>
      %dma_wait3A_1192 = tpu.memref_squeeze %dma_wait3A_1191 : memref<1x80xi32, #tpu.memory_space<vmem>> -> memref<80xi32, #tpu.memory_space<vmem>>
      %dma_wait3A_1193 = arith.constant 0 : i32
      %dma_wait3A_1194 = arith.constant 0 : i32
      %dma_wait3A_1195 = tpu.memref_slice %arg2[%dma_wait3A_1193, %dma_wait3A_1194] : memref<100000x8xf32, #tpu.memory_space<hbm>> -> memref<100000x8xf32, #tpu.memory_space<hbm>>
      tpu.wait_indirect_dma semaphore(%arg20 : memref<!tpu.dma_semaphore, #tpu.memory_space<semaphore_mem>>) src(%dma_wait3A_1195 : memref<100000x8xf32, #tpu.memory_space<hbm>>) dst(%dma_wait3A_1189 : memref<80x8xf32, #tpu.memory_space<vmem>>)
      %dma_wait3A_1196 = arith.constant 11 : i32
      %dma_wait3A_1197 = arith.constant 880 : i32
      %dma_wait3A_1198 = arith.constant 0 : i32
      %dma_wait3A_1199 = tpu.memref_slice %arg15[%dma_wait3A_1197, %dma_wait3A_1198] : memref<2000x8xf32, #tpu.memory_space<vmem>> -> memref<80x8xf32, #tpu.memory_space<vmem>>
      %dma_wait3A_1200 = arith.constant 0 : i32
      %dma_wait3A_1201 = tpu.memref_slice %arg12[%dma_wait3A_1196, %dma_wait3A_1200] : memref<25x80xi32, #tpu.memory_space<vmem>> -> memref<1x80xi32, #tpu.memory_space<vmem>>
      %dma_wait3A_1202 = tpu.memref_squeeze %dma_wait3A_1201 : memref<1x80xi32, #tpu.memory_space<vmem>> -> memref<80xi32, #tpu.memory_space<vmem>>
      %dma_wait3A_1203 = arith.constant 0 : i32
      %dma_wait3A_1204 = arith.constant 0 : i32
      %dma_wait3A_1205 = tpu.memref_slice %arg2[%dma_wait3A_1203, %dma_wait3A_1204] : memref<100000x8xf32, #tpu.memory_space<hbm>> -> memref<100000x8xf32, #tpu.memory_space<hbm>>
      tpu.wait_indirect_dma semaphore(%arg20 : memref<!tpu.dma_semaphore, #tpu.memory_space<semaphore_mem>>) src(%dma_wait3A_1205 : memref<100000x8xf32, #tpu.memory_space<hbm>>) dst(%dma_wait3A_1199 : memref<80x8xf32, #tpu.memory_space<vmem>>)
      %dma_wait3A_1206 = arith.constant 12 : i32
      %dma_wait3A_1207 = arith.constant 960 : i32
      %dma_wait3A_1208 = arith.constant 0 : i32
      %dma_wait3A_1209 = tpu.memref_slice %arg15[%dma_wait3A_1207, %dma_wait3A_1208] : memref<2000x8xf32, #tpu.memory_space<vmem>> -> memref<80x8xf32, #tpu.memory_space<vmem>>
      %dma_wait3A_1210 = arith.constant 0 : i32
      %dma_wait3A_1211 = tpu.memref_slice %arg12[%dma_wait3A_1206, %dma_wait3A_1210] : memref<25x80xi32, #tpu.memory_space<vmem>> -> memref<1x80xi32, #tpu.memory_space<vmem>>
      %dma_wait3A_1212 = tpu.memref_squeeze %dma_wait3A_1211 : memref<1x80xi32, #tpu.memory_space<vmem>> -> memref<80xi32, #tpu.memory_space<vmem>>
      %dma_wait3A_1213 = arith.constant 0 : i32
      %dma_wait3A_1214 = arith.constant 0 : i32
      %dma_wait3A_1215 = tpu.memref_slice %arg2[%dma_wait3A_1213, %dma_wait3A_1214] : memref<100000x8xf32, #tpu.memory_space<hbm>> -> memref<100000x8xf32, #tpu.memory_space<hbm>>
      tpu.wait_indirect_dma semaphore(%arg20 : memref<!tpu.dma_semaphore, #tpu.memory_space<semaphore_mem>>) src(%dma_wait3A_1215 : memref<100000x8xf32, #tpu.memory_space<hbm>>) dst(%dma_wait3A_1209 : memref<80x8xf32, #tpu.memory_space<vmem>>)
      %dma_wait3A_1216 = arith.constant 13 : i32
      %dma_wait3A_1217 = arith.constant 1040 : i32
      %dma_wait3A_1218 = arith.constant 0 : i32
      %dma_wait3A_1219 = tpu.memref_slice %arg15[%dma_wait3A_1217, %dma_wait3A_1218] : memref<2000x8xf32, #tpu.memory_space<vmem>> -> memref<80x8xf32, #tpu.memory_space<vmem>>
      %dma_wait3A_1220 = arith.constant 0 : i32
      %dma_wait3A_1221 = tpu.memref_slice %arg12[%dma_wait3A_1216, %dma_wait3A_1220] : memref<25x80xi32, #tpu.memory_space<vmem>> -> memref<1x80xi32, #tpu.memory_space<vmem>>
      %dma_wait3A_1222 = tpu.memref_squeeze %dma_wait3A_1221 : memref<1x80xi32, #tpu.memory_space<vmem>> -> memref<80xi32, #tpu.memory_space<vmem>>
      %dma_wait3A_1223 = arith.constant 0 : i32
      %dma_wait3A_1224 = arith.constant 0 : i32
      %dma_wait3A_1225 = tpu.memref_slice %arg2[%dma_wait3A_1223, %dma_wait3A_1224] : memref<100000x8xf32, #tpu.memory_space<hbm>> -> memref<100000x8xf32, #tpu.memory_space<hbm>>
      tpu.wait_indirect_dma semaphore(%arg20 : memref<!tpu.dma_semaphore, #tpu.memory_space<semaphore_mem>>) src(%dma_wait3A_1225 : memref<100000x8xf32, #tpu.memory_space<hbm>>) dst(%dma_wait3A_1219 : memref<80x8xf32, #tpu.memory_space<vmem>>)
      %dma_wait3A_1226 = arith.constant 14 : i32
      %dma_wait3A_1227 = arith.constant 1120 : i32
      %dma_wait3A_1228 = arith.constant 0 : i32
      %dma_wait3A_1229 = tpu.memref_slice %arg15[%dma_wait3A_1227, %dma_wait3A_1228] : memref<2000x8xf32, #tpu.memory_space<vmem>> -> memref<80x8xf32, #tpu.memory_space<vmem>>
      %dma_wait3A_1230 = arith.constant 0 : i32
      %dma_wait3A_1231 = tpu.memref_slice %arg12[%dma_wait3A_1226, %dma_wait3A_1230] : memref<25x80xi32, #tpu.memory_space<vmem>> -> memref<1x80xi32, #tpu.memory_space<vmem>>
      %dma_wait3A_1232 = tpu.memref_squeeze %dma_wait3A_1231 : memref<1x80xi32, #tpu.memory_space<vmem>> -> memref<80xi32, #tpu.memory_space<vmem>>
      %dma_wait3A_1233 = arith.constant 0 : i32
      %dma_wait3A_1234 = arith.constant 0 : i32
      %dma_wait3A_1235 = tpu.memref_slice %arg2[%dma_wait3A_1233, %dma_wait3A_1234] : memref<100000x8xf32, #tpu.memory_space<hbm>> -> memref<100000x8xf32, #tpu.memory_space<hbm>>
      tpu.wait_indirect_dma semaphore(%arg20 : memref<!tpu.dma_semaphore, #tpu.memory_space<semaphore_mem>>) src(%dma_wait3A_1235 : memref<100000x8xf32, #tpu.memory_space<hbm>>) dst(%dma_wait3A_1229 : memref<80x8xf32, #tpu.memory_space<vmem>>)
      %dma_wait3A_1236 = arith.constant 15 : i32
      %dma_wait3A_1237 = arith.constant 1200 : i32
      %dma_wait3A_1238 = arith.constant 0 : i32
      %dma_wait3A_1239 = tpu.memref_slice %arg15[%dma_wait3A_1237, %dma_wait3A_1238] : memref<2000x8xf32, #tpu.memory_space<vmem>> -> memref<80x8xf32, #tpu.memory_space<vmem>>
      %dma_wait3A_1240 = arith.constant 0 : i32
      %dma_wait3A_1241 = tpu.memref_slice %arg12[%dma_wait3A_1236, %dma_wait3A_1240] : memref<25x80xi32, #tpu.memory_space<vmem>> -> memref<1x80xi32, #tpu.memory_space<vmem>>
      %dma_wait3A_1242 = tpu.memref_squeeze %dma_wait3A_1241 : memref<1x80xi32, #tpu.memory_space<vmem>> -> memref<80xi32, #tpu.memory_space<vmem>>
      %dma_wait3A_1243 = arith.constant 0 : i32
      %dma_wait3A_1244 = arith.constant 0 : i32
      %dma_wait3A_1245 = tpu.memref_slice %arg2[%dma_wait3A_1243, %dma_wait3A_1244] : memref<100000x8xf32, #tpu.memory_space<hbm>> -> memref<100000x8xf32, #tpu.memory_space<hbm>>
      tpu.wait_indirect_dma semaphore(%arg20 : memref<!tpu.dma_semaphore, #tpu.memory_space<semaphore_mem>>) src(%dma_wait3A_1245 : memref<100000x8xf32, #tpu.memory_space<hbm>>) dst(%dma_wait3A_1239 : memref<80x8xf32, #tpu.memory_space<vmem>>)
      %dma_wait3A_1246 = arith.constant 16 : i32
      %dma_wait3A_1247 = arith.constant 1280 : i32
      %dma_wait3A_1248 = arith.constant 0 : i32
      %dma_wait3A_1249 = tpu.memref_slice %arg15[%dma_wait3A_1247, %dma_wait3A_1248] : memref<2000x8xf32, #tpu.memory_space<vmem>> -> memref<80x8xf32, #tpu.memory_space<vmem>>
      %dma_wait3A_1250 = arith.constant 0 : i32
      %dma_wait3A_1251 = tpu.memref_slice %arg12[%dma_wait3A_1246, %dma_wait3A_1250] : memref<25x80xi32, #tpu.memory_space<vmem>> -> memref<1x80xi32, #tpu.memory_space<vmem>>
      %dma_wait3A_1252 = tpu.memref_squeeze %dma_wait3A_1251 : memref<1x80xi32, #tpu.memory_space<vmem>> -> memref<80xi32, #tpu.memory_space<vmem>>
      %dma_wait3A_1253 = arith.constant 0 : i32
      %dma_wait3A_1254 = arith.constant 0 : i32
      %dma_wait3A_1255 = tpu.memref_slice %arg2[%dma_wait3A_1253, %dma_wait3A_1254] : memref<100000x8xf32, #tpu.memory_space<hbm>> -> memref<100000x8xf32, #tpu.memory_space<hbm>>
      tpu.wait_indirect_dma semaphore(%arg20 : memref<!tpu.dma_semaphore, #tpu.memory_space<semaphore_mem>>) src(%dma_wait3A_1255 : memref<100000x8xf32, #tpu.memory_space<hbm>>) dst(%dma_wait3A_1249 : memref<80x8xf32, #tpu.memory_space<vmem>>)
      %dma_wait3A_1256 = arith.constant 17 : i32
      %dma_wait3A_1257 = arith.constant 1360 : i32
      %dma_wait3A_1258 = arith.constant 0 : i32
      %dma_wait3A_1259 = tpu.memref_slice %arg15[%dma_wait3A_1257, %dma_wait3A_1258] : memref<2000x8xf32, #tpu.memory_space<vmem>> -> memref<80x8xf32, #tpu.memory_space<vmem>>
      %dma_wait3A_1260 = arith.constant 0 : i32
      %dma_wait3A_1261 = tpu.memref_slice %arg12[%dma_wait3A_1256, %dma_wait3A_1260] : memref<25x80xi32, #tpu.memory_space<vmem>> -> memref<1x80xi32, #tpu.memory_space<vmem>>
      %dma_wait3A_1262 = tpu.memref_squeeze %dma_wait3A_1261 : memref<1x80xi32, #tpu.memory_space<vmem>> -> memref<80xi32, #tpu.memory_space<vmem>>
      %dma_wait3A_1263 = arith.constant 0 : i32
      %dma_wait3A_1264 = arith.constant 0 : i32
      %dma_wait3A_1265 = tpu.memref_slice %arg2[%dma_wait3A_1263, %dma_wait3A_1264] : memref<100000x8xf32, #tpu.memory_space<hbm>> -> memref<100000x8xf32, #tpu.memory_space<hbm>>
      tpu.wait_indirect_dma semaphore(%arg20 : memref<!tpu.dma_semaphore, #tpu.memory_space<semaphore_mem>>) src(%dma_wait3A_1265 : memref<100000x8xf32, #tpu.memory_space<hbm>>) dst(%dma_wait3A_1259 : memref<80x8xf32, #tpu.memory_space<vmem>>)
      %dma_wait3A_1266 = arith.constant 18 : i32
      %dma_wait3A_1267 = arith.constant 1440 : i32
      %dma_wait3A_1268 = arith.constant 0 : i32
      %dma_wait3A_1269 = tpu.memref_slice %arg15[%dma_wait3A_1267, %dma_wait3A_1268] : memref<2000x8xf32, #tpu.memory_space<vmem>> -> memref<80x8xf32, #tpu.memory_space<vmem>>
      %dma_wait3A_1270 = arith.constant 0 : i32
      %dma_wait3A_1271 = tpu.memref_slice %arg12[%dma_wait3A_1266, %dma_wait3A_1270] : memref<25x80xi32, #tpu.memory_space<vmem>> -> memref<1x80xi32, #tpu.memory_space<vmem>>
      %dma_wait3A_1272 = tpu.memref_squeeze %dma_wait3A_1271 : memref<1x80xi32, #tpu.memory_space<vmem>> -> memref<80xi32, #tpu.memory_space<vmem>>
      %dma_wait3A_1273 = arith.constant 0 : i32
      %dma_wait3A_1274 = arith.constant 0 : i32
      %dma_wait3A_1275 = tpu.memref_slice %arg2[%dma_wait3A_1273, %dma_wait3A_1274] : memref<100000x8xf32, #tpu.memory_space<hbm>> -> memref<100000x8xf32, #tpu.memory_space<hbm>>
      tpu.wait_indirect_dma semaphore(%arg20 : memref<!tpu.dma_semaphore, #tpu.memory_space<semaphore_mem>>) src(%dma_wait3A_1275 : memref<100000x8xf32, #tpu.memory_space<hbm>>) dst(%dma_wait3A_1269 : memref<80x8xf32, #tpu.memory_space<vmem>>)
      %dma_wait3A_1276 = arith.constant 19 : i32
      %dma_wait3A_1277 = arith.constant 1520 : i32
      %dma_wait3A_1278 = arith.constant 0 : i32
      %dma_wait3A_1279 = tpu.memref_slice %arg15[%dma_wait3A_1277, %dma_wait3A_1278] : memref<2000x8xf32, #tpu.memory_space<vmem>> -> memref<80x8xf32, #tpu.memory_space<vmem>>
      %dma_wait3A_1280 = arith.constant 0 : i32
      %dma_wait3A_1281 = tpu.memref_slice %arg12[%dma_wait3A_1276, %dma_wait3A_1280] : memref<25x80xi32, #tpu.memory_space<vmem>> -> memref<1x80xi32, #tpu.memory_space<vmem>>
      %dma_wait3A_1282 = tpu.memref_squeeze %dma_wait3A_1281 : memref<1x80xi32, #tpu.memory_space<vmem>> -> memref<80xi32, #tpu.memory_space<vmem>>
      %dma_wait3A_1283 = arith.constant 0 : i32
      %dma_wait3A_1284 = arith.constant 0 : i32
      %dma_wait3A_1285 = tpu.memref_slice %arg2[%dma_wait3A_1283, %dma_wait3A_1284] : memref<100000x8xf32, #tpu.memory_space<hbm>> -> memref<100000x8xf32, #tpu.memory_space<hbm>>
      tpu.wait_indirect_dma semaphore(%arg20 : memref<!tpu.dma_semaphore, #tpu.memory_space<semaphore_mem>>) src(%dma_wait3A_1285 : memref<100000x8xf32, #tpu.memory_space<hbm>>) dst(%dma_wait3A_1279 : memref<80x8xf32, #tpu.memory_space<vmem>>)
      %dma_wait3A_1286 = arith.constant 20 : i32
      %dma_wait3A_1287 = arith.constant 1600 : i32
      %dma_wait3A_1288 = arith.constant 0 : i32
      %dma_wait3A_1289 = tpu.memref_slice %arg15[%dma_wait3A_1287, %dma_wait3A_1288] : memref<2000x8xf32, #tpu.memory_space<vmem>> -> memref<80x8xf32, #tpu.memory_space<vmem>>
      %dma_wait3A_1290 = arith.constant 0 : i32
      %dma_wait3A_1291 = tpu.memref_slice %arg12[%dma_wait3A_1286, %dma_wait3A_1290] : memref<25x80xi32, #tpu.memory_space<vmem>> -> memref<1x80xi32, #tpu.memory_space<vmem>>
      %dma_wait3A_1292 = tpu.memref_squeeze %dma_wait3A_1291 : memref<1x80xi32, #tpu.memory_space<vmem>> -> memref<80xi32, #tpu.memory_space<vmem>>
      %dma_wait3A_1293 = arith.constant 0 : i32
      %dma_wait3A_1294 = arith.constant 0 : i32
      %dma_wait3A_1295 = tpu.memref_slice %arg2[%dma_wait3A_1293, %dma_wait3A_1294] : memref<100000x8xf32, #tpu.memory_space<hbm>> -> memref<100000x8xf32, #tpu.memory_space<hbm>>
      tpu.wait_indirect_dma semaphore(%arg20 : memref<!tpu.dma_semaphore, #tpu.memory_space<semaphore_mem>>) src(%dma_wait3A_1295 : memref<100000x8xf32, #tpu.memory_space<hbm>>) dst(%dma_wait3A_1289 : memref<80x8xf32, #tpu.memory_space<vmem>>)
      %dma_wait3A_1296 = arith.constant 21 : i32
      %dma_wait3A_1297 = arith.constant 1680 : i32
      %dma_wait3A_1298 = arith.constant 0 : i32
      %dma_wait3A_1299 = tpu.memref_slice %arg15[%dma_wait3A_1297, %dma_wait3A_1298] : memref<2000x8xf32, #tpu.memory_space<vmem>> -> memref<80x8xf32, #tpu.memory_space<vmem>>
      %dma_wait3A_1300 = arith.constant 0 : i32
      %dma_wait3A_1301 = tpu.memref_slice %arg12[%dma_wait3A_1296, %dma_wait3A_1300] : memref<25x80xi32, #tpu.memory_space<vmem>> -> memref<1x80xi32, #tpu.memory_space<vmem>>
      %dma_wait3A_1302 = tpu.memref_squeeze %dma_wait3A_1301 : memref<1x80xi32, #tpu.memory_space<vmem>> -> memref<80xi32, #tpu.memory_space<vmem>>
      %dma_wait3A_1303 = arith.constant 0 : i32
      %dma_wait3A_1304 = arith.constant 0 : i32
      %dma_wait3A_1305 = tpu.memref_slice %arg2[%dma_wait3A_1303, %dma_wait3A_1304] : memref<100000x8xf32, #tpu.memory_space<hbm>> -> memref<100000x8xf32, #tpu.memory_space<hbm>>
      tpu.wait_indirect_dma semaphore(%arg20 : memref<!tpu.dma_semaphore, #tpu.memory_space<semaphore_mem>>) src(%dma_wait3A_1305 : memref<100000x8xf32, #tpu.memory_space<hbm>>) dst(%dma_wait3A_1299 : memref<80x8xf32, #tpu.memory_space<vmem>>)
      %dma_wait3A_1306 = arith.constant 22 : i32
      %dma_wait3A_1307 = arith.constant 1760 : i32
      %dma_wait3A_1308 = arith.constant 0 : i32
      %dma_wait3A_1309 = tpu.memref_slice %arg15[%dma_wait3A_1307, %dma_wait3A_1308] : memref<2000x8xf32, #tpu.memory_space<vmem>> -> memref<80x8xf32, #tpu.memory_space<vmem>>
      %dma_wait3A_1310 = arith.constant 0 : i32
      %dma_wait3A_1311 = tpu.memref_slice %arg12[%dma_wait3A_1306, %dma_wait3A_1310] : memref<25x80xi32, #tpu.memory_space<vmem>> -> memref<1x80xi32, #tpu.memory_space<vmem>>
      %dma_wait3A_1312 = tpu.memref_squeeze %dma_wait3A_1311 : memref<1x80xi32, #tpu.memory_space<vmem>> -> memref<80xi32, #tpu.memory_space<vmem>>
      %dma_wait3A_1313 = arith.constant 0 : i32
      %dma_wait3A_1314 = arith.constant 0 : i32
      %dma_wait3A_1315 = tpu.memref_slice %arg2[%dma_wait3A_1313, %dma_wait3A_1314] : memref<100000x8xf32, #tpu.memory_space<hbm>> -> memref<100000x8xf32, #tpu.memory_space<hbm>>
      tpu.wait_indirect_dma semaphore(%arg20 : memref<!tpu.dma_semaphore, #tpu.memory_space<semaphore_mem>>) src(%dma_wait3A_1315 : memref<100000x8xf32, #tpu.memory_space<hbm>>) dst(%dma_wait3A_1309 : memref<80x8xf32, #tpu.memory_space<vmem>>)
      %dma_wait3A_1316 = arith.constant 23 : i32
      %dma_wait3A_1317 = arith.constant 1840 : i32
      %dma_wait3A_1318 = arith.constant 0 : i32
      %dma_wait3A_1319 = tpu.memref_slice %arg15[%dma_wait3A_1317, %dma_wait3A_1318] : memref<2000x8xf32, #tpu.memory_space<vmem>> -> memref<80x8xf32, #tpu.memory_space<vmem>>
      %dma_wait3A_1320 = arith.constant 0 : i32
      %dma_wait3A_1321 = tpu.memref_slice %arg12[%dma_wait3A_1316, %dma_wait3A_1320] : memref<25x80xi32, #tpu.memory_space<vmem>> -> memref<1x80xi32, #tpu.memory_space<vmem>>
      %dma_wait3A_1322 = tpu.memref_squeeze %dma_wait3A_1321 : memref<1x80xi32, #tpu.memory_space<vmem>> -> memref<80xi32, #tpu.memory_space<vmem>>
      %dma_wait3A_1323 = arith.constant 0 : i32
      %dma_wait3A_1324 = arith.constant 0 : i32
      %dma_wait3A_1325 = tpu.memref_slice %arg2[%dma_wait3A_1323, %dma_wait3A_1324] : memref<100000x8xf32, #tpu.memory_space<hbm>> -> memref<100000x8xf32, #tpu.memory_space<hbm>>
      tpu.wait_indirect_dma semaphore(%arg20 : memref<!tpu.dma_semaphore, #tpu.memory_space<semaphore_mem>>) src(%dma_wait3A_1325 : memref<100000x8xf32, #tpu.memory_space<hbm>>) dst(%dma_wait3A_1319 : memref<80x8xf32, #tpu.memory_space<vmem>>)
      %dma_wait3A_1326 = arith.constant 24 : i32
      %dma_wait3A_1327 = arith.constant 1920 : i32
      %dma_wait3A_1328 = arith.constant 0 : i32
      %dma_wait3A_1329 = tpu.memref_slice %arg15[%dma_wait3A_1327, %dma_wait3A_1328] : memref<2000x8xf32, #tpu.memory_space<vmem>> -> memref<80x8xf32, #tpu.memory_space<vmem>>
      %dma_wait3A_1330 = arith.constant 0 : i32
      %dma_wait3A_1331 = tpu.memref_slice %arg12[%dma_wait3A_1326, %dma_wait3A_1330] : memref<25x80xi32, #tpu.memory_space<vmem>> -> memref<1x80xi32, #tpu.memory_space<vmem>>
      %dma_wait3A_1332 = tpu.memref_squeeze %dma_wait3A_1331 : memref<1x80xi32, #tpu.memory_space<vmem>> -> memref<80xi32, #tpu.memory_space<vmem>>
      %dma_wait3A_1333 = arith.constant 0 : i32
      %dma_wait3A_1334 = arith.constant 0 : i32
      %dma_wait3A_1335 = tpu.memref_slice %arg2[%dma_wait3A_1333, %dma_wait3A_1334] : memref<100000x8xf32, #tpu.memory_space<hbm>> -> memref<100000x8xf32, #tpu.memory_space<hbm>>
      tpu.wait_indirect_dma semaphore(%arg20 : memref<!tpu.dma_semaphore, #tpu.memory_space<semaphore_mem>>) src(%dma_wait3A_1335 : memref<100000x8xf32, #tpu.memory_space<hbm>>) dst(%dma_wait3A_1329 : memref<80x8xf32, #tpu.memory_space<vmem>>)
      %scan3A_1336 = arith.constant 0 : i32
      %scan3A_1337 = arith.constant 0 : i32
      %scan3A_1338 = arith.constant 125 : i32
      %scan3A_1339 = arith.addi %scan3A_1337, %scan3A_1338 : i32
      %scan3A_1340 = arith.constant 1 : i32
      scf.for %scan3A_2092 = %scan3A_1337 to %scan3A_1339 step %scan3A_1340  : i32 {
        %mul3A_2093 = arith.constant 16 : i32
        %mul3A_2094 = arith.muli %scan3A_2092, %mul3A_2093 : i32
        %add3A_2095 = arith.constant 0 : i32
        %add3A_2096 = arith.addi %mul3A_2094, %add3A_2095 : i32
        %add3A_2097 = vector.broadcast %add3A_2096 : i32 to vector<16xi32>
        %add3A_2098 = arith.addi %add3A_2097, %shift_right_arithmetic3A_6 : vector<16xi32>
        %gather3A = tpu.vector_load_idx %arg15[%add3A_2098, %and3A_8] : memref<2000x8xf32, #tpu.memory_space<vmem>>[vector<16xi32>, vector<16xi32>], vector<16xf32>,
        %gather3A_2099 = tpu.vector_load_idx %arg14[%add3A_2098] : memref<2000xf32, #tpu.memory_space<vmem>>[vector<16xi32>], vector<16xf32>,
        %abs3A = math.absf %gather3A : vector<16xf32>
        %mul3A_2100 = arith.mulf %abs3A, %gather3A_2099 : vector<16xf32>
        tpu.vector_store_idx %arg15[%add3A_2098, %and3A_8], %mul3A_2100 : memref<2000x8xf32, #tpu.memory_space<vmem>>[vector<16xi32>, vector<16xi32>], vector<16xf32>,
        %add3A_2101 = arith.constant 2 : i32
        %add3A_2102 = arith.addi %mul3A_2094, %add3A_2101 : i32
        %add3A_2103 = vector.broadcast %add3A_2102 : i32 to vector<16xi32>
        %add3A_2104 = arith.addi %add3A_2103, %shift_right_arithmetic3A_6 : vector<16xi32>
        %gather3A_2105 = tpu.vector_load_idx %arg15[%add3A_2104, %and3A_8] : memref<2000x8xf32, #tpu.memory_space<vmem>>[vector<16xi32>, vector<16xi32>], vector<16xf32>,
        %gather3A_2106 = tpu.vector_load_idx %arg14[%add3A_2104] : memref<2000xf32, #tpu.memory_space<vmem>>[vector<16xi32>], vector<16xf32>,
        %abs3A_2107 = math.absf %gather3A_2105 : vector<16xf32>
        %mul3A_2108 = arith.mulf %abs3A_2107, %gather3A_2106 : vector<16xf32>
        tpu.vector_store_idx %arg15[%add3A_2104, %and3A_8], %mul3A_2108 : memref<2000x8xf32, #tpu.memory_space<vmem>>[vector<16xi32>, vector<16xi32>], vector<16xf32>,
        %add3A_2109 = arith.constant 4 : i32
        %add3A_2110 = arith.addi %mul3A_2094, %add3A_2109 : i32
        %add3A_2111 = vector.broadcast %add3A_2110 : i32 to vector<16xi32>
        %add3A_2112 = arith.addi %add3A_2111, %shift_right_arithmetic3A_6 : vector<16xi32>
        %gather3A_2113 = tpu.vector_load_idx %arg15[%add3A_2112, %and3A_8] : memref<2000x8xf32, #tpu.memory_space<vmem>>[vector<16xi32>, vector<16xi32>], vector<16xf32>,
        %gather3A_2114 = tpu.vector_load_idx %arg14[%add3A_2112] : memref<2000xf32, #tpu.memory_space<vmem>>[vector<16xi32>], vector<16xf32>,
        %abs3A_2115 = math.absf %gather3A_2113 : vector<16xf32>
        %mul3A_2116 = arith.mulf %abs3A_2115, %gather3A_2114 : vector<16xf32>
        tpu.vector_store_idx %arg15[%add3A_2112, %and3A_8], %mul3A_2116 : memref<2000x8xf32, #tpu.memory_space<vmem>>[vector<16xi32>, vector<16xi32>], vector<16xf32>,
        %add3A_2117 = arith.constant 6 : i32
        %add3A_2118 = arith.addi %mul3A_2094, %add3A_2117 : i32
        %add3A_2119 = vector.broadcast %add3A_2118 : i32 to vector<16xi32>
        %add3A_2120 = arith.addi %add3A_2119, %shift_right_arithmetic3A_6 : vector<16xi32>
        %gather3A_2121 = tpu.vector_load_idx %arg15[%add3A_2120, %and3A_8] : memref<2000x8xf32, #tpu.memory_space<vmem>>[vector<16xi32>, vector<16xi32>], vector<16xf32>,
        %gather3A_2122 = tpu.vector_load_idx %arg14[%add3A_2120] : memref<2000xf32, #tpu.memory_space<vmem>>[vector<16xi32>], vector<16xf32>,
        %abs3A_2123 = math.absf %gather3A_2121 : vector<16xf32>
        %mul3A_2124 = arith.mulf %abs3A_2123, %gather3A_2122 : vector<16xf32>
        tpu.vector_store_idx %arg15[%add3A_2120, %and3A_8], %mul3A_2124 : memref<2000x8xf32, #tpu.memory_space<vmem>>[vector<16xi32>, vector<16xi32>], vector<16xf32>,
        %add3A_2125 = arith.constant 8 : i32
        %add3A_2126 = arith.addi %mul3A_2094, %add3A_2125 : i32
        %add3A_2127 = vector.broadcast %add3A_2126 : i32 to vector<16xi32>
        %add3A_2128 = arith.addi %add3A_2127, %shift_right_arithmetic3A_6 : vector<16xi32>
        %gather3A_2129 = tpu.vector_load_idx %arg15[%add3A_2128, %and3A_8] : memref<2000x8xf32, #tpu.memory_space<vmem>>[vector<16xi32>, vector<16xi32>], vector<16xf32>,
        %gather3A_2130 = tpu.vector_load_idx %arg14[%add3A_2128] : memref<2000xf32, #tpu.memory_space<vmem>>[vector<16xi32>], vector<16xf32>,
        %abs3A_2131 = math.absf %gather3A_2129 : vector<16xf32>
        %mul3A_2132 = arith.mulf %abs3A_2131, %gather3A_2130 : vector<16xf32>
        tpu.vector_store_idx %arg15[%add3A_2128, %and3A_8], %mul3A_2132 : memref<2000x8xf32, #tpu.memory_space<vmem>>[vector<16xi32>, vector<16xi32>], vector<16xf32>,
        %add3A_2133 = arith.constant 10 : i32
        %add3A_2134 = arith.addi %mul3A_2094, %add3A_2133 : i32
        %add3A_2135 = vector.broadcast %add3A_2134 : i32 to vector<16xi32>
        %add3A_2136 = arith.addi %add3A_2135, %shift_right_arithmetic3A_6 : vector<16xi32>
        %gather3A_2137 = tpu.vector_load_idx %arg15[%add3A_2136, %and3A_8] : memref<2000x8xf32, #tpu.memory_space<vmem>>[vector<16xi32>, vector<16xi32>], vector<16xf32>,
        %gather3A_2138 = tpu.vector_load_idx %arg14[%add3A_2136] : memref<2000xf32, #tpu.memory_space<vmem>>[vector<16xi32>], vector<16xf32>,
        %abs3A_2139 = math.absf %gather3A_2137 : vector<16xf32>
        %mul3A_2140 = arith.mulf %abs3A_2139, %gather3A_2138 : vector<16xf32>
        tpu.vector_store_idx %arg15[%add3A_2136, %and3A_8], %mul3A_2140 : memref<2000x8xf32, #tpu.memory_space<vmem>>[vector<16xi32>, vector<16xi32>], vector<16xf32>,
        %add3A_2141 = arith.constant 12 : i32
        %add3A_2142 = arith.addi %mul3A_2094, %add3A_2141 : i32
        %add3A_2143 = vector.broadcast %add3A_2142 : i32 to vector<16xi32>
        %add3A_2144 = arith.addi %add3A_2143, %shift_right_arithmetic3A_6 : vector<16xi32>
        %gather3A_2145 = tpu.vector_load_idx %arg15[%add3A_2144, %and3A_8] : memref<2000x8xf32, #tpu.memory_space<vmem>>[vector<16xi32>, vector<16xi32>], vector<16xf32>,
        %gather3A_2146 = tpu.vector_load_idx %arg14[%add3A_2144] : memref<2000xf32, #tpu.memory_space<vmem>>[vector<16xi32>], vector<16xf32>,
        %abs3A_2147 = math.absf %gather3A_2145 : vector<16xf32>
        %mul3A_2148 = arith.mulf %abs3A_2147, %gather3A_2146 : vector<16xf32>
        tpu.vector_store_idx %arg15[%add3A_2144, %and3A_8], %mul3A_2148 : memref<2000x8xf32, #tpu.memory_space<vmem>>[vector<16xi32>, vector<16xi32>], vector<16xf32>,
        %add3A_2149 = arith.constant 14 : i32
        %add3A_2150 = arith.addi %mul3A_2094, %add3A_2149 : i32
        %add3A_2151 = vector.broadcast %add3A_2150 : i32 to vector<16xi32>
        %add3A_2152 = arith.addi %add3A_2151, %shift_right_arithmetic3A_6 : vector<16xi32>
        %gather3A_2153 = tpu.vector_load_idx %arg15[%add3A_2152, %and3A_8] : memref<2000x8xf32, #tpu.memory_space<vmem>>[vector<16xi32>, vector<16xi32>], vector<16xf32>,
        %gather3A_2154 = tpu.vector_load_idx %arg14[%add3A_2152] : memref<2000xf32, #tpu.memory_space<vmem>>[vector<16xi32>], vector<16xf32>,
        %abs3A_2155 = math.absf %gather3A_2153 : vector<16xf32>
        %mul3A_2156 = arith.mulf %abs3A_2155, %gather3A_2154 : vector<16xf32>
        tpu.vector_store_idx %arg15[%add3A_2152, %and3A_8], %mul3A_2156 : memref<2000x8xf32, #tpu.memory_space<vmem>>[vector<16xi32>, vector<16xi32>], vector<16xf32>,
      }
      %scan3A_1341 = arith.constant 125 : i32
      %dma_start3A_1342 = arith.constant 0 : i32
      %dma_start3A_1343 = arith.constant 0 : i32
      %dma_start3A_1344 = arith.constant 0 : i32
      %dma_start3A_1345 = tpu.memref_slice %arg15[%dma_start3A_1343, %dma_start3A_1344] : memref<2000x8xf32, #tpu.memory_space<vmem>> -> memref<80x8xf32, #tpu.memory_space<vmem>>
      %dma_start3A_1346 = arith.constant 0 : i32
      %dma_start3A_1347 = tpu.memref_slice %arg13[%dma_start3A_1342, %dma_start3A_1346] : memref<25x80xi32, #tpu.memory_space<vmem>> -> memref<1x80xi32, #tpu.memory_space<vmem>>
      %dma_start3A_1348 = tpu.memref_squeeze %dma_start3A_1347 : memref<1x80xi32, #tpu.memory_space<vmem>> -> memref<80xi32, #tpu.memory_space<vmem>>
      %dma_start3A_1349 = arith.constant 0 : i32
      %dma_start3A_1350 = arith.constant 0 : i32
      %dma_start3A_1351 = tpu.memref_slice %arg16[%dma_start3A_1349, %dma_start3A_1350] : memref<100000x8xf32, #tpu.memory_space<vmem_shared>> -> memref<100000x8xf32, #tpu.memory_space<vmem_shared>>
      tpu.enqueue_indirect_dma source(%dma_start3A_1345 : memref<80x8xf32, #tpu.memory_space<vmem>>) target(%dma_start3A_1351 : memref<100000x8xf32, #tpu.memory_space<vmem_shared>>) offsets(%dma_start3A_1348 : memref<80xi32, #tpu.memory_space<vmem>>) semaphore(%arg22 : memref<!tpu.dma_semaphore, #tpu.memory_space<semaphore_mem>>) {add = true}
      %dma_start3A_1352 = arith.constant 1 : i32
      %dma_start3A_1353 = arith.constant 80 : i32
      %dma_start3A_1354 = arith.constant 0 : i32
      %dma_start3A_1355 = tpu.memref_slice %arg15[%dma_start3A_1353, %dma_start3A_1354] : memref<2000x8xf32, #tpu.memory_space<vmem>> -> memref<80x8xf32, #tpu.memory_space<vmem>>
      %dma_start3A_1356 = arith.constant 0 : i32
      %dma_start3A_1357 = tpu.memref_slice %arg13[%dma_start3A_1352, %dma_start3A_1356] : memref<25x80xi32, #tpu.memory_space<vmem>> -> memref<1x80xi32, #tpu.memory_space<vmem>>
      %dma_start3A_1358 = tpu.memref_squeeze %dma_start3A_1357 : memref<1x80xi32, #tpu.memory_space<vmem>> -> memref<80xi32, #tpu.memory_space<vmem>>
      %dma_start3A_1359 = arith.constant 0 : i32
      %dma_start3A_1360 = arith.constant 0 : i32
      %dma_start3A_1361 = tpu.memref_slice %arg16[%dma_start3A_1359, %dma_start3A_1360] : memref<100000x8xf32, #tpu.memory_space<vmem_shared>> -> memref<100000x8xf32, #tpu.memory_space<vmem_shared>>
      tpu.enqueue_indirect_dma source(%dma_start3A_1355 : memref<80x8xf32, #tpu.memory_space<vmem>>) target(%dma_start3A_1361 : memref<100000x8xf32, #tpu.memory_space<vmem_shared>>) offsets(%dma_start3A_1358 : memref<80xi32, #tpu.memory_space<vmem>>) semaphore(%arg22 : memref<!tpu.dma_semaphore, #tpu.memory_space<semaphore_mem>>) {add = true}
      %dma_start3A_1362 = arith.constant 2 : i32
      %dma_start3A_1363 = arith.constant 160 : i32
      %dma_start3A_1364 = arith.constant 0 : i32
      %dma_start3A_1365 = tpu.memref_slice %arg15[%dma_start3A_1363, %dma_start3A_1364] : memref<2000x8xf32, #tpu.memory_space<vmem>> -> memref<80x8xf32, #tpu.memory_space<vmem>>
      %dma_start3A_1366 = arith.constant 0 : i32
      %dma_start3A_1367 = tpu.memref_slice %arg13[%dma_start3A_1362, %dma_start3A_1366] : memref<25x80xi32, #tpu.memory_space<vmem>> -> memref<1x80xi32, #tpu.memory_space<vmem>>
      %dma_start3A_1368 = tpu.memref_squeeze %dma_start3A_1367 : memref<1x80xi32, #tpu.memory_space<vmem>> -> memref<80xi32, #tpu.memory_space<vmem>>
      %dma_start3A_1369 = arith.constant 0 : i32
      %dma_start3A_1370 = arith.constant 0 : i32
      %dma_start3A_1371 = tpu.memref_slice %arg16[%dma_start3A_1369, %dma_start3A_1370] : memref<100000x8xf32, #tpu.memory_space<vmem_shared>> -> memref<100000x8xf32, #tpu.memory_space<vmem_shared>>
      tpu.enqueue_indirect_dma source(%dma_start3A_1365 : memref<80x8xf32, #tpu.memory_space<vmem>>) target(%dma_start3A_1371 : memref<100000x8xf32, #tpu.memory_space<vmem_shared>>) offsets(%dma_start3A_1368 : memref<80xi32, #tpu.memory_space<vmem>>) semaphore(%arg22 : memref<!tpu.dma_semaphore, #tpu.memory_space<semaphore_mem>>) {add = true}
      %dma_start3A_1372 = arith.constant 3 : i32
      %dma_start3A_1373 = arith.constant 240 : i32
      %dma_start3A_1374 = arith.constant 0 : i32
      %dma_start3A_1375 = tpu.memref_slice %arg15[%dma_start3A_1373, %dma_start3A_1374] : memref<2000x8xf32, #tpu.memory_space<vmem>> -> memref<80x8xf32, #tpu.memory_space<vmem>>
      %dma_start3A_1376 = arith.constant 0 : i32
      %dma_start3A_1377 = tpu.memref_slice %arg13[%dma_start3A_1372, %dma_start3A_1376] : memref<25x80xi32, #tpu.memory_space<vmem>> -> memref<1x80xi32, #tpu.memory_space<vmem>>
      %dma_start3A_1378 = tpu.memref_squeeze %dma_start3A_1377 : memref<1x80xi32, #tpu.memory_space<vmem>> -> memref<80xi32, #tpu.memory_space<vmem>>
      %dma_start3A_1379 = arith.constant 0 : i32
      %dma_start3A_1380 = arith.constant 0 : i32
      %dma_start3A_1381 = tpu.memref_slice %arg16[%dma_start3A_1379, %dma_start3A_1380] : memref<100000x8xf32, #tpu.memory_space<vmem_shared>> -> memref<100000x8xf32, #tpu.memory_space<vmem_shared>>
      tpu.enqueue_indirect_dma source(%dma_start3A_1375 : memref<80x8xf32, #tpu.memory_space<vmem>>) target(%dma_start3A_1381 : memref<100000x8xf32, #tpu.memory_space<vmem_shared>>) offsets(%dma_start3A_1378 : memref<80xi32, #tpu.memory_space<vmem>>) semaphore(%arg22 : memref<!tpu.dma_semaphore, #tpu.memory_space<semaphore_mem>>) {add = true}
      %dma_start3A_1382 = arith.constant 4 : i32
      %dma_start3A_1383 = arith.constant 320 : i32
      %dma_start3A_1384 = arith.constant 0 : i32
      %dma_start3A_1385 = tpu.memref_slice %arg15[%dma_start3A_1383, %dma_start3A_1384] : memref<2000x8xf32, #tpu.memory_space<vmem>> -> memref<80x8xf32, #tpu.memory_space<vmem>>
      %dma_start3A_1386 = arith.constant 0 : i32
      %dma_start3A_1387 = tpu.memref_slice %arg13[%dma_start3A_1382, %dma_start3A_1386] : memref<25x80xi32, #tpu.memory_space<vmem>> -> memref<1x80xi32, #tpu.memory_space<vmem>>
      %dma_start3A_1388 = tpu.memref_squeeze %dma_start3A_1387 : memref<1x80xi32, #tpu.memory_space<vmem>> -> memref<80xi32, #tpu.memory_space<vmem>>
      %dma_start3A_1389 = arith.constant 0 : i32
      %dma_start3A_1390 = arith.constant 0 : i32
      %dma_start3A_1391 = tpu.memref_slice %arg16[%dma_start3A_1389, %dma_start3A_1390] : memref<100000x8xf32, #tpu.memory_space<vmem_shared>> -> memref<100000x8xf32, #tpu.memory_space<vmem_shared>>
      tpu.enqueue_indirect_dma source(%dma_start3A_1385 : memref<80x8xf32, #tpu.memory_space<vmem>>) target(%dma_start3A_1391 : memref<100000x8xf32, #tpu.memory_space<vmem_shared>>) offsets(%dma_start3A_1388 : memref<80xi32, #tpu.memory_space<vmem>>) semaphore(%arg22 : memref<!tpu.dma_semaphore, #tpu.memory_space<semaphore_mem>>) {add = true}
      %dma_start3A_1392 = arith.constant 5 : i32
      %dma_start3A_1393 = arith.constant 400 : i32
      %dma_start3A_1394 = arith.constant 0 : i32
      %dma_start3A_1395 = tpu.memref_slice %arg15[%dma_start3A_1393, %dma_start3A_1394] : memref<2000x8xf32, #tpu.memory_space<vmem>> -> memref<80x8xf32, #tpu.memory_space<vmem>>
      %dma_start3A_1396 = arith.constant 0 : i32
      %dma_start3A_1397 = tpu.memref_slice %arg13[%dma_start3A_1392, %dma_start3A_1396] : memref<25x80xi32, #tpu.memory_space<vmem>> -> memref<1x80xi32, #tpu.memory_space<vmem>>
      %dma_start3A_1398 = tpu.memref_squeeze %dma_start3A_1397 : memref<1x80xi32, #tpu.memory_space<vmem>> -> memref<80xi32, #tpu.memory_space<vmem>>
      %dma_start3A_1399 = arith.constant 0 : i32
      %dma_start3A_1400 = arith.constant 0 : i32
      %dma_start3A_1401 = tpu.memref_slice %arg16[%dma_start3A_1399, %dma_start3A_1400] : memref<100000x8xf32, #tpu.memory_space<vmem_shared>> -> memref<100000x8xf32, #tpu.memory_space<vmem_shared>>
      tpu.enqueue_indirect_dma source(%dma_start3A_1395 : memref<80x8xf32, #tpu.memory_space<vmem>>) target(%dma_start3A_1401 : memref<100000x8xf32, #tpu.memory_space<vmem_shared>>) offsets(%dma_start3A_1398 : memref<80xi32, #tpu.memory_space<vmem>>) semaphore(%arg22 : memref<!tpu.dma_semaphore, #tpu.memory_space<semaphore_mem>>) {add = true}
      %dma_start3A_1402 = arith.constant 6 : i32
      %dma_start3A_1403 = arith.constant 480 : i32
      %dma_start3A_1404 = arith.constant 0 : i32
      %dma_start3A_1405 = tpu.memref_slice %arg15[%dma_start3A_1403, %dma_start3A_1404] : memref<2000x8xf32, #tpu.memory_space<vmem>> -> memref<80x8xf32, #tpu.memory_space<vmem>>
      %dma_start3A_1406 = arith.constant 0 : i32
      %dma_start3A_1407 = tpu.memref_slice %arg13[%dma_start3A_1402, %dma_start3A_1406] : memref<25x80xi32, #tpu.memory_space<vmem>> -> memref<1x80xi32, #tpu.memory_space<vmem>>
      %dma_start3A_1408 = tpu.memref_squeeze %dma_start3A_1407 : memref<1x80xi32, #tpu.memory_space<vmem>> -> memref<80xi32, #tpu.memory_space<vmem>>
      %dma_start3A_1409 = arith.constant 0 : i32
      %dma_start3A_1410 = arith.constant 0 : i32
      %dma_start3A_1411 = tpu.memref_slice %arg16[%dma_start3A_1409, %dma_start3A_1410] : memref<100000x8xf32, #tpu.memory_space<vmem_shared>> -> memref<100000x8xf32, #tpu.memory_space<vmem_shared>>
      tpu.enqueue_indirect_dma source(%dma_start3A_1405 : memref<80x8xf32, #tpu.memory_space<vmem>>) target(%dma_start3A_1411 : memref<100000x8xf32, #tpu.memory_space<vmem_shared>>) offsets(%dma_start3A_1408 : memref<80xi32, #tpu.memory_space<vmem>>) semaphore(%arg22 : memref<!tpu.dma_semaphore, #tpu.memory_space<semaphore_mem>>) {add = true}
      %dma_start3A_1412 = arith.constant 7 : i32
      %dma_start3A_1413 = arith.constant 560 : i32
      %dma_start3A_1414 = arith.constant 0 : i32
      %dma_start3A_1415 = tpu.memref_slice %arg15[%dma_start3A_1413, %dma_start3A_1414] : memref<2000x8xf32, #tpu.memory_space<vmem>> -> memref<80x8xf32, #tpu.memory_space<vmem>>
      %dma_start3A_1416 = arith.constant 0 : i32
      %dma_start3A_1417 = tpu.memref_slice %arg13[%dma_start3A_1412, %dma_start3A_1416] : memref<25x80xi32, #tpu.memory_space<vmem>> -> memref<1x80xi32, #tpu.memory_space<vmem>>
      %dma_start3A_1418 = tpu.memref_squeeze %dma_start3A_1417 : memref<1x80xi32, #tpu.memory_space<vmem>> -> memref<80xi32, #tpu.memory_space<vmem>>
      %dma_start3A_1419 = arith.constant 0 : i32
      %dma_start3A_1420 = arith.constant 0 : i32
      %dma_start3A_1421 = tpu.memref_slice %arg16[%dma_start3A_1419, %dma_start3A_1420] : memref<100000x8xf32, #tpu.memory_space<vmem_shared>> -> memref<100000x8xf32, #tpu.memory_space<vmem_shared>>
      tpu.enqueue_indirect_dma source(%dma_start3A_1415 : memref<80x8xf32, #tpu.memory_space<vmem>>) target(%dma_start3A_1421 : memref<100000x8xf32, #tpu.memory_space<vmem_shared>>) offsets(%dma_start3A_1418 : memref<80xi32, #tpu.memory_space<vmem>>) semaphore(%arg22 : memref<!tpu.dma_semaphore, #tpu.memory_space<semaphore_mem>>) {add = true}
      %dma_start3A_1422 = arith.constant 8 : i32
      %dma_start3A_1423 = arith.constant 640 : i32
      %dma_start3A_1424 = arith.constant 0 : i32
      %dma_start3A_1425 = tpu.memref_slice %arg15[%dma_start3A_1423, %dma_start3A_1424] : memref<2000x8xf32, #tpu.memory_space<vmem>> -> memref<80x8xf32, #tpu.memory_space<vmem>>
      %dma_start3A_1426 = arith.constant 0 : i32
      %dma_start3A_1427 = tpu.memref_slice %arg13[%dma_start3A_1422, %dma_start3A_1426] : memref<25x80xi32, #tpu.memory_space<vmem>> -> memref<1x80xi32, #tpu.memory_space<vmem>>
      %dma_start3A_1428 = tpu.memref_squeeze %dma_start3A_1427 : memref<1x80xi32, #tpu.memory_space<vmem>> -> memref<80xi32, #tpu.memory_space<vmem>>
      %dma_start3A_1429 = arith.constant 0 : i32
      %dma_start3A_1430 = arith.constant 0 : i32
      %dma_start3A_1431 = tpu.memref_slice %arg16[%dma_start3A_1429, %dma_start3A_1430] : memref<100000x8xf32, #tpu.memory_space<vmem_shared>> -> memref<100000x8xf32, #tpu.memory_space<vmem_shared>>
      tpu.enqueue_indirect_dma source(%dma_start3A_1425 : memref<80x8xf32, #tpu.memory_space<vmem>>) target(%dma_start3A_1431 : memref<100000x8xf32, #tpu.memory_space<vmem_shared>>) offsets(%dma_start3A_1428 : memref<80xi32, #tpu.memory_space<vmem>>) semaphore(%arg22 : memref<!tpu.dma_semaphore, #tpu.memory_space<semaphore_mem>>) {add = true}
      %dma_start3A_1432 = arith.constant 9 : i32
      %dma_start3A_1433 = arith.constant 720 : i32
      %dma_start3A_1434 = arith.constant 0 : i32
      %dma_start3A_1435 = tpu.memref_slice %arg15[%dma_start3A_1433, %dma_start3A_1434] : memref<2000x8xf32, #tpu.memory_space<vmem>> -> memref<80x8xf32, #tpu.memory_space<vmem>>
      %dma_start3A_1436 = arith.constant 0 : i32
      %dma_start3A_1437 = tpu.memref_slice %arg13[%dma_start3A_1432, %dma_start3A_1436] : memref<25x80xi32, #tpu.memory_space<vmem>> -> memref<1x80xi32, #tpu.memory_space<vmem>>
      %dma_start3A_1438 = tpu.memref_squeeze %dma_start3A_1437 : memref<1x80xi32, #tpu.memory_space<vmem>> -> memref<80xi32, #tpu.memory_space<vmem>>
      %dma_start3A_1439 = arith.constant 0 : i32
      %dma_start3A_1440 = arith.constant 0 : i32
      %dma_start3A_1441 = tpu.memref_slice %arg16[%dma_start3A_1439, %dma_start3A_1440] : memref<100000x8xf32, #tpu.memory_space<vmem_shared>> -> memref<100000x8xf32, #tpu.memory_space<vmem_shared>>
      tpu.enqueue_indirect_dma source(%dma_start3A_1435 : memref<80x8xf32, #tpu.memory_space<vmem>>) target(%dma_start3A_1441 : memref<100000x8xf32, #tpu.memory_space<vmem_shared>>) offsets(%dma_start3A_1438 : memref<80xi32, #tpu.memory_space<vmem>>) semaphore(%arg22 : memref<!tpu.dma_semaphore, #tpu.memory_space<semaphore_mem>>) {add = true}
      %dma_start3A_1442 = arith.constant 10 : i32
      %dma_start3A_1443 = arith.constant 800 : i32
      %dma_start3A_1444 = arith.constant 0 : i32
      %dma_start3A_1445 = tpu.memref_slice %arg15[%dma_start3A_1443, %dma_start3A_1444] : memref<2000x8xf32, #tpu.memory_space<vmem>> -> memref<80x8xf32, #tpu.memory_space<vmem>>
      %dma_start3A_1446 = arith.constant 0 : i32
      %dma_start3A_1447 = tpu.memref_slice %arg13[%dma_start3A_1442, %dma_start3A_1446] : memref<25x80xi32, #tpu.memory_space<vmem>> -> memref<1x80xi32, #tpu.memory_space<vmem>>
      %dma_start3A_1448 = tpu.memref_squeeze %dma_start3A_1447 : memref<1x80xi32, #tpu.memory_space<vmem>> -> memref<80xi32, #tpu.memory_space<vmem>>
      %dma_start3A_1449 = arith.constant 0 : i32
      %dma_start3A_1450 = arith.constant 0 : i32
      %dma_start3A_1451 = tpu.memref_slice %arg16[%dma_start3A_1449, %dma_start3A_1450] : memref<100000x8xf32, #tpu.memory_space<vmem_shared>> -> memref<100000x8xf32, #tpu.memory_space<vmem_shared>>
      tpu.enqueue_indirect_dma source(%dma_start3A_1445 : memref<80x8xf32, #tpu.memory_space<vmem>>) target(%dma_start3A_1451 : memref<100000x8xf32, #tpu.memory_space<vmem_shared>>) offsets(%dma_start3A_1448 : memref<80xi32, #tpu.memory_space<vmem>>) semaphore(%arg22 : memref<!tpu.dma_semaphore, #tpu.memory_space<semaphore_mem>>) {add = true}
      %dma_start3A_1452 = arith.constant 11 : i32
      %dma_start3A_1453 = arith.constant 880 : i32
      %dma_start3A_1454 = arith.constant 0 : i32
      %dma_start3A_1455 = tpu.memref_slice %arg15[%dma_start3A_1453, %dma_start3A_1454] : memref<2000x8xf32, #tpu.memory_space<vmem>> -> memref<80x8xf32, #tpu.memory_space<vmem>>
      %dma_start3A_1456 = arith.constant 0 : i32
      %dma_start3A_1457 = tpu.memref_slice %arg13[%dma_start3A_1452, %dma_start3A_1456] : memref<25x80xi32, #tpu.memory_space<vmem>> -> memref<1x80xi32, #tpu.memory_space<vmem>>
      %dma_start3A_1458 = tpu.memref_squeeze %dma_start3A_1457 : memref<1x80xi32, #tpu.memory_space<vmem>> -> memref<80xi32, #tpu.memory_space<vmem>>
      %dma_start3A_1459 = arith.constant 0 : i32
      %dma_start3A_1460 = arith.constant 0 : i32
      %dma_start3A_1461 = tpu.memref_slice %arg16[%dma_start3A_1459, %dma_start3A_1460] : memref<100000x8xf32, #tpu.memory_space<vmem_shared>> -> memref<100000x8xf32, #tpu.memory_space<vmem_shared>>
      tpu.enqueue_indirect_dma source(%dma_start3A_1455 : memref<80x8xf32, #tpu.memory_space<vmem>>) target(%dma_start3A_1461 : memref<100000x8xf32, #tpu.memory_space<vmem_shared>>) offsets(%dma_start3A_1458 : memref<80xi32, #tpu.memory_space<vmem>>) semaphore(%arg22 : memref<!tpu.dma_semaphore, #tpu.memory_space<semaphore_mem>>) {add = true}
      %dma_start3A_1462 = arith.constant 12 : i32
      %dma_start3A_1463 = arith.constant 960 : i32
      %dma_start3A_1464 = arith.constant 0 : i32
      %dma_start3A_1465 = tpu.memref_slice %arg15[%dma_start3A_1463, %dma_start3A_1464] : memref<2000x8xf32, #tpu.memory_space<vmem>> -> memref<80x8xf32, #tpu.memory_space<vmem>>
      %dma_start3A_1466 = arith.constant 0 : i32
      %dma_start3A_1467 = tpu.memref_slice %arg13[%dma_start3A_1462, %dma_start3A_1466] : memref<25x80xi32, #tpu.memory_space<vmem>> -> memref<1x80xi32, #tpu.memory_space<vmem>>
      %dma_start3A_1468 = tpu.memref_squeeze %dma_start3A_1467 : memref<1x80xi32, #tpu.memory_space<vmem>> -> memref<80xi32, #tpu.memory_space<vmem>>
      %dma_start3A_1469 = arith.constant 0 : i32
      %dma_start3A_1470 = arith.constant 0 : i32
      %dma_start3A_1471 = tpu.memref_slice %arg16[%dma_start3A_1469, %dma_start3A_1470] : memref<100000x8xf32, #tpu.memory_space<vmem_shared>> -> memref<100000x8xf32, #tpu.memory_space<vmem_shared>>
      tpu.enqueue_indirect_dma source(%dma_start3A_1465 : memref<80x8xf32, #tpu.memory_space<vmem>>) target(%dma_start3A_1471 : memref<100000x8xf32, #tpu.memory_space<vmem_shared>>) offsets(%dma_start3A_1468 : memref<80xi32, #tpu.memory_space<vmem>>) semaphore(%arg22 : memref<!tpu.dma_semaphore, #tpu.memory_space<semaphore_mem>>) {add = true}
      %dma_start3A_1472 = arith.constant 13 : i32
      %dma_start3A_1473 = arith.constant 1040 : i32
      %dma_start3A_1474 = arith.constant 0 : i32
      %dma_start3A_1475 = tpu.memref_slice %arg15[%dma_start3A_1473, %dma_start3A_1474] : memref<2000x8xf32, #tpu.memory_space<vmem>> -> memref<80x8xf32, #tpu.memory_space<vmem>>
      %dma_start3A_1476 = arith.constant 0 : i32
      %dma_start3A_1477 = tpu.memref_slice %arg13[%dma_start3A_1472, %dma_start3A_1476] : memref<25x80xi32, #tpu.memory_space<vmem>> -> memref<1x80xi32, #tpu.memory_space<vmem>>
      %dma_start3A_1478 = tpu.memref_squeeze %dma_start3A_1477 : memref<1x80xi32, #tpu.memory_space<vmem>> -> memref<80xi32, #tpu.memory_space<vmem>>
      %dma_start3A_1479 = arith.constant 0 : i32
      %dma_start3A_1480 = arith.constant 0 : i32
      %dma_start3A_1481 = tpu.memref_slice %arg16[%dma_start3A_1479, %dma_start3A_1480] : memref<100000x8xf32, #tpu.memory_space<vmem_shared>> -> memref<100000x8xf32, #tpu.memory_space<vmem_shared>>
      tpu.enqueue_indirect_dma source(%dma_start3A_1475 : memref<80x8xf32, #tpu.memory_space<vmem>>) target(%dma_start3A_1481 : memref<100000x8xf32, #tpu.memory_space<vmem_shared>>) offsets(%dma_start3A_1478 : memref<80xi32, #tpu.memory_space<vmem>>) semaphore(%arg22 : memref<!tpu.dma_semaphore, #tpu.memory_space<semaphore_mem>>) {add = true}
      %dma_start3A_1482 = arith.constant 14 : i32
      %dma_start3A_1483 = arith.constant 1120 : i32
      %dma_start3A_1484 = arith.constant 0 : i32
      %dma_start3A_1485 = tpu.memref_slice %arg15[%dma_start3A_1483, %dma_start3A_1484] : memref<2000x8xf32, #tpu.memory_space<vmem>> -> memref<80x8xf32, #tpu.memory_space<vmem>>
      %dma_start3A_1486 = arith.constant 0 : i32
      %dma_start3A_1487 = tpu.memref_slice %arg13[%dma_start3A_1482, %dma_start3A_1486] : memref<25x80xi32, #tpu.memory_space<vmem>> -> memref<1x80xi32, #tpu.memory_space<vmem>>
      %dma_start3A_1488 = tpu.memref_squeeze %dma_start3A_1487 : memref<1x80xi32, #tpu.memory_space<vmem>> -> memref<80xi32, #tpu.memory_space<vmem>>
      %dma_start3A_1489 = arith.constant 0 : i32
      %dma_start3A_1490 = arith.constant 0 : i32
      %dma_start3A_1491 = tpu.memref_slice %arg16[%dma_start3A_1489, %dma_start3A_1490] : memref<100000x8xf32, #tpu.memory_space<vmem_shared>> -> memref<100000x8xf32, #tpu.memory_space<vmem_shared>>
      tpu.enqueue_indirect_dma source(%dma_start3A_1485 : memref<80x8xf32, #tpu.memory_space<vmem>>) target(%dma_start3A_1491 : memref<100000x8xf32, #tpu.memory_space<vmem_shared>>) offsets(%dma_start3A_1488 : memref<80xi32, #tpu.memory_space<vmem>>) semaphore(%arg22 : memref<!tpu.dma_semaphore, #tpu.memory_space<semaphore_mem>>) {add = true}
      %dma_start3A_1492 = arith.constant 15 : i32
      %dma_start3A_1493 = arith.constant 1200 : i32
      %dma_start3A_1494 = arith.constant 0 : i32
      %dma_start3A_1495 = tpu.memref_slice %arg15[%dma_start3A_1493, %dma_start3A_1494] : memref<2000x8xf32, #tpu.memory_space<vmem>> -> memref<80x8xf32, #tpu.memory_space<vmem>>
      %dma_start3A_1496 = arith.constant 0 : i32
      %dma_start3A_1497 = tpu.memref_slice %arg13[%dma_start3A_1492, %dma_start3A_1496] : memref<25x80xi32, #tpu.memory_space<vmem>> -> memref<1x80xi32, #tpu.memory_space<vmem>>
      %dma_start3A_1498 = tpu.memref_squeeze %dma_start3A_1497 : memref<1x80xi32, #tpu.memory_space<vmem>> -> memref<80xi32, #tpu.memory_space<vmem>>
      %dma_start3A_1499 = arith.constant 0 : i32
      %dma_start3A_1500 = arith.constant 0 : i32
      %dma_start3A_1501 = tpu.memref_slice %arg16[%dma_start3A_1499, %dma_start3A_1500] : memref<100000x8xf32, #tpu.memory_space<vmem_shared>> -> memref<100000x8xf32, #tpu.memory_space<vmem_shared>>
      tpu.enqueue_indirect_dma source(%dma_start3A_1495 : memref<80x8xf32, #tpu.memory_space<vmem>>) target(%dma_start3A_1501 : memref<100000x8xf32, #tpu.memory_space<vmem_shared>>) offsets(%dma_start3A_1498 : memref<80xi32, #tpu.memory_space<vmem>>) semaphore(%arg22 : memref<!tpu.dma_semaphore, #tpu.memory_space<semaphore_mem>>) {add = true}
      %dma_start3A_1502 = arith.constant 16 : i32
      %dma_start3A_1503 = arith.constant 1280 : i32
      %dma_start3A_1504 = arith.constant 0 : i32
      %dma_start3A_1505 = tpu.memref_slice %arg15[%dma_start3A_1503, %dma_start3A_1504] : memref<2000x8xf32, #tpu.memory_space<vmem>> -> memref<80x8xf32, #tpu.memory_space<vmem>>
      %dma_start3A_1506 = arith.constant 0 : i32
      %dma_start3A_1507 = tpu.memref_slice %arg13[%dma_start3A_1502, %dma_start3A_1506] : memref<25x80xi32, #tpu.memory_space<vmem>> -> memref<1x80xi32, #tpu.memory_space<vmem>>
      %dma_start3A_1508 = tpu.memref_squeeze %dma_start3A_1507 : memref<1x80xi32, #tpu.memory_space<vmem>> -> memref<80xi32, #tpu.memory_space<vmem>>
      %dma_start3A_1509 = arith.constant 0 : i32
      %dma_start3A_1510 = arith.constant 0 : i32
      %dma_start3A_1511 = tpu.memref_slice %arg16[%dma_start3A_1509, %dma_start3A_1510] : memref<100000x8xf32, #tpu.memory_space<vmem_shared>> -> memref<100000x8xf32, #tpu.memory_space<vmem_shared>>
      tpu.enqueue_indirect_dma source(%dma_start3A_1505 : memref<80x8xf32, #tpu.memory_space<vmem>>) target(%dma_start3A_1511 : memref<100000x8xf32, #tpu.memory_space<vmem_shared>>) offsets(%dma_start3A_1508 : memref<80xi32, #tpu.memory_space<vmem>>) semaphore(%arg22 : memref<!tpu.dma_semaphore, #tpu.memory_space<semaphore_mem>>) {add = true}
      %dma_start3A_1512 = arith.constant 17 : i32
      %dma_start3A_1513 = arith.constant 1360 : i32
      %dma_start3A_1514 = arith.constant 0 : i32
      %dma_start3A_1515 = tpu.memref_slice %arg15[%dma_start3A_1513, %dma_start3A_1514] : memref<2000x8xf32, #tpu.memory_space<vmem>> -> memref<80x8xf32, #tpu.memory_space<vmem>>
      %dma_start3A_1516 = arith.constant 0 : i32
      %dma_start3A_1517 = tpu.memref_slice %arg13[%dma_start3A_1512, %dma_start3A_1516] : memref<25x80xi32, #tpu.memory_space<vmem>> -> memref<1x80xi32, #tpu.memory_space<vmem>>
      %dma_start3A_1518 = tpu.memref_squeeze %dma_start3A_1517 : memref<1x80xi32, #tpu.memory_space<vmem>> -> memref<80xi32, #tpu.memory_space<vmem>>
      %dma_start3A_1519 = arith.constant 0 : i32
      %dma_start3A_1520 = arith.constant 0 : i32
      %dma_start3A_1521 = tpu.memref_slice %arg16[%dma_start3A_1519, %dma_start3A_1520] : memref<100000x8xf32, #tpu.memory_space<vmem_shared>> -> memref<100000x8xf32, #tpu.memory_space<vmem_shared>>
      tpu.enqueue_indirect_dma source(%dma_start3A_1515 : memref<80x8xf32, #tpu.memory_space<vmem>>) target(%dma_start3A_1521 : memref<100000x8xf32, #tpu.memory_space<vmem_shared>>) offsets(%dma_start3A_1518 : memref<80xi32, #tpu.memory_space<vmem>>) semaphore(%arg22 : memref<!tpu.dma_semaphore, #tpu.memory_space<semaphore_mem>>) {add = true}
      %dma_start3A_1522 = arith.constant 18 : i32
      %dma_start3A_1523 = arith.constant 1440 : i32
      %dma_start3A_1524 = arith.constant 0 : i32
      %dma_start3A_1525 = tpu.memref_slice %arg15[%dma_start3A_1523, %dma_start3A_1524] : memref<2000x8xf32, #tpu.memory_space<vmem>> -> memref<80x8xf32, #tpu.memory_space<vmem>>
      %dma_start3A_1526 = arith.constant 0 : i32
      %dma_start3A_1527 = tpu.memref_slice %arg13[%dma_start3A_1522, %dma_start3A_1526] : memref<25x80xi32, #tpu.memory_space<vmem>> -> memref<1x80xi32, #tpu.memory_space<vmem>>
      %dma_start3A_1528 = tpu.memref_squeeze %dma_start3A_1527 : memref<1x80xi32, #tpu.memory_space<vmem>> -> memref<80xi32, #tpu.memory_space<vmem>>
      %dma_start3A_1529 = arith.constant 0 : i32
      %dma_start3A_1530 = arith.constant 0 : i32
      %dma_start3A_1531 = tpu.memref_slice %arg16[%dma_start3A_1529, %dma_start3A_1530] : memref<100000x8xf32, #tpu.memory_space<vmem_shared>> -> memref<100000x8xf32, #tpu.memory_space<vmem_shared>>
      tpu.enqueue_indirect_dma source(%dma_start3A_1525 : memref<80x8xf32, #tpu.memory_space<vmem>>) target(%dma_start3A_1531 : memref<100000x8xf32, #tpu.memory_space<vmem_shared>>) offsets(%dma_start3A_1528 : memref<80xi32, #tpu.memory_space<vmem>>) semaphore(%arg22 : memref<!tpu.dma_semaphore, #tpu.memory_space<semaphore_mem>>) {add = true}
      %dma_start3A_1532 = arith.constant 19 : i32
      %dma_start3A_1533 = arith.constant 1520 : i32
      %dma_start3A_1534 = arith.constant 0 : i32
      %dma_start3A_1535 = tpu.memref_slice %arg15[%dma_start3A_1533, %dma_start3A_1534] : memref<2000x8xf32, #tpu.memory_space<vmem>> -> memref<80x8xf32, #tpu.memory_space<vmem>>
      %dma_start3A_1536 = arith.constant 0 : i32
      %dma_start3A_1537 = tpu.memref_slice %arg13[%dma_start3A_1532, %dma_start3A_1536] : memref<25x80xi32, #tpu.memory_space<vmem>> -> memref<1x80xi32, #tpu.memory_space<vmem>>
      %dma_start3A_1538 = tpu.memref_squeeze %dma_start3A_1537 : memref<1x80xi32, #tpu.memory_space<vmem>> -> memref<80xi32, #tpu.memory_space<vmem>>
      %dma_start3A_1539 = arith.constant 0 : i32
      %dma_start3A_1540 = arith.constant 0 : i32
      %dma_start3A_1541 = tpu.memref_slice %arg16[%dma_start3A_1539, %dma_start3A_1540] : memref<100000x8xf32, #tpu.memory_space<vmem_shared>> -> memref<100000x8xf32, #tpu.memory_space<vmem_shared>>
      tpu.enqueue_indirect_dma source(%dma_start3A_1535 : memref<80x8xf32, #tpu.memory_space<vmem>>) target(%dma_start3A_1541 : memref<100000x8xf32, #tpu.memory_space<vmem_shared>>) offsets(%dma_start3A_1538 : memref<80xi32, #tpu.memory_space<vmem>>) semaphore(%arg22 : memref<!tpu.dma_semaphore, #tpu.memory_space<semaphore_mem>>) {add = true}
      %dma_start3A_1542 = arith.constant 20 : i32
      %dma_start3A_1543 = arith.constant 1600 : i32
      %dma_start3A_1544 = arith.constant 0 : i32
      %dma_start3A_1545 = tpu.memref_slice %arg15[%dma_start3A_1543, %dma_start3A_1544] : memref<2000x8xf32, #tpu.memory_space<vmem>> -> memref<80x8xf32, #tpu.memory_space<vmem>>
      %dma_start3A_1546 = arith.constant 0 : i32
      %dma_start3A_1547 = tpu.memref_slice %arg13[%dma_start3A_1542, %dma_start3A_1546] : memref<25x80xi32, #tpu.memory_space<vmem>> -> memref<1x80xi32, #tpu.memory_space<vmem>>
      %dma_start3A_1548 = tpu.memref_squeeze %dma_start3A_1547 : memref<1x80xi32, #tpu.memory_space<vmem>> -> memref<80xi32, #tpu.memory_space<vmem>>
      %dma_start3A_1549 = arith.constant 0 : i32
      %dma_start3A_1550 = arith.constant 0 : i32
      %dma_start3A_1551 = tpu.memref_slice %arg16[%dma_start3A_1549, %dma_start3A_1550] : memref<100000x8xf32, #tpu.memory_space<vmem_shared>> -> memref<100000x8xf32, #tpu.memory_space<vmem_shared>>
      tpu.enqueue_indirect_dma source(%dma_start3A_1545 : memref<80x8xf32, #tpu.memory_space<vmem>>) target(%dma_start3A_1551 : memref<100000x8xf32, #tpu.memory_space<vmem_shared>>) offsets(%dma_start3A_1548 : memref<80xi32, #tpu.memory_space<vmem>>) semaphore(%arg22 : memref<!tpu.dma_semaphore, #tpu.memory_space<semaphore_mem>>) {add = true}
      %dma_start3A_1552 = arith.constant 21 : i32
      %dma_start3A_1553 = arith.constant 1680 : i32
      %dma_start3A_1554 = arith.constant 0 : i32
      %dma_start3A_1555 = tpu.memref_slice %arg15[%dma_start3A_1553, %dma_start3A_1554] : memref<2000x8xf32, #tpu.memory_space<vmem>> -> memref<80x8xf32, #tpu.memory_space<vmem>>
      %dma_start3A_1556 = arith.constant 0 : i32
      %dma_start3A_1557 = tpu.memref_slice %arg13[%dma_start3A_1552, %dma_start3A_1556] : memref<25x80xi32, #tpu.memory_space<vmem>> -> memref<1x80xi32, #tpu.memory_space<vmem>>
      %dma_start3A_1558 = tpu.memref_squeeze %dma_start3A_1557 : memref<1x80xi32, #tpu.memory_space<vmem>> -> memref<80xi32, #tpu.memory_space<vmem>>
      %dma_start3A_1559 = arith.constant 0 : i32
      %dma_start3A_1560 = arith.constant 0 : i32
      %dma_start3A_1561 = tpu.memref_slice %arg16[%dma_start3A_1559, %dma_start3A_1560] : memref<100000x8xf32, #tpu.memory_space<vmem_shared>> -> memref<100000x8xf32, #tpu.memory_space<vmem_shared>>
      tpu.enqueue_indirect_dma source(%dma_start3A_1555 : memref<80x8xf32, #tpu.memory_space<vmem>>) target(%dma_start3A_1561 : memref<100000x8xf32, #tpu.memory_space<vmem_shared>>) offsets(%dma_start3A_1558 : memref<80xi32, #tpu.memory_space<vmem>>) semaphore(%arg22 : memref<!tpu.dma_semaphore, #tpu.memory_space<semaphore_mem>>) {add = true}
      %dma_start3A_1562 = arith.constant 22 : i32
      %dma_start3A_1563 = arith.constant 1760 : i32
      %dma_start3A_1564 = arith.constant 0 : i32
      %dma_start3A_1565 = tpu.memref_slice %arg15[%dma_start3A_1563, %dma_start3A_1564] : memref<2000x8xf32, #tpu.memory_space<vmem>> -> memref<80x8xf32, #tpu.memory_space<vmem>>
      %dma_start3A_1566 = arith.constant 0 : i32
      %dma_start3A_1567 = tpu.memref_slice %arg13[%dma_start3A_1562, %dma_start3A_1566] : memref<25x80xi32, #tpu.memory_space<vmem>> -> memref<1x80xi32, #tpu.memory_space<vmem>>
      %dma_start3A_1568 = tpu.memref_squeeze %dma_start3A_1567 : memref<1x80xi32, #tpu.memory_space<vmem>> -> memref<80xi32, #tpu.memory_space<vmem>>
      %dma_start3A_1569 = arith.constant 0 : i32
      %dma_start3A_1570 = arith.constant 0 : i32
      %dma_start3A_1571 = tpu.memref_slice %arg16[%dma_start3A_1569, %dma_start3A_1570] : memref<100000x8xf32, #tpu.memory_space<vmem_shared>> -> memref<100000x8xf32, #tpu.memory_space<vmem_shared>>
      tpu.enqueue_indirect_dma source(%dma_start3A_1565 : memref<80x8xf32, #tpu.memory_space<vmem>>) target(%dma_start3A_1571 : memref<100000x8xf32, #tpu.memory_space<vmem_shared>>) offsets(%dma_start3A_1568 : memref<80xi32, #tpu.memory_space<vmem>>) semaphore(%arg22 : memref<!tpu.dma_semaphore, #tpu.memory_space<semaphore_mem>>) {add = true}
      %dma_start3A_1572 = arith.constant 23 : i32
      %dma_start3A_1573 = arith.constant 1840 : i32
      %dma_start3A_1574 = arith.constant 0 : i32
      %dma_start3A_1575 = tpu.memref_slice %arg15[%dma_start3A_1573, %dma_start3A_1574] : memref<2000x8xf32, #tpu.memory_space<vmem>> -> memref<80x8xf32, #tpu.memory_space<vmem>>
      %dma_start3A_1576 = arith.constant 0 : i32
      %dma_start3A_1577 = tpu.memref_slice %arg13[%dma_start3A_1572, %dma_start3A_1576] : memref<25x80xi32, #tpu.memory_space<vmem>> -> memref<1x80xi32, #tpu.memory_space<vmem>>
      %dma_start3A_1578 = tpu.memref_squeeze %dma_start3A_1577 : memref<1x80xi32, #tpu.memory_space<vmem>> -> memref<80xi32, #tpu.memory_space<vmem>>
      %dma_start3A_1579 = arith.constant 0 : i32
      %dma_start3A_1580 = arith.constant 0 : i32
      %dma_start3A_1581 = tpu.memref_slice %arg16[%dma_start3A_1579, %dma_start3A_1580] : memref<100000x8xf32, #tpu.memory_space<vmem_shared>> -> memref<100000x8xf32, #tpu.memory_space<vmem_shared>>
      tpu.enqueue_indirect_dma source(%dma_start3A_1575 : memref<80x8xf32, #tpu.memory_space<vmem>>) target(%dma_start3A_1581 : memref<100000x8xf32, #tpu.memory_space<vmem_shared>>) offsets(%dma_start3A_1578 : memref<80xi32, #tpu.memory_space<vmem>>) semaphore(%arg22 : memref<!tpu.dma_semaphore, #tpu.memory_space<semaphore_mem>>) {add = true}
      %dma_start3A_1582 = arith.constant 24 : i32
      %dma_start3A_1583 = arith.constant 1920 : i32
      %dma_start3A_1584 = arith.constant 0 : i32
      %dma_start3A_1585 = tpu.memref_slice %arg15[%dma_start3A_1583, %dma_start3A_1584] : memref<2000x8xf32, #tpu.memory_space<vmem>> -> memref<80x8xf32, #tpu.memory_space<vmem>>
      %dma_start3A_1586 = arith.constant 0 : i32
      %dma_start3A_1587 = tpu.memref_slice %arg13[%dma_start3A_1582, %dma_start3A_1586] : memref<25x80xi32, #tpu.memory_space<vmem>> -> memref<1x80xi32, #tpu.memory_space<vmem>>
      %dma_start3A_1588 = tpu.memref_squeeze %dma_start3A_1587 : memref<1x80xi32, #tpu.memory_space<vmem>> -> memref<80xi32, #tpu.memory_space<vmem>>
      %dma_start3A_1589 = arith.constant 0 : i32
      %dma_start3A_1590 = arith.constant 0 : i32
      %dma_start3A_1591 = tpu.memref_slice %arg16[%dma_start3A_1589, %dma_start3A_1590] : memref<100000x8xf32, #tpu.memory_space<vmem_shared>> -> memref<100000x8xf32, #tpu.memory_space<vmem_shared>>
      tpu.enqueue_indirect_dma source(%dma_start3A_1585 : memref<80x8xf32, #tpu.memory_space<vmem>>) target(%dma_start3A_1591 : memref<100000x8xf32, #tpu.memory_space<vmem_shared>>) offsets(%dma_start3A_1588 : memref<80xi32, #tpu.memory_space<vmem>>) semaphore(%arg22 : memref<!tpu.dma_semaphore, #tpu.memory_space<semaphore_mem>>) {add = true}
      %dma_wait3A_1592 = arith.constant 0 : i32
      %dma_wait3A_1593 = arith.constant 0 : i32
      %dma_wait3A_1594 = arith.constant 0 : i32
      %dma_wait3A_1595 = tpu.memref_slice %arg11[%dma_wait3A_1593, %dma_wait3A_1594] : memref<2000x8xf32, #tpu.memory_space<vmem>> -> memref<80x8xf32, #tpu.memory_space<vmem>>
      %dma_wait3A_1596 = arith.constant 0 : i32
      %dma_wait3A_1597 = tpu.memref_slice %arg9[%dma_wait3A_1592, %dma_wait3A_1596] : memref<25x80xi32, #tpu.memory_space<vmem>> -> memref<1x80xi32, #tpu.memory_space<vmem>>
      %dma_wait3A_1598 = tpu.memref_squeeze %dma_wait3A_1597 : memref<1x80xi32, #tpu.memory_space<vmem>> -> memref<80xi32, #tpu.memory_space<vmem>>
      %dma_wait3A_1599 = arith.constant 0 : i32
      %dma_wait3A_1600 = arith.constant 0 : i32
      %dma_wait3A_1601 = tpu.memref_slice %arg16[%dma_wait3A_1599, %dma_wait3A_1600] : memref<100000x8xf32, #tpu.memory_space<vmem_shared>> -> memref<100000x8xf32, #tpu.memory_space<vmem_shared>>
      tpu.wait_indirect_dma semaphore(%arg21 : memref<!tpu.dma_semaphore, #tpu.memory_space<semaphore_mem>>) src(%dma_wait3A_1595 : memref<80x8xf32, #tpu.memory_space<vmem>>) dst(%dma_wait3A_1601 : memref<100000x8xf32, #tpu.memory_space<vmem_shared>>)
      %dma_wait3A_1602 = arith.constant 1 : i32
      %dma_wait3A_1603 = arith.constant 80 : i32
      %dma_wait3A_1604 = arith.constant 0 : i32
      %dma_wait3A_1605 = tpu.memref_slice %arg11[%dma_wait3A_1603, %dma_wait3A_1604] : memref<2000x8xf32, #tpu.memory_space<vmem>> -> memref<80x8xf32, #tpu.memory_space<vmem>>
      %dma_wait3A_1606 = arith.constant 0 : i32
      %dma_wait3A_1607 = tpu.memref_slice %arg9[%dma_wait3A_1602, %dma_wait3A_1606] : memref<25x80xi32, #tpu.memory_space<vmem>> -> memref<1x80xi32, #tpu.memory_space<vmem>>
      %dma_wait3A_1608 = tpu.memref_squeeze %dma_wait3A_1607 : memref<1x80xi32, #tpu.memory_space<vmem>> -> memref<80xi32, #tpu.memory_space<vmem>>
      %dma_wait3A_1609 = arith.constant 0 : i32
      %dma_wait3A_1610 = arith.constant 0 : i32
      %dma_wait3A_1611 = tpu.memref_slice %arg16[%dma_wait3A_1609, %dma_wait3A_1610] : memref<100000x8xf32, #tpu.memory_space<vmem_shared>> -> memref<100000x8xf32, #tpu.memory_space<vmem_shared>>
      tpu.wait_indirect_dma semaphore(%arg21 : memref<!tpu.dma_semaphore, #tpu.memory_space<semaphore_mem>>) src(%dma_wait3A_1605 : memref<80x8xf32, #tpu.memory_space<vmem>>) dst(%dma_wait3A_1611 : memref<100000x8xf32, #tpu.memory_space<vmem_shared>>)
      %dma_wait3A_1612 = arith.constant 2 : i32
      %dma_wait3A_1613 = arith.constant 160 : i32
      %dma_wait3A_1614 = arith.constant 0 : i32
      %dma_wait3A_1615 = tpu.memref_slice %arg11[%dma_wait3A_1613, %dma_wait3A_1614] : memref<2000x8xf32, #tpu.memory_space<vmem>> -> memref<80x8xf32, #tpu.memory_space<vmem>>
      %dma_wait3A_1616 = arith.constant 0 : i32
      %dma_wait3A_1617 = tpu.memref_slice %arg9[%dma_wait3A_1612, %dma_wait3A_1616] : memref<25x80xi32, #tpu.memory_space<vmem>> -> memref<1x80xi32, #tpu.memory_space<vmem>>
      %dma_wait3A_1618 = tpu.memref_squeeze %dma_wait3A_1617 : memref<1x80xi32, #tpu.memory_space<vmem>> -> memref<80xi32, #tpu.memory_space<vmem>>
      %dma_wait3A_1619 = arith.constant 0 : i32
      %dma_wait3A_1620 = arith.constant 0 : i32
      %dma_wait3A_1621 = tpu.memref_slice %arg16[%dma_wait3A_1619, %dma_wait3A_1620] : memref<100000x8xf32, #tpu.memory_space<vmem_shared>> -> memref<100000x8xf32, #tpu.memory_space<vmem_shared>>
      tpu.wait_indirect_dma semaphore(%arg21 : memref<!tpu.dma_semaphore, #tpu.memory_space<semaphore_mem>>) src(%dma_wait3A_1615 : memref<80x8xf32, #tpu.memory_space<vmem>>) dst(%dma_wait3A_1621 : memref<100000x8xf32, #tpu.memory_space<vmem_shared>>)
      %dma_wait3A_1622 = arith.constant 3 : i32
      %dma_wait3A_1623 = arith.constant 240 : i32
      %dma_wait3A_1624 = arith.constant 0 : i32
      %dma_wait3A_1625 = tpu.memref_slice %arg11[%dma_wait3A_1623, %dma_wait3A_1624] : memref<2000x8xf32, #tpu.memory_space<vmem>> -> memref<80x8xf32, #tpu.memory_space<vmem>>
      %dma_wait3A_1626 = arith.constant 0 : i32
      %dma_wait3A_1627 = tpu.memref_slice %arg9[%dma_wait3A_1622, %dma_wait3A_1626] : memref<25x80xi32, #tpu.memory_space<vmem>> -> memref<1x80xi32, #tpu.memory_space<vmem>>
      %dma_wait3A_1628 = tpu.memref_squeeze %dma_wait3A_1627 : memref<1x80xi32, #tpu.memory_space<vmem>> -> memref<80xi32, #tpu.memory_space<vmem>>
      %dma_wait3A_1629 = arith.constant 0 : i32
      %dma_wait3A_1630 = arith.constant 0 : i32
      %dma_wait3A_1631 = tpu.memref_slice %arg16[%dma_wait3A_1629, %dma_wait3A_1630] : memref<100000x8xf32, #tpu.memory_space<vmem_shared>> -> memref<100000x8xf32, #tpu.memory_space<vmem_shared>>
      tpu.wait_indirect_dma semaphore(%arg21 : memref<!tpu.dma_semaphore, #tpu.memory_space<semaphore_mem>>) src(%dma_wait3A_1625 : memref<80x8xf32, #tpu.memory_space<vmem>>) dst(%dma_wait3A_1631 : memref<100000x8xf32, #tpu.memory_space<vmem_shared>>)
      %dma_wait3A_1632 = arith.constant 4 : i32
      %dma_wait3A_1633 = arith.constant 320 : i32
      %dma_wait3A_1634 = arith.constant 0 : i32
      %dma_wait3A_1635 = tpu.memref_slice %arg11[%dma_wait3A_1633, %dma_wait3A_1634] : memref<2000x8xf32, #tpu.memory_space<vmem>> -> memref<80x8xf32, #tpu.memory_space<vmem>>
      %dma_wait3A_1636 = arith.constant 0 : i32
      %dma_wait3A_1637 = tpu.memref_slice %arg9[%dma_wait3A_1632, %dma_wait3A_1636] : memref<25x80xi32, #tpu.memory_space<vmem>> -> memref<1x80xi32, #tpu.memory_space<vmem>>
      %dma_wait3A_1638 = tpu.memref_squeeze %dma_wait3A_1637 : memref<1x80xi32, #tpu.memory_space<vmem>> -> memref<80xi32, #tpu.memory_space<vmem>>
      %dma_wait3A_1639 = arith.constant 0 : i32
      %dma_wait3A_1640 = arith.constant 0 : i32
      %dma_wait3A_1641 = tpu.memref_slice %arg16[%dma_wait3A_1639, %dma_wait3A_1640] : memref<100000x8xf32, #tpu.memory_space<vmem_shared>> -> memref<100000x8xf32, #tpu.memory_space<vmem_shared>>
      tpu.wait_indirect_dma semaphore(%arg21 : memref<!tpu.dma_semaphore, #tpu.memory_space<semaphore_mem>>) src(%dma_wait3A_1635 : memref<80x8xf32, #tpu.memory_space<vmem>>) dst(%dma_wait3A_1641 : memref<100000x8xf32, #tpu.memory_space<vmem_shared>>)
      %dma_wait3A_1642 = arith.constant 5 : i32
      %dma_wait3A_1643 = arith.constant 400 : i32
      %dma_wait3A_1644 = arith.constant 0 : i32
      %dma_wait3A_1645 = tpu.memref_slice %arg11[%dma_wait3A_1643, %dma_wait3A_1644] : memref<2000x8xf32, #tpu.memory_space<vmem>> -> memref<80x8xf32, #tpu.memory_space<vmem>>
      %dma_wait3A_1646 = arith.constant 0 : i32
      %dma_wait3A_1647 = tpu.memref_slice %arg9[%dma_wait3A_1642, %dma_wait3A_1646] : memref<25x80xi32, #tpu.memory_space<vmem>> -> memref<1x80xi32, #tpu.memory_space<vmem>>
      %dma_wait3A_1648 = tpu.memref_squeeze %dma_wait3A_1647 : memref<1x80xi32, #tpu.memory_space<vmem>> -> memref<80xi32, #tpu.memory_space<vmem>>
      %dma_wait3A_1649 = arith.constant 0 : i32
      %dma_wait3A_1650 = arith.constant 0 : i32
      %dma_wait3A_1651 = tpu.memref_slice %arg16[%dma_wait3A_1649, %dma_wait3A_1650] : memref<100000x8xf32, #tpu.memory_space<vmem_shared>> -> memref<100000x8xf32, #tpu.memory_space<vmem_shared>>
      tpu.wait_indirect_dma semaphore(%arg21 : memref<!tpu.dma_semaphore, #tpu.memory_space<semaphore_mem>>) src(%dma_wait3A_1645 : memref<80x8xf32, #tpu.memory_space<vmem>>) dst(%dma_wait3A_1651 : memref<100000x8xf32, #tpu.memory_space<vmem_shared>>)
      %dma_wait3A_1652 = arith.constant 6 : i32
      %dma_wait3A_1653 = arith.constant 480 : i32
      %dma_wait3A_1654 = arith.constant 0 : i32
      %dma_wait3A_1655 = tpu.memref_slice %arg11[%dma_wait3A_1653, %dma_wait3A_1654] : memref<2000x8xf32, #tpu.memory_space<vmem>> -> memref<80x8xf32, #tpu.memory_space<vmem>>
      %dma_wait3A_1656 = arith.constant 0 : i32
      %dma_wait3A_1657 = tpu.memref_slice %arg9[%dma_wait3A_1652, %dma_wait3A_1656] : memref<25x80xi32, #tpu.memory_space<vmem>> -> memref<1x80xi32, #tpu.memory_space<vmem>>
      %dma_wait3A_1658 = tpu.memref_squeeze %dma_wait3A_1657 : memref<1x80xi32, #tpu.memory_space<vmem>> -> memref<80xi32, #tpu.memory_space<vmem>>
      %dma_wait3A_1659 = arith.constant 0 : i32
      %dma_wait3A_1660 = arith.constant 0 : i32
      %dma_wait3A_1661 = tpu.memref_slice %arg16[%dma_wait3A_1659, %dma_wait3A_1660] : memref<100000x8xf32, #tpu.memory_space<vmem_shared>> -> memref<100000x8xf32, #tpu.memory_space<vmem_shared>>
      tpu.wait_indirect_dma semaphore(%arg21 : memref<!tpu.dma_semaphore, #tpu.memory_space<semaphore_mem>>) src(%dma_wait3A_1655 : memref<80x8xf32, #tpu.memory_space<vmem>>) dst(%dma_wait3A_1661 : memref<100000x8xf32, #tpu.memory_space<vmem_shared>>)
      %dma_wait3A_1662 = arith.constant 7 : i32
      %dma_wait3A_1663 = arith.constant 560 : i32
      %dma_wait3A_1664 = arith.constant 0 : i32
      %dma_wait3A_1665 = tpu.memref_slice %arg11[%dma_wait3A_1663, %dma_wait3A_1664] : memref<2000x8xf32, #tpu.memory_space<vmem>> -> memref<80x8xf32, #tpu.memory_space<vmem>>
      %dma_wait3A_1666 = arith.constant 0 : i32
      %dma_wait3A_1667 = tpu.memref_slice %arg9[%dma_wait3A_1662, %dma_wait3A_1666] : memref<25x80xi32, #tpu.memory_space<vmem>> -> memref<1x80xi32, #tpu.memory_space<vmem>>
      %dma_wait3A_1668 = tpu.memref_squeeze %dma_wait3A_1667 : memref<1x80xi32, #tpu.memory_space<vmem>> -> memref<80xi32, #tpu.memory_space<vmem>>
      %dma_wait3A_1669 = arith.constant 0 : i32
      %dma_wait3A_1670 = arith.constant 0 : i32
      %dma_wait3A_1671 = tpu.memref_slice %arg16[%dma_wait3A_1669, %dma_wait3A_1670] : memref<100000x8xf32, #tpu.memory_space<vmem_shared>> -> memref<100000x8xf32, #tpu.memory_space<vmem_shared>>
      tpu.wait_indirect_dma semaphore(%arg21 : memref<!tpu.dma_semaphore, #tpu.memory_space<semaphore_mem>>) src(%dma_wait3A_1665 : memref<80x8xf32, #tpu.memory_space<vmem>>) dst(%dma_wait3A_1671 : memref<100000x8xf32, #tpu.memory_space<vmem_shared>>)
      %dma_wait3A_1672 = arith.constant 8 : i32
      %dma_wait3A_1673 = arith.constant 640 : i32
      %dma_wait3A_1674 = arith.constant 0 : i32
      %dma_wait3A_1675 = tpu.memref_slice %arg11[%dma_wait3A_1673, %dma_wait3A_1674] : memref<2000x8xf32, #tpu.memory_space<vmem>> -> memref<80x8xf32, #tpu.memory_space<vmem>>
      %dma_wait3A_1676 = arith.constant 0 : i32
      %dma_wait3A_1677 = tpu.memref_slice %arg9[%dma_wait3A_1672, %dma_wait3A_1676] : memref<25x80xi32, #tpu.memory_space<vmem>> -> memref<1x80xi32, #tpu.memory_space<vmem>>
      %dma_wait3A_1678 = tpu.memref_squeeze %dma_wait3A_1677 : memref<1x80xi32, #tpu.memory_space<vmem>> -> memref<80xi32, #tpu.memory_space<vmem>>
      %dma_wait3A_1679 = arith.constant 0 : i32
      %dma_wait3A_1680 = arith.constant 0 : i32
      %dma_wait3A_1681 = tpu.memref_slice %arg16[%dma_wait3A_1679, %dma_wait3A_1680] : memref<100000x8xf32, #tpu.memory_space<vmem_shared>> -> memref<100000x8xf32, #tpu.memory_space<vmem_shared>>
      tpu.wait_indirect_dma semaphore(%arg21 : memref<!tpu.dma_semaphore, #tpu.memory_space<semaphore_mem>>) src(%dma_wait3A_1675 : memref<80x8xf32, #tpu.memory_space<vmem>>) dst(%dma_wait3A_1681 : memref<100000x8xf32, #tpu.memory_space<vmem_shared>>)
      %dma_wait3A_1682 = arith.constant 9 : i32
      %dma_wait3A_1683 = arith.constant 720 : i32
      %dma_wait3A_1684 = arith.constant 0 : i32
      %dma_wait3A_1685 = tpu.memref_slice %arg11[%dma_wait3A_1683, %dma_wait3A_1684] : memref<2000x8xf32, #tpu.memory_space<vmem>> -> memref<80x8xf32, #tpu.memory_space<vmem>>
      %dma_wait3A_1686 = arith.constant 0 : i32
      %dma_wait3A_1687 = tpu.memref_slice %arg9[%dma_wait3A_1682, %dma_wait3A_1686] : memref<25x80xi32, #tpu.memory_space<vmem>> -> memref<1x80xi32, #tpu.memory_space<vmem>>
      %dma_wait3A_1688 = tpu.memref_squeeze %dma_wait3A_1687 : memref<1x80xi32, #tpu.memory_space<vmem>> -> memref<80xi32, #tpu.memory_space<vmem>>
      %dma_wait3A_1689 = arith.constant 0 : i32
      %dma_wait3A_1690 = arith.constant 0 : i32
      %dma_wait3A_1691 = tpu.memref_slice %arg16[%dma_wait3A_1689, %dma_wait3A_1690] : memref<100000x8xf32, #tpu.memory_space<vmem_shared>> -> memref<100000x8xf32, #tpu.memory_space<vmem_shared>>
      tpu.wait_indirect_dma semaphore(%arg21 : memref<!tpu.dma_semaphore, #tpu.memory_space<semaphore_mem>>) src(%dma_wait3A_1685 : memref<80x8xf32, #tpu.memory_space<vmem>>) dst(%dma_wait3A_1691 : memref<100000x8xf32, #tpu.memory_space<vmem_shared>>)
      %dma_wait3A_1692 = arith.constant 10 : i32
      %dma_wait3A_1693 = arith.constant 800 : i32
      %dma_wait3A_1694 = arith.constant 0 : i32
      %dma_wait3A_1695 = tpu.memref_slice %arg11[%dma_wait3A_1693, %dma_wait3A_1694] : memref<2000x8xf32, #tpu.memory_space<vmem>> -> memref<80x8xf32, #tpu.memory_space<vmem>>
      %dma_wait3A_1696 = arith.constant 0 : i32
      %dma_wait3A_1697 = tpu.memref_slice %arg9[%dma_wait3A_1692, %dma_wait3A_1696] : memref<25x80xi32, #tpu.memory_space<vmem>> -> memref<1x80xi32, #tpu.memory_space<vmem>>
      %dma_wait3A_1698 = tpu.memref_squeeze %dma_wait3A_1697 : memref<1x80xi32, #tpu.memory_space<vmem>> -> memref<80xi32, #tpu.memory_space<vmem>>
      %dma_wait3A_1699 = arith.constant 0 : i32
      %dma_wait3A_1700 = arith.constant 0 : i32
      %dma_wait3A_1701 = tpu.memref_slice %arg16[%dma_wait3A_1699, %dma_wait3A_1700] : memref<100000x8xf32, #tpu.memory_space<vmem_shared>> -> memref<100000x8xf32, #tpu.memory_space<vmem_shared>>
      tpu.wait_indirect_dma semaphore(%arg21 : memref<!tpu.dma_semaphore, #tpu.memory_space<semaphore_mem>>) src(%dma_wait3A_1695 : memref<80x8xf32, #tpu.memory_space<vmem>>) dst(%dma_wait3A_1701 : memref<100000x8xf32, #tpu.memory_space<vmem_shared>>)
      %dma_wait3A_1702 = arith.constant 11 : i32
      %dma_wait3A_1703 = arith.constant 880 : i32
      %dma_wait3A_1704 = arith.constant 0 : i32
      %dma_wait3A_1705 = tpu.memref_slice %arg11[%dma_wait3A_1703, %dma_wait3A_1704] : memref<2000x8xf32, #tpu.memory_space<vmem>> -> memref<80x8xf32, #tpu.memory_space<vmem>>
      %dma_wait3A_1706 = arith.constant 0 : i32
      %dma_wait3A_1707 = tpu.memref_slice %arg9[%dma_wait3A_1702, %dma_wait3A_1706] : memref<25x80xi32, #tpu.memory_space<vmem>> -> memref<1x80xi32, #tpu.memory_space<vmem>>
      %dma_wait3A_1708 = tpu.memref_squeeze %dma_wait3A_1707 : memref<1x80xi32, #tpu.memory_space<vmem>> -> memref<80xi32, #tpu.memory_space<vmem>>
      %dma_wait3A_1709 = arith.constant 0 : i32
      %dma_wait3A_1710 = arith.constant 0 : i32
      %dma_wait3A_1711 = tpu.memref_slice %arg16[%dma_wait3A_1709, %dma_wait3A_1710] : memref<100000x8xf32, #tpu.memory_space<vmem_shared>> -> memref<100000x8xf32, #tpu.memory_space<vmem_shared>>
      tpu.wait_indirect_dma semaphore(%arg21 : memref<!tpu.dma_semaphore, #tpu.memory_space<semaphore_mem>>) src(%dma_wait3A_1705 : memref<80x8xf32, #tpu.memory_space<vmem>>) dst(%dma_wait3A_1711 : memref<100000x8xf32, #tpu.memory_space<vmem_shared>>)
      %dma_wait3A_1712 = arith.constant 12 : i32
      %dma_wait3A_1713 = arith.constant 960 : i32
      %dma_wait3A_1714 = arith.constant 0 : i32
      %dma_wait3A_1715 = tpu.memref_slice %arg11[%dma_wait3A_1713, %dma_wait3A_1714] : memref<2000x8xf32, #tpu.memory_space<vmem>> -> memref<80x8xf32, #tpu.memory_space<vmem>>
      %dma_wait3A_1716 = arith.constant 0 : i32
      %dma_wait3A_1717 = tpu.memref_slice %arg9[%dma_wait3A_1712, %dma_wait3A_1716] : memref<25x80xi32, #tpu.memory_space<vmem>> -> memref<1x80xi32, #tpu.memory_space<vmem>>
      %dma_wait3A_1718 = tpu.memref_squeeze %dma_wait3A_1717 : memref<1x80xi32, #tpu.memory_space<vmem>> -> memref<80xi32, #tpu.memory_space<vmem>>
      %dma_wait3A_1719 = arith.constant 0 : i32
      %dma_wait3A_1720 = arith.constant 0 : i32
      %dma_wait3A_1721 = tpu.memref_slice %arg16[%dma_wait3A_1719, %dma_wait3A_1720] : memref<100000x8xf32, #tpu.memory_space<vmem_shared>> -> memref<100000x8xf32, #tpu.memory_space<vmem_shared>>
      tpu.wait_indirect_dma semaphore(%arg21 : memref<!tpu.dma_semaphore, #tpu.memory_space<semaphore_mem>>) src(%dma_wait3A_1715 : memref<80x8xf32, #tpu.memory_space<vmem>>) dst(%dma_wait3A_1721 : memref<100000x8xf32, #tpu.memory_space<vmem_shared>>)
      %dma_wait3A_1722 = arith.constant 13 : i32
      %dma_wait3A_1723 = arith.constant 1040 : i32
      %dma_wait3A_1724 = arith.constant 0 : i32
      %dma_wait3A_1725 = tpu.memref_slice %arg11[%dma_wait3A_1723, %dma_wait3A_1724] : memref<2000x8xf32, #tpu.memory_space<vmem>> -> memref<80x8xf32, #tpu.memory_space<vmem>>
      %dma_wait3A_1726 = arith.constant 0 : i32
      %dma_wait3A_1727 = tpu.memref_slice %arg9[%dma_wait3A_1722, %dma_wait3A_1726] : memref<25x80xi32, #tpu.memory_space<vmem>> -> memref<1x80xi32, #tpu.memory_space<vmem>>
      %dma_wait3A_1728 = tpu.memref_squeeze %dma_wait3A_1727 : memref<1x80xi32, #tpu.memory_space<vmem>> -> memref<80xi32, #tpu.memory_space<vmem>>
      %dma_wait3A_1729 = arith.constant 0 : i32
      %dma_wait3A_1730 = arith.constant 0 : i32
      %dma_wait3A_1731 = tpu.memref_slice %arg16[%dma_wait3A_1729, %dma_wait3A_1730] : memref<100000x8xf32, #tpu.memory_space<vmem_shared>> -> memref<100000x8xf32, #tpu.memory_space<vmem_shared>>
      tpu.wait_indirect_dma semaphore(%arg21 : memref<!tpu.dma_semaphore, #tpu.memory_space<semaphore_mem>>) src(%dma_wait3A_1725 : memref<80x8xf32, #tpu.memory_space<vmem>>) dst(%dma_wait3A_1731 : memref<100000x8xf32, #tpu.memory_space<vmem_shared>>)
      %dma_wait3A_1732 = arith.constant 14 : i32
      %dma_wait3A_1733 = arith.constant 1120 : i32
      %dma_wait3A_1734 = arith.constant 0 : i32
      %dma_wait3A_1735 = tpu.memref_slice %arg11[%dma_wait3A_1733, %dma_wait3A_1734] : memref<2000x8xf32, #tpu.memory_space<vmem>> -> memref<80x8xf32, #tpu.memory_space<vmem>>
      %dma_wait3A_1736 = arith.constant 0 : i32
      %dma_wait3A_1737 = tpu.memref_slice %arg9[%dma_wait3A_1732, %dma_wait3A_1736] : memref<25x80xi32, #tpu.memory_space<vmem>> -> memref<1x80xi32, #tpu.memory_space<vmem>>
      %dma_wait3A_1738 = tpu.memref_squeeze %dma_wait3A_1737 : memref<1x80xi32, #tpu.memory_space<vmem>> -> memref<80xi32, #tpu.memory_space<vmem>>
      %dma_wait3A_1739 = arith.constant 0 : i32
      %dma_wait3A_1740 = arith.constant 0 : i32
      %dma_wait3A_1741 = tpu.memref_slice %arg16[%dma_wait3A_1739, %dma_wait3A_1740] : memref<100000x8xf32, #tpu.memory_space<vmem_shared>> -> memref<100000x8xf32, #tpu.memory_space<vmem_shared>>
      tpu.wait_indirect_dma semaphore(%arg21 : memref<!tpu.dma_semaphore, #tpu.memory_space<semaphore_mem>>) src(%dma_wait3A_1735 : memref<80x8xf32, #tpu.memory_space<vmem>>) dst(%dma_wait3A_1741 : memref<100000x8xf32, #tpu.memory_space<vmem_shared>>)
      %dma_wait3A_1742 = arith.constant 15 : i32
      %dma_wait3A_1743 = arith.constant 1200 : i32
      %dma_wait3A_1744 = arith.constant 0 : i32
      %dma_wait3A_1745 = tpu.memref_slice %arg11[%dma_wait3A_1743, %dma_wait3A_1744] : memref<2000x8xf32, #tpu.memory_space<vmem>> -> memref<80x8xf32, #tpu.memory_space<vmem>>
      %dma_wait3A_1746 = arith.constant 0 : i32
      %dma_wait3A_1747 = tpu.memref_slice %arg9[%dma_wait3A_1742, %dma_wait3A_1746] : memref<25x80xi32, #tpu.memory_space<vmem>> -> memref<1x80xi32, #tpu.memory_space<vmem>>
      %dma_wait3A_1748 = tpu.memref_squeeze %dma_wait3A_1747 : memref<1x80xi32, #tpu.memory_space<vmem>> -> memref<80xi32, #tpu.memory_space<vmem>>
      %dma_wait3A_1749 = arith.constant 0 : i32
      %dma_wait3A_1750 = arith.constant 0 : i32
      %dma_wait3A_1751 = tpu.memref_slice %arg16[%dma_wait3A_1749, %dma_wait3A_1750] : memref<100000x8xf32, #tpu.memory_space<vmem_shared>> -> memref<100000x8xf32, #tpu.memory_space<vmem_shared>>
      tpu.wait_indirect_dma semaphore(%arg21 : memref<!tpu.dma_semaphore, #tpu.memory_space<semaphore_mem>>) src(%dma_wait3A_1745 : memref<80x8xf32, #tpu.memory_space<vmem>>) dst(%dma_wait3A_1751 : memref<100000x8xf32, #tpu.memory_space<vmem_shared>>)
      %dma_wait3A_1752 = arith.constant 16 : i32
      %dma_wait3A_1753 = arith.constant 1280 : i32
      %dma_wait3A_1754 = arith.constant 0 : i32
      %dma_wait3A_1755 = tpu.memref_slice %arg11[%dma_wait3A_1753, %dma_wait3A_1754] : memref<2000x8xf32, #tpu.memory_space<vmem>> -> memref<80x8xf32, #tpu.memory_space<vmem>>
      %dma_wait3A_1756 = arith.constant 0 : i32
      %dma_wait3A_1757 = tpu.memref_slice %arg9[%dma_wait3A_1752, %dma_wait3A_1756] : memref<25x80xi32, #tpu.memory_space<vmem>> -> memref<1x80xi32, #tpu.memory_space<vmem>>
      %dma_wait3A_1758 = tpu.memref_squeeze %dma_wait3A_1757 : memref<1x80xi32, #tpu.memory_space<vmem>> -> memref<80xi32, #tpu.memory_space<vmem>>
      %dma_wait3A_1759 = arith.constant 0 : i32
      %dma_wait3A_1760 = arith.constant 0 : i32
      %dma_wait3A_1761 = tpu.memref_slice %arg16[%dma_wait3A_1759, %dma_wait3A_1760] : memref<100000x8xf32, #tpu.memory_space<vmem_shared>> -> memref<100000x8xf32, #tpu.memory_space<vmem_shared>>
      tpu.wait_indirect_dma semaphore(%arg21 : memref<!tpu.dma_semaphore, #tpu.memory_space<semaphore_mem>>) src(%dma_wait3A_1755 : memref<80x8xf32, #tpu.memory_space<vmem>>) dst(%dma_wait3A_1761 : memref<100000x8xf32, #tpu.memory_space<vmem_shared>>)
      %dma_wait3A_1762 = arith.constant 17 : i32
      %dma_wait3A_1763 = arith.constant 1360 : i32
      %dma_wait3A_1764 = arith.constant 0 : i32
      %dma_wait3A_1765 = tpu.memref_slice %arg11[%dma_wait3A_1763, %dma_wait3A_1764] : memref<2000x8xf32, #tpu.memory_space<vmem>> -> memref<80x8xf32, #tpu.memory_space<vmem>>
      %dma_wait3A_1766 = arith.constant 0 : i32
      %dma_wait3A_1767 = tpu.memref_slice %arg9[%dma_wait3A_1762, %dma_wait3A_1766] : memref<25x80xi32, #tpu.memory_space<vmem>> -> memref<1x80xi32, #tpu.memory_space<vmem>>
      %dma_wait3A_1768 = tpu.memref_squeeze %dma_wait3A_1767 : memref<1x80xi32, #tpu.memory_space<vmem>> -> memref<80xi32, #tpu.memory_space<vmem>>
      %dma_wait3A_1769 = arith.constant 0 : i32
      %dma_wait3A_1770 = arith.constant 0 : i32
      %dma_wait3A_1771 = tpu.memref_slice %arg16[%dma_wait3A_1769, %dma_wait3A_1770] : memref<100000x8xf32, #tpu.memory_space<vmem_shared>> -> memref<100000x8xf32, #tpu.memory_space<vmem_shared>>
      tpu.wait_indirect_dma semaphore(%arg21 : memref<!tpu.dma_semaphore, #tpu.memory_space<semaphore_mem>>) src(%dma_wait3A_1765 : memref<80x8xf32, #tpu.memory_space<vmem>>) dst(%dma_wait3A_1771 : memref<100000x8xf32, #tpu.memory_space<vmem_shared>>)
      %dma_wait3A_1772 = arith.constant 18 : i32
      %dma_wait3A_1773 = arith.constant 1440 : i32
      %dma_wait3A_1774 = arith.constant 0 : i32
      %dma_wait3A_1775 = tpu.memref_slice %arg11[%dma_wait3A_1773, %dma_wait3A_1774] : memref<2000x8xf32, #tpu.memory_space<vmem>> -> memref<80x8xf32, #tpu.memory_space<vmem>>
      %dma_wait3A_1776 = arith.constant 0 : i32
      %dma_wait3A_1777 = tpu.memref_slice %arg9[%dma_wait3A_1772, %dma_wait3A_1776] : memref<25x80xi32, #tpu.memory_space<vmem>> -> memref<1x80xi32, #tpu.memory_space<vmem>>
      %dma_wait3A_1778 = tpu.memref_squeeze %dma_wait3A_1777 : memref<1x80xi32, #tpu.memory_space<vmem>> -> memref<80xi32, #tpu.memory_space<vmem>>
      %dma_wait3A_1779 = arith.constant 0 : i32
      %dma_wait3A_1780 = arith.constant 0 : i32
      %dma_wait3A_1781 = tpu.memref_slice %arg16[%dma_wait3A_1779, %dma_wait3A_1780] : memref<100000x8xf32, #tpu.memory_space<vmem_shared>> -> memref<100000x8xf32, #tpu.memory_space<vmem_shared>>
      tpu.wait_indirect_dma semaphore(%arg21 : memref<!tpu.dma_semaphore, #tpu.memory_space<semaphore_mem>>) src(%dma_wait3A_1775 : memref<80x8xf32, #tpu.memory_space<vmem>>) dst(%dma_wait3A_1781 : memref<100000x8xf32, #tpu.memory_space<vmem_shared>>)
      %dma_wait3A_1782 = arith.constant 19 : i32
      %dma_wait3A_1783 = arith.constant 1520 : i32
      %dma_wait3A_1784 = arith.constant 0 : i32
      %dma_wait3A_1785 = tpu.memref_slice %arg11[%dma_wait3A_1783, %dma_wait3A_1784] : memref<2000x8xf32, #tpu.memory_space<vmem>> -> memref<80x8xf32, #tpu.memory_space<vmem>>
      %dma_wait3A_1786 = arith.constant 0 : i32
      %dma_wait3A_1787 = tpu.memref_slice %arg9[%dma_wait3A_1782, %dma_wait3A_1786] : memref<25x80xi32, #tpu.memory_space<vmem>> -> memref<1x80xi32, #tpu.memory_space<vmem>>
      %dma_wait3A_1788 = tpu.memref_squeeze %dma_wait3A_1787 : memref<1x80xi32, #tpu.memory_space<vmem>> -> memref<80xi32, #tpu.memory_space<vmem>>
      %dma_wait3A_1789 = arith.constant 0 : i32
      %dma_wait3A_1790 = arith.constant 0 : i32
      %dma_wait3A_1791 = tpu.memref_slice %arg16[%dma_wait3A_1789, %dma_wait3A_1790] : memref<100000x8xf32, #tpu.memory_space<vmem_shared>> -> memref<100000x8xf32, #tpu.memory_space<vmem_shared>>
      tpu.wait_indirect_dma semaphore(%arg21 : memref<!tpu.dma_semaphore, #tpu.memory_space<semaphore_mem>>) src(%dma_wait3A_1785 : memref<80x8xf32, #tpu.memory_space<vmem>>) dst(%dma_wait3A_1791 : memref<100000x8xf32, #tpu.memory_space<vmem_shared>>)
      %dma_wait3A_1792 = arith.constant 20 : i32
      %dma_wait3A_1793 = arith.constant 1600 : i32
      %dma_wait3A_1794 = arith.constant 0 : i32
      %dma_wait3A_1795 = tpu.memref_slice %arg11[%dma_wait3A_1793, %dma_wait3A_1794] : memref<2000x8xf32, #tpu.memory_space<vmem>> -> memref<80x8xf32, #tpu.memory_space<vmem>>
      %dma_wait3A_1796 = arith.constant 0 : i32
      %dma_wait3A_1797 = tpu.memref_slice %arg9[%dma_wait3A_1792, %dma_wait3A_1796] : memref<25x80xi32, #tpu.memory_space<vmem>> -> memref<1x80xi32, #tpu.memory_space<vmem>>
      %dma_wait3A_1798 = tpu.memref_squeeze %dma_wait3A_1797 : memref<1x80xi32, #tpu.memory_space<vmem>> -> memref<80xi32, #tpu.memory_space<vmem>>
      %dma_wait3A_1799 = arith.constant 0 : i32
      %dma_wait3A_1800 = arith.constant 0 : i32
      %dma_wait3A_1801 = tpu.memref_slice %arg16[%dma_wait3A_1799, %dma_wait3A_1800] : memref<100000x8xf32, #tpu.memory_space<vmem_shared>> -> memref<100000x8xf32, #tpu.memory_space<vmem_shared>>
      tpu.wait_indirect_dma semaphore(%arg21 : memref<!tpu.dma_semaphore, #tpu.memory_space<semaphore_mem>>) src(%dma_wait3A_1795 : memref<80x8xf32, #tpu.memory_space<vmem>>) dst(%dma_wait3A_1801 : memref<100000x8xf32, #tpu.memory_space<vmem_shared>>)
      %dma_wait3A_1802 = arith.constant 21 : i32
      %dma_wait3A_1803 = arith.constant 1680 : i32
      %dma_wait3A_1804 = arith.constant 0 : i32
      %dma_wait3A_1805 = tpu.memref_slice %arg11[%dma_wait3A_1803, %dma_wait3A_1804] : memref<2000x8xf32, #tpu.memory_space<vmem>> -> memref<80x8xf32, #tpu.memory_space<vmem>>
      %dma_wait3A_1806 = arith.constant 0 : i32
      %dma_wait3A_1807 = tpu.memref_slice %arg9[%dma_wait3A_1802, %dma_wait3A_1806] : memref<25x80xi32, #tpu.memory_space<vmem>> -> memref<1x80xi32, #tpu.memory_space<vmem>>
      %dma_wait3A_1808 = tpu.memref_squeeze %dma_wait3A_1807 : memref<1x80xi32, #tpu.memory_space<vmem>> -> memref<80xi32, #tpu.memory_space<vmem>>
      %dma_wait3A_1809 = arith.constant 0 : i32
      %dma_wait3A_1810 = arith.constant 0 : i32
      %dma_wait3A_1811 = tpu.memref_slice %arg16[%dma_wait3A_1809, %dma_wait3A_1810] : memref<100000x8xf32, #tpu.memory_space<vmem_shared>> -> memref<100000x8xf32, #tpu.memory_space<vmem_shared>>
      tpu.wait_indirect_dma semaphore(%arg21 : memref<!tpu.dma_semaphore, #tpu.memory_space<semaphore_mem>>) src(%dma_wait3A_1805 : memref<80x8xf32, #tpu.memory_space<vmem>>) dst(%dma_wait3A_1811 : memref<100000x8xf32, #tpu.memory_space<vmem_shared>>)
      %dma_wait3A_1812 = arith.constant 22 : i32
      %dma_wait3A_1813 = arith.constant 1760 : i32
      %dma_wait3A_1814 = arith.constant 0 : i32
      %dma_wait3A_1815 = tpu.memref_slice %arg11[%dma_wait3A_1813, %dma_wait3A_1814] : memref<2000x8xf32, #tpu.memory_space<vmem>> -> memref<80x8xf32, #tpu.memory_space<vmem>>
      %dma_wait3A_1816 = arith.constant 0 : i32
      %dma_wait3A_1817 = tpu.memref_slice %arg9[%dma_wait3A_1812, %dma_wait3A_1816] : memref<25x80xi32, #tpu.memory_space<vmem>> -> memref<1x80xi32, #tpu.memory_space<vmem>>
      %dma_wait3A_1818 = tpu.memref_squeeze %dma_wait3A_1817 : memref<1x80xi32, #tpu.memory_space<vmem>> -> memref<80xi32, #tpu.memory_space<vmem>>
      %dma_wait3A_1819 = arith.constant 0 : i32
      %dma_wait3A_1820 = arith.constant 0 : i32
      %dma_wait3A_1821 = tpu.memref_slice %arg16[%dma_wait3A_1819, %dma_wait3A_1820] : memref<100000x8xf32, #tpu.memory_space<vmem_shared>> -> memref<100000x8xf32, #tpu.memory_space<vmem_shared>>
      tpu.wait_indirect_dma semaphore(%arg21 : memref<!tpu.dma_semaphore, #tpu.memory_space<semaphore_mem>>) src(%dma_wait3A_1815 : memref<80x8xf32, #tpu.memory_space<vmem>>) dst(%dma_wait3A_1821 : memref<100000x8xf32, #tpu.memory_space<vmem_shared>>)
      %dma_wait3A_1822 = arith.constant 23 : i32
      %dma_wait3A_1823 = arith.constant 1840 : i32
      %dma_wait3A_1824 = arith.constant 0 : i32
      %dma_wait3A_1825 = tpu.memref_slice %arg11[%dma_wait3A_1823, %dma_wait3A_1824] : memref<2000x8xf32, #tpu.memory_space<vmem>> -> memref<80x8xf32, #tpu.memory_space<vmem>>
      %dma_wait3A_1826 = arith.constant 0 : i32
      %dma_wait3A_1827 = tpu.memref_slice %arg9[%dma_wait3A_1822, %dma_wait3A_1826] : memref<25x80xi32, #tpu.memory_space<vmem>> -> memref<1x80xi32, #tpu.memory_space<vmem>>
      %dma_wait3A_1828 = tpu.memref_squeeze %dma_wait3A_1827 : memref<1x80xi32, #tpu.memory_space<vmem>> -> memref<80xi32, #tpu.memory_space<vmem>>
      %dma_wait3A_1829 = arith.constant 0 : i32
      %dma_wait3A_1830 = arith.constant 0 : i32
      %dma_wait3A_1831 = tpu.memref_slice %arg16[%dma_wait3A_1829, %dma_wait3A_1830] : memref<100000x8xf32, #tpu.memory_space<vmem_shared>> -> memref<100000x8xf32, #tpu.memory_space<vmem_shared>>
      tpu.wait_indirect_dma semaphore(%arg21 : memref<!tpu.dma_semaphore, #tpu.memory_space<semaphore_mem>>) src(%dma_wait3A_1825 : memref<80x8xf32, #tpu.memory_space<vmem>>) dst(%dma_wait3A_1831 : memref<100000x8xf32, #tpu.memory_space<vmem_shared>>)
      %dma_wait3A_1832 = arith.constant 24 : i32
      %dma_wait3A_1833 = arith.constant 1920 : i32
      %dma_wait3A_1834 = arith.constant 0 : i32
      %dma_wait3A_1835 = tpu.memref_slice %arg11[%dma_wait3A_1833, %dma_wait3A_1834] : memref<2000x8xf32, #tpu.memory_space<vmem>> -> memref<80x8xf32, #tpu.memory_space<vmem>>
      %dma_wait3A_1836 = arith.constant 0 : i32
      %dma_wait3A_1837 = tpu.memref_slice %arg9[%dma_wait3A_1832, %dma_wait3A_1836] : memref<25x80xi32, #tpu.memory_space<vmem>> -> memref<1x80xi32, #tpu.memory_space<vmem>>
      %dma_wait3A_1838 = tpu.memref_squeeze %dma_wait3A_1837 : memref<1x80xi32, #tpu.memory_space<vmem>> -> memref<80xi32, #tpu.memory_space<vmem>>
      %dma_wait3A_1839 = arith.constant 0 : i32
      %dma_wait3A_1840 = arith.constant 0 : i32
      %dma_wait3A_1841 = tpu.memref_slice %arg16[%dma_wait3A_1839, %dma_wait3A_1840] : memref<100000x8xf32, #tpu.memory_space<vmem_shared>> -> memref<100000x8xf32, #tpu.memory_space<vmem_shared>>
      tpu.wait_indirect_dma semaphore(%arg21 : memref<!tpu.dma_semaphore, #tpu.memory_space<semaphore_mem>>) src(%dma_wait3A_1835 : memref<80x8xf32, #tpu.memory_space<vmem>>) dst(%dma_wait3A_1841 : memref<100000x8xf32, #tpu.memory_space<vmem_shared>>)
      %dma_wait3A_1842 = arith.constant 0 : i32
      %dma_wait3A_1843 = arith.constant 0 : i32
      %dma_wait3A_1844 = arith.constant 0 : i32
      %dma_wait3A_1845 = tpu.memref_slice %arg15[%dma_wait3A_1843, %dma_wait3A_1844] : memref<2000x8xf32, #tpu.memory_space<vmem>> -> memref<80x8xf32, #tpu.memory_space<vmem>>
      %dma_wait3A_1846 = arith.constant 0 : i32
      %dma_wait3A_1847 = tpu.memref_slice %arg13[%dma_wait3A_1842, %dma_wait3A_1846] : memref<25x80xi32, #tpu.memory_space<vmem>> -> memref<1x80xi32, #tpu.memory_space<vmem>>
      %dma_wait3A_1848 = tpu.memref_squeeze %dma_wait3A_1847 : memref<1x80xi32, #tpu.memory_space<vmem>> -> memref<80xi32, #tpu.memory_space<vmem>>
      %dma_wait3A_1849 = arith.constant 0 : i32
      %dma_wait3A_1850 = arith.constant 0 : i32
      %dma_wait3A_1851 = tpu.memref_slice %arg16[%dma_wait3A_1849, %dma_wait3A_1850] : memref<100000x8xf32, #tpu.memory_space<vmem_shared>> -> memref<100000x8xf32, #tpu.memory_space<vmem_shared>>
      tpu.wait_indirect_dma semaphore(%arg22 : memref<!tpu.dma_semaphore, #tpu.memory_space<semaphore_mem>>) src(%dma_wait3A_1845 : memref<80x8xf32, #tpu.memory_space<vmem>>) dst(%dma_wait3A_1851 : memref<100000x8xf32, #tpu.memory_space<vmem_shared>>)
      %dma_wait3A_1852 = arith.constant 1 : i32
      %dma_wait3A_1853 = arith.constant 80 : i32
      %dma_wait3A_1854 = arith.constant 0 : i32
      %dma_wait3A_1855 = tpu.memref_slice %arg15[%dma_wait3A_1853, %dma_wait3A_1854] : memref<2000x8xf32, #tpu.memory_space<vmem>> -> memref<80x8xf32, #tpu.memory_space<vmem>>
      %dma_wait3A_1856 = arith.constant 0 : i32
      %dma_wait3A_1857 = tpu.memref_slice %arg13[%dma_wait3A_1852, %dma_wait3A_1856] : memref<25x80xi32, #tpu.memory_space<vmem>> -> memref<1x80xi32, #tpu.memory_space<vmem>>
      %dma_wait3A_1858 = tpu.memref_squeeze %dma_wait3A_1857 : memref<1x80xi32, #tpu.memory_space<vmem>> -> memref<80xi32, #tpu.memory_space<vmem>>
      %dma_wait3A_1859 = arith.constant 0 : i32
      %dma_wait3A_1860 = arith.constant 0 : i32
      %dma_wait3A_1861 = tpu.memref_slice %arg16[%dma_wait3A_1859, %dma_wait3A_1860] : memref<100000x8xf32, #tpu.memory_space<vmem_shared>> -> memref<100000x8xf32, #tpu.memory_space<vmem_shared>>
      tpu.wait_indirect_dma semaphore(%arg22 : memref<!tpu.dma_semaphore, #tpu.memory_space<semaphore_mem>>) src(%dma_wait3A_1855 : memref<80x8xf32, #tpu.memory_space<vmem>>) dst(%dma_wait3A_1861 : memref<100000x8xf32, #tpu.memory_space<vmem_shared>>)
      %dma_wait3A_1862 = arith.constant 2 : i32
      %dma_wait3A_1863 = arith.constant 160 : i32
      %dma_wait3A_1864 = arith.constant 0 : i32
      %dma_wait3A_1865 = tpu.memref_slice %arg15[%dma_wait3A_1863, %dma_wait3A_1864] : memref<2000x8xf32, #tpu.memory_space<vmem>> -> memref<80x8xf32, #tpu.memory_space<vmem>>
      %dma_wait3A_1866 = arith.constant 0 : i32
      %dma_wait3A_1867 = tpu.memref_slice %arg13[%dma_wait3A_1862, %dma_wait3A_1866] : memref<25x80xi32, #tpu.memory_space<vmem>> -> memref<1x80xi32, #tpu.memory_space<vmem>>
      %dma_wait3A_1868 = tpu.memref_squeeze %dma_wait3A_1867 : memref<1x80xi32, #tpu.memory_space<vmem>> -> memref<80xi32, #tpu.memory_space<vmem>>
      %dma_wait3A_1869 = arith.constant 0 : i32
      %dma_wait3A_1870 = arith.constant 0 : i32
      %dma_wait3A_1871 = tpu.memref_slice %arg16[%dma_wait3A_1869, %dma_wait3A_1870] : memref<100000x8xf32, #tpu.memory_space<vmem_shared>> -> memref<100000x8xf32, #tpu.memory_space<vmem_shared>>
      tpu.wait_indirect_dma semaphore(%arg22 : memref<!tpu.dma_semaphore, #tpu.memory_space<semaphore_mem>>) src(%dma_wait3A_1865 : memref<80x8xf32, #tpu.memory_space<vmem>>) dst(%dma_wait3A_1871 : memref<100000x8xf32, #tpu.memory_space<vmem_shared>>)
      %dma_wait3A_1872 = arith.constant 3 : i32
      %dma_wait3A_1873 = arith.constant 240 : i32
      %dma_wait3A_1874 = arith.constant 0 : i32
      %dma_wait3A_1875 = tpu.memref_slice %arg15[%dma_wait3A_1873, %dma_wait3A_1874] : memref<2000x8xf32, #tpu.memory_space<vmem>> -> memref<80x8xf32, #tpu.memory_space<vmem>>
      %dma_wait3A_1876 = arith.constant 0 : i32
      %dma_wait3A_1877 = tpu.memref_slice %arg13[%dma_wait3A_1872, %dma_wait3A_1876] : memref<25x80xi32, #tpu.memory_space<vmem>> -> memref<1x80xi32, #tpu.memory_space<vmem>>
      %dma_wait3A_1878 = tpu.memref_squeeze %dma_wait3A_1877 : memref<1x80xi32, #tpu.memory_space<vmem>> -> memref<80xi32, #tpu.memory_space<vmem>>
      %dma_wait3A_1879 = arith.constant 0 : i32
      %dma_wait3A_1880 = arith.constant 0 : i32
      %dma_wait3A_1881 = tpu.memref_slice %arg16[%dma_wait3A_1879, %dma_wait3A_1880] : memref<100000x8xf32, #tpu.memory_space<vmem_shared>> -> memref<100000x8xf32, #tpu.memory_space<vmem_shared>>
      tpu.wait_indirect_dma semaphore(%arg22 : memref<!tpu.dma_semaphore, #tpu.memory_space<semaphore_mem>>) src(%dma_wait3A_1875 : memref<80x8xf32, #tpu.memory_space<vmem>>) dst(%dma_wait3A_1881 : memref<100000x8xf32, #tpu.memory_space<vmem_shared>>)
      %dma_wait3A_1882 = arith.constant 4 : i32
      %dma_wait3A_1883 = arith.constant 320 : i32
      %dma_wait3A_1884 = arith.constant 0 : i32
      %dma_wait3A_1885 = tpu.memref_slice %arg15[%dma_wait3A_1883, %dma_wait3A_1884] : memref<2000x8xf32, #tpu.memory_space<vmem>> -> memref<80x8xf32, #tpu.memory_space<vmem>>
      %dma_wait3A_1886 = arith.constant 0 : i32
      %dma_wait3A_1887 = tpu.memref_slice %arg13[%dma_wait3A_1882, %dma_wait3A_1886] : memref<25x80xi32, #tpu.memory_space<vmem>> -> memref<1x80xi32, #tpu.memory_space<vmem>>
      %dma_wait3A_1888 = tpu.memref_squeeze %dma_wait3A_1887 : memref<1x80xi32, #tpu.memory_space<vmem>> -> memref<80xi32, #tpu.memory_space<vmem>>
      %dma_wait3A_1889 = arith.constant 0 : i32
      %dma_wait3A_1890 = arith.constant 0 : i32
      %dma_wait3A_1891 = tpu.memref_slice %arg16[%dma_wait3A_1889, %dma_wait3A_1890] : memref<100000x8xf32, #tpu.memory_space<vmem_shared>> -> memref<100000x8xf32, #tpu.memory_space<vmem_shared>>
      tpu.wait_indirect_dma semaphore(%arg22 : memref<!tpu.dma_semaphore, #tpu.memory_space<semaphore_mem>>) src(%dma_wait3A_1885 : memref<80x8xf32, #tpu.memory_space<vmem>>) dst(%dma_wait3A_1891 : memref<100000x8xf32, #tpu.memory_space<vmem_shared>>)
      %dma_wait3A_1892 = arith.constant 5 : i32
      %dma_wait3A_1893 = arith.constant 400 : i32
      %dma_wait3A_1894 = arith.constant 0 : i32
      %dma_wait3A_1895 = tpu.memref_slice %arg15[%dma_wait3A_1893, %dma_wait3A_1894] : memref<2000x8xf32, #tpu.memory_space<vmem>> -> memref<80x8xf32, #tpu.memory_space<vmem>>
      %dma_wait3A_1896 = arith.constant 0 : i32
      %dma_wait3A_1897 = tpu.memref_slice %arg13[%dma_wait3A_1892, %dma_wait3A_1896] : memref<25x80xi32, #tpu.memory_space<vmem>> -> memref<1x80xi32, #tpu.memory_space<vmem>>
      %dma_wait3A_1898 = tpu.memref_squeeze %dma_wait3A_1897 : memref<1x80xi32, #tpu.memory_space<vmem>> -> memref<80xi32, #tpu.memory_space<vmem>>
      %dma_wait3A_1899 = arith.constant 0 : i32
      %dma_wait3A_1900 = arith.constant 0 : i32
      %dma_wait3A_1901 = tpu.memref_slice %arg16[%dma_wait3A_1899, %dma_wait3A_1900] : memref<100000x8xf32, #tpu.memory_space<vmem_shared>> -> memref<100000x8xf32, #tpu.memory_space<vmem_shared>>
      tpu.wait_indirect_dma semaphore(%arg22 : memref<!tpu.dma_semaphore, #tpu.memory_space<semaphore_mem>>) src(%dma_wait3A_1895 : memref<80x8xf32, #tpu.memory_space<vmem>>) dst(%dma_wait3A_1901 : memref<100000x8xf32, #tpu.memory_space<vmem_shared>>)
      %dma_wait3A_1902 = arith.constant 6 : i32
      %dma_wait3A_1903 = arith.constant 480 : i32
      %dma_wait3A_1904 = arith.constant 0 : i32
      %dma_wait3A_1905 = tpu.memref_slice %arg15[%dma_wait3A_1903, %dma_wait3A_1904] : memref<2000x8xf32, #tpu.memory_space<vmem>> -> memref<80x8xf32, #tpu.memory_space<vmem>>
      %dma_wait3A_1906 = arith.constant 0 : i32
      %dma_wait3A_1907 = tpu.memref_slice %arg13[%dma_wait3A_1902, %dma_wait3A_1906] : memref<25x80xi32, #tpu.memory_space<vmem>> -> memref<1x80xi32, #tpu.memory_space<vmem>>
      %dma_wait3A_1908 = tpu.memref_squeeze %dma_wait3A_1907 : memref<1x80xi32, #tpu.memory_space<vmem>> -> memref<80xi32, #tpu.memory_space<vmem>>
      %dma_wait3A_1909 = arith.constant 0 : i32
      %dma_wait3A_1910 = arith.constant 0 : i32
      %dma_wait3A_1911 = tpu.memref_slice %arg16[%dma_wait3A_1909, %dma_wait3A_1910] : memref<100000x8xf32, #tpu.memory_space<vmem_shared>> -> memref<100000x8xf32, #tpu.memory_space<vmem_shared>>
      tpu.wait_indirect_dma semaphore(%arg22 : memref<!tpu.dma_semaphore, #tpu.memory_space<semaphore_mem>>) src(%dma_wait3A_1905 : memref<80x8xf32, #tpu.memory_space<vmem>>) dst(%dma_wait3A_1911 : memref<100000x8xf32, #tpu.memory_space<vmem_shared>>)
      %dma_wait3A_1912 = arith.constant 7 : i32
      %dma_wait3A_1913 = arith.constant 560 : i32
      %dma_wait3A_1914 = arith.constant 0 : i32
      %dma_wait3A_1915 = tpu.memref_slice %arg15[%dma_wait3A_1913, %dma_wait3A_1914] : memref<2000x8xf32, #tpu.memory_space<vmem>> -> memref<80x8xf32, #tpu.memory_space<vmem>>
      %dma_wait3A_1916 = arith.constant 0 : i32
      %dma_wait3A_1917 = tpu.memref_slice %arg13[%dma_wait3A_1912, %dma_wait3A_1916] : memref<25x80xi32, #tpu.memory_space<vmem>> -> memref<1x80xi32, #tpu.memory_space<vmem>>
      %dma_wait3A_1918 = tpu.memref_squeeze %dma_wait3A_1917 : memref<1x80xi32, #tpu.memory_space<vmem>> -> memref<80xi32, #tpu.memory_space<vmem>>
      %dma_wait3A_1919 = arith.constant 0 : i32
      %dma_wait3A_1920 = arith.constant 0 : i32
      %dma_wait3A_1921 = tpu.memref_slice %arg16[%dma_wait3A_1919, %dma_wait3A_1920] : memref<100000x8xf32, #tpu.memory_space<vmem_shared>> -> memref<100000x8xf32, #tpu.memory_space<vmem_shared>>
      tpu.wait_indirect_dma semaphore(%arg22 : memref<!tpu.dma_semaphore, #tpu.memory_space<semaphore_mem>>) src(%dma_wait3A_1915 : memref<80x8xf32, #tpu.memory_space<vmem>>) dst(%dma_wait3A_1921 : memref<100000x8xf32, #tpu.memory_space<vmem_shared>>)
      %dma_wait3A_1922 = arith.constant 8 : i32
      %dma_wait3A_1923 = arith.constant 640 : i32
      %dma_wait3A_1924 = arith.constant 0 : i32
      %dma_wait3A_1925 = tpu.memref_slice %arg15[%dma_wait3A_1923, %dma_wait3A_1924] : memref<2000x8xf32, #tpu.memory_space<vmem>> -> memref<80x8xf32, #tpu.memory_space<vmem>>
      %dma_wait3A_1926 = arith.constant 0 : i32
      %dma_wait3A_1927 = tpu.memref_slice %arg13[%dma_wait3A_1922, %dma_wait3A_1926] : memref<25x80xi32, #tpu.memory_space<vmem>> -> memref<1x80xi32, #tpu.memory_space<vmem>>
      %dma_wait3A_1928 = tpu.memref_squeeze %dma_wait3A_1927 : memref<1x80xi32, #tpu.memory_space<vmem>> -> memref<80xi32, #tpu.memory_space<vmem>>
      %dma_wait3A_1929 = arith.constant 0 : i32
      %dma_wait3A_1930 = arith.constant 0 : i32
      %dma_wait3A_1931 = tpu.memref_slice %arg16[%dma_wait3A_1929, %dma_wait3A_1930] : memref<100000x8xf32, #tpu.memory_space<vmem_shared>> -> memref<100000x8xf32, #tpu.memory_space<vmem_shared>>
      tpu.wait_indirect_dma semaphore(%arg22 : memref<!tpu.dma_semaphore, #tpu.memory_space<semaphore_mem>>) src(%dma_wait3A_1925 : memref<80x8xf32, #tpu.memory_space<vmem>>) dst(%dma_wait3A_1931 : memref<100000x8xf32, #tpu.memory_space<vmem_shared>>)
      %dma_wait3A_1932 = arith.constant 9 : i32
      %dma_wait3A_1933 = arith.constant 720 : i32
      %dma_wait3A_1934 = arith.constant 0 : i32
      %dma_wait3A_1935 = tpu.memref_slice %arg15[%dma_wait3A_1933, %dma_wait3A_1934] : memref<2000x8xf32, #tpu.memory_space<vmem>> -> memref<80x8xf32, #tpu.memory_space<vmem>>
      %dma_wait3A_1936 = arith.constant 0 : i32
      %dma_wait3A_1937 = tpu.memref_slice %arg13[%dma_wait3A_1932, %dma_wait3A_1936] : memref<25x80xi32, #tpu.memory_space<vmem>> -> memref<1x80xi32, #tpu.memory_space<vmem>>
      %dma_wait3A_1938 = tpu.memref_squeeze %dma_wait3A_1937 : memref<1x80xi32, #tpu.memory_space<vmem>> -> memref<80xi32, #tpu.memory_space<vmem>>
      %dma_wait3A_1939 = arith.constant 0 : i32
      %dma_wait3A_1940 = arith.constant 0 : i32
      %dma_wait3A_1941 = tpu.memref_slice %arg16[%dma_wait3A_1939, %dma_wait3A_1940] : memref<100000x8xf32, #tpu.memory_space<vmem_shared>> -> memref<100000x8xf32, #tpu.memory_space<vmem_shared>>
      tpu.wait_indirect_dma semaphore(%arg22 : memref<!tpu.dma_semaphore, #tpu.memory_space<semaphore_mem>>) src(%dma_wait3A_1935 : memref<80x8xf32, #tpu.memory_space<vmem>>) dst(%dma_wait3A_1941 : memref<100000x8xf32, #tpu.memory_space<vmem_shared>>)
      %dma_wait3A_1942 = arith.constant 10 : i32
      %dma_wait3A_1943 = arith.constant 800 : i32
      %dma_wait3A_1944 = arith.constant 0 : i32
      %dma_wait3A_1945 = tpu.memref_slice %arg15[%dma_wait3A_1943, %dma_wait3A_1944] : memref<2000x8xf32, #tpu.memory_space<vmem>> -> memref<80x8xf32, #tpu.memory_space<vmem>>
      %dma_wait3A_1946 = arith.constant 0 : i32
      %dma_wait3A_1947 = tpu.memref_slice %arg13[%dma_wait3A_1942, %dma_wait3A_1946] : memref<25x80xi32, #tpu.memory_space<vmem>> -> memref<1x80xi32, #tpu.memory_space<vmem>>
      %dma_wait3A_1948 = tpu.memref_squeeze %dma_wait3A_1947 : memref<1x80xi32, #tpu.memory_space<vmem>> -> memref<80xi32, #tpu.memory_space<vmem>>
      %dma_wait3A_1949 = arith.constant 0 : i32
      %dma_wait3A_1950 = arith.constant 0 : i32
      %dma_wait3A_1951 = tpu.memref_slice %arg16[%dma_wait3A_1949, %dma_wait3A_1950] : memref<100000x8xf32, #tpu.memory_space<vmem_shared>> -> memref<100000x8xf32, #tpu.memory_space<vmem_shared>>
      tpu.wait_indirect_dma semaphore(%arg22 : memref<!tpu.dma_semaphore, #tpu.memory_space<semaphore_mem>>) src(%dma_wait3A_1945 : memref<80x8xf32, #tpu.memory_space<vmem>>) dst(%dma_wait3A_1951 : memref<100000x8xf32, #tpu.memory_space<vmem_shared>>)
      %dma_wait3A_1952 = arith.constant 11 : i32
      %dma_wait3A_1953 = arith.constant 880 : i32
      %dma_wait3A_1954 = arith.constant 0 : i32
      %dma_wait3A_1955 = tpu.memref_slice %arg15[%dma_wait3A_1953, %dma_wait3A_1954] : memref<2000x8xf32, #tpu.memory_space<vmem>> -> memref<80x8xf32, #tpu.memory_space<vmem>>
      %dma_wait3A_1956 = arith.constant 0 : i32
      %dma_wait3A_1957 = tpu.memref_slice %arg13[%dma_wait3A_1952, %dma_wait3A_1956] : memref<25x80xi32, #tpu.memory_space<vmem>> -> memref<1x80xi32, #tpu.memory_space<vmem>>
      %dma_wait3A_1958 = tpu.memref_squeeze %dma_wait3A_1957 : memref<1x80xi32, #tpu.memory_space<vmem>> -> memref<80xi32, #tpu.memory_space<vmem>>
      %dma_wait3A_1959 = arith.constant 0 : i32
      %dma_wait3A_1960 = arith.constant 0 : i32
      %dma_wait3A_1961 = tpu.memref_slice %arg16[%dma_wait3A_1959, %dma_wait3A_1960] : memref<100000x8xf32, #tpu.memory_space<vmem_shared>> -> memref<100000x8xf32, #tpu.memory_space<vmem_shared>>
      tpu.wait_indirect_dma semaphore(%arg22 : memref<!tpu.dma_semaphore, #tpu.memory_space<semaphore_mem>>) src(%dma_wait3A_1955 : memref<80x8xf32, #tpu.memory_space<vmem>>) dst(%dma_wait3A_1961 : memref<100000x8xf32, #tpu.memory_space<vmem_shared>>)
      %dma_wait3A_1962 = arith.constant 12 : i32
      %dma_wait3A_1963 = arith.constant 960 : i32
      %dma_wait3A_1964 = arith.constant 0 : i32
      %dma_wait3A_1965 = tpu.memref_slice %arg15[%dma_wait3A_1963, %dma_wait3A_1964] : memref<2000x8xf32, #tpu.memory_space<vmem>> -> memref<80x8xf32, #tpu.memory_space<vmem>>
      %dma_wait3A_1966 = arith.constant 0 : i32
      %dma_wait3A_1967 = tpu.memref_slice %arg13[%dma_wait3A_1962, %dma_wait3A_1966] : memref<25x80xi32, #tpu.memory_space<vmem>> -> memref<1x80xi32, #tpu.memory_space<vmem>>
      %dma_wait3A_1968 = tpu.memref_squeeze %dma_wait3A_1967 : memref<1x80xi32, #tpu.memory_space<vmem>> -> memref<80xi32, #tpu.memory_space<vmem>>
      %dma_wait3A_1969 = arith.constant 0 : i32
      %dma_wait3A_1970 = arith.constant 0 : i32
      %dma_wait3A_1971 = tpu.memref_slice %arg16[%dma_wait3A_1969, %dma_wait3A_1970] : memref<100000x8xf32, #tpu.memory_space<vmem_shared>> -> memref<100000x8xf32, #tpu.memory_space<vmem_shared>>
      tpu.wait_indirect_dma semaphore(%arg22 : memref<!tpu.dma_semaphore, #tpu.memory_space<semaphore_mem>>) src(%dma_wait3A_1965 : memref<80x8xf32, #tpu.memory_space<vmem>>) dst(%dma_wait3A_1971 : memref<100000x8xf32, #tpu.memory_space<vmem_shared>>)
      %dma_wait3A_1972 = arith.constant 13 : i32
      %dma_wait3A_1973 = arith.constant 1040 : i32
      %dma_wait3A_1974 = arith.constant 0 : i32
      %dma_wait3A_1975 = tpu.memref_slice %arg15[%dma_wait3A_1973, %dma_wait3A_1974] : memref<2000x8xf32, #tpu.memory_space<vmem>> -> memref<80x8xf32, #tpu.memory_space<vmem>>
      %dma_wait3A_1976 = arith.constant 0 : i32
      %dma_wait3A_1977 = tpu.memref_slice %arg13[%dma_wait3A_1972, %dma_wait3A_1976] : memref<25x80xi32, #tpu.memory_space<vmem>> -> memref<1x80xi32, #tpu.memory_space<vmem>>
      %dma_wait3A_1978 = tpu.memref_squeeze %dma_wait3A_1977 : memref<1x80xi32, #tpu.memory_space<vmem>> -> memref<80xi32, #tpu.memory_space<vmem>>
      %dma_wait3A_1979 = arith.constant 0 : i32
      %dma_wait3A_1980 = arith.constant 0 : i32
      %dma_wait3A_1981 = tpu.memref_slice %arg16[%dma_wait3A_1979, %dma_wait3A_1980] : memref<100000x8xf32, #tpu.memory_space<vmem_shared>> -> memref<100000x8xf32, #tpu.memory_space<vmem_shared>>
      tpu.wait_indirect_dma semaphore(%arg22 : memref<!tpu.dma_semaphore, #tpu.memory_space<semaphore_mem>>) src(%dma_wait3A_1975 : memref<80x8xf32, #tpu.memory_space<vmem>>) dst(%dma_wait3A_1981 : memref<100000x8xf32, #tpu.memory_space<vmem_shared>>)
      %dma_wait3A_1982 = arith.constant 14 : i32
      %dma_wait3A_1983 = arith.constant 1120 : i32
      %dma_wait3A_1984 = arith.constant 0 : i32
      %dma_wait3A_1985 = tpu.memref_slice %arg15[%dma_wait3A_1983, %dma_wait3A_1984] : memref<2000x8xf32, #tpu.memory_space<vmem>> -> memref<80x8xf32, #tpu.memory_space<vmem>>
      %dma_wait3A_1986 = arith.constant 0 : i32
      %dma_wait3A_1987 = tpu.memref_slice %arg13[%dma_wait3A_1982, %dma_wait3A_1986] : memref<25x80xi32, #tpu.memory_space<vmem>> -> memref<1x80xi32, #tpu.memory_space<vmem>>
      %dma_wait3A_1988 = tpu.memref_squeeze %dma_wait3A_1987 : memref<1x80xi32, #tpu.memory_space<vmem>> -> memref<80xi32, #tpu.memory_space<vmem>>
      %dma_wait3A_1989 = arith.constant 0 : i32
      %dma_wait3A_1990 = arith.constant 0 : i32
      %dma_wait3A_1991 = tpu.memref_slice %arg16[%dma_wait3A_1989, %dma_wait3A_1990] : memref<100000x8xf32, #tpu.memory_space<vmem_shared>> -> memref<100000x8xf32, #tpu.memory_space<vmem_shared>>
      tpu.wait_indirect_dma semaphore(%arg22 : memref<!tpu.dma_semaphore, #tpu.memory_space<semaphore_mem>>) src(%dma_wait3A_1985 : memref<80x8xf32, #tpu.memory_space<vmem>>) dst(%dma_wait3A_1991 : memref<100000x8xf32, #tpu.memory_space<vmem_shared>>)
      %dma_wait3A_1992 = arith.constant 15 : i32
      %dma_wait3A_1993 = arith.constant 1200 : i32
      %dma_wait3A_1994 = arith.constant 0 : i32
      %dma_wait3A_1995 = tpu.memref_slice %arg15[%dma_wait3A_1993, %dma_wait3A_1994] : memref<2000x8xf32, #tpu.memory_space<vmem>> -> memref<80x8xf32, #tpu.memory_space<vmem>>
      %dma_wait3A_1996 = arith.constant 0 : i32
      %dma_wait3A_1997 = tpu.memref_slice %arg13[%dma_wait3A_1992, %dma_wait3A_1996] : memref<25x80xi32, #tpu.memory_space<vmem>> -> memref<1x80xi32, #tpu.memory_space<vmem>>
      %dma_wait3A_1998 = tpu.memref_squeeze %dma_wait3A_1997 : memref<1x80xi32, #tpu.memory_space<vmem>> -> memref<80xi32, #tpu.memory_space<vmem>>
      %dma_wait3A_1999 = arith.constant 0 : i32
      %dma_wait3A_2000 = arith.constant 0 : i32
      %dma_wait3A_2001 = tpu.memref_slice %arg16[%dma_wait3A_1999, %dma_wait3A_2000] : memref<100000x8xf32, #tpu.memory_space<vmem_shared>> -> memref<100000x8xf32, #tpu.memory_space<vmem_shared>>
      tpu.wait_indirect_dma semaphore(%arg22 : memref<!tpu.dma_semaphore, #tpu.memory_space<semaphore_mem>>) src(%dma_wait3A_1995 : memref<80x8xf32, #tpu.memory_space<vmem>>) dst(%dma_wait3A_2001 : memref<100000x8xf32, #tpu.memory_space<vmem_shared>>)
      %dma_wait3A_2002 = arith.constant 16 : i32
      %dma_wait3A_2003 = arith.constant 1280 : i32
      %dma_wait3A_2004 = arith.constant 0 : i32
      %dma_wait3A_2005 = tpu.memref_slice %arg15[%dma_wait3A_2003, %dma_wait3A_2004] : memref<2000x8xf32, #tpu.memory_space<vmem>> -> memref<80x8xf32, #tpu.memory_space<vmem>>
      %dma_wait3A_2006 = arith.constant 0 : i32
      %dma_wait3A_2007 = tpu.memref_slice %arg13[%dma_wait3A_2002, %dma_wait3A_2006] : memref<25x80xi32, #tpu.memory_space<vmem>> -> memref<1x80xi32, #tpu.memory_space<vmem>>
      %dma_wait3A_2008 = tpu.memref_squeeze %dma_wait3A_2007 : memref<1x80xi32, #tpu.memory_space<vmem>> -> memref<80xi32, #tpu.memory_space<vmem>>
      %dma_wait3A_2009 = arith.constant 0 : i32
      %dma_wait3A_2010 = arith.constant 0 : i32
      %dma_wait3A_2011 = tpu.memref_slice %arg16[%dma_wait3A_2009, %dma_wait3A_2010] : memref<100000x8xf32, #tpu.memory_space<vmem_shared>> -> memref<100000x8xf32, #tpu.memory_space<vmem_shared>>
      tpu.wait_indirect_dma semaphore(%arg22 : memref<!tpu.dma_semaphore, #tpu.memory_space<semaphore_mem>>) src(%dma_wait3A_2005 : memref<80x8xf32, #tpu.memory_space<vmem>>) dst(%dma_wait3A_2011 : memref<100000x8xf32, #tpu.memory_space<vmem_shared>>)
      %dma_wait3A_2012 = arith.constant 17 : i32
      %dma_wait3A_2013 = arith.constant 1360 : i32
      %dma_wait3A_2014 = arith.constant 0 : i32
      %dma_wait3A_2015 = tpu.memref_slice %arg15[%dma_wait3A_2013, %dma_wait3A_2014] : memref<2000x8xf32, #tpu.memory_space<vmem>> -> memref<80x8xf32, #tpu.memory_space<vmem>>
      %dma_wait3A_2016 = arith.constant 0 : i32
      %dma_wait3A_2017 = tpu.memref_slice %arg13[%dma_wait3A_2012, %dma_wait3A_2016] : memref<25x80xi32, #tpu.memory_space<vmem>> -> memref<1x80xi32, #tpu.memory_space<vmem>>
      %dma_wait3A_2018 = tpu.memref_squeeze %dma_wait3A_2017 : memref<1x80xi32, #tpu.memory_space<vmem>> -> memref<80xi32, #tpu.memory_space<vmem>>
      %dma_wait3A_2019 = arith.constant 0 : i32
      %dma_wait3A_2020 = arith.constant 0 : i32
      %dma_wait3A_2021 = tpu.memref_slice %arg16[%dma_wait3A_2019, %dma_wait3A_2020] : memref<100000x8xf32, #tpu.memory_space<vmem_shared>> -> memref<100000x8xf32, #tpu.memory_space<vmem_shared>>
      tpu.wait_indirect_dma semaphore(%arg22 : memref<!tpu.dma_semaphore, #tpu.memory_space<semaphore_mem>>) src(%dma_wait3A_2015 : memref<80x8xf32, #tpu.memory_space<vmem>>) dst(%dma_wait3A_2021 : memref<100000x8xf32, #tpu.memory_space<vmem_shared>>)
      %dma_wait3A_2022 = arith.constant 18 : i32
      %dma_wait3A_2023 = arith.constant 1440 : i32
      %dma_wait3A_2024 = arith.constant 0 : i32
      %dma_wait3A_2025 = tpu.memref_slice %arg15[%dma_wait3A_2023, %dma_wait3A_2024] : memref<2000x8xf32, #tpu.memory_space<vmem>> -> memref<80x8xf32, #tpu.memory_space<vmem>>
      %dma_wait3A_2026 = arith.constant 0 : i32
      %dma_wait3A_2027 = tpu.memref_slice %arg13[%dma_wait3A_2022, %dma_wait3A_2026] : memref<25x80xi32, #tpu.memory_space<vmem>> -> memref<1x80xi32, #tpu.memory_space<vmem>>
      %dma_wait3A_2028 = tpu.memref_squeeze %dma_wait3A_2027 : memref<1x80xi32, #tpu.memory_space<vmem>> -> memref<80xi32, #tpu.memory_space<vmem>>
      %dma_wait3A_2029 = arith.constant 0 : i32
      %dma_wait3A_2030 = arith.constant 0 : i32
      %dma_wait3A_2031 = tpu.memref_slice %arg16[%dma_wait3A_2029, %dma_wait3A_2030] : memref<100000x8xf32, #tpu.memory_space<vmem_shared>> -> memref<100000x8xf32, #tpu.memory_space<vmem_shared>>
      tpu.wait_indirect_dma semaphore(%arg22 : memref<!tpu.dma_semaphore, #tpu.memory_space<semaphore_mem>>) src(%dma_wait3A_2025 : memref<80x8xf32, #tpu.memory_space<vmem>>) dst(%dma_wait3A_2031 : memref<100000x8xf32, #tpu.memory_space<vmem_shared>>)
      %dma_wait3A_2032 = arith.constant 19 : i32
      %dma_wait3A_2033 = arith.constant 1520 : i32
      %dma_wait3A_2034 = arith.constant 0 : i32
      %dma_wait3A_2035 = tpu.memref_slice %arg15[%dma_wait3A_2033, %dma_wait3A_2034] : memref<2000x8xf32, #tpu.memory_space<vmem>> -> memref<80x8xf32, #tpu.memory_space<vmem>>
      %dma_wait3A_2036 = arith.constant 0 : i32
      %dma_wait3A_2037 = tpu.memref_slice %arg13[%dma_wait3A_2032, %dma_wait3A_2036] : memref<25x80xi32, #tpu.memory_space<vmem>> -> memref<1x80xi32, #tpu.memory_space<vmem>>
      %dma_wait3A_2038 = tpu.memref_squeeze %dma_wait3A_2037 : memref<1x80xi32, #tpu.memory_space<vmem>> -> memref<80xi32, #tpu.memory_space<vmem>>
      %dma_wait3A_2039 = arith.constant 0 : i32
      %dma_wait3A_2040 = arith.constant 0 : i32
      %dma_wait3A_2041 = tpu.memref_slice %arg16[%dma_wait3A_2039, %dma_wait3A_2040] : memref<100000x8xf32, #tpu.memory_space<vmem_shared>> -> memref<100000x8xf32, #tpu.memory_space<vmem_shared>>
      tpu.wait_indirect_dma semaphore(%arg22 : memref<!tpu.dma_semaphore, #tpu.memory_space<semaphore_mem>>) src(%dma_wait3A_2035 : memref<80x8xf32, #tpu.memory_space<vmem>>) dst(%dma_wait3A_2041 : memref<100000x8xf32, #tpu.memory_space<vmem_shared>>)
      %dma_wait3A_2042 = arith.constant 20 : i32
      %dma_wait3A_2043 = arith.constant 1600 : i32
      %dma_wait3A_2044 = arith.constant 0 : i32
      %dma_wait3A_2045 = tpu.memref_slice %arg15[%dma_wait3A_2043, %dma_wait3A_2044] : memref<2000x8xf32, #tpu.memory_space<vmem>> -> memref<80x8xf32, #tpu.memory_space<vmem>>
      %dma_wait3A_2046 = arith.constant 0 : i32
      %dma_wait3A_2047 = tpu.memref_slice %arg13[%dma_wait3A_2042, %dma_wait3A_2046] : memref<25x80xi32, #tpu.memory_space<vmem>> -> memref<1x80xi32, #tpu.memory_space<vmem>>
      %dma_wait3A_2048 = tpu.memref_squeeze %dma_wait3A_2047 : memref<1x80xi32, #tpu.memory_space<vmem>> -> memref<80xi32, #tpu.memory_space<vmem>>
      %dma_wait3A_2049 = arith.constant 0 : i32
      %dma_wait3A_2050 = arith.constant 0 : i32
      %dma_wait3A_2051 = tpu.memref_slice %arg16[%dma_wait3A_2049, %dma_wait3A_2050] : memref<100000x8xf32, #tpu.memory_space<vmem_shared>> -> memref<100000x8xf32, #tpu.memory_space<vmem_shared>>
      tpu.wait_indirect_dma semaphore(%arg22 : memref<!tpu.dma_semaphore, #tpu.memory_space<semaphore_mem>>) src(%dma_wait3A_2045 : memref<80x8xf32, #tpu.memory_space<vmem>>) dst(%dma_wait3A_2051 : memref<100000x8xf32, #tpu.memory_space<vmem_shared>>)
      %dma_wait3A_2052 = arith.constant 21 : i32
      %dma_wait3A_2053 = arith.constant 1680 : i32
      %dma_wait3A_2054 = arith.constant 0 : i32
      %dma_wait3A_2055 = tpu.memref_slice %arg15[%dma_wait3A_2053, %dma_wait3A_2054] : memref<2000x8xf32, #tpu.memory_space<vmem>> -> memref<80x8xf32, #tpu.memory_space<vmem>>
      %dma_wait3A_2056 = arith.constant 0 : i32
      %dma_wait3A_2057 = tpu.memref_slice %arg13[%dma_wait3A_2052, %dma_wait3A_2056] : memref<25x80xi32, #tpu.memory_space<vmem>> -> memref<1x80xi32, #tpu.memory_space<vmem>>
      %dma_wait3A_2058 = tpu.memref_squeeze %dma_wait3A_2057 : memref<1x80xi32, #tpu.memory_space<vmem>> -> memref<80xi32, #tpu.memory_space<vmem>>
      %dma_wait3A_2059 = arith.constant 0 : i32
      %dma_wait3A_2060 = arith.constant 0 : i32
      %dma_wait3A_2061 = tpu.memref_slice %arg16[%dma_wait3A_2059, %dma_wait3A_2060] : memref<100000x8xf32, #tpu.memory_space<vmem_shared>> -> memref<100000x8xf32, #tpu.memory_space<vmem_shared>>
      tpu.wait_indirect_dma semaphore(%arg22 : memref<!tpu.dma_semaphore, #tpu.memory_space<semaphore_mem>>) src(%dma_wait3A_2055 : memref<80x8xf32, #tpu.memory_space<vmem>>) dst(%dma_wait3A_2061 : memref<100000x8xf32, #tpu.memory_space<vmem_shared>>)
      %dma_wait3A_2062 = arith.constant 22 : i32
      %dma_wait3A_2063 = arith.constant 1760 : i32
      %dma_wait3A_2064 = arith.constant 0 : i32
      %dma_wait3A_2065 = tpu.memref_slice %arg15[%dma_wait3A_2063, %dma_wait3A_2064] : memref<2000x8xf32, #tpu.memory_space<vmem>> -> memref<80x8xf32, #tpu.memory_space<vmem>>
      %dma_wait3A_2066 = arith.constant 0 : i32
      %dma_wait3A_2067 = tpu.memref_slice %arg13[%dma_wait3A_2062, %dma_wait3A_2066] : memref<25x80xi32, #tpu.memory_space<vmem>> -> memref<1x80xi32, #tpu.memory_space<vmem>>
      %dma_wait3A_2068 = tpu.memref_squeeze %dma_wait3A_2067 : memref<1x80xi32, #tpu.memory_space<vmem>> -> memref<80xi32, #tpu.memory_space<vmem>>
      %dma_wait3A_2069 = arith.constant 0 : i32
      %dma_wait3A_2070 = arith.constant 0 : i32
      %dma_wait3A_2071 = tpu.memref_slice %arg16[%dma_wait3A_2069, %dma_wait3A_2070] : memref<100000x8xf32, #tpu.memory_space<vmem_shared>> -> memref<100000x8xf32, #tpu.memory_space<vmem_shared>>
      tpu.wait_indirect_dma semaphore(%arg22 : memref<!tpu.dma_semaphore, #tpu.memory_space<semaphore_mem>>) src(%dma_wait3A_2065 : memref<80x8xf32, #tpu.memory_space<vmem>>) dst(%dma_wait3A_2071 : memref<100000x8xf32, #tpu.memory_space<vmem_shared>>)
      %dma_wait3A_2072 = arith.constant 23 : i32
      %dma_wait3A_2073 = arith.constant 1840 : i32
      %dma_wait3A_2074 = arith.constant 0 : i32
      %dma_wait3A_2075 = tpu.memref_slice %arg15[%dma_wait3A_2073, %dma_wait3A_2074] : memref<2000x8xf32, #tpu.memory_space<vmem>> -> memref<80x8xf32, #tpu.memory_space<vmem>>
      %dma_wait3A_2076 = arith.constant 0 : i32
      %dma_wait3A_2077 = tpu.memref_slice %arg13[%dma_wait3A_2072, %dma_wait3A_2076] : memref<25x80xi32, #tpu.memory_space<vmem>> -> memref<1x80xi32, #tpu.memory_space<vmem>>
      %dma_wait3A_2078 = tpu.memref_squeeze %dma_wait3A_2077 : memref<1x80xi32, #tpu.memory_space<vmem>> -> memref<80xi32, #tpu.memory_space<vmem>>
      %dma_wait3A_2079 = arith.constant 0 : i32
      %dma_wait3A_2080 = arith.constant 0 : i32
      %dma_wait3A_2081 = tpu.memref_slice %arg16[%dma_wait3A_2079, %dma_wait3A_2080] : memref<100000x8xf32, #tpu.memory_space<vmem_shared>> -> memref<100000x8xf32, #tpu.memory_space<vmem_shared>>
      tpu.wait_indirect_dma semaphore(%arg22 : memref<!tpu.dma_semaphore, #tpu.memory_space<semaphore_mem>>) src(%dma_wait3A_2075 : memref<80x8xf32, #tpu.memory_space<vmem>>) dst(%dma_wait3A_2081 : memref<100000x8xf32, #tpu.memory_space<vmem_shared>>)
      %dma_wait3A_2082 = arith.constant 24 : i32
      %dma_wait3A_2083 = arith.constant 1920 : i32
      %dma_wait3A_2084 = arith.constant 0 : i32
      %dma_wait3A_2085 = tpu.memref_slice %arg15[%dma_wait3A_2083, %dma_wait3A_2084] : memref<2000x8xf32, #tpu.memory_space<vmem>> -> memref<80x8xf32, #tpu.memory_space<vmem>>
      %dma_wait3A_2086 = arith.constant 0 : i32
      %dma_wait3A_2087 = tpu.memref_slice %arg13[%dma_wait3A_2082, %dma_wait3A_2086] : memref<25x80xi32, #tpu.memory_space<vmem>> -> memref<1x80xi32, #tpu.memory_space<vmem>>
      %dma_wait3A_2088 = tpu.memref_squeeze %dma_wait3A_2087 : memref<1x80xi32, #tpu.memory_space<vmem>> -> memref<80xi32, #tpu.memory_space<vmem>>
      %dma_wait3A_2089 = arith.constant 0 : i32
      %dma_wait3A_2090 = arith.constant 0 : i32
      %dma_wait3A_2091 = tpu.memref_slice %arg16[%dma_wait3A_2089, %dma_wait3A_2090] : memref<100000x8xf32, #tpu.memory_space<vmem_shared>> -> memref<100000x8xf32, #tpu.memory_space<vmem_shared>>
      tpu.wait_indirect_dma semaphore(%arg22 : memref<!tpu.dma_semaphore, #tpu.memory_space<semaphore_mem>>) src(%dma_wait3A_2085 : memref<80x8xf32, #tpu.memory_space<vmem>>) dst(%dma_wait3A_2091 : memref<100000x8xf32, #tpu.memory_space<vmem_shared>>)
    }
    %scan3A_15 = arith.constant 25 : i32
    %barrier3A_16 = arith.constant 0 : index
    tpu.barrier barrier_id(%barrier3A_16)
    %mul3A_17 = arith.constant 6250 : i32
    %mul3A_18 = arith.muli %arg1, %mul3A_17 : i32
    %mul3A_19 = arith.constant 6250 : i32
    %mul3A_20 = arith.muli %arg1, %mul3A_19 : i32
    "tpu.region"() ({
      %run_scoped3A = tpu.sem_alloc : memref<!tpu.dma_semaphore, #tpu.memory_space<semaphore_mem>>
      %dma_start3A = arith.constant 0 : i32
      %dma_start3A_21 = tpu.memref_slice %arg7[%arg0, %mul3A_20, %dma_start3A] : memref<2x100000x8xf32, #tpu.memory_space<hbm>> -> memref<1x6250x8xf32, #tpu.memory_space<hbm>>
      %dma_start3A_22 = tpu.memref_squeeze %dma_start3A_21 : memref<1x6250x8xf32, #tpu.memory_space<hbm>> -> memref<6250x8xf32, #tpu.memory_space<hbm>>
      %dma_start3A_23 = arith.constant 0 : i32
      %dma_start3A_24 = tpu.memref_slice %arg16[%mul3A_18, %dma_start3A_23] : memref<100000x8xf32, #tpu.memory_space<vmem_shared>> -> memref<6250x8xf32, #tpu.memory_space<vmem_shared>>
      tpu.enqueue_dma source(%dma_start3A_24 : memref<6250x8xf32, #tpu.memory_space<vmem_shared>>) target(%dma_start3A_22 : memref<6250x8xf32, #tpu.memory_space<hbm>>) target_semaphore(%run_scoped3A : memref<!tpu.dma_semaphore, #tpu.memory_space<semaphore_mem>>)
      %dma_wait3A = arith.constant 0 : i32
      %dma_wait3A_25 = tpu.memref_slice %arg7[%arg0, %mul3A_20, %dma_wait3A] : memref<2x100000x8xf32, #tpu.memory_space<hbm>> -> memref<1x6250x8xf32, #tpu.memory_space<hbm>>
      %dma_wait3A_26 = tpu.memref_squeeze %dma_wait3A_25 : memref<1x6250x8xf32, #tpu.memory_space<hbm>> -> memref<6250x8xf32, #tpu.memory_space<hbm>>
      %dma_wait3A_27 = arith.constant 0 : i32
      %dma_wait3A_28 = tpu.memref_slice %arg16[%mul3A_18, %dma_wait3A_27] : memref<100000x8xf32, #tpu.memory_space<vmem_shared>> -> memref<6250x8xf32, #tpu.memory_space<vmem_shared>>
      tpu.wait_dma2 semaphore(%run_scoped3A : memref<!tpu.dma_semaphore, #tpu.memory_space<semaphore_mem>>) src(%dma_wait3A_28 : memref<6250x8xf32, #tpu.memory_space<vmem_shared>>) dst(%dma_wait3A_26 : memref<6250x8xf32, #tpu.memory_space<hbm>>)
      tpu.yield
    }) : () -> ()
    return
  }
}

module attributes {stable_mosaic.version = 14 : i64} {
  func.func @_epi_body(%arg0: i32, %arg1: memref<8x2048xf32, #tpu.memory_space<vmem>>, %arg2: memref<8x2048xf32, #tpu.memory_space<vmem>>, %arg3: memref<2x2048x8xf32, #tpu.memory_space<vmem>>, %arg4: memref<1x2048xf32, #tpu.memory_space<vmem>>, %arg5: memref<8x2048xf32, #tpu.memory_space<vmem>>) attributes {dimension_semantics = [#tpu.dimension_semantics<arbitrary>], iteration_bounds = array<i64: 49>, scalar_prefetch = 0 : i64, scratch_operands = 0 : i64, tpu.core_type = #tpu.core_type<tc>, window_params = [{transform_indices = @transform_0, window_bounds = array<i64: 8, 2048>}, {transform_indices = @transform_1, window_bounds = array<i64: 8, 2048>}, {transform_indices = @transform_2, window_bounds = array<i64: 2, 2048, 8>}, {transform_indices = @transform_3, window_bounds = array<i64: 1, 2048>}, {transform_indices = @transform_4, window_bounds = array<i64: 8, 2048>}]} {
    %get3A = arith.constant 0 : index
    %get3A_0 = arith.constant 0 : index
    %get3A_1 = arith.constant 0 : index
    %get3A_2 = vector.load %arg3[%get3A, %get3A_0, %get3A_1] : memref<2x2048x8xf32, #tpu.memory_space<vmem>>, vector<2x2048x8xf32>
    %slice3A = vector.extract_strided_slice %get3A_2 {offsets = [0, 0, 0], sizes = [1, 2048, 8], strides = [1, 1, 1]} : vector<2x2048x8xf32> to vector<1x2048x8xf32>
    %squeeze3A = vector.shape_cast %slice3A : vector<1x2048x8xf32> to vector<2048x8xf32>
    %slice3A_3 = vector.extract_strided_slice %get3A_2 {offsets = [1, 0, 0], sizes = [1, 2048, 8], strides = [1, 1, 1]} : vector<2x2048x8xf32> to vector<1x2048x8xf32>
    %squeeze3A_4 = vector.shape_cast %slice3A_3 : vector<1x2048x8xf32> to vector<2048x8xf32>
    %add3A = arith.addf %squeeze3A, %squeeze3A_4 : vector<2048x8xf32>
    %transpose3A = tpu.transpose %add3A, [1, 0] : vector<2048x8xf32> -> vector<8x2048xf32>
    %get3A_5 = arith.constant 0 : index
    %get3A_6 = arith.constant 0 : index
    %get3A_7 = vector.load %arg1[%get3A_5, %get3A_6] : memref<8x2048xf32, #tpu.memory_space<vmem>>, vector<8x2048xf32>
    %get3A_8 = arith.constant 0 : index
    %get3A_9 = arith.constant 0 : index
    %get3A_10 = vector.load %arg2[%get3A_8, %get3A_9] : memref<8x2048xf32, #tpu.memory_space<vmem>>, vector<8x2048xf32>
    %sub3A = arith.subf %get3A_7, %get3A_10 : vector<8x2048xf32>
    %add3A_11 = arith.addf %sub3A, %transpose3A : vector<8x2048xf32>
    %jit3A = arith.constant -1.000000e+01 : f32
    %jit3A_12 = arith.constant 1.000000e+01 : f32
    %max3A = vector.broadcast %jit3A : f32 to vector<8x2048xf32>
    %max3A_13 = arith.maximumf %max3A, %add3A_11 : vector<8x2048xf32>
    %min3A = vector.broadcast %jit3A_12 : f32 to vector<8x2048xf32>
    %min3A_14 = arith.minimumf %min3A, %max3A_13 : vector<8x2048xf32>
    %get3A_15 = arith.constant 0 : index
    %get3A_16 = arith.constant 0 : index
    %get3A_17 = vector.load %arg4[%get3A_15, %get3A_16] : memref<1x2048xf32, #tpu.memory_space<vmem>>, vector<1x2048xf32>
    %custom_jvp_call3A = arith.constant 0.000000e+00 : f32
    %max3A_18 = vector.broadcast %custom_jvp_call3A : f32 to vector<1x2048xf32>
    %max3A_19 = arith.maximumf %get3A_17, %max3A_18 : vector<1x2048xf32>
    %sub3A_20 = vector.broadcast %custom_jvp_call3A : f32 to vector<1x2048xf32>
    %sub3A_21 = arith.subf %get3A_17, %sub3A_20 : vector<1x2048xf32>
    %ne3A = arith.cmpf one, %sub3A_21, %sub3A_21 : vector<1x2048xf32>
    %add3A_22 = vector.broadcast %custom_jvp_call3A : f32 to vector<1x2048xf32>
    %add3A_23 = arith.addf %get3A_17, %add3A_22 : vector<1x2048xf32>
    %abs3A = math.absf %sub3A_21 : vector<1x2048xf32>
    %neg3A = arith.constant 0.000000e+00 : f32
    %neg3A_24 = vector.broadcast %neg3A : f32 to vector<1x2048xf32>
    %neg3A_25 = arith.subf %neg3A_24, %abs3A : vector<1x2048xf32>
    %exp3A = math.exp %neg3A_25 : vector<1x2048xf32>
    %log1p3A = math.log1p %exp3A : vector<1x2048xf32>
    %add3A_26 = arith.addf %max3A_19, %log1p3A : vector<1x2048xf32>
    %select_n3A = arith.select %ne3A, %add3A_23, %add3A_26 : vector<1x2048xi1>, vector<1x2048xf32>
    %sub3A_27 = vector.broadcast %select_n3A : vector<1x2048xf32> to vector<8x2048xf32>
    %sub3A_28 = arith.subf %min3A_14, %sub3A_27 : vector<8x2048xf32>
    %max3A_29 = arith.constant 0.000000e+00 : f32
    %max3A_30 = vector.broadcast %max3A_29 : f32 to vector<8x2048xf32>
    %max3A_31 = arith.maximumf %sub3A_28, %max3A_30 : vector<8x2048xf32>
    %swap3A = arith.constant 0 : index
    %swap3A_32 = arith.constant 0 : index
    %swap3A_33 = vector.load %arg5[%swap3A, %swap3A_32] : memref<8x2048xf32, #tpu.memory_space<vmem>>, vector<8x2048xf32>
    tpu.vector_store %arg5[%swap3A, %swap3A_32], %max3A_31 {strides = array<i32>} : memref<8x2048xf32, #tpu.memory_space<vmem>>, vector<8x2048xf32>,
    return
  }
  func.func @transform_0(%arg0: i32) -> (i32, i32) {
    %c0_i32 = arith.constant 0 : i32
    %c0_i32_0 = arith.constant 0 : i32
    return %c0_i32, %arg0 : i32, i32
  }
  func.func @transform_1(%arg0: i32) -> (i32, i32) {
    %c0_i32 = arith.constant 0 : i32
    %c0_i32_0 = arith.constant 0 : i32
    return %c0_i32, %arg0 : i32, i32
  }
  func.func @transform_2(%arg0: i32) -> (i32, i32, i32) {
    %c0_i32 = arith.constant 0 : i32
    %c0_i32_0 = arith.constant 0 : i32
    %c0_i32_1 = arith.constant 0 : i32
    return %c0_i32, %arg0, %c0_i32_0 : i32, i32, i32
  }
  func.func @transform_3(%arg0: i32) -> (i32, i32) {
    %c0_i32 = arith.constant 0 : i32
    %c0_i32_0 = arith.constant 0 : i32
    return %c0_i32, %arg0 : i32, i32
  }
  func.func @transform_4(%arg0: i32) -> (i32, i32) {
    %c0_i32 = arith.constant 0 : i32
    %c0_i32_0 = arith.constant 0 : i32
    return %c0_i32, %arg0 : i32, i32
  }
}

</mosaic_0001>

<sc_bundles>
// kernel: kernel.4.cloned.1.call-start
scs
__scs_entry_jumppad:
0x0: {  	(pc) =	sbr.rel $0x88, $3  }
0x1: {  	(tag) =	ssettag $0x0;
	lr =	simm.s32 $0x1  }
0x2: {  	[smem:$0x3F9A] =	sst lr;
	_ =	strace $0xD0000000  }
0x3: {  	_ = 	snop  }
0x4: {  	_ = 	snop  }
0x5: {  	_ = 	snop  }
0x6: {  	_ = 	snop  }
0x7: {  	_ = 	snop  }
__scs_overlays_trampoline_lowered:
0x8: {  	[smem:$0x3FA9] =	sst s0  }
0x9: {  	[smem:$0x3FAA] =	sst s1  }
0xa: {  	[smem:$0x3FAB] =	sst s2  }
0xb: {  	[smem:$0x3FAC] =	sst s3  }
0xc: {  	[smem:$0x3FAD] =	sst s4  }
0xd: {  	[smem:$0x3FAE] =	sst s5  }
0xe: {  	[smem:$0x3FAF] =	sst s6  }
0xf: {  	[smem:$0x3FB0] =	sst s7  }
0x10: {  	[smem:$0x3FB1] =	sst s8  }
0x11: {  	[smem:$0x3FB2] =	sst s9;
	s0 =	simm.s32 @!p0 $0x0  }
0x12: {  	s1 =	sld [smem:$0x3F98];
	s0 =	simm.s32 @p0 $0x1  }
0x13: {  	[smem:$0x3FB3] =	sst s0;
	s0 =	simm.s32 @!p1 $0x0  }
0x14: {  	s2 =	sld [smem:$0x3F97];
	s0 =	simm.s32 @p1 $0x1  }
0x15: {  	[smem:$0x3FB4] =	sst s0;
	s0 =	simm.s32 @!p2 $0x0  }
0x16: {  	s3 =	sld [smem:$0x3FDB];
	s0 =	simm.s32 @p2 $0x1  }
0x17: {  	s4 =	simm.s32 $0x1BF5;
	[smem:$0x3FB6] =	sst s0  }
0x18: {  	s0 =	sld [smem:$0x3F99];
	_ =	swait.ge [sflag:s4], $0x0  }
0x19: {  	s7 =	sld [smem:$0x3F9A]  }
0x1a: {  	s8 =	sadd.s32 $0xFFFFE003, lr  }
0x1b: {  	s9 =	sadd.s32 $0xFFFFFEF7, lr;
	s5 =	simm.s32 $0xFFFFFFFF;
	p2 =	slt.u32 s8, $0xFFFFF086  }
0x1c: {  	p1 =	slt.u32 s9, $0xF7A;
	s5 =	simm.s32 @!p2 $0x0  }
0x1d: {  	s5 =	simm.s32 @p1 $0x1;
	p0 =	seq.s32 s7, s2  }
0x1e: {  	s7 =	smul.u32 @!p0 $0xF7A, s2;
	p2 =	seq.s32 @!p0 s5, $0x0  }
0x1f: {  	s9 =	smul.u32 $0xF7A, s1;
	s8 =	simm.s32 @!p0 $0x1BF5;
	p2 =	por !p2, p0  }
0x20: {  	[sflag:s8] =	ssyncset.s32 @!p0 $0xFFFFF086;
	s6 =	sadd.s32 @!p0 s3, s7;
	s7 =	simm.s32 @!p0 $0x108  }
0x21: {  	s3 =	sadd.s32 s3, s9;
	s6 =	sadd.s32 @!p0 $0x88, s6;
	s7 =	simm.s32 @p2 $0x1082  }
0x22: {  	[simem:s7], [sflag:s8] =	dma.local @!p0 [hbm:s6], $0xF7A  }
0x23: {  	s9 =	sor.u32 $0xD0000000, s2;
	s6 =	simm.s32 $0x108;
	_ =	swait.ge @!p0 [sflag:s8], $0x0  }
0x24: {  	s3 =	sadd.s32 $0x88, s3;
	s6 =	simm.s32 @!p1 $0x1082;
	[sflag:s4] =	ssyncset.s32 $0xFFFFF086  }
0x25: {  	[simem:s6], [sflag:s4] =	dma.local [hbm:s3], $0xF7A  }
0x26: {  	[smem:$0x3F9A] =	sst s1;
	(tag) =	ssettag s2;
	_ =	strace s9  }
0x27: {  	s1 =	sld [smem:$0x3FAA]  }
0x28: {  	s2 =	sld [smem:$0x3FAB]  }
0x29: {  	s4 =	sld [smem:$0x3FAD]  }
0x2a: {  	p0 =	seq.s32 s5, $0x0;
	s5 =	sld [smem:$0x3FAE]  }
0x2b: {  	s6 =	sld [smem:$0x3FAF]  }
0x2c: {  	s7 =	sld [smem:$0x3FB0]  }
0x2d: {  	s3 =	simm.s32 $0x108;
	s8 =	sld [smem:$0x3FB1]  }
0x2e: {  	s3 =	simm.s32 @!p0 $0x1082;
	s9 =	sld [smem:$0x3FB2]  }
0x2f: {  	lr =	sadd.s32 s0, s3;
	s0 =	sld [smem:$0x3FA9]  }
0x30: {  	s3 =	sld [smem:$0x3FAC]  }
0x31: {  	[smem:$0x3FB5] =	sst s10  }
0x32: {  	s10 =	sld [smem:$0x3FB3];
	_ =	sdelay $0x3  }
0x33: {  	p0 =	seq.s32 s10, $0x1;
	s10 =	sld [smem:$0x3FB5];
	_ =	sdelay $0x3  }
0x34: {  	[smem:$0x3FB5] =	sst s10  }
0x35: {  	s10 =	sld [smem:$0x3FB4];
	_ =	sdelay $0x3  }
0x36: {  	p1 =	seq.s32 s10, $0x1;
	s10 =	sld [smem:$0x3FB5];
	_ =	sdelay $0x3  }
0x37: {  	[smem:$0x3FB5] =	sst s10  }
0x38: {  	s10 =	sld [smem:$0x3FB6]  }
0x39: {  	_ = 	snop;
	(pc) =	sbr.ind lr, $3  }
0x3a: {  	_ = 	snop  }
0x3b: {  	_ = 	snop  }
0x3c: {  	p2 =	seq.s32 s10, $0x1;
	s10 =	sld [smem:$0x3FB5]  }
0x3d: {  	_ =	shalt  }
0x3e: {  	_ =	shalt  }
0x3f: {  	_ =	shalt  }
0x40: {  	_ =	shalt  }
0x41: {  	_ =	shalt  }
0x42: {  	_ =	shalt  }
0x43: {  	_ =	shalt  }
0x44: {  	_ =	shalt  }
0x45: {  	_ =	shalt  }
0x46: {  	_ =	shalt  }
0x47: {  	_ =	shalt  }
0x48: {  	_ =	shalt  }
0x49: {  	_ =	shalt  }
0x4a: {  	_ =	shalt  }
0x4b: {  	_ =	shalt  }
0x4c: {  	_ =	shalt  }
0x4d: {  	_ =	shalt  }
0x4e: {  	_ =	shalt  }
0x4f: {  	_ =	shalt  }
0x50: {  	_ =	shalt  }
0x51: {  	_ =	shalt  }
0x52: {  	_ =	shalt  }
0x53: {  	_ =	shalt  }
0x54: {  	_ =	shalt  }
0x55: {  	_ =	shalt  }
0x56: {  	_ =	shalt  }
0x57: {  	_ =	shalt  }
0x58: {  	_ =	shalt  }
0x59: {  	_ =	shalt  }
0x5a: {  	_ =	shalt  }
0x5b: {  	_ =	shalt  }
0x5c: {  	_ =	shalt  }
0x5d: {  	_ =	shalt  }
0x5e: {  	_ =	shalt  }
0x5f: {  	_ =	shalt  }
0x60: {  	_ =	shalt  }
0x61: {  	_ =	shalt  }
0x62: {  	_ =	shalt  }
0x63: {  	_ =	shalt  }
0x64: {  	_ =	shalt  }
0x65: {  	_ =	shalt  }
0x66: {  	_ =	shalt  }
0x67: {  	_ =	shalt  }
0x68: {  	_ =	shalt  }
0x69: {  	_ =	shalt  }
0x6a: {  	_ =	shalt  }
0x6b: {  	_ =	shalt  }
0x6c: {  	_ =	shalt  }
0x6d: {  	_ =	shalt  }
0x6e: {  	_ =	shalt  }
0x6f: {  	_ =	shalt  }
0x70: {  	_ =	shalt  }
0x71: {  	_ =	shalt  }
0x72: {  	_ =	shalt  }
0x73: {  	_ =	shalt  }
0x74: {  	_ =	shalt  }
0x75: {  	_ =	shalt  }
0x76: {  	_ =	shalt  }
0x77: {  	_ =	shalt  }
0x78: {  	_ =	shalt  }
0x79: {  	_ =	shalt  }
0x7a: {  	_ =	shalt  }
0x7b: {  	_ =	shalt  }
0x7c: {  	_ =	shalt  }
0x7d: {  	_ =	shalt  }
0x7e: {  	_ =	shalt  }
0x7f: {  	_ =	shalt  }
0x80: {  	_ =	shalt  }
0x81: {  	_ =	shalt  }
0x82: {  	_ =	shalt  }
0x83: {  	_ =	shalt  }
0x84: {  	_ =	shalt  }
0x85: {  	_ =	shalt  }
0x86: {  	_ =	shalt  }
0x87: {  	_ =	shalt  }
.Lfunc_end0:
.L_simem_size_0:
called_computation_lowered:
.L_overlay_start_0:
0x88: {  	s2 =	sld [smem:$0x3FD9]  }
0x89: {  	s3 =	sld [smem:$0x3FFE];
	_ =	sdelay $0x1  }
0x8a: {  	s1 =	srdreg.scid  }
0x8b: {  	s0 =	sand.u32 $0x1, s1  }
0x8c: {  	s17 =	sshll.u32 s0, $0xA;
	s2 =	sadd.s32 s3, s2  }
0x8d: {  	s2 =	sadd.s32 s2, s17  }
0x8e: {  	[smem:$0x3FC1] =	sst s2  }
0x8f: {  	_ = 	snop  }
0x90: {  	s2 =	sld [smem:$0x3FC6]  }
0x91: {  	s18 =	sld [smem:$0x3FC5]  }
0x92: {  	s4 =	sld [smem:$0x3FC4]  }
0x93: {  	s5 =	sld [smem:$0x3FD0];
	(tm) =	ssettm $0x1  }
0x94: {  	s6 =	sld [smem:$0x3FFB];
	_ =	sdelay $0x3  }
0x95: {  	_ =	strace s6  }
0x96: {  	s6 =	sld [smem:$0x3FFC];
	_ =	sdelay $0x3  }
0x97: {  	_ =	strace s6  }
0x98: {  	s6 =	sld [smem:$0x3FFD];
	_ =	sdelay $0x3  }
0x99: {  	_ =	strace s6  }
0x9a: {  	_ =	strace $0x8FFFFFFF  }
0x9b: {  	s19 =	sld [smem:$0x3FDB];
	_ =	sdelay $0x1  }
0x9c: {  	s7 =	simm.s32 $_scs_section_size  }
0x9d: {  	s8 =	simm.s32 $_size__tile_overlayer_lowered;
	s9 =	simm.s32 $_tile_overlayer_lowered  }
0x9e: {  	s22 =	simm.s32 $0x1BFF;
	s21 =	sshll.u32 s9, $0x1;
	s6 =	sadd.s32 s7, s19  }
0x9f: {  	s10 =	simm.s32 $0x0;
	s20 =	sshll.u32 s8, $0x1;
	s8 =	sadd.s32 s21, s6  }
0xa0: {  	[timem:s10], [sflag:s22] =	dma.local [hbm:s8], s20  }
0xa1: {  	_ =	swait.ge [sflag:s22], s20  }
0xa2: {  	s7 =	ssub.s32 $0x0, s20;
	[sflag:s22] =	ssyncset.done $0x0  }
0xa3: {  	[sflag:s22] =	ssyncadd.s32 s7;
	_ =	sdelay $0x1  }
0xa4: {  	s23 =	simm.s32 $0x1B8B  }
0xa5: {  	_ =	swait.ge [sflag:s23], $0x1  }
0xa6: {  	[sflag:s23] =	ssyncset.done $0x0  }
0xa7: {  	s25 =	simm.s32 $0x1B8E;
	s24 =	sld [smem:$0x3FFE];
	[sflag:s23] =	ssyncadd.s32 $0xFFFFFFFF  }
0xa8: {  	s26 =	simm.s32 $execute0_lowered;
	[smem:$0x3FD2] =	sst s25  }
0xa9: {  	s8 =	sshll.u32 s26, $0x1;
	_ =	strace $0x80000046;
	[dreg:$0x1] =	wrdreg $0xFFFFFFFF  }
0xaa: {  	s28 =	simm.s32 $_size_execute0_lowered;
	s6 =	sadd.s32 s6, s8;
	[dreg:$0x0] =	wrdreg $0x0  }
0xab: {  	s8 =	sshll.u32 s28, $0x1;
	[dreg:$0x2] =	wrdreg s6  }
0xac: {  	[dreg:$0x3] =	wrdreg s8  }
0xad: {  	[dreg:$0x4] =	wrdreg $0xC0  }
0xae: {  	_ =	task [dreg:s10], $0x5FFFF  }
0xaf: {  	[dreg:$0x1] =	wrdreg $0xFFFFFFFF  }
0xb0: {  	[dreg:$0x0] =	wrdreg $0x60  }
0xb1: {  	[dreg:$0x2] =	wrdreg s5  }
0xb2: {  	[dreg:$0x3] =	wrdreg s2  }
0xb3: {  	[dreg:$0x4] =	wrdreg s18  }
0xb4: {  	[dreg:$0x5] =	wrdreg s4  }
0xb5: {  	[dreg:$0x6] =	wrdreg s24  }
0xb6: {  	[dreg:$0x7] =	wrdreg $0xABE00  }
0xb7: {  	[dreg:$0x8] =	wrdreg $0x9  }
0xb8: {  	_ =	task.clear_ibuf [dreg:s10], $0x9FFFF;
	_ =	strace $0x90000046  }
0xb9: {  	s29 =	simm.s32 $0x9;
	_ =	strace $0x80000048  }
0xba: {  	_ =	swait.ge [sflag:s29], $0x1  }
0xbb: {  	[sflag:s29] =	ssyncadd.s32 $0xFFFFFFFF  }
0xbc: {  	_ =	strace $0x90000048  }
0xbd: {  	_ =	sfence  }
0xbe: {  	s30 =	sld [smem:$0x0];
	_ =	sdelay $0x2  }
0xbf: {  	s31 =	sshll.u32 s1, $0xD;
	s1 =	sshrl.u32 s1, $0x2  }
0xc0: {  	s3 =	sand.u32 $0x4000, s31;
	s1 =	sadd.s32 s1, s30  }
0xc1: {  	s0 =	sor.u32 s3, s0;
	s1 =	sshll.u32 s1, $0x11  }
0xc2: {  	s0 =	sor.u32 s1, s0  }
0xc3: {  	s0 =	sadd.s32 $0x8F2B, s0  }
0xc4: {  	[sflag:s0] =	ssyncadd.remote.s32 $0x1  }
0xc5: {  	_ =	sfence.sel $0xFFFF  }
0xc6: {  	[dreg:$0x0] =	wrdreg $0xFFFFFFFF;
	(pc) =	sbr.abs _section_cstart, $3  }
0xc7: {  	[dreg:$0x1] =	wrdreg $0xFFFFFFFF  }
0xc8: {  	_ =	task.clear_ibuf [dreg:s10], $0x2FFFF;
	_ =	strace $0x9FFFFFFF  }
0xc9: {  	(tm) =	ssettm $0x7FFFFFFF  }
tec
execute0_lowered:
.L_overlay_start_1:
0x0: {  	(tag) =	ssettag $0x1  }
0x1: {  	s1 =	rddreg [dreg:$0x0]  }
0x2: {  	s0 =	rddreg [dreg:$0x4]  }
0x3: {  	s6 =	rddreg [dreg:$0x5];
	s10 =	stileid.u32  }
0x4: {  	s2 =	srdreg.scid;
	s4 =	simm.s32 $0x0;
	s14 =	simm.s32 $0x7  }
0x5: {  	s19 =	simm.s32 $0x7D0;
	s17 =	simm.s32 $0xFA0;
	s20 =	simm.s32 $0x6590  }
0x6: {  	s22 =	simm.s32 $0x50;
	s23 =	simm.s32 $0x1770;
	s13 =	simm.s32 $0x3  }
0x7: {  	s30 =	simm.s32 $0x6;
	s3 =	smul.u32 $0xC350, s10;
	s2 =	sand.u32 $0x1, s2  }
0x8: {  	s25 =	smul.u32 $0xC3500, s2;
	s8 =	ssub.s32 $0x2, s2;
	s2 =	sshll.u32 s2, $0x4  }
0x9: {  	[smem:$0x7FF] =	sst s4;
	s28 =	sshll.u32 s10, $0x6;
	s2 =	sor.u32 s10, s2  }
0xa: {  	_ =	strace $0x80000047;
	s5 =	sshrl.u32 s3, $0x3;
	s29 =	smul.u32 $0x4E2, s2  }
0xb: {  	s9 =	sshrl.u32 s8, $0x1;
	s5 =	sadd.s32 s5, s0;
	s4 =	sadd.s32 s3, s25  }
0xc: {  	s2 =	smul.u32 $0x186A0, s2;
	s5 =	sadd.s32 $0xA00, s5;
	[dreg:$0xc] =	wrdreg s29  }
0xd: {  	s26 =	ssub.s32 s8, s9;
	s3 =	sadd.s32 s3, s6;
	[dreg:$0x7] =	wrdreg s5  }
0xe: {  	s25 =	simm.s32 $0x4;
	s31 =	smax.u32 s26, $0x1;
	[dreg:$0xd] =	wrdreg s2  }
0xf: {  	s4 =	sshrl.u32 s4, $0x3;
	s3 =	sshrl.u32 s3, $0x3;
	[dreg:$0xa] =	wrdreg s31  }
0x10: {  	s0 =	sadd.s32 s4, s0;
	s5 =	sor.u32 $0x1C07, s28;
	[dreg:$0xb] =	wrdreg s3  }
0x11: {  	v1 =	vlaneseq.u32;
	s9 =	simm.s32 $0x5;
	s0 =	sadd.s32 $0x19200, s0;
	[dreg:$0x8] =	wrdreg s5  }
0x12: {  	v0 =	vshrl.u32 v1, $0x3;
	v1 =	vand.u32 $0x7, v1;
	s4 =	simm.s32 $0x6D60;
	[dreg:$0x9] =	wrdreg s0;
	s0 =	simm.s32 $0x0  }
.LBB2_1:
0x13: {  	[dreg:$0xe] =	wrdreg s0  }
0x14: {  	s2 =	rddreg [dreg:$0x7]  }
0x15: {  	[spmem:s3], [sflag:s5] =	dma.local [hbm:s2], $0x186A  }
0x16: {  	_ =	swait.ge [sflag:s14], $0x186A  }
0x17: {  	[sflag:s14] =	ssyncset.done $0x0  }
0x18: {  	[sflag:s14] =	ssyncadd.s32 $0xFFFFE796  }
0x19: {  	s14 =	simm.s32 $0x0;
	[bflag:$0x0] =	sbarrier.arrive $0xFFFF  }
.LBB2_2:
0x1a: {  	s2 =	smul.u32 $0x32, s14  }
0x1b: {  	s11 =	rddreg [dreg:$0xc]  }
0x1c: {  	s2 =	sadd.s32 s11, s2  }
0x1d: {  	s2 =	smul.u32 $0xA, s2  }
0x1e: {  	s16 =	rddreg [dreg:$0x1]  }
0x1f: {  	s21 =	simm.s32 $0x0;
	s18 =	rddreg [dreg:$0x2];
	s3 =	sadd.s32 s16, s2  }
0x20: {  	[tilespmem:s21], [sflag:$0x1] =	stream.linear.gather [hbm4b:s3+s21], $0x7D0, $0x38;
	[tilespmem:$0x16F30] =	vst v63  }
0x21: {  	s2 =	sadd.s32 s18, s2  }
0x22: {  	[tilespmem:s19], [sflag:$0x1] =	stream.linear.gather [hbm4b:s2+s21], $0x7D0, $0x38;
	[tilespmem:$0x16F30] =	vst v63  }
0x23: {  	s2 =	sshllo.u32 s14, $0x1;
	s19 =	smul.u32 $0xFA0, s14  }
0x24: {  	s7 =	rddreg [dreg:$0xd];
	s5 =	smul.u32 $0x19, s2  }
0x25: {  	s2 =	smul.u32 $0x7D0, s2;
	s3 =	sadd.s32 s7, s19  }
0x26: {  	s19 =	rddreg [dreg:$0x3];
	s3 =	sshrl.u32 s3, $0x3;
	s5 =	sadd.s32 s11, s5  }
0x27: {  	s3 =	sadd.s32 s19, s3;
	s5 =	smul.u32 $0xA, s5  }
0x28: {  	[tilespmem:s17], [sflag:$0x1] =	stream.linear.gather [hbm4b:s3+s21], $0x7D0, $0x38;
	[tilespmem:$0x16F30] =	vst v63  }
0x29: {  	s2 =	sadd.s32 s7, s2;
	s3 =	sadd.s32 s16, s5;
	s16 =	simm.s32 $0x55F0  }
0x2a: {  	[tilespmem:s16], [sflag:$0x2] =	stream.linear.gather [hbm4b:s3+s21], $0x7D0, $0x38;
	[tilespmem:$0x16F30] =	vst v63  }
0x2b: {  	s2 =	sshrl.u32 s2, $0x3;
	s5 =	sadd.s32 s18, s5;
	s18 =	simm.s32 $0x5DC0  }
0x2c: {  	[tilespmem:s18], [sflag:$0x2] =	stream.linear.gather [hbm4b:s5+s21], $0x7D0, $0x38;
	[tilespmem:$0x16F30] =	vst v63  }
0x2d: {  	s2 =	sadd.s32 s19, s2;
	s19 =	simm.s32 $0x1  }
0x2e: {  	[tilespmem:s20], [sflag:$0x2] =	stream.linear.gather [hbm4b:s2+s21], $0x7D0, $0x38;
	[tilespmem:$0x16F30] =	vst v63  }
0x2f: {  	_ =	swait.ge [sflag:s19], $0x7D0  }
0x30: {  	[sflag:s19] =	ssyncset.done $0x0  }
0x31: {  	[sflag:s19] =	ssyncadd.s32 $0xFFFFF830  }
0x32: {  	_ =	swait.ge [sflag:s19], $0x7D0  }
0x33: {  	[sflag:s19] =	ssyncset.done $0x0  }
0x34: {  	[sflag:s19] =	ssyncadd.s32 $0xFFFFF830  }
0x35: {  	_ =	swait.ge [sflag:s19], $0x7D0  }
0x36: {  	[sflag:s19] =	ssyncset.done $0x0  }
0x37: {  	[sflag:s19] =	ssyncadd.s32 $0xFFFFF830  }
0x38: {  	[tilespmem:s23], [sflag:$0x3] =	stream.indirect.gather [hbm4b:s1+s22], $0x8, s21, s22, $0xb8;
	[tilespmem:$0x16F30] =	vst v63  }
0x39: {  	s3 =	simm.s32 $0x19F0  }
0x3a: {  	[tilespmem:s3], [sflag:$0x3] =	stream.indirect.gather [hbm4b:s1+s22], $0x8, s22, s22, $0xb8;
	[tilespmem:$0x16F30] =	vst v63  }
0x3b: {  	s5 =	simm.s32 $0xA0;
	s19 =	simm.s32 $0x1C70  }
0x3c: {  	[tilespmem:s19], [sflag:$0x3] =	stream.indirect.gather [hbm4b:s1+s22], $0x8, s5, s22, $0xb8;
	[tilespmem:$0x16F30] =	vst v63  }
0x3d: {  	s5 =	simm.s32 $0xF0;
	s19 =	simm.s32 $0x1EF0  }
0x3e: {  	[tilespmem:s19], [sflag:$0x3] =	stream.indirect.gather [hbm4b:s1+s22], $0x8, s5, s22, $0xb8;
	[tilespmem:$0x16F30] =	vst v63  }
0x3f: {  	s5 =	simm.s32 $0x140;
	s19 =	simm.s32 $0x2170  }
0x40: {  	[tilespmem:s19], [sflag:$0x3] =	stream.indirect.gather [hbm4b:s1+s22], $0x8, s5, s22, $0xb8;
	[tilespmem:$0x16F30] =	vst v63  }
0x41: {  	s5 =	simm.s32 $0x190;
	s19 =	simm.s32 $0x23F0  }
0x42: {  	[tilespmem:s19], [sflag:$0x3] =	stream.indirect.gather [hbm4b:s1+s22], $0x8, s5, s22, $0xb8;
	[tilespmem:$0x16F30] =	vst v63  }
0x43: {  	s5 =	simm.s32 $0x1E0;
	s19 =	simm.s32 $0x2670  }
0x44: {  	[tilespmem:s19], [sflag:$0x3] =	stream.indirect.gather [hbm4b:s1+s22], $0x8, s5, s22, $0xb8;
	[tilespmem:$0x16F30] =	vst v63  }
0x45: {  	s5 =	simm.s32 $0x230;
	s19 =	simm.s32 $0x28F0  }
0x46: {  	[tilespmem:s19], [sflag:$0x3] =	stream.indirect.gather [hbm4b:s1+s22], $0x8, s5, s22, $0xb8;
	[tilespmem:$0x16F30] =	vst v63  }
0x47: {  	s5 =	simm.s32 $0x280;
	s19 =	simm.s32 $0x2B70  }
0x48: {  	[tilespmem:s19], [sflag:$0x3] =	stream.indirect.gather [hbm4b:s1+s22], $0x8, s5, s22, $0xb8;
	[tilespmem:$0x16F30] =	vst v63  }
0x49: {  	s5 =	simm.s32 $0x2D0;
	s19 =	simm.s32 $0x2DF0  }
0x4a: {  	[tilespmem:s19], [sflag:$0x3] =	stream.indirect.gather [hbm4b:s1+s22], $0x8, s5, s22, $0xb8;
	[tilespmem:$0x16F30] =	vst v63  }
0x4b: {  	s5 =	simm.s32 $0x320;
	s19 =	simm.s32 $0x3070  }
0x4c: {  	[tilespmem:s19], [sflag:$0x3] =	stream.indirect.gather [hbm4b:s1+s22], $0x8, s5, s22, $0xb8;
	[tilespmem:$0x16F30] =	vst v63  }
0x4d: {  	s5 =	simm.s32 $0x370;
	s19 =	simm.s32 $0x32F0  }
0x4e: {  	[tilespmem:s19], [sflag:$0x3] =	stream.indirect.gather [hbm4b:s1+s22], $0x8, s5, s22, $0xb8;
	[tilespmem:$0x16F30] =	vst v63  }
0x4f: {  	s5 =	simm.s32 $0x3C0;
	s19 =	simm.s32 $0x3570  }
0x50: {  	[tilespmem:s19], [sflag:$0x3] =	stream.indirect.gather [hbm4b:s1+s22], $0x8, s5, s22, $0xb8;
	[tilespmem:$0x16F30] =	vst v63  }
0x51: {  	s5 =	simm.s32 $0x410;
	s19 =	simm.s32 $0x37F0  }
0x52: {  	[tilespmem:s19], [sflag:$0x3] =	stream.indirect.gather [hbm4b:s1+s22], $0x8, s5, s22, $0xb8;
	[tilespmem:$0x16F30] =	vst v63  }
0x53: {  	s5 =	simm.s32 $0x460;
	s19 =	simm.s32 $0x3A70  }
0x54: {  	[tilespmem:s19], [sflag:$0x3] =	stream.indirect.gather [hbm4b:s1+s22], $0x8, s5, s22, $0xb8;
	[tilespmem:$0x16F30] =	vst v63  }
0x55: {  	s5 =	simm.s32 $0x4B0;
	s19 =	simm.s32 $0x3CF0  }
0x56: {  	[tilespmem:s19], [sflag:$0x3] =	stream.indirect.gather [hbm4b:s1+s22], $0x8, s5, s22, $0xb8;
	[tilespmem:$0x16F30] =	vst v63  }
0x57: {  	s5 =	simm.s32 $0x500;
	s19 =	simm.s32 $0x3F70  }
0x58: {  	[tilespmem:s19], [sflag:$0x3] =	stream.indirect.gather [hbm4b:s1+s22], $0x8, s5, s22, $0xb8;
	[tilespmem:$0x16F30] =	vst v63  }
0x59: {  	s5 =	simm.s32 $0x550;
	s19 =	simm.s32 $0x41F0  }
0x5a: {  	[tilespmem:s19], [sflag:$0x3] =	stream.indirect.gather [hbm4b:s1+s22], $0x8, s5, s22, $0xb8;
	[tilespmem:$0x16F30] =	vst v63  }
0x5b: {  	s5 =	simm.s32 $0x5A0;
	s19 =	simm.s32 $0x4470  }
0x5c: {  	[tilespmem:s19], [sflag:$0x3] =	stream.indirect.gather [hbm4b:s1+s22], $0x8, s5, s22, $0xb8;
	[tilespmem:$0x16F30] =	vst v63  }
0x5d: {  	s5 =	simm.s32 $0x5F0;
	s19 =	simm.s32 $0x46F0  }
0x5e: {  	[tilespmem:s19], [sflag:$0x3] =	stream.indirect.gather [hbm4b:s1+s22], $0x8, s5, s22, $0xb8;
	[tilespmem:$0x16F30] =	vst v63  }
0x5f: {  	s5 =	simm.s32 $0x640;
	s19 =	simm.s32 $0x4970  }
0x60: {  	[tilespmem:s19], [sflag:$0x3] =	stream.indirect.gather [hbm4b:s1+s22], $0x8, s5, s22, $0xb8;
	[tilespmem:$0x16F30] =	vst v63  }
0x61: {  	s5 =	simm.s32 $0x690;
	s19 =	simm.s32 $0x4BF0  }
0x62: {  	[tilespmem:s19], [sflag:$0x3] =	stream.indirect.gather [hbm4b:s1+s22], $0x8, s5, s22, $0xb8;
	[tilespmem:$0x16F30] =	vst v63  }
0x63: {  	s5 =	simm.s32 $0x6E0;
	s19 =	simm.s32 $0x4E70  }
0x64: {  	[tilespmem:s19], [sflag:$0x3] =	stream.indirect.gather [hbm4b:s1+s22], $0x8, s5, s22, $0xb8;
	[tilespmem:$0x16F30] =	vst v63  }
0x65: {  	s5 =	simm.s32 $0x730;
	s19 =	simm.s32 $0x50F0  }
0x66: {  	[tilespmem:s19], [sflag:$0x3] =	stream.indirect.gather [hbm4b:s1+s22], $0x8, s5, s22, $0xb8;
	[tilespmem:$0x16F30] =	vst v63  }
0x67: {  	s3 =	simm.s32 $0x780;
	s5 =	simm.s32 $0x5370;
	s19 =	simm.s32 $0x2  }
0x68: {  	[tilespmem:s5], [sflag:$0x3] =	stream.indirect.gather [hbm4b:s1+s22], $0x8, s3, s22, $0xb8;
	[tilespmem:$0x16F30] =	vst v63  }
0x69: {  	_ =	swait.ge [sflag:s19], $0x7D0  }
0x6a: {  	[sflag:s19] =	ssyncset.done $0x0  }
0x6b: {  	[sflag:s19] =	ssyncadd.s32 $0xFFFFF830  }
0x6c: {  	_ =	swait.ge [sflag:s19], $0x7D0  }
0x6d: {  	[sflag:s19] =	ssyncset.done $0x0  }
0x6e: {  	[sflag:s19] =	ssyncadd.s32 $0xFFFFF830  }
0x6f: {  	_ =	swait.ge [sflag:s19], $0x7D0  }
0x70: {  	[sflag:s19] =	ssyncset.done $0x0  }
0x71: {  	[sflag:s19] =	ssyncadd.s32 $0xFFFFF830  }
0x72: {  	[tilespmem:s4], [sflag:$0x4] =	stream.indirect.gather [hbm4b:s1+s22], $0x8, s16, s22, $0xb8;
	[tilespmem:$0x16F30] =	vst v63  }
0x73: {  	s24 =	simm.s32 $0x6FE0;
	s3 =	simm.s32 $0x5640  }
0x74: {  	[tilespmem:s24], [sflag:$0x4] =	stream.indirect.gather [hbm4b:s1+s22], $0x8, s3, s22, $0xb8;
	[tilespmem:$0x16F30] =	vst v63  }
0x75: {  	s5 =	simm.s32 $0x5690;
	s24 =	simm.s32 $0x7260  }
0x76: {  	[tilespmem:s24], [sflag:$0x4] =	stream.indirect.gather [hbm4b:s1+s22], $0x8, s5, s22, $0xb8;
	[tilespmem:$0x16F30] =	vst v63  }
0x77: {  	s26 =	simm.s32 $0x74E0;
	s16 =	simm.s32 $0x56E0  }
0x78: {  	[tilespmem:s26], [sflag:$0x4] =	stream.indirect.gather [hbm4b:s1+s22], $0x8, s16, s22, $0xb8;
	[tilespmem:$0x16F30] =	vst v63  }
0x79: {  	s19 =	simm.s32 $0x5730;
	s26 =	simm.s32 $0x7760  }
0x7a: {  	[tilespmem:s26], [sflag:$0x4] =	stream.indirect.gather [hbm4b:s1+s22], $0x8, s19, s22, $0xb8;
	[tilespmem:$0x16F30] =	vst v63  }
0x7b: {  	s29 =	simm.s32 $0x79E0;
	s3 =	simm.s32 $0x5780  }
0x7c: {  	[tilespmem:s29], [sflag:$0x4] =	stream.indirect.gather [hbm4b:s1+s22], $0x8, s3, s22, $0xb8;
	[tilespmem:$0x16F30] =	vst v63  }
0x7d: {  	s5 =	simm.s32 $0x57D0;
	s29 =	simm.s32 $0x7C60  }
0x7e: {  	[tilespmem:s29], [sflag:$0x4] =	stream.indirect.gather [hbm4b:s1+s22], $0x8, s5, s22, $0xb8;
	[tilespmem:$0x16F30] =	vst v63  }
0x7f: {  	s12 =	simm.s32 $0x7EE0;
	s16 =	simm.s32 $0x5820  }
0x80: {  	[tilespmem:s12], [sflag:$0x4] =	stream.indirect.gather [hbm4b:s1+s22], $0x8, s16, s22, $0xb8;
	[tilespmem:$0x16F30] =	vst v63  }
0x81: {  	s19 =	simm.s32 $0x5870;
	s12 =	simm.s32 $0x8160  }
0x82: {  	[tilespmem:s12], [sflag:$0x4] =	stream.indirect.gather [hbm4b:s1+s22], $0x8, s19, s22, $0xb8;
	[tilespmem:$0x16F30] =	vst v63  }
0x83: {  	s10 =	simm.s32 $0x83E0;
	s3 =	simm.s32 $0x58C0  }
0x84: {  	[tilespmem:s10], [sflag:$0x4] =	stream.indirect.gather [hbm4b:s1+s22], $0x8, s3, s22, $0xb8;
	[tilespmem:$0x16F30] =	vst v63  }
0x85: {  	s5 =	simm.s32 $0x5910;
	s10 =	simm.s32 $0x8660  }
0x86: {  	[tilespmem:s10], [sflag:$0x4] =	stream.indirect.gather [hbm4b:s1+s22], $0x8, s5, s22, $0xb8;
	[tilespmem:$0x16F30] =	vst v63  }
0x87: {  	s15 =	simm.s32 $0x88E0;
	s16 =	simm.s32 $0x5960  }
0x88: {  	[tilespmem:s15], [sflag:$0x4] =	stream.indirect.gather [hbm4b:s1+s22], $0x8, s16, s22, $0xb8;
	[tilespmem:$0x16F30] =	vst v63  }
0x89: {  	s19 =	simm.s32 $0x59B0;
	s15 =	simm.s32 $0x8B60  }
0x8a: {  	[tilespmem:s15], [sflag:$0x4] =	stream.indirect.gather [hbm4b:s1+s22], $0x8, s19, s22, $0xb8;
	[tilespmem:$0x16F30] =	vst v63  }
0x8b: {  	s28 =	simm.s32 $0x8DE0;
	s3 =	simm.s32 $0x5A00  }
0x8c: {  	[tilespmem:s28], [sflag:$0x4] =	stream.indirect.gather [hbm4b:s1+s22], $0x8, s3, s22, $0xb8;
	[tilespmem:$0x16F30] =	vst v63  }
0x8d: {  	s5 =	simm.s32 $0x5A50;
	s28 =	simm.s32 $0x9060  }
0x8e: {  	[tilespmem:s28], [sflag:$0x4] =	stream.indirect.gather [hbm4b:s1+s22], $0x8, s5, s22, $0xb8;
	[tilespmem:$0x16F30] =	vst v63  }
0x8f: {  	s0 =	simm.s32 $0x92E0;
	s16 =	simm.s32 $0x5AA0  }
0x90: {  	[tilespmem:s0], [sflag:$0x4] =	stream.indirect.gather [hbm4b:s1+s22], $0x8, s16, s22, $0xb8;
	[tilespmem:$0x16F30] =	vst v63  }
0x91: {  	s8 =	simm.s32 $0x9560;
	s19 =	simm.s32 $0x5AF0  }
0x92: {  	[tilespmem:s8], [sflag:$0x4] =	stream.indirect.gather [hbm4b:s1+s22], $0x8, s19, s22, $0xb8;
	[tilespmem:$0x16F30] =	vst v63  }
0x93: {  	s7 =	simm.s32 $0x97E0;
	s2 =	simm.s32 $0x5B40  }
0x94: {  	[tilespmem:s7], [sflag:$0x4] =	stream.indirect.gather [hbm4b:s1+s22], $0x8, s2, s22, $0xb8;
	[tilespmem:$0x16F30] =	vst v63  }
0x95: {  	s3 =	simm.s32 $0x5B90;
	s8 =	simm.s32 $0x9A60  }
0x96: {  	[tilespmem:s8], [sflag:$0x4] =	stream.indirect.gather [hbm4b:s1+s22], $0x8, s3, s22, $0xb8;
	[tilespmem:$0x16F30] =	vst v63  }
0x97: {  	s11 =	simm.s32 $0x9CE0;
	s5 =	simm.s32 $0x5BE0  }
0x98: {  	[tilespmem:s11], [sflag:$0x4] =	stream.indirect.gather [hbm4b:s1+s22], $0x8, s5, s22, $0xb8;
	[tilespmem:$0x16F30] =	vst v63  }
0x99: {  	s21 =	simm.s32 $0x9F60;
	s16 =	simm.s32 $0x5C30  }
0x9a: {  	[tilespmem:s21], [sflag:$0x4] =	stream.indirect.gather [hbm4b:s1+s22], $0x8, s16, s22, $0xb8;
	[tilespmem:$0x16F30] =	vst v63  }
0x9b: {  	s31 =	simm.s32 $0xA1E0;
	s19 =	simm.s32 $0x5C80  }
0x9c: {  	[tilespmem:s31], [sflag:$0x4] =	stream.indirect.gather [hbm4b:s1+s22], $0x8, s19, s22, $0xb8;
	[tilespmem:$0x16F30] =	vst v63  }
0x9d: {  	s2 =	simm.s32 $0x5CD0;
	s31 =	simm.s32 $0xA460  }
0x9e: {  	[tilespmem:s31], [sflag:$0x4] =	stream.indirect.gather [hbm4b:s1+s22], $0x8, s2, s22, $0xb8;
	[tilespmem:$0x16F30] =	vst v63  }
0x9f: {  	s3 =	simm.s32 $0x5D20;
	s5 =	simm.s32 $0xA6E0  }
0xa0: {  	[tilespmem:s5], [sflag:$0x4] =	stream.indirect.gather [hbm4b:s1+s22], $0x8, s3, s22, $0xb8;
	[tilespmem:$0x16F30] =	vst v63  }
0xa1: {  	s16 =	simm.s32 $0x5D70;
	s19 =	simm.s32 $0xA960  }
0xa2: {  	[tilespmem:s19], [sflag:$0x4] =	stream.indirect.gather [hbm4b:s1+s22], $0x8, s16, s22, $0xb8;
	[tilespmem:$0x16F30] =	vst v63  }
0xa3: {  	_ =	swait.ge [sflag:s13], $0x280  }
0xa4: {  	[sflag:s13] =	ssyncset.done $0x0  }
0xa5: {  	[sflag:s13] =	ssyncadd.s32 $0xFFFFFD80  }
0xa6: {  	_ =	swait.ge [sflag:s13], $0x280  }
0xa7: {  	[sflag:s13] =	ssyncset.done $0x0  }
0xa8: {  	[sflag:s13] =	ssyncadd.s32 $0xFFFFFD80  }
0xa9: {  	_ =	swait.ge [sflag:s13], $0x280  }
0xaa: {  	[sflag:s13] =	ssyncset.done $0x0  }
0xab: {  	[sflag:s13] =	ssyncadd.s32 $0xFFFFFD80  }
0xac: {  	_ =	swait.ge [sflag:s13], $0x280  }
0xad: {  	[sflag:s13] =	ssyncset.done $0x0  }
0xae: {  	[sflag:s13] =	ssyncadd.s32 $0xFFFFFD80  }
0xaf: {  	_ =	swait.ge [sflag:s13], $0x280  }
0xb0: {  	[sflag:s13] =	ssyncset.done $0x0  }
0xb1: {  	[sflag:s13] =	ssyncadd.s32 $0xFFFFFD80  }
0xb2: {  	_ =	swait.ge [sflag:s13], $0x280  }
0xb3: {  	[sflag:s13] =	ssyncset.done $0x0  }
0xb4: {  	[sflag:s13] =	ssyncadd.s32 $0xFFFFFD80  }
0xb5: {  	_ =	swait.ge [sflag:s13], $0x280  }
0xb6: {  	[sflag:s13] =	ssyncset.done $0x0  }
0xb7: {  	[sflag:s13] =	ssyncadd.s32 $0xFFFFFD80  }
0xb8: {  	_ =	swait.ge [sflag:s13], $0x280  }
0xb9: {  	[sflag:s13] =	ssyncset.done $0x0  }
0xba: {  	[sflag:s13] =	ssyncadd.s32 $0xFFFFFD80  }
0xbb: {  	_ =	swait.ge [sflag:s13], $0x280  }
0xbc: {  	[sflag:s13] =	ssyncset.done $0x0  }
0xbd: {  	[sflag:s13] =	ssyncadd.s32 $0xFFFFFD80  }
0xbe: {  	_ =	swait.ge [sflag:s13], $0x280  }
0xbf: {  	[sflag:s13] =	ssyncset.done $0x0  }
0xc0: {  	[sflag:s13] =	ssyncadd.s32 $0xFFFFFD80  }
0xc1: {  	_ =	swait.ge [sflag:s13], $0x280  }
0xc2: {  	[sflag:s13] =	ssyncset.done $0x0  }
0xc3: {  	[sflag:s13] =	ssyncadd.s32 $0xFFFFFD80  }
0xc4: {  	_ =	swait.ge [sflag:s13], $0x280  }
0xc5: {  	[sflag:s13] =	ssyncset.done $0x0  }
0xc6: {  	[sflag:s13] =	ssyncadd.s32 $0xFFFFFD80  }
0xc7: {  	_ =	swait.ge [sflag:s13], $0x280  }
0xc8: {  	[sflag:s13] =	ssyncset.done $0x0  }
0xc9: {  	[sflag:s13] =	ssyncadd.s32 $0xFFFFFD80  }
0xca: {  	_ =	swait.ge [sflag:s13], $0x280  }
0xcb: {  	[sflag:s13] =	ssyncset.done $0x0  }
0xcc: {  	[sflag:s13] =	ssyncadd.s32 $0xFFFFFD80  }
0xcd: {  	_ =	swait.ge [sflag:s13], $0x280  }
0xce: {  	[sflag:s13] =	ssyncset.done $0x0  }
0xcf: {  	[sflag:s13] =	ssyncadd.s32 $0xFFFFFD80  }
0xd0: {  	_ =	swait.ge [sflag:s13], $0x280  }
0xd1: {  	[sflag:s13] =	ssyncset.done $0x0  }
0xd2: {  	[sflag:s13] =	ssyncadd.s32 $0xFFFFFD80  }
0xd3: {  	_ =	swait.ge [sflag:s13], $0x280  }
0xd4: {  	[sflag:s13] =	ssyncset.done $0x0  }
0xd5: {  	[sflag:s13] =	ssyncadd.s32 $0xFFFFFD80  }
0xd6: {  	_ =	swait.ge [sflag:s13], $0x280  }
0xd7: {  	[sflag:s13] =	ssyncset.done $0x0  }
0xd8: {  	[sflag:s13] =	ssyncadd.s32 $0xFFFFFD80  }
0xd9: {  	_ =	swait.ge [sflag:s13], $0x280  }
0xda: {  	[sflag:s13] =	ssyncset.done $0x0  }
0xdb: {  	[sflag:s13] =	ssyncadd.s32 $0xFFFFFD80  }
0xdc: {  	_ =	swait.ge [sflag:s13], $0x280  }
0xdd: {  	[sflag:s13] =	ssyncset.done $0x0  }
0xde: {  	[sflag:s13] =	ssyncadd.s32 $0xFFFFFD80  }
0xdf: {  	_ =	swait.ge [sflag:s13], $0x280  }
0xe0: {  	[sflag:s13] =	ssyncset.done $0x0  }
0xe1: {  	[sflag:s13] =	ssyncadd.s32 $0xFFFFFD80  }
0xe2: {  	_ =	swait.ge [sflag:s13], $0x280  }
0xe3: {  	[sflag:s13] =	ssyncset.done $0x0  }
0xe4: {  	[sflag:s13] =	ssyncadd.s32 $0xFFFFFD80  }
0xe5: {  	_ =	swait.ge [sflag:s13], $0x280  }
0xe6: {  	s3 =	simm.s32 $0x0;
	[sflag:s13] =	ssyncset.done $0x0  }
0xe7: {  	v2 =	vor.u32 s3, v0;
	[sflag:s13] =	ssyncadd.s32 $0xFFFFFD80  }
0xe8: {  	v3 =	vshll.u32 v2, $0x3;
	_ =	swait.ge [sflag:s13], $0x280  }
0xe9: {  	v3 =	vor.u32 v1, v3;
	[sflag:s13] =	ssyncset.done $0x0  }
0xea: {  	[sflag:s13] =	ssyncadd.s32 $0xFFFFFD80  }
0xeb: {  	_ =	swait.ge [sflag:s13], $0x280  }
0xec: {  	[sflag:s13] =	ssyncset.done $0x0  }
0xed: {  	[sflag:s13] =	ssyncadd.s32 $0xFFFFFD80  }
0xee: {  	v4 =	vld.idx.msk [tilespmem:v3+s23+$0x0], $0xffff  }
0xef: {  	s5 =	simm.s32 $0x2;
	v2 =	vld.idx.msk [tilespmem:v2+s17+$0x0], $0xffff  }
0xf0: {  	v5 =	vor.u32 s5, v0  }
0xf1: {  	v6 =	vshll.u32 v5, $0x3  }
0xf2: {  	v6 =	vor.u32 v1, v6  }
0xf3: {  	v4 =	vand.u32 $0x7FFFFFFF, v4  }
0xf4: {  	v2 =	vmul.f32 v2, v4;
	_ =	sdelay $0x1  }
0xf5: {  	[tilespmem:v3+s23+$0x0] =	vst.idx.msk $0xffff, v2  }
0xf6: {  	v2 =	vld.idx.msk [tilespmem:v6+s23+$0x0], $0xffff  }
0xf7: {  	s16 =	simm.s32 $0x4;
	v3 =	vld.idx.msk [tilespmem:v5+s17+$0x0], $0xffff  }
0xf8: {  	v4 =	vor.u32 s16, v0  }
0xf9: {  	v5 =	vshll.u32 v4, $0x3  }
0xfa: {  	v5 =	vor.u32 v1, v5  }
0xfb: {  	v2 =	vand.u32 $0x7FFFFFFF, v2  }
0xfc: {  	v2 =	vmul.f32 v3, v2;
	_ =	sdelay $0x1  }
0xfd: {  	[tilespmem:v6+s23+$0x0] =	vst.idx.msk $0xffff, v2  }
0xfe: {  	v2 =	vld.idx.msk [tilespmem:v5+s23+$0x0], $0xffff  }
0xff: {  	s19 =	simm.s32 $0x6;
	v3 =	vld.idx.msk [tilespmem:v4+s17+$0x0], $0xffff  }
0x100: {  	v4 =	vor.u32 s19, v0  }
0x101: {  	v6 =	vshll.u32 v4, $0x3  }
0x102: {  	v6 =	vor.u32 v1, v6  }
0x103: {  	v2 =	vand.u32 $0x7FFFFFFF, v2  }
0x104: {  	v2 =	vmul.f32 v3, v2;
	_ =	sdelay $0x1  }
0x105: {  	[tilespmem:v5+s23+$0x0] =	vst.idx.msk $0xffff, v2  }
0x106: {  	v2 =	vld.idx.msk [tilespmem:v6+s23+$0x0], $0xffff  }
0x107: {  	s0 =	simm.s32 $0x8;
	v3 =	vld.idx.msk [tilespmem:v4+s17+$0x0], $0xffff  }
0x108: {  	v4 =	vor.u32 s0, v0  }
0x109: {  	v5 =	vshll.u32 v4, $0x3  }
0x10a: {  	v5 =	vor.u32 v1, v5  }
0x10b: {  	v2 =	vand.u32 $0x7FFFFFFF, v2  }
0x10c: {  	v2 =	vmul.f32 v3, v2;
	_ =	sdelay $0x1  }
0x10d: {  	[tilespmem:v6+s23+$0x0] =	vst.idx.msk $0xffff, v2  }
0x10e: {  	v2 =	vld.idx.msk [tilespmem:v5+s23+$0x0], $0xffff  }
0x10f: {  	s3 =	simm.s32 $0xA;
	v3 =	vld.idx.msk [tilespmem:v4+s17+$0x0], $0xffff  }
0x110: {  	v4 =	vor.u32 s3, v0  }
0x111: {  	v6 =	vshll.u32 v4, $0x3  }
0x112: {  	v6 =	vor.u32 v1, v6  }
0x113: {  	v2 =	vand.u32 $0x7FFFFFFF, v2  }
0x114: {  	v2 =	vmul.f32 v3, v2;
	_ =	sdelay $0x1  }
0x115: {  	[tilespmem:v5+s23+$0x0] =	vst.idx.msk $0xffff, v2  }
0x116: {  	v2 =	vld.idx.msk [tilespmem:v6+s23+$0x0], $0xffff  }
0x117: {  	s5 =	simm.s32 $0xC;
	v3 =	vld.idx.msk [tilespmem:v4+s17+$0x0], $0xffff  }
0x118: {  	v4 =	vor.u32 s5, v0  }
0x119: {  	v5 =	vshll.u32 v4, $0x3  }
0x11a: {  	v5 =	vor.u32 v1, v5  }
0x11b: {  	v2 =	vand.u32 $0x7FFFFFFF, v2  }
0x11c: {  	v2 =	vmul.f32 v3, v2;
	_ =	sdelay $0x1  }
0x11d: {  	[tilespmem:v6+s23+$0x0] =	vst.idx.msk $0xffff, v2  }
0x11e: {  	v3 =	vld.idx.msk [tilespmem:v5+s23+$0x0], $0xffff  }
0x11f: {  	s16 =	simm.s32 $0xE;
	v4 =	vld.idx.msk [tilespmem:v4+s17+$0x0], $0xffff  }
0x120: {  	v6 =	vor.u32 s16, v0  }
0x121: {  	v2 =	vshll.u32 v6, $0x3  }
0x122: {  	v2 =	vor.u32 v1, v2  }
0x123: {  	v3 =	vand.u32 $0x7FFFFFFF, v3  }
0x124: {  	v3 =	vmul.f32 v4, v3;
	_ =	sdelay $0x1  }
0x125: {  	[tilespmem:v5+s23+$0x0] =	vst.idx.msk $0xffff, v3  }
0x126: {  	v3 =	vld.idx.msk [tilespmem:v2+s23+$0x0], $0xffff;
	_ =	sdelay $0x1  }
0x127: {  	s19 =	simm.s32 $0x10;
	v5 =	vld.idx.msk [tilespmem:v6+s17+$0x0], $0xffff  }
0x128: {  	v4 =	vor.u32 s19, v0  }
0x129: {  	v6 =	vshll.u32 v4, $0x3  }
0x12a: {  	v7 =	vand.u32 $0x7FFFFFFF, v3;
	v3 =	vor.u32 v1, v6;
	_ =	sdelay $0x1  }
0x12b: {  	s2 =	simm.s32 $0x1E;
	s3 =	simm.s32 $0x2E;
	v5 =	vmul.f32 v5, v7  }
.LBB2_3:
0x12c: {  	_ = 	snop  }
0x12d: {  	p0 =	sne.s32 s3, $0x7CE;
	s5 =	smov.u32 s3;
	s3 =	sadd.s32 $0x10, s3;
	[tilespmem:v2+s23+$0x0] =	vst.idx.msk $0xffff, v5  }
0x12e: {  	v2 =	vld.idx.msk [tilespmem:v3+s23+$0x0], $0xffff  }
0x12f: {  	v4 =	vld.idx.msk [tilespmem:v4+s17+$0x0], $0xffff  }
0x130: {  	s16 =	sadd.s32 $0xFFFFFFF4, s2  }
0x131: {  	v5 =	vor.u32 s16, v0  }
0x132: {  	v6 =	vshll.u32 v5, $0x3  }
0x133: {  	v6 =	vor.u32 v1, v6  }
0x134: {  	v2 =	vand.u32 $0x7FFFFFFF, v2  }
0x135: {  	v2 =	vmul.f32 v4, v2;
	_ =	sdelay $0x1  }
0x136: {  	[tilespmem:v3+s23+$0x0] =	vst.idx.msk $0xffff, v2  }
0x137: {  	v2 =	vld.idx.msk [tilespmem:v6+s23+$0x0], $0xffff  }
0x138: {  	v3 =	vld.idx.msk [tilespmem:v5+s17+$0x0], $0xffff  }
0x139: {  	s16 =	sadd.s32 $0xFFFFFFF6, s2  }
0x13a: {  	v4 =	vor.u32 s16, v0  }
0x13b: {  	v5 =	vshll.u32 v4, $0x3  }
0x13c: {  	v5 =	vor.u32 v1, v5  }
0x13d: {  	v2 =	vand.u32 $0x7FFFFFFF, v2  }
0x13e: {  	v2 =	vmul.f32 v3, v2;
	_ =	sdelay $0x1  }
0x13f: {  	[tilespmem:v6+s23+$0x0] =	vst.idx.msk $0xffff, v2  }
0x140: {  	v2 =	vld.idx.msk [tilespmem:v5+s23+$0x0], $0xffff  }
0x141: {  	v3 =	vld.idx.msk [tilespmem:v4+s17+$0x0], $0xffff  }
0x142: {  	s16 =	sadd.s32 $0xFFFFFFF8, s2  }
0x143: {  	v4 =	vor.u32 s16, v0  }
0x144: {  	v6 =	vshll.u32 v4, $0x3  }
0x145: {  	v6 =	vor.u32 v1, v6  }
0x146: {  	v2 =	vand.u32 $0x7FFFFFFF, v2  }
0x147: {  	v2 =	vmul.f32 v3, v2;
	_ =	sdelay $0x1  }
0x148: {  	[tilespmem:v5+s23+$0x0] =	vst.idx.msk $0xffff, v2  }
0x149: {  	v2 =	vld.idx.msk [tilespmem:v6+s23+$0x0], $0xffff  }
0x14a: {  	v3 =	vld.idx.msk [tilespmem:v4+s17+$0x0], $0xffff  }
0x14b: {  	s16 =	sadd.s32 $0xFFFFFFFA, s2  }
0x14c: {  	v4 =	vor.u32 s16, v0  }
0x14d: {  	v5 =	vshll.u32 v4, $0x3  }
0x14e: {  	v5 =	vor.u32 v1, v5  }
0x14f: {  	v2 =	vand.u32 $0x7FFFFFFF, v2  }
0x150: {  	v2 =	vmul.f32 v3, v2;
	_ =	sdelay $0x1  }
0x151: {  	[tilespmem:v6+s23+$0x0] =	vst.idx.msk $0xffff, v2  }
0x152: {  	v2 =	vld.idx.msk [tilespmem:v5+s23+$0x0], $0xffff  }
0x153: {  	v3 =	vld.idx.msk [tilespmem:v4+s17+$0x0], $0xffff  }
0x154: {  	s16 =	sadd.s32 $0xFFFFFFFC, s2  }
0x155: {  	v4 =	vor.u32 s16, v0  }
0x156: {  	v6 =	vshll.u32 v4, $0x3  }
0x157: {  	v6 =	vor.u32 v1, v6  }
0x158: {  	v2 =	vand.u32 $0x7FFFFFFF, v2  }
0x159: {  	v2 =	vmul.f32 v3, v2;
	_ =	sdelay $0x1  }
0x15a: {  	[tilespmem:v5+s23+$0x0] =	vst.idx.msk $0xffff, v2  }
0x15b: {  	v2 =	vld.idx.msk [tilespmem:v6+s23+$0x0], $0xffff  }
0x15c: {  	v3 =	vld.idx.msk [tilespmem:v4+s17+$0x0], $0xffff  }
0x15d: {  	s16 =	sadd.s32 $0xFFFFFFFE, s2  }
0x15e: {  	v4 =	vor.u32 s16, v0  }
0x15f: {  	v5 =	vshll.u32 v4, $0x3  }
0x160: {  	v5 =	vor.u32 v1, v5  }
0x161: {  	v2 =	vand.u32 $0x7FFFFFFF, v2  }
0x162: {  	v2 =	vmul.f32 v3, v2;
	_ =	sdelay $0x1  }
0x163: {  	[tilespmem:v6+s23+$0x0] =	vst.idx.msk $0xffff, v2  }
0x164: {  	v3 =	vld.idx.msk [tilespmem:v5+s23+$0x0], $0xffff  }
0x165: {  	v4 =	vld.idx.msk [tilespmem:v4+s17+$0x0], $0xffff;
	_ =	sdelay $0x1  }
0x166: {  	v6 =	vor.u32 s2, v0;
	s2 =	smov.u32 s5  }
0x167: {  	v2 =	vshll.u32 v6, $0x3  }
0x168: {  	v2 =	vor.u32 v1, v2  }
0x169: {  	v3 =	vand.u32 $0x7FFFFFFF, v3  }
0x16a: {  	v3 =	vmul.f32 v4, v3;
	_ =	sdelay $0x1  }
0x16b: {  	[tilespmem:v5+s23+$0x0] =	vst.idx.msk $0xffff, v3  }
0x16c: {  	v5 =	vld.idx.msk [tilespmem:v2+s23+$0x0], $0xffff  }
0x16d: {  	v6 =	vld.idx.msk [tilespmem:v6+s17+$0x0], $0xffff  }
0x16e: {  	s5 =	sadd.s32 $0xFFFFFFF2, s2  }
.Ltmp0:
0x16f: {  	v4 =	vor.u32 s5, v0;
	(pc) =	sbr.rel @p0 .LBB2_3-.Ltmp0, $4  }
0x170: {  	v3 =	vshll.u32 v4, $0x3  }
0x171: {  	v3 =	vor.u32 v1, v3  }
0x172: {  	v5 =	vand.u32 $0x7FFFFFFF, v5  }
0x173: {  	v5 =	vmul.f32 v6, v5  }
0x174: {  	_ =	sdelay $0x3  }
0x175: {  	[tilespmem:v2+s23+$0x0] =	vst.idx.msk $0xffff, v5  }
0x176: {  	v2 =	vld.idx.msk [tilespmem:v3+s23+$0x0], $0xffff  }
0x177: {  	s3 =	sadd.s32 $0xFFFFFFF4, s2;
	v4 =	vld.idx.msk [tilespmem:v4+s17+$0x0], $0xffff  }
0x178: {  	v5 =	vor.u32 s3, v0  }
0x179: {  	v6 =	vshll.u32 v5, $0x3  }
0x17a: {  	v6 =	vor.u32 v1, v6  }
0x17b: {  	v2 =	vand.u32 $0x7FFFFFFF, v2  }
0x17c: {  	v2 =	vmul.f32 v4, v2;
	_ =	sdelay $0x1  }
0x17d: {  	[tilespmem:v3+s23+$0x0] =	vst.idx.msk $0xffff, v2  }
0x17e: {  	v2 =	vld.idx.msk [tilespmem:v6+s23+$0x0], $0xffff  }
0x17f: {  	s5 =	sadd.s32 $0xFFFFFFF6, s2;
	v3 =	vld.idx.msk [tilespmem:v5+s17+$0x0], $0xffff  }
0x180: {  	v4 =	vor.u32 s5, v0  }
0x181: {  	v5 =	vshll.u32 v4, $0x3  }
0x182: {  	v5 =	vor.u32 v1, v5  }
0x183: {  	v2 =	vand.u32 $0x7FFFFFFF, v2  }
0x184: {  	v2 =	vmul.f32 v3, v2;
	_ =	sdelay $0x1  }
0x185: {  	[tilespmem:v6+s23+$0x0] =	vst.idx.msk $0xffff, v2  }
0x186: {  	v2 =	vld.idx.msk [tilespmem:v5+s23+$0x0], $0xffff  }
0x187: {  	s16 =	sadd.s32 $0xFFFFFFF8, s2;
	v3 =	vld.idx.msk [tilespmem:v4+s17+$0x0], $0xffff  }
0x188: {  	v4 =	vor.u32 s16, v0  }
0x189: {  	v6 =	vshll.u32 v4, $0x3  }
0x18a: {  	v6 =	vor.u32 v1, v6  }
0x18b: {  	v2 =	vand.u32 $0x7FFFFFFF, v2  }
0x18c: {  	v2 =	vmul.f32 v3, v2;
	_ =	sdelay $0x1  }
0x18d: {  	[tilespmem:v5+s23+$0x0] =	vst.idx.msk $0xffff, v2  }
0x18e: {  	v2 =	vld.idx.msk [tilespmem:v6+s23+$0x0], $0xffff  }
0x18f: {  	s19 =	sadd.s32 $0xFFFFFFFA, s2;
	v3 =	vld.idx.msk [tilespmem:v4+s17+$0x0], $0xffff  }
0x190: {  	v4 =	vor.u32 s19, v0  }
0x191: {  	v5 =	vshll.u32 v4, $0x3  }
0x192: {  	v5 =	vor.u32 v1, v5  }
0x193: {  	v2 =	vand.u32 $0x7FFFFFFF, v2  }
0x194: {  	v2 =	vmul.f32 v3, v2;
	_ =	sdelay $0x1  }
0x195: {  	[tilespmem:v6+s23+$0x0] =	vst.idx.msk $0xffff, v2  }
0x196: {  	v2 =	vld.idx.msk [tilespmem:v5+s23+$0x0], $0xffff  }
0x197: {  	s0 =	sadd.s32 $0xFFFFFFFC, s2;
	v3 =	vld.idx.msk [tilespmem:v4+s17+$0x0], $0xffff  }
0x198: {  	v4 =	vor.u32 s0, v0  }
0x199: {  	v6 =	vshll.u32 v4, $0x3  }
0x19a: {  	v6 =	vor.u32 v1, v6  }
0x19b: {  	v2 =	vand.u32 $0x7FFFFFFF, v2  }
0x19c: {  	v2 =	vmul.f32 v3, v2;
	_ =	sdelay $0x1  }
0x19d: {  	[tilespmem:v5+s23+$0x0] =	vst.idx.msk $0xffff, v2  }
0x19e: {  	v2 =	vld.idx.msk [tilespmem:v6+s23+$0x0], $0xffff  }
0x19f: {  	s5 =	sadd.s32 $0xFFFFFFFE, s2;
	v3 =	vld.idx.msk [tilespmem:v4+s17+$0x0], $0xffff  }
0x1a0: {  	v4 =	vor.u32 s5, v0  }
0x1a1: {  	v5 =	vshll.u32 v4, $0x3  }
0x1a2: {  	v5 =	vor.u32 v1, v5  }
0x1a3: {  	v2 =	vand.u32 $0x7FFFFFFF, v2  }
0x1a4: {  	v2 =	vmul.f32 v3, v2;
	_ =	sdelay $0x1  }
0x1a5: {  	[tilespmem:v6+s23+$0x0] =	vst.idx.msk $0xffff, v2  }
0x1a6: {  	v2 =	vld.idx.msk [tilespmem:v5+s23+$0x0], $0xffff  }
0x1a7: {  	v3 =	vld.idx.msk [tilespmem:v4+s17+$0x0], $0xffff  }
0x1a8: {  	v4 =	vor.u32 s2, v0  }
0x1a9: {  	v6 =	vshll.u32 v4, $0x3  }
0x1aa: {  	v6 =	vor.u32 v1, v6  }
0x1ab: {  	v2 =	vand.u32 $0x7FFFFFFF, v2  }
0x1ac: {  	v2 =	vmul.f32 v3, v2;
	_ =	sdelay $0x1  }
0x1ad: {  	[tilespmem:v5+s23+$0x0] =	vst.idx.msk $0xffff, v2  }
0x1ae: {  	v2 =	vld.idx.msk [tilespmem:v6+s23+$0x0], $0xffff  }
0x1af: {  	v3 =	vld.idx.msk [tilespmem:v4+s17+$0x0], $0xffff;
	_ =	sdelay $0x3  }
0x1b0: {  	v2 =	vand.u32 $0x7FFFFFFF, v2  }
0x1b1: {  	v2 =	vmul.f32 v3, v2;
	_ =	sdelay $0x1  }
0x1b2: {  	s19 =	simm.s32 $0x7D0;
	[tilespmem:v6+s23+$0x0] =	vst.idx.msk $0xffff, v2  }
0x1b3: {  	[spmem:s6] =	stream.indirect.scatter.add.f32 [tilespmem:s23], [sflag:$0x5], $0x8, s19, s22, $0xb8;
	[tilespmem:$0x16F30] =	vst v63  }
0x1b4: {  	s16 =	simm.s32 $0x19F0;
	s0 =	simm.s32 $0x820  }
0x1b5: {  	[spmem:s6] =	stream.indirect.scatter.add.f32 [tilespmem:s16], [sflag:$0x5], $0x8, s0, s22, $0xb8;
	[tilespmem:$0x16F30] =	vst v63  }
0x1b6: {  	s3 =	simm.s32 $0x870;
	s0 =	simm.s32 $0x1C70  }
0x1b7: {  	[spmem:s6] =	stream.indirect.scatter.add.f32 [tilespmem:s0], [sflag:$0x5], $0x8, s3, s22, $0xb8;
	[tilespmem:$0x16F30] =	vst v63  }
0x1b8: {  	s5 =	simm.s32 $0x1EF0;
	s16 =	simm.s32 $0x8C0  }
0x1b9: {  	[spmem:s6] =	stream.indirect.scatter.add.f32 [tilespmem:s5], [sflag:$0x5], $0x8, s16, s22, $0xb8;
	[tilespmem:$0x16F30] =	vst v63  }
0x1ba: {  	s0 =	simm.s32 $0x2170;
	s3 =	simm.s32 $0x910  }
0x1bb: {  	[spmem:s6] =	stream.indirect.scatter.add.f32 [tilespmem:s0], [sflag:$0x5], $0x8, s3, s22, $0xb8;
	[tilespmem:$0x16F30] =	vst v63  }
0x1bc: {  	s5 =	simm.s32 $0x23F0;
	s16 =	simm.s32 $0x960  }
0x1bd: {  	[spmem:s6] =	stream.indirect.scatter.add.f32 [tilespmem:s5], [sflag:$0x5], $0x8, s16, s22, $0xb8;
	[tilespmem:$0x16F30] =	vst v63  }
0x1be: {  	s0 =	simm.s32 $0x2670;
	s3 =	simm.s32 $0x9B0  }
0x1bf: {  	[spmem:s6] =	stream.indirect.scatter.add.f32 [tilespmem:s0], [sflag:$0x5], $0x8, s3, s22, $0xb8;
	[tilespmem:$0x16F30] =	vst v63  }
0x1c0: {  	s5 =	simm.s32 $0x28F0;
	s16 =	simm.s32 $0xA00  }
0x1c1: {  	[spmem:s6] =	stream.indirect.scatter.add.f32 [tilespmem:s5], [sflag:$0x5], $0x8, s16, s22, $0xb8;
	[tilespmem:$0x16F30] =	vst v63  }
0x1c2: {  	s0 =	simm.s32 $0x2B70;
	s3 =	simm.s32 $0xA50  }
0x1c3: {  	[spmem:s6] =	stream.indirect.scatter.add.f32 [tilespmem:s0], [sflag:$0x5], $0x8, s3, s22, $0xb8;
	[tilespmem:$0x16F30] =	vst v63  }
0x1c4: {  	s5 =	simm.s32 $0x2DF0;
	s16 =	simm.s32 $0xAA0  }
0x1c5: {  	[spmem:s6] =	stream.indirect.scatter.add.f32 [tilespmem:s5], [sflag:$0x5], $0x8, s16, s22, $0xb8;
	[tilespmem:$0x16F30] =	vst v63  }
0x1c6: {  	s0 =	simm.s32 $0x3070;
	s3 =	simm.s32 $0xAF0  }
0x1c7: {  	[spmem:s6] =	stream.indirect.scatter.add.f32 [tilespmem:s0], [sflag:$0x5], $0x8, s3, s22, $0xb8;
	[tilespmem:$0x16F30] =	vst v63  }
0x1c8: {  	s5 =	simm.s32 $0x32F0;
	s16 =	simm.s32 $0xB40  }
0x1c9: {  	[spmem:s6] =	stream.indirect.scatter.add.f32 [tilespmem:s5], [sflag:$0x5], $0x8, s16, s22, $0xb8;
	[tilespmem:$0x16F30] =	vst v63  }
0x1ca: {  	s0 =	simm.s32 $0x3570;
	s3 =	simm.s32 $0xB90  }
0x1cb: {  	[spmem:s6] =	stream.indirect.scatter.add.f32 [tilespmem:s0], [sflag:$0x5], $0x8, s3, s22, $0xb8;
	[tilespmem:$0x16F30] =	vst v63  }
0x1cc: {  	s5 =	simm.s32 $0x37F0;
	s16 =	simm.s32 $0xBE0  }
0x1cd: {  	[spmem:s6] =	stream.indirect.scatter.add.f32 [tilespmem:s5], [sflag:$0x5], $0x8, s16, s22, $0xb8;
	[tilespmem:$0x16F30] =	vst v63  }
0x1ce: {  	s0 =	simm.s32 $0x3A70;
	s3 =	simm.s32 $0xC30  }
0x1cf: {  	[spmem:s6] =	stream.indirect.scatter.add.f32 [tilespmem:s0], [sflag:$0x5], $0x8, s3, s22, $0xb8;
	[tilespmem:$0x16F30] =	vst v63  }
0x1d0: {  	s5 =	simm.s32 $0x3CF0;
	s16 =	simm.s32 $0xC80  }
0x1d1: {  	[spmem:s6] =	stream.indirect.scatter.add.f32 [tilespmem:s5], [sflag:$0x5], $0x8, s16, s22, $0xb8;
	[tilespmem:$0x16F30] =	vst v63  }
0x1d2: {  	s0 =	simm.s32 $0x3F70;
	s3 =	simm.s32 $0xCD0  }
0x1d3: {  	[spmem:s6] =	stream.indirect.scatter.add.f32 [tilespmem:s0], [sflag:$0x5], $0x8, s3, s22, $0xb8;
	[tilespmem:$0x16F30] =	vst v63  }
0x1d4: {  	s5 =	simm.s32 $0x41F0;
	s16 =	simm.s32 $0xD20  }
0x1d5: {  	[spmem:s6] =	stream.indirect.scatter.add.f32 [tilespmem:s5], [sflag:$0x5], $0x8, s16, s22, $0xb8;
	[tilespmem:$0x16F30] =	vst v63  }
0x1d6: {  	s0 =	simm.s32 $0x4470;
	s3 =	simm.s32 $0xD70  }
0x1d7: {  	[spmem:s6] =	stream.indirect.scatter.add.f32 [tilespmem:s0], [sflag:$0x5], $0x8, s3, s22, $0xb8;
	[tilespmem:$0x16F30] =	vst v63  }
0x1d8: {  	s5 =	simm.s32 $0x46F0;
	s16 =	simm.s32 $0xDC0  }
0x1d9: {  	[spmem:s6] =	stream.indirect.scatter.add.f32 [tilespmem:s5], [sflag:$0x5], $0x8, s16, s22, $0xb8;
	[tilespmem:$0x16F30] =	vst v63  }
0x1da: {  	s0 =	simm.s32 $0x4970;
	s3 =	simm.s32 $0xE10  }
0x1db: {  	[spmem:s6] =	stream.indirect.scatter.add.f32 [tilespmem:s0], [sflag:$0x5], $0x8, s3, s22, $0xb8;
	[tilespmem:$0x16F30] =	vst v63  }
0x1dc: {  	s5 =	simm.s32 $0x4BF0;
	s16 =	simm.s32 $0xE60  }
0x1dd: {  	[spmem:s6] =	stream.indirect.scatter.add.f32 [tilespmem:s5], [sflag:$0x5], $0x8, s16, s22, $0xb8;
	[tilespmem:$0x16F30] =	vst v63  }
0x1de: {  	s0 =	simm.s32 $0x4E70;
	s3 =	simm.s32 $0xEB0  }
0x1df: {  	[spmem:s6] =	stream.indirect.scatter.add.f32 [tilespmem:s0], [sflag:$0x5], $0x8, s3, s22, $0xb8;
	[tilespmem:$0x16F30] =	vst v63  }
0x1e0: {  	s5 =	simm.s32 $0x50F0;
	s16 =	simm.s32 $0xF00  }
0x1e1: {  	[spmem:s6] =	stream.indirect.scatter.add.f32 [tilespmem:s5], [sflag:$0x5], $0x8, s16, s22, $0xb8;
	[tilespmem:$0x16F30] =	vst v63  }
0x1e2: {  	s3 =	simm.s32 $0x5370;
	s5 =	simm.s32 $0xF50  }
0x1e3: {  	[spmem:s6] =	stream.indirect.scatter.add.f32 [tilespmem:s3], [sflag:$0x5], $0x8, s5, s22, $0xb8;
	[tilespmem:$0x16F30] =	vst v63  }
0x1e4: {  	_ =	swait.ge [sflag:s25], $0x280  }
0x1e5: {  	[sflag:s25] =	ssyncset.done $0x0  }
0x1e6: {  	[sflag:s25] =	ssyncadd.s32 $0xFFFFFD80  }
0x1e7: {  	_ =	swait.ge [sflag:s25], $0x280  }
0x1e8: {  	[sflag:s25] =	ssyncset.done $0x0  }
0x1e9: {  	[sflag:s25] =	ssyncadd.s32 $0xFFFFFD80  }
0x1ea: {  	_ =	swait.ge [sflag:s25], $0x280  }
0x1eb: {  	[sflag:s25] =	ssyncset.done $0x0  }
0x1ec: {  	[sflag:s25] =	ssyncadd.s32 $0xFFFFFD80  }
0x1ed: {  	_ =	swait.ge [sflag:s25], $0x280  }
0x1ee: {  	[sflag:s25] =	ssyncset.done $0x0  }
0x1ef: {  	[sflag:s25] =	ssyncadd.s32 $0xFFFFFD80  }
0x1f0: {  	_ =	swait.ge [sflag:s25], $0x280  }
0x1f1: {  	[sflag:s25] =	ssyncset.done $0x0  }
0x1f2: {  	[sflag:s25] =	ssyncadd.s32 $0xFFFFFD80  }
0x1f3: {  	_ =	swait.ge [sflag:s25], $0x280  }
0x1f4: {  	[sflag:s25] =	ssyncset.done $0x0  }
0x1f5: {  	[sflag:s25] =	ssyncadd.s32 $0xFFFFFD80  }
0x1f6: {  	_ =	swait.ge [sflag:s25], $0x280  }
0x1f7: {  	[sflag:s25] =	ssyncset.done $0x0  }
0x1f8: {  	[sflag:s25] =	ssyncadd.s32 $0xFFFFFD80  }
0x1f9: {  	_ =	swait.ge [sflag:s25], $0x280  }
0x1fa: {  	[sflag:s25] =	ssyncset.done $0x0  }
0x1fb: {  	[sflag:s25] =	ssyncadd.s32 $0xFFFFFD80  }
0x1fc: {  	_ =	swait.ge [sflag:s25], $0x280  }
0x1fd: {  	[sflag:s25] =	ssyncset.done $0x0  }
0x1fe: {  	[sflag:s25] =	ssyncadd.s32 $0xFFFFFD80  }
0x1ff: {  	_ =	swait.ge [sflag:s25], $0x280  }
0x200: {  	[sflag:s25] =	ssyncset.done $0x0  }
0x201: {  	[sflag:s25] =	ssyncadd.s32 $0xFFFFFD80  }
0x202: {  	_ =	swait.ge [sflag:s25], $0x280  }
0x203: {  	[sflag:s25] =	ssyncset.done $0x0  }
0x204: {  	[sflag:s25] =	ssyncadd.s32 $0xFFFFFD80  }
0x205: {  	_ =	swait.ge [sflag:s25], $0x280  }
0x206: {  	[sflag:s25] =	ssyncset.done $0x0  }
0x207: {  	[sflag:s25] =	ssyncadd.s32 $0xFFFFFD80  }
0x208: {  	_ =	swait.ge [sflag:s25], $0x280  }
0x209: {  	[sflag:s25] =	ssyncset.done $0x0  }
0x20a: {  	[sflag:s25] =	ssyncadd.s32 $0xFFFFFD80  }
0x20b: {  	_ =	swait.ge [sflag:s25], $0x280  }
0x20c: {  	[sflag:s25] =	ssyncset.done $0x0  }
0x20d: {  	[sflag:s25] =	ssyncadd.s32 $0xFFFFFD80  }
0x20e: {  	_ =	swait.ge [sflag:s25], $0x280  }
0x20f: {  	[sflag:s25] =	ssyncset.done $0x0  }
0x210: {  	[sflag:s25] =	ssyncadd.s32 $0xFFFFFD80  }
0x211: {  	_ =	swait.ge [sflag:s25], $0x280  }
0x212: {  	[sflag:s25] =	ssyncset.done $0x0  }
0x213: {  	[sflag:s25] =	ssyncadd.s32 $0xFFFFFD80  }
0x214: {  	_ =	swait.ge [sflag:s25], $0x280  }
0x215: {  	[sflag:s25] =	ssyncset.done $0x0  }
0x216: {  	[sflag:s25] =	ssyncadd.s32 $0xFFFFFD80  }
0x217: {  	_ =	swait.ge [sflag:s25], $0x280  }
0x218: {  	[sflag:s25] =	ssyncset.done $0x0  }
0x219: {  	[sflag:s25] =	ssyncadd.s32 $0xFFFFFD80  }
0x21a: {  	_ =	swait.ge [sflag:s25], $0x280  }
0x21b: {  	[sflag:s25] =	ssyncset.done $0x0  }
0x21c: {  	[sflag:s25] =	ssyncadd.s32 $0xFFFFFD80  }
0x21d: {  	_ =	swait.ge [sflag:s25], $0x280  }
0x21e: {  	[sflag:s25] =	ssyncset.done $0x0  }
0x21f: {  	[sflag:s25] =	ssyncadd.s32 $0xFFFFFD80  }
0x220: {  	_ =	swait.ge [sflag:s25], $0x280  }
0x221: {  	[sflag:s25] =	ssyncset.done $0x0  }
0x222: {  	[sflag:s25] =	ssyncadd.s32 $0xFFFFFD80  }
0x223: {  	_ =	swait.ge [sflag:s25], $0x280  }
0x224: {  	[sflag:s25] =	ssyncset.done $0x0  }
0x225: {  	[sflag:s25] =	ssyncadd.s32 $0xFFFFFD80  }
0x226: {  	_ =	swait.ge [sflag:s25], $0x280  }
0x227: {  	s16 =	simm.s32 $0x0;
	[sflag:s25] =	ssyncset.done $0x0  }
0x228: {  	v2 =	vor.u32 s16, v0;
	[sflag:s25] =	ssyncadd.s32 $0xFFFFFD80  }
0x229: {  	v3 =	vshll.u32 v2, $0x3;
	_ =	swait.ge [sflag:s25], $0x280  }
0x22a: {  	v3 =	vor.u32 v1, v3;
	[sflag:s25] =	ssyncset.done $0x0  }
0x22b: {  	[sflag:s25] =	ssyncadd.s32 $0xFFFFFD80  }
0x22c: {  	_ =	swait.ge [sflag:s25], $0x280  }
0x22d: {  	[sflag:s25] =	ssyncset.done $0x0  }
0x22e: {  	[sflag:s25] =	ssyncadd.s32 $0xFFFFFD80  }
0x22f: {  	v4 =	vld.idx.msk [tilespmem:v3+s4+$0x0], $0xffff  }
0x230: {  	s0 =	simm.s32 $0x2;
	v2 =	vld.idx.msk [tilespmem:v2+s20+$0x0], $0xffff  }
0x231: {  	v5 =	vor.u32 s0, v0  }
0x232: {  	v6 =	vshll.u32 v5, $0x3  }
0x233: {  	v6 =	vor.u32 v1, v6  }
0x234: {  	v4 =	vand.u32 $0x7FFFFFFF, v4  }
0x235: {  	v2 =	vmul.f32 v2, v4;
	_ =	sdelay $0x1  }
0x236: {  	[tilespmem:v3+s4+$0x0] =	vst.idx.msk $0xffff, v2  }
0x237: {  	v2 =	vld.idx.msk [tilespmem:v6+s4+$0x0], $0xffff  }
0x238: {  	s3 =	simm.s32 $0x4;
	v3 =	vld.idx.msk [tilespmem:v5+s20+$0x0], $0xffff  }
0x239: {  	v4 =	vor.u32 s3, v0  }
0x23a: {  	v5 =	vshll.u32 v4, $0x3  }
0x23b: {  	v5 =	vor.u32 v1, v5  }
0x23c: {  	v2 =	vand.u32 $0x7FFFFFFF, v2  }
0x23d: {  	v2 =	vmul.f32 v3, v2;
	_ =	sdelay $0x1  }
0x23e: {  	[tilespmem:v6+s4+$0x0] =	vst.idx.msk $0xffff, v2  }
0x23f: {  	v2 =	vld.idx.msk [tilespmem:v5+s4+$0x0], $0xffff  }
0x240: {  	s5 =	simm.s32 $0x6;
	v3 =	vld.idx.msk [tilespmem:v4+s20+$0x0], $0xffff  }
0x241: {  	v4 =	vor.u32 s5, v0  }
0x242: {  	v6 =	vshll.u32 v4, $0x3  }
0x243: {  	v6 =	vor.u32 v1, v6  }
0x244: {  	v2 =	vand.u32 $0x7FFFFFFF, v2  }
0x245: {  	v2 =	vmul.f32 v3, v2;
	_ =	sdelay $0x1  }
0x246: {  	[tilespmem:v5+s4+$0x0] =	vst.idx.msk $0xffff, v2  }
0x247: {  	v2 =	vld.idx.msk [tilespmem:v6+s4+$0x0], $0xffff  }
0x248: {  	s16 =	simm.s32 $0x8;
	v3 =	vld.idx.msk [tilespmem:v4+s20+$0x0], $0xffff  }
0x249: {  	v4 =	vor.u32 s16, v0  }
0x24a: {  	v5 =	vshll.u32 v4, $0x3  }
0x24b: {  	v5 =	vor.u32 v1, v5  }
0x24c: {  	v2 =	vand.u32 $0x7FFFFFFF, v2  }
0x24d: {  	v2 =	vmul.f32 v3, v2;
	_ =	sdelay $0x1  }
0x24e: {  	[tilespmem:v6+s4+$0x0] =	vst.idx.msk $0xffff, v2  }
0x24f: {  	v2 =	vld.idx.msk [tilespmem:v5+s4+$0x0], $0xffff  }
0x250: {  	s0 =	simm.s32 $0xA;
	v3 =	vld.idx.msk [tilespmem:v4+s20+$0x0], $0xffff  }
0x251: {  	v4 =	vor.u32 s0, v0  }
0x252: {  	v6 =	vshll.u32 v4, $0x3  }
0x253: {  	v6 =	vor.u32 v1, v6  }
0x254: {  	v2 =	vand.u32 $0x7FFFFFFF, v2  }
0x255: {  	v2 =	vmul.f32 v3, v2;
	_ =	sdelay $0x1  }
0x256: {  	[tilespmem:v5+s4+$0x0] =	vst.idx.msk $0xffff, v2  }
0x257: {  	v2 =	vld.idx.msk [tilespmem:v6+s4+$0x0], $0xffff  }
0x258: {  	s3 =	simm.s32 $0xC;
	v3 =	vld.idx.msk [tilespmem:v4+s20+$0x0], $0xffff  }
0x259: {  	v4 =	vor.u32 s3, v0  }
0x25a: {  	v5 =	vshll.u32 v4, $0x3  }
0x25b: {  	v5 =	vor.u32 v1, v5  }
0x25c: {  	v2 =	vand.u32 $0x7FFFFFFF, v2  }
0x25d: {  	v2 =	vmul.f32 v3, v2;
	_ =	sdelay $0x1  }
0x25e: {  	[tilespmem:v6+s4+$0x0] =	vst.idx.msk $0xffff, v2  }
0x25f: {  	v3 =	vld.idx.msk [tilespmem:v5+s4+$0x0], $0xffff  }
0x260: {  	s5 =	simm.s32 $0xE;
	v4 =	vld.idx.msk [tilespmem:v4+s20+$0x0], $0xffff  }
0x261: {  	v6 =	vor.u32 s5, v0  }
0x262: {  	v2 =	vshll.u32 v6, $0x3  }
0x263: {  	v2 =	vor.u32 v1, v2  }
0x264: {  	v3 =	vand.u32 $0x7FFFFFFF, v3  }
0x265: {  	v3 =	vmul.f32 v4, v3;
	_ =	sdelay $0x1  }
0x266: {  	[tilespmem:v5+s4+$0x0] =	vst.idx.msk $0xffff, v3  }
0x267: {  	v3 =	vld.idx.msk [tilespmem:v2+s4+$0x0], $0xffff;
	_ =	sdelay $0x1  }
0x268: {  	s16 =	simm.s32 $0x10;
	v5 =	vld.idx.msk [tilespmem:v6+s20+$0x0], $0xffff  }
0x269: {  	v4 =	vor.u32 s16, v0  }
0x26a: {  	v6 =	vshll.u32 v4, $0x3  }
0x26b: {  	v7 =	vand.u32 $0x7FFFFFFF, v3;
	v3 =	vor.u32 v1, v6;
	_ =	sdelay $0x1  }
0x26c: {  	s2 =	simm.s32 $0x1E;
	s3 =	simm.s32 $0x2E;
	v5 =	vmul.f32 v5, v7  }
.LBB2_5:
0x26d: {  	_ = 	snop  }
0x26e: {  	p0 =	sne.s32 s3, $0x7CE;
	s5 =	smov.u32 s3;
	s3 =	sadd.s32 $0x10, s3;
	[tilespmem:v2+s4+$0x0] =	vst.idx.msk $0xffff, v5  }
0x26f: {  	v2 =	vld.idx.msk [tilespmem:v3+s4+$0x0], $0xffff  }
0x270: {  	v4 =	vld.idx.msk [tilespmem:v4+s20+$0x0], $0xffff  }
0x271: {  	s16 =	sadd.s32 $0xFFFFFFF4, s2  }
0x272: {  	v5 =	vor.u32 s16, v0  }
0x273: {  	v6 =	vshll.u32 v5, $0x3  }
0x274: {  	v6 =	vor.u32 v1, v6  }
0x275: {  	v2 =	vand.u32 $0x7FFFFFFF, v2  }
0x276: {  	v2 =	vmul.f32 v4, v2;
	_ =	sdelay $0x1  }
0x277: {  	[tilespmem:v3+s4+$0x0] =	vst.idx.msk $0xffff, v2  }
0x278: {  	v2 =	vld.idx.msk [tilespmem:v6+s4+$0x0], $0xffff  }
0x279: {  	v3 =	vld.idx.msk [tilespmem:v5+s20+$0x0], $0xffff  }
0x27a: {  	s16 =	sadd.s32 $0xFFFFFFF6, s2  }
0x27b: {  	v4 =	vor.u32 s16, v0  }
0x27c: {  	v5 =	vshll.u32 v4, $0x3  }
0x27d: {  	v5 =	vor.u32 v1, v5  }
0x27e: {  	v2 =	vand.u32 $0x7FFFFFFF, v2  }
0x27f: {  	v2 =	vmul.f32 v3, v2;
	_ =	sdelay $0x1  }
0x280: {  	[tilespmem:v6+s4+$0x0] =	vst.idx.msk $0xffff, v2  }
0x281: {  	v2 =	vld.idx.msk [tilespmem:v5+s4+$0x0], $0xffff  }
0x282: {  	v3 =	vld.idx.msk [tilespmem:v4+s20+$0x0], $0xffff  }
0x283: {  	s16 =	sadd.s32 $0xFFFFFFF8, s2  }
0x284: {  	v4 =	vor.u32 s16, v0  }
0x285: {  	v6 =	vshll.u32 v4, $0x3  }
0x286: {  	v6 =	vor.u32 v1, v6  }
0x287: {  	v2 =	vand.u32 $0x7FFFFFFF, v2  }
0x288: {  	v2 =	vmul.f32 v3, v2;
	_ =	sdelay $0x1  }
0x289: {  	[tilespmem:v5+s4+$0x0] =	vst.idx.msk $0xffff, v2  }
0x28a: {  	v2 =	vld.idx.msk [tilespmem:v6+s4+$0x0], $0xffff  }
0x28b: {  	v3 =	vld.idx.msk [tilespmem:v4+s20+$0x0], $0xffff  }
0x28c: {  	s16 =	sadd.s32 $0xFFFFFFFA, s2  }
0x28d: {  	v4 =	vor.u32 s16, v0  }
0x28e: {  	v5 =	vshll.u32 v4, $0x3  }
0x28f: {  	v5 =	vor.u32 v1, v5  }
0x290: {  	v2 =	vand.u32 $0x7FFFFFFF, v2  }
0x291: {  	v2 =	vmul.f32 v3, v2;
	_ =	sdelay $0x1  }
0x292: {  	[tilespmem:v6+s4+$0x0] =	vst.idx.msk $0xffff, v2  }
0x293: {  	v2 =	vld.idx.msk [tilespmem:v5+s4+$0x0], $0xffff  }
0x294: {  	v3 =	vld.idx.msk [tilespmem:v4+s20+$0x0], $0xffff  }
0x295: {  	s16 =	sadd.s32 $0xFFFFFFFC, s2  }
0x296: {  	v4 =	vor.u32 s16, v0  }
0x297: {  	v6 =	vshll.u32 v4, $0x3  }
0x298: {  	v6 =	vor.u32 v1, v6  }
0x299: {  	v2 =	vand.u32 $0x7FFFFFFF, v2  }
0x29a: {  	v2 =	vmul.f32 v3, v2;
	_ =	sdelay $0x1  }
0x29b: {  	[tilespmem:v5+s4+$0x0] =	vst.idx.msk $0xffff, v2  }
0x29c: {  	v2 =	vld.idx.msk [tilespmem:v6+s4+$0x0], $0xffff  }
0x29d: {  	v3 =	vld.idx.msk [tilespmem:v4+s20+$0x0], $0xffff  }
0x29e: {  	s16 =	sadd.s32 $0xFFFFFFFE, s2  }
0x29f: {  	v4 =	vor.u32 s16, v0  }
0x2a0: {  	v5 =	vshll.u32 v4, $0x3  }
0x2a1: {  	v5 =	vor.u32 v1, v5  }
0x2a2: {  	v2 =	vand.u32 $0x7FFFFFFF, v2  }
0x2a3: {  	v2 =	vmul.f32 v3, v2;
	_ =	sdelay $0x1  }
0x2a4: {  	[tilespmem:v6+s4+$0x0] =	vst.idx.msk $0xffff, v2  }
0x2a5: {  	v3 =	vld.idx.msk [tilespmem:v5+s4+$0x0], $0xffff  }
0x2a6: {  	v4 =	vld.idx.msk [tilespmem:v4+s20+$0x0], $0xffff;
	_ =	sdelay $0x1  }
0x2a7: {  	v6 =	vor.u32 s2, v0;
	s2 =	smov.u32 s5  }
0x2a8: {  	v2 =	vshll.u32 v6, $0x3  }
0x2a9: {  	v2 =	vor.u32 v1, v2  }
0x2aa: {  	v3 =	vand.u32 $0x7FFFFFFF, v3  }
0x2ab: {  	v3 =	vmul.f32 v4, v3;
	_ =	sdelay $0x1  }
0x2ac: {  	[tilespmem:v5+s4+$0x0] =	vst.idx.msk $0xffff, v3  }
0x2ad: {  	v5 =	vld.idx.msk [tilespmem:v2+s4+$0x0], $0xffff  }
0x2ae: {  	v6 =	vld.idx.msk [tilespmem:v6+s20+$0x0], $0xffff  }
0x2af: {  	s5 =	sadd.s32 $0xFFFFFFF2, s2  }
.Ltmp1:
0x2b0: {  	v4 =	vor.u32 s5, v0;
	(pc) =	sbr.rel @p0 .LBB2_5-.Ltmp1, $4  }
0x2b1: {  	v3 =	vshll.u32 v4, $0x3  }
0x2b2: {  	v3 =	vor.u32 v1, v3  }
0x2b3: {  	v5 =	vand.u32 $0x7FFFFFFF, v5  }
0x2b4: {  	v5 =	vmul.f32 v6, v5  }
0x2b5: {  	_ =	sdelay $0x3  }
0x2b6: {  	[tilespmem:v2+s4+$0x0] =	vst.idx.msk $0xffff, v5  }
0x2b7: {  	v2 =	vld.idx.msk [tilespmem:v3+s4+$0x0], $0xffff  }
0x2b8: {  	s3 =	sadd.s32 $0xFFFFFFF4, s2;
	v4 =	vld.idx.msk [tilespmem:v4+s20+$0x0], $0xffff  }
0x2b9: {  	v51 =	vor.u32 s3, v0  }
0x2ba: {  	v6 =	vshll.u32 v51, $0x3  }
0x2bb: {  	v6 =	vor.u32 v1, v6  }
0x2bc: {  	v2 =	vand.u32 $0x7FFFFFFF, v2  }
0x2bd: {  	v2 =	vmul.f32 v4, v2;
	_ =	sdelay $0x1  }
0x2be: {  	[tilespmem:v3+s4+$0x0] =	vst.idx.msk $0xffff, v2  }
0x2bf: {  	v2 =	vld.idx.msk [tilespmem:v6+s4+$0x0], $0xffff  }
0x2c0: {  	s16 =	sadd.s32 $0xFFFFFFF6, s2;
	v3 =	vld.idx.msk [tilespmem:v51+s20+$0x0], $0xffff  }
0x2c1: {  	v52 =	vor.u32 s16, v0  }
0x2c2: {  	v53 =	vshll.u32 v52, $0x3  }
0x2c3: {  	v5 =	vor.u32 v1, v53  }
0x2c4: {  	v2 =	vand.u32 $0x7FFFFFFF, v2  }
0x2c5: {  	v2 =	vmul.f32 v3, v2;
	_ =	sdelay $0x1  }
0x2c6: {  	[tilespmem:v6+s4+$0x0] =	vst.idx.msk $0xffff, v2  }
0x2c7: {  	v2 =	vld.idx.msk [tilespmem:v5+s4+$0x0], $0xffff  }
0x2c8: {  	s0 =	sadd.s32 $0xFFFFFFF8, s2;
	v3 =	vld.idx.msk [tilespmem:v52+s20+$0x0], $0xffff  }
0x2c9: {  	v54 =	vor.u32 s0, v0  }
0x2ca: {  	v55 =	vshll.u32 v54, $0x3  }
0x2cb: {  	v6 =	vor.u32 v1, v55  }
0x2cc: {  	v2 =	vand.u32 $0x7FFFFFFF, v2  }
0x2cd: {  	v2 =	vmul.f32 v3, v2;
	_ =	sdelay $0x1  }
0x2ce: {  	[tilespmem:v5+s4+$0x0] =	vst.idx.msk $0xffff, v2  }
0x2cf: {  	v2 =	vld.idx.msk [tilespmem:v6+s4+$0x0], $0xffff  }
0x2d0: {  	s5 =	sadd.s32 $0xFFFFFFFA, s2;
	v3 =	vld.idx.msk [tilespmem:v54+s20+$0x0], $0xffff  }
0x2d1: {  	v56 =	vor.u32 s5, v0  }
0x2d2: {  	v57 =	vshll.u32 v56, $0x3  }
0x2d3: {  	v5 =	vor.u32 v1, v57  }
0x2d4: {  	v2 =	vand.u32 $0x7FFFFFFF, v2  }
0x2d5: {  	v2 =	vmul.f32 v3, v2;
	_ =	sdelay $0x1  }
0x2d6: {  	[tilespmem:v6+s4+$0x0] =	vst.idx.msk $0xffff, v2  }
0x2d7: {  	v2 =	vld.idx.msk [tilespmem:v5+s4+$0x0], $0xffff  }
0x2d8: {  	s16 =	sadd.s32 $0xFFFFFFFC, s2;
	v3 =	vld.idx.msk [tilespmem:v56+s20+$0x0], $0xffff  }
0x2d9: {  	v58 =	vor.u32 s16, v0  }
0x2da: {  	v59 =	vshll.u32 v58, $0x3  }
0x2db: {  	v6 =	vor.u32 v1, v59  }
0x2dc: {  	v2 =	vand.u32 $0x7FFFFFFF, v2  }
0x2dd: {  	v2 =	vmul.f32 v3, v2;
	_ =	sdelay $0x1  }
0x2de: {  	[tilespmem:v5+s4+$0x0] =	vst.idx.msk $0xffff, v2  }
0x2df: {  	v2 =	vld.idx.msk [tilespmem:v6+s4+$0x0], $0xffff  }
0x2e0: {  	s0 =	sadd.s32 $0xFFFFFFFE, s2;
	v3 =	vld.idx.msk [tilespmem:v58+s20+$0x0], $0xffff  }
0x2e1: {  	v60 =	vor.u32 s0, v0  }
0x2e2: {  	v61 =	vshll.u32 v60, $0x3  }
0x2e3: {  	v5 =	vor.u32 v1, v61  }
0x2e4: {  	v2 =	vand.u32 $0x7FFFFFFF, v2  }
0x2e5: {  	v2 =	vmul.f32 v3, v2;
	_ =	sdelay $0x1  }
0x2e6: {  	[tilespmem:v6+s4+$0x0] =	vst.idx.msk $0xffff, v2  }
0x2e7: {  	v2 =	vld.idx.msk [tilespmem:v5+s4+$0x0], $0xffff  }
0x2e8: {  	v3 =	vld.idx.msk [tilespmem:v60+s20+$0x0], $0xffff  }
0x2e9: {  	v62 =	vor.u32 s2, v0  }
0x2ea: {  	v63 =	vshll.u32 v62, $0x3  }
0x2eb: {  	v6 =	vor.u32 v1, v63  }
0x2ec: {  	v2 =	vand.u32 $0x7FFFFFFF, v2  }
0x2ed: {  	v2 =	vmul.f32 v3, v2;
	_ =	sdelay $0x1  }
0x2ee: {  	[tilespmem:v5+s4+$0x0] =	vst.idx.msk $0xffff, v2  }
0x2ef: {  	v2 =	vld.idx.msk [tilespmem:v6+s4+$0x0], $0xffff  }
0x2f0: {  	v3 =	vld.idx.msk [tilespmem:v62+s20+$0x0], $0xffff;
	_ =	sdelay $0x3  }
0x2f1: {  	v2 =	vand.u32 $0x7FFFFFFF, v2  }
0x2f2: {  	v2 =	vmul.f32 v3, v2;
	_ =	sdelay $0x1  }
0x2f3: {  	[tilespmem:v6+s4+$0x0] =	vst.idx.msk $0xffff, v2  }
0x2f4: {  	[spmem:s6] =	stream.indirect.scatter.add.f32 [tilespmem:s4], [sflag:$0x6], $0x8, s18, s22, $0xb8;
	[tilespmem:$0x16F30] =	vst v63  }
0x2f5: {  	s5 =	simm.s32 $0x6FE0;
	s0 =	simm.s32 $0x5E10  }
0x2f6: {  	[spmem:s6] =	stream.indirect.scatter.add.f32 [tilespmem:s5], [sflag:$0x6], $0x8, s0, s22, $0xb8;
	[tilespmem:$0x16F30] =	vst v63  }
0x2f7: {  	s16 =	simm.s32 $0x5E60  }
0x2f8: {  	[spmem:s6] =	stream.indirect.scatter.add.f32 [tilespmem:s24], [sflag:$0x6], $0x8, s16, s22, $0xb8;
	[tilespmem:$0x16F30] =	vst v63  }
0x2f9: {  	s18 =	simm.s32 $0x74E0;
	s24 =	simm.s32 $0x5EB0  }
0x2fa: {  	[spmem:s6] =	stream.indirect.scatter.add.f32 [tilespmem:s18], [sflag:$0x6], $0x8, s24, s22, $0xb8;
	[tilespmem:$0x16F30] =	vst v63  }
0x2fb: {  	s3 =	simm.s32 $0x5F00  }
0x2fc: {  	[spmem:s6] =	stream.indirect.scatter.add.f32 [tilespmem:s26], [sflag:$0x6], $0x8, s3, s22, $0xb8;
	[tilespmem:$0x16F30] =	vst v63  }
0x2fd: {  	s5 =	simm.s32 $0x79E0;
	s16 =	simm.s32 $0x5F50  }
0x2fe: {  	[spmem:s6] =	stream.indirect.scatter.add.f32 [tilespmem:s5], [sflag:$0x6], $0x8, s16, s22, $0xb8;
	[tilespmem:$0x16F30] =	vst v63  }
0x2ff: {  	s18 =	simm.s32 $0x5FA0  }
0x300: {  	[spmem:s6] =	stream.indirect.scatter.add.f32 [tilespmem:s29], [sflag:$0x6], $0x8, s18, s22, $0xb8;
	[tilespmem:$0x16F30] =	vst v63  }
0x301: {  	s24 =	simm.s32 $0x7EE0;
	s26 =	simm.s32 $0x5FF0  }
0x302: {  	[spmem:s6] =	stream.indirect.scatter.add.f32 [tilespmem:s24], [sflag:$0x6], $0x8, s26, s22, $0xb8;
	[tilespmem:$0x16F30] =	vst v63  }
0x303: {  	s29 =	simm.s32 $0x6040  }
0x304: {  	[spmem:s6] =	stream.indirect.scatter.add.f32 [tilespmem:s12], [sflag:$0x6], $0x8, s29, s22, $0xb8;
	[tilespmem:$0x16F30] =	vst v63  }
0x305: {  	s0 =	simm.s32 $0x83E0;
	s3 =	simm.s32 $0x6090  }
0x306: {  	[spmem:s6] =	stream.indirect.scatter.add.f32 [tilespmem:s0], [sflag:$0x6], $0x8, s3, s22, $0xb8;
	[tilespmem:$0x16F30] =	vst v63  }
0x307: {  	s5 =	simm.s32 $0x60E0  }
0x308: {  	[spmem:s6] =	stream.indirect.scatter.add.f32 [tilespmem:s10], [sflag:$0x6], $0x8, s5, s22, $0xb8;
	[tilespmem:$0x16F30] =	vst v63  }
0x309: {  	s12 =	simm.s32 $0x6130;
	s10 =	simm.s32 $0x88E0  }
0x30a: {  	[spmem:s6] =	stream.indirect.scatter.add.f32 [tilespmem:s10], [sflag:$0x6], $0x8, s12, s22, $0xb8;
	[tilespmem:$0x16F30] =	vst v63  }
0x30b: {  	s16 =	simm.s32 $0x6180  }
0x30c: {  	[spmem:s6] =	stream.indirect.scatter.add.f32 [tilespmem:s15], [sflag:$0x6], $0x8, s16, s22, $0xb8;
	[tilespmem:$0x16F30] =	vst v63  }
0x30d: {  	s18 =	simm.s32 $0x8DE0;
	s24 =	simm.s32 $0x61D0  }
0x30e: {  	[spmem:s6] =	stream.indirect.scatter.add.f32 [tilespmem:s18], [sflag:$0x6], $0x8, s24, s22, $0xb8;
	[tilespmem:$0x16F30] =	vst v63  }
0x30f: {  	s26 =	simm.s32 $0x6220  }
0x310: {  	[spmem:s6] =	stream.indirect.scatter.add.f32 [tilespmem:s28], [sflag:$0x6], $0x8, s26, s22, $0xb8;
	[tilespmem:$0x16F30] =	vst v63  }
0x311: {  	s29 =	simm.s32 $0x6270;
	s28 =	simm.s32 $0x92E0  }
0x312: {  	[spmem:s6] =	stream.indirect.scatter.add.f32 [tilespmem:s28], [sflag:$0x6], $0x8, s29, s22, $0xb8;
	[tilespmem:$0x16F30] =	vst v63  }
0x313: {  	s3 =	simm.s32 $0x9560;
	s5 =	simm.s32 $0x62C0  }
0x314: {  	[spmem:s6] =	stream.indirect.scatter.add.f32 [tilespmem:s3], [sflag:$0x6], $0x8, s5, s22, $0xb8;
	[tilespmem:$0x16F30] =	vst v63  }
0x315: {  	s10 =	simm.s32 $0x6310  }
0x316: {  	[spmem:s6] =	stream.indirect.scatter.add.f32 [tilespmem:s7], [sflag:$0x6], $0x8, s10, s22, $0xb8;
	[tilespmem:$0x16F30] =	vst v63  }
0x317: {  	s12 =	simm.s32 $0x6360  }
0x318: {  	[spmem:s6] =	stream.indirect.scatter.add.f32 [tilespmem:s8], [sflag:$0x6], $0x8, s12, s22, $0xb8;
	[tilespmem:$0x16F30] =	vst v63  }
0x319: {  	s15 =	simm.s32 $0x63B0  }
0x31a: {  	[spmem:s6] =	stream.indirect.scatter.add.f32 [tilespmem:s11], [sflag:$0x6], $0x8, s15, s22, $0xb8;
	[tilespmem:$0x16F30] =	vst v63  }
0x31b: {  	s16 =	simm.s32 $0x6400  }
0x31c: {  	[spmem:s6] =	stream.indirect.scatter.add.f32 [tilespmem:s21], [sflag:$0x6], $0x8, s16, s22, $0xb8;
	[tilespmem:$0x16F30] =	vst v63  }
0x31d: {  	s18 =	simm.s32 $0xA1E0;
	s21 =	simm.s32 $0x6450  }
0x31e: {  	[spmem:s6] =	stream.indirect.scatter.add.f32 [tilespmem:s18], [sflag:$0x6], $0x8, s21, s22, $0xb8;
	[tilespmem:$0x16F30] =	vst v63  }
0x31f: {  	s24 =	simm.s32 $0x64A0  }
0x320: {  	[spmem:s6] =	stream.indirect.scatter.add.f32 [tilespmem:s31], [sflag:$0x6], $0x8, s24, s22, $0xb8;
	[tilespmem:$0x16F30] =	vst v63  }
0x321: {  	s26 =	simm.s32 $0xA6E0;
	s28 =	simm.s32 $0x64F0  }
0x322: {  	[spmem:s6] =	stream.indirect.scatter.add.f32 [tilespmem:s26], [sflag:$0x6], $0x8, s28, s22, $0xb8;
	[tilespmem:$0x16F30] =	vst v63  }
0x323: {  	s29 =	simm.s32 $0xA960;
	s31 =	simm.s32 $0x6540  }
0x324: {  	[spmem:s6] =	stream.indirect.scatter.add.f32 [tilespmem:s29], [sflag:$0x6], $0x8, s31, s22, $0xb8;
	[tilespmem:$0x16F30] =	vst v63  }
0x325: {  	_ =	swait.ge [sflag:s9], $0x280  }
0x326: {  	[sflag:s9] =	ssyncset.done $0x0  }
0x327: {  	[sflag:s9] =	ssyncadd.s32 $0xFFFFFD80  }
0x328: {  	_ =	swait.ge [sflag:s9], $0x280  }
0x329: {  	[sflag:s9] =	ssyncset.done $0x0  }
0x32a: {  	[sflag:s9] =	ssyncadd.s32 $0xFFFFFD80  }
0x32b: {  	_ =	swait.ge [sflag:s9], $0x280  }
0x32c: {  	[sflag:s9] =	ssyncset.done $0x0  }
0x32d: {  	[sflag:s9] =	ssyncadd.s32 $0xFFFFFD80  }
0x32e: {  	_ =	swait.ge [sflag:s9], $0x280  }
0x32f: {  	[sflag:s9] =	ssyncset.done $0x0  }
0x330: {  	[sflag:s9] =	ssyncadd.s32 $0xFFFFFD80  }
0x331: {  	_ =	swait.ge [sflag:s9], $0x280  }
0x332: {  	[sflag:s9] =	ssyncset.done $0x0  }
0x333: {  	[sflag:s9] =	ssyncadd.s32 $0xFFFFFD80  }
0x334: {  	_ =	swait.ge [sflag:s9], $0x280  }
0x335: {  	[sflag:s9] =	ssyncset.done $0x0  }
0x336: {  	[sflag:s9] =	ssyncadd.s32 $0xFFFFFD80  }
0x337: {  	_ =	swait.ge [sflag:s9], $0x280  }
0x338: {  	[sflag:s9] =	ssyncset.done $0x0  }
0x339: {  	[sflag:s9] =	ssyncadd.s32 $0xFFFFFD80  }
0x33a: {  	_ =	swait.ge [sflag:s9], $0x280  }
0x33b: {  	[sflag:s9] =	ssyncset.done $0x0  }
0x33c: {  	[sflag:s9] =	ssyncadd.s32 $0xFFFFFD80  }
0x33d: {  	_ =	swait.ge [sflag:s9], $0x280  }
0x33e: {  	[sflag:s9] =	ssyncset.done $0x0  }
0x33f: {  	[sflag:s9] =	ssyncadd.s32 $0xFFFFFD80  }
0x340: {  	_ =	swait.ge [sflag:s9], $0x280  }
0x341: {  	[sflag:s9] =	ssyncset.done $0x0  }
0x342: {  	[sflag:s9] =	ssyncadd.s32 $0xFFFFFD80  }
0x343: {  	_ =	swait.ge [sflag:s9], $0x280  }
0x344: {  	[sflag:s9] =	ssyncset.done $0x0  }
0x345: {  	[sflag:s9] =	ssyncadd.s32 $0xFFFFFD80  }
0x346: {  	_ =	swait.ge [sflag:s9], $0x280  }
0x347: {  	[sflag:s9] =	ssyncset.done $0x0  }
0x348: {  	[sflag:s9] =	ssyncadd.s32 $0xFFFFFD80  }
0x349: {  	_ =	swait.ge [sflag:s9], $0x280  }
0x34a: {  	[sflag:s9] =	ssyncset.done $0x0  }
0x34b: {  	[sflag:s9] =	ssyncadd.s32 $0xFFFFFD80  }
0x34c: {  	_ =	swait.ge [sflag:s9], $0x280  }
0x34d: {  	[sflag:s9] =	ssyncset.done $0x0  }
0x34e: {  	[sflag:s9] =	ssyncadd.s32 $0xFFFFFD80  }
0x34f: {  	_ =	swait.ge [sflag:s9], $0x280  }
0x350: {  	[sflag:s9] =	ssyncset.done $0x0  }
0x351: {  	[sflag:s9] =	ssyncadd.s32 $0xFFFFFD80  }
0x352: {  	_ =	swait.ge [sflag:s9], $0x280  }
0x353: {  	[sflag:s9] =	ssyncset.done $0x0  }
0x354: {  	[sflag:s9] =	ssyncadd.s32 $0xFFFFFD80  }
0x355: {  	_ =	swait.ge [sflag:s9], $0x280  }
0x356: {  	[sflag:s9] =	ssyncset.done $0x0  }
0x357: {  	[sflag:s9] =	ssyncadd.s32 $0xFFFFFD80  }
0x358: {  	_ =	swait.ge [sflag:s9], $0x280  }
0x359: {  	[sflag:s9] =	ssyncset.done $0x0  }
0x35a: {  	[sflag:s9] =	ssyncadd.s32 $0xFFFFFD80  }
0x35b: {  	_ =	swait.ge [sflag:s9], $0x280  }
0x35c: {  	[sflag:s9] =	ssyncset.done $0x0  }
0x35d: {  	[sflag:s9] =	ssyncadd.s32 $0xFFFFFD80  }
0x35e: {  	_ =	swait.ge [sflag:s9], $0x280  }
0x35f: {  	[sflag:s9] =	ssyncset.done $0x0  }
0x360: {  	[sflag:s9] =	ssyncadd.s32 $0xFFFFFD80  }
0x361: {  	_ =	swait.ge [sflag:s9], $0x280  }
0x362: {  	[sflag:s9] =	ssyncset.done $0x0  }
0x363: {  	[sflag:s9] =	ssyncadd.s32 $0xFFFFFD80  }
0x364: {  	_ =	swait.ge [sflag:s9], $0x280  }
0x365: {  	[sflag:s9] =	ssyncset.done $0x0  }
0x366: {  	[sflag:s9] =	ssyncadd.s32 $0xFFFFFD80  }
0x367: {  	_ =	swait.ge [sflag:s9], $0x280  }
0x368: {  	[sflag:s9] =	ssyncset.done $0x0  }
0x369: {  	[sflag:s9] =	ssyncadd.s32 $0xFFFFFD80  }
0x36a: {  	_ =	swait.ge [sflag:s9], $0x280  }
0x36b: {  	[sflag:s9] =	ssyncset.done $0x0  }
0x36c: {  	[sflag:s9] =	ssyncadd.s32 $0xFFFFFD80  }
0x36d: {  	_ =	swait.ge [sflag:s9], $0x280  }
0x36e: {  	[sflag:s9] =	ssyncset.done $0x0  }
0x36f: {  	[sflag:s9] =	ssyncadd.s32 $0xFFFFFD80  }
0x370: {  	_ =	swait.ge [sflag:s30], $0x280  }
0x371: {  	[sflag:s30] =	ssyncset.done $0x0  }
0x372: {  	[sflag:s30] =	ssyncadd.s32 $0xFFFFFD80  }
0x373: {  	_ =	swait.ge [sflag:s30], $0x280  }
0x374: {  	[sflag:s30] =	ssyncset.done $0x0  }
0x375: {  	[sflag:s30] =	ssyncadd.s32 $0xFFFFFD80  }
0x376: {  	_ =	swait.ge [sflag:s30], $0x280  }
0x377: {  	[sflag:s30] =	ssyncset.done $0x0  }
0x378: {  	[sflag:s30] =	ssyncadd.s32 $0xFFFFFD80  }
0x379: {  	_ =	swait.ge [sflag:s30], $0x280  }
0x37a: {  	[sflag:s30] =	ssyncset.done $0x0  }
0x37b: {  	[sflag:s30] =	ssyncadd.s32 $0xFFFFFD80  }
0x37c: {  	_ =	swait.ge [sflag:s30], $0x280  }
0x37d: {  	[sflag:s30] =	ssyncset.done $0x0  }
0x37e: {  	[sflag:s30] =	ssyncadd.s32 $0xFFFFFD80  }
0x37f: {  	_ =	swait.ge [sflag:s30], $0x280  }
0x380: {  	[sflag:s30] =	ssyncset.done $0x0  }
0x381: {  	[sflag:s30] =	ssyncadd.s32 $0xFFFFFD80  }
0x382: {  	_ =	swait.ge [sflag:s30], $0x280  }
0x383: {  	[sflag:s30] =	ssyncset.done $0x0  }
0x384: {  	[sflag:s30] =	ssyncadd.s32 $0xFFFFFD80  }
0x385: {  	_ =	swait.ge [sflag:s30], $0x280  }
0x386: {  	[sflag:s30] =	ssyncset.done $0x0  }
0x387: {  	[sflag:s30] =	ssyncadd.s32 $0xFFFFFD80  }
0x388: {  	_ =	swait.ge [sflag:s30], $0x280  }
0x389: {  	[sflag:s30] =	ssyncset.done $0x0  }
0x38a: {  	[sflag:s30] =	ssyncadd.s32 $0xFFFFFD80  }
0x38b: {  	_ =	swait.ge [sflag:s30], $0x280  }
0x38c: {  	[sflag:s30] =	ssyncset.done $0x0  }
0x38d: {  	[sflag:s30] =	ssyncadd.s32 $0xFFFFFD80  }
0x38e: {  	_ =	swait.ge [sflag:s30], $0x280  }
0x38f: {  	[sflag:s30] =	ssyncset.done $0x0  }
0x390: {  	[sflag:s30] =	ssyncadd.s32 $0xFFFFFD80  }
0x391: {  	_ =	swait.ge [sflag:s30], $0x280  }
0x392: {  	[sflag:s30] =	ssyncset.done $0x0  }
0x393: {  	[sflag:s30] =	ssyncadd.s32 $0xFFFFFD80  }
0x394: {  	_ =	swait.ge [sflag:s30], $0x280  }
0x395: {  	[sflag:s30] =	ssyncset.done $0x0  }
0x396: {  	[sflag:s30] =	ssyncadd.s32 $0xFFFFFD80  }
0x397: {  	_ =	swait.ge [sflag:s30], $0x280  }
0x398: {  	[sflag:s30] =	ssyncset.done $0x0  }
0x399: {  	[sflag:s30] =	ssyncadd.s32 $0xFFFFFD80  }
0x39a: {  	_ =	swait.ge [sflag:s30], $0x280  }
0x39b: {  	[sflag:s30] =	ssyncset.done $0x0  }
0x39c: {  	[sflag:s30] =	ssyncadd.s32 $0xFFFFFD80  }
0x39d: {  	_ =	swait.ge [sflag:s30], $0x280  }
0x39e: {  	[sflag:s30] =	ssyncset.done $0x0  }
0x39f: {  	[sflag:s30] =	ssyncadd.s32 $0xFFFFFD80  }
0x3a0: {  	_ =	swait.ge [sflag:s30], $0x280  }
0x3a1: {  	[sflag:s30] =	ssyncset.done $0x0  }
0x3a2: {  	[sflag:s30] =	ssyncadd.s32 $0xFFFFFD80  }
0x3a3: {  	_ =	swait.ge [sflag:s30], $0x280  }
0x3a4: {  	[sflag:s30] =	ssyncset.done $0x0  }
0x3a5: {  	[sflag:s30] =	ssyncadd.s32 $0xFFFFFD80  }
0x3a6: {  	_ =	swait.ge [sflag:s30], $0x280  }
0x3a7: {  	[sflag:s30] =	ssyncset.done $0x0  }
0x3a8: {  	[sflag:s30] =	ssyncadd.s32 $0xFFFFFD80  }
0x3a9: {  	_ =	swait.ge [sflag:s30], $0x280  }
0x3aa: {  	[sflag:s30] =	ssyncset.done $0x0  }
0x3ab: {  	[sflag:s30] =	ssyncadd.s32 $0xFFFFFD80  }
0x3ac: {  	_ =	swait.ge [sflag:s30], $0x280  }
0x3ad: {  	[sflag:s30] =	ssyncset.done $0x0  }
0x3ae: {  	[sflag:s30] =	ssyncadd.s32 $0xFFFFFD80  }
0x3af: {  	_ =	swait.ge [sflag:s30], $0x280  }
0x3b0: {  	[sflag:s30] =	ssyncset.done $0x0  }
0x3b1: {  	[sflag:s30] =	ssyncadd.s32 $0xFFFFFD80  }
0x3b2: {  	_ =	swait.ge [sflag:s30], $0x280  }
0x3b3: {  	[sflag:s30] =	ssyncset.done $0x0  }
0x3b4: {  	s14 =	sadd.s32 $0x1, s14;
	[sflag:s30] =	ssyncadd.s32 $0xFFFFFD80  }
0x3b5: {  	p0 =	sne.s32 s14, $0x19;
	_ =	swait.ge [sflag:s30], $0x280  }
.Ltmp2:
0x3b6: {  	[sflag:s30] =	ssyncset.done $0x0;
	(pc) =	sbr.rel @p0 .LBB2_2-.Ltmp2, $4  }
0x3b7: {  	[sflag:s30] =	ssyncadd.s32 $0xFFFFFD80  }
0x3b8: {  	_ =	swait.ge [sflag:s30], $0x280  }
0x3b9: {  	[sflag:s30] =	ssyncset.done $0x0  }
0x3ba: {  	[sflag:s30] =	ssyncadd.s32 $0xFFFFFD80  }
0x3bb: {  	[bflag:$0x0] =	sbarrier.arrive $0xFFFF  }
0x3bc: {  	s5 =	rddreg [dreg:$0x8]  }
0x3bd: {  	s2 =	rddreg [dreg:$0x9]  }
0x3be: {  	s14 =	simm.s32 $0x7;
	s3 =	rddreg [dreg:$0xb]  }
0x3bf: {  	[hbm:s2], [sflag:s5] =	dma.local [spmem:s3], $0x186A  }
0x3c0: {  	_ =	swait.ge [sflag:s14], $0x186A  }
0x3c1: {  	s0 =	rddreg [dreg:$0xe]  }
0x3c2: {  	s31 =	rddreg [dreg:$0xa];
	s0 =	sadd.s32 $0x1, s0  }
0x3c3: {  	p0 =	sne.s32 s0, s31  }
.Ltmp3:
0x3c4: {  	_ = 	snop;
	(pc) =	sbr.rel @p0 .LBB2_1-.Ltmp3, $3  }
0x3c5: {  	_ =	sdelay $0x1  }
0x3c6: {  	[sflag:s14] =	ssyncset.done $0x0  }
0x3c7: {  	[sflag:s14] =	ssyncadd.s32 $0xFFFFE796  }
0x3c8: {  	_ =	sfence.sel $0x180000  }
0x3c9: {  	[bflag:$0x0] =	sbarrier.arrive $0xFFFF  }
0x3ca: {  	_ =	strace $0x90000047  }
0x3cb: {  	s0 =	stileid.u32;
	[bflag:$0x2] =	sbarrier.arrive $0xFFFF  }
0x3cc: {  	p0 =	sne.s32 s0, $0x0;
	s0 =	rddreg [dreg:$0x6]  }
0x3cd: {  	s0 =	sadd.s32 @!p0 $0x100000, s0  }
0x3ce: {  	[sflag:s0] =	ssyncadd.tile.s32 @!p0 $0x1;
	_ =	shalt  }
.Lfunc_end2:
_tile_overlayer_lowered:
.L_overlay_start_2:
0x3cf: {  	(tag) =	ssettag $0x2  }
0x3d0: {  	s0 =	rddreg [dreg:$0x0];
	s2 =	stileid.u32  }
0x3d1: {  	s1 =	rddreg [dreg:$0x1];
	p0 =	sne.s32 s2, $0x0  }
0x3d2: {  	s3 =	rddreg [dreg:$0x2];
	[bflag:$0x3] =	sbarrier.arrive $0xFFFF;
	s2 =	simm.s32 @!p0 $0x1C07  }
0x3d3: {  	[timem:s3], [sflag:s2] =	dma.local @!p0 [hbm:s0], s1  }
0x3d4: {  	s0 =	simm.s32 @!p0 $0x7  }
0x3d5: {  	_ =	swait.ge @!p0 [sflag:s0], s1  }
0x3d6: {  	s1 =	ssub.s32 @!p0 $0x0, s1;
	[sflag:s0] =	ssyncset.done @!p0 $0x0  }
0x3d7: {  	[sflag:s0] =	ssyncadd.s32 @!p0 s1  }
0x3d8: {  	[bflag:$0x3] =	sbarrier.arrive $0xFFFF  }
0x3d9: {  	_ =	shalt  }

</sc_bundles>
